<compile_context>
chip_gen: v7x
topology: tpu7x:2x2x1
jax: 0.10.2.dev20260603
libtpu: 0.0.44.dev20260713+nightly
codegen_flags: <defaults>
</compile_context>

<pallas_src>
import jax
import jax.numpy as jnp
from jax import lax
from jax.experimental import pallas as pl
from jax.experimental.pallas import tpu as pltpu
from jax.experimental.pallas import tpu_sc as plsc

B = 1024
T = 50
N_FEATURES = 100
N_CAT = 26
VOCAB = 100000
EMB = 16
N_CONT = N_FEATURES - N_CAT
EMB_LEN = N_CAT * EMB
INPUT_LEN = EMB_LEN + N_CONT

ROWS = B * T
NW = 32
RPW = ROWS // NW
RB = 80
HROWS = RPW // 2
HB = HROWS // RB
IDX_PAD = 32
CONT_SRC0 = 24
CONT_W = N_FEATURES - CONT_SRC0
CROWS = 100
N_CCHUNK = RPW // CROWS

TC = 1000
NCH = VOCAB // TC
NU = N_CAT * NCH
UPW = (NU + NW - 1) // NW


def _tr_body(tblt_hbm, out_hbm, in_v0, in_v1, out_v0, out_v1, is0, is1, os0, os1):
    wid = lax.axis_index("s") * 2 + lax.axis_index("c")
    iota = lax.iota(jnp.int32, 16)

    def unit_slices(k):
        u = lax.min(wid + NW * k, NU - 1)
        f = u // NCH
        c0 = (u % NCH) * TC
        return (
            tblt_hbm.at[pl.ds(f * EMB, EMB), pl.ds(c0, TC)],
            out_hbm.at[pl.ds(f * VOCAB + c0, TC)],
        )

    def start_in(k, in_v, isem):
        src, _ = unit_slices(k)
        pltpu.async_copy(src, in_v, isem)

    def half(k, in_v, out_v, isem, osem, first):
        src, dst = unit_slices(k)
        pltpu.make_async_copy(src, in_v, isem).wait()
        if not first:
            _, prev_dst = unit_slices(k - 2)
            pltpu.make_async_copy(out_v, prev_dst, osem).wait()

        def t_body(v, cc):
            out_v[v, pl.ds(0, 16)] = plsc.load_gather(
                in_v, [iota, jnp.full((16,), v, jnp.int32)]
            )
            return cc

        lax.fori_loop(0, TC, t_body, 0, unroll=20)
        start_in(k + 2, in_v, isem)
        pltpu.async_copy(out_v, dst, osem)

    start_in(0, in_v0, is0)
    start_in(1, in_v1, is1)
    half(0, in_v0, out_v0, is0, os0, True)
    half(1, in_v1, out_v1, is1, os1, True)

    def pair_body(i, c):
        half(2 * i, in_v0, out_v0, is0, os0, False)
        half(2 * i + 1, in_v1, out_v1, is1, os1, False)
        return c

    lax.fori_loop(1, UPW // 2, pair_body, 0)

    src0, dst0 = unit_slices(UPW)
    src1, dst1 = unit_slices(UPW + 1)
    pltpu.make_async_copy(src0, in_v0, is0).wait()
    pltpu.make_async_copy(src1, in_v1, is1).wait()
    _, pdst0 = unit_slices(UPW - 2)
    _, pdst1 = unit_slices(UPW - 1)
    pltpu.make_async_copy(out_v0, pdst0, os0).wait()
    pltpu.make_async_copy(out_v1, pdst1, os1).wait()


def _sc_body(
    raw_hbm, scl_hbm, tbl_hbm, out_hbm,
    idxr_v, idxt_v0, idxt_v1, emb_v0, emb_v1, cin_v0, cin_v1, cout_v0, cout_v1,
    gsem, osem0, osem1,
):
    wid = lax.axis_index("s") * 2 + lax.axis_index("c")
    row0 = wid * RPW

    pltpu.sync_copy(raw_hbm.at[pl.ds(row0, RPW), pl.ds(0, IDX_PAD)], idxr_v)

    iota = lax.iota(jnp.int32, 16)

    def fill_unit(f, h, idxt_v, emb_v):
        f_vec = jnp.full((16,), f, jnp.int32)
        off = f * VOCAB

        def t_body(j, c):
            r_vec = iota + (h * HROWS + 16 * j)
            vals = plsc.load_gather(idxr_v, [r_vec, f_vec])
            idxt_v[j // (RB // 16), pl.ds((j % (RB // 16)) * 16, 16)] = vals + off
            return c

        lax.fori_loop(0, HROWS // 16, t_body, 0)
        copies = [
            pltpu.async_copy(
                tbl_hbm.at[idxt_v.at[b]], emb_v.at[pl.ds(b * RB, RB)], gsem
            )
            for b in range(HB)
        ]
        for c in copies:
            c.wait()

    def unit_ref(f, h):
        return out_hbm.at[
            pl.ds(row0 + h * HROWS, HROWS), pl.ds(f * EMB, EMB)
        ]

    def flush_unit(f, h, emb_v, osem):
        pltpu.async_copy(emb_v, unit_ref(f, h), osem)

    def drain_unit(f, h, emb_v, osem):
        pltpu.make_async_copy(emb_v, unit_ref(f, h), osem).wait()

    fill_unit(0, 0, idxt_v0, emb_v0)
    flush_unit(0, 0, emb_v0, osem0)
    fill_unit(0, 1, idxt_v1, emb_v1)
    flush_unit(0, 1, emb_v1, osem1)

    def field_body(f, c):
        drain_unit(f - 1, 0, emb_v0, osem0)
        fill_unit(f, 0, idxt_v0, emb_v0)
        flush_unit(f, 0, emb_v0, osem0)
        drain_unit(f - 1, 1, emb_v1, osem1)
        fill_unit(f, 1, idxt_v1, emb_v1)
        flush_unit(f, 1, emb_v1, osem1)
        return c

    lax.fori_loop(1, N_CAT, field_body, 0)

    def cont_in(k, cin_v):
        pltpu.sync_copy(
            scl_hbm.at[pl.ds(row0 + k * CROWS, CROWS), pl.ds(CONT_SRC0, CONT_W)],
            cin_v,
        )

    def cont_shift(cin_v, cout_v):
        def s_body(i, c):
            i_vec = jnp.full((16,), i, jnp.int32)
            for k in range(4):
                vals = plsc.load_gather(cin_v, [i_vec, iota + (2 + 16 * k)])
                cout_v[i, pl.ds(16 * k, 16)] = vals
            tail_mask = iota < 10
            src_col = jnp.where(tail_mask, iota + 66, 0)
            dst_col = jnp.where(tail_mask, iota + 64, 0)
            tail = plsc.load_gather(cin_v, [i_vec, src_col], mask=tail_mask)
            plsc.store_scatter(cout_v, [i_vec, dst_col], tail, mask=tail_mask)
            return c

        lax.fori_loop(0, CROWS, s_body, 0)

    def cont_ref(k):
        return out_hbm.at[
            pl.ds(row0 + k * CROWS, CROWS), pl.ds(EMB_LEN, N_CONT)
        ]

    def cont_out(k, cout_v, osem):
        pltpu.async_copy(cout_v, cont_ref(k), osem)

    def cont_drain(k, cout_v, osem):
        pltpu.make_async_copy(cout_v, cont_ref(k), osem).wait()

    cont_in(0, cin_v0)
    cont_shift(cin_v0, cout_v0)
    drain_unit(N_CAT - 1, 0, emb_v0, osem0)
    cont_out(0, cout_v0, osem0)
    cont_in(1, cin_v1)
    cont_shift(cin_v1, cout_v1)
    drain_unit(N_CAT - 1, 1, emb_v1, osem1)
    cont_out(1, cout_v1, osem1)

    def cont_body(i, c):
        k = 2 * i
        cont_in(k, cin_v0)
        cont_drain(k - 2, cout_v0, osem0)
        cont_shift(cin_v0, cout_v0)
        cont_out(k, cout_v0, osem0)
        cont_in(k + 1, cin_v1)
        cont_drain(k - 1, cout_v1, osem1)
        cont_shift(cin_v1, cout_v1)
        cont_out(k + 1, cout_v1, osem1)
        return c

    lax.fori_loop(1, N_CCHUNK // 2, cont_body, 0)
    cont_drain(N_CCHUNK - 2, cout_v0, osem0)
    cont_drain(N_CCHUNK - 1, cout_v1, osem1)


def kernel(unscaled_seq, scaled_seq, tables):
    tbl_t = jnp.transpose(tables, (0, 2, 1)).reshape(N_CAT * EMB, VOCAB)
    raw = unscaled_seq.reshape(ROWS, N_FEATURES)
    scl = scaled_seq.reshape(ROWS, N_FEATURES)

    mesh = plsc.VectorSubcoreMesh(core_axis_name="c", subcore_axis_name="s")
    params = pltpu.CompilerParams(
        use_tc_tiling_on_sc=False, needs_layout_passes=False
    )

    tbl_rm = pl.kernel(
        _tr_body,
        out_type=jax.ShapeDtypeStruct((N_CAT * VOCAB, EMB), jnp.float32),
        mesh=mesh,
        compiler_params=params,
        scratch_types=[
            pltpu.VMEM((EMB, TC), jnp.float32),
            pltpu.VMEM((EMB, TC), jnp.float32),
            pltpu.VMEM((TC, EMB), jnp.float32),
            pltpu.VMEM((TC, EMB), jnp.float32),
            pltpu.SemaphoreType.DMA,
            pltpu.SemaphoreType.DMA,
            pltpu.SemaphoreType.DMA,
            pltpu.SemaphoreType.DMA,
        ],
    )(tbl_t)

    out = pl.kernel(
        _sc_body,
        out_type=jax.ShapeDtypeStruct((ROWS, INPUT_LEN), jnp.float32),
        mesh=mesh,
        compiler_params=params,
        scratch_types=[
            pltpu.VMEM((RPW, IDX_PAD), jnp.int32),
            pltpu.VMEM((HB, RB), jnp.int32),
            pltpu.VMEM((HB, RB), jnp.int32),
            pltpu.VMEM((HROWS, EMB), jnp.float32),
            pltpu.VMEM((HROWS, EMB), jnp.float32),
            pltpu.VMEM((CROWS, CONT_W), jnp.float32),
            pltpu.VMEM((CROWS, CONT_W), jnp.float32),
            pltpu.VMEM((CROWS, N_CONT), jnp.float32),
            pltpu.VMEM((CROWS, N_CONT), jnp.float32),
            pltpu.SemaphoreType.DMA,
            pltpu.SemaphoreType.DMA,
            pltpu.SemaphoreType.DMA,
        ],
    )(raw, scl, tbl_rm)
    return out.reshape(B, T, INPUT_LEN)

# --- scband reference (transcript-rebuilt; emitter-appended) ---
"""Pipeline reference for scband-icsmodel-45758581571859 (READ-ONLY COPY).

The authoritative reference and input builder live on the scoring server;
editing this copy changes nothing except your own understanding.
"""

import jax, jax.numpy as jnp
import numpy as np

B = 1024
T = 50
N_FEATURES = 100
N_CAT = 26
VOCAB = 100000
EMB = 16
INPUT_LEN = N_FEATURES + N_CAT * (EMB - 1)  # 490


def setup_inputs(seed: int = 0) -> dict:
    key = jax.random.key(seed)
    k1, k2, k3 = jax.random.split(key, 3)
    # unscaled integer-coded sequence; only the first N_CAT feature columns are
    # actually used as categorical ids (features 0..25), rest are ignored by embed()
    unscaled_seq = jax.random.randint(k1, (B, T, N_FEATURES), 0, VOCAB, dtype=jnp.int32)
    scaled_seq = jax.random.normal(k2, (B, T, N_FEATURES), dtype=jnp.float32)
    # 26 embedding tables of identical shape, stacked: [N_CAT, VOCAB, EMB]
    tables = jax.random.normal(k3, (N_CAT, VOCAB, EMB), dtype=jnp.float32) * 0.02
    return {"unscaled_seq": unscaled_seq, "scaled_seq": scaled_seq, "tables": tables}


def reference(unscaled_seq, scaled_seq, tables):
    # Faithful vectorization of ICSModel.embed:
    # features 0..N_CAT-1 are categorical -> embedding lookup of EMB dims each
    # (all cardinalities are 100000, so the `size == 2` offset branch never fires);
    # features N_CAT..N_FEATURES-1 are continuous -> copied from scaled_seq.
    # Slot layout follows feature order: 26*16 embedding slots, then 74 continuous.
    b, t = unscaled_seq.shape[0], unscaled_seq.shape[1]
    idx = unscaled_seq[:, :, :N_CAT]  # [B, T, N_CAT] int ids
    # per-field gather: embs[b, t, f, :] = tables[f, idx[b, t, f], :]
    embs = jax.vmap(lambda tbl, ix: jnp.take(tbl, ix, axis=0), in_axes=(0, 2), out_axes=2)(tables, idx)  # [B, T, N_CAT, EMB]
    emb_flat = embs.reshape(b, t, N_CAT * EMB)
    cont = scaled_seq[:, :, N_CAT:]  # [B, T, N_FEATURES - N_CAT]
    new_batch = jnp.concatenate([emb_flat, cont], axis=-1)  # [B, T, INPUT_LEN]
    return new_batch

if __name__ == "__main__":
    import jax
    _d = setup_inputs()
    print(jax.jit(kernel)(*tuple(_d.values())))

</pallas_src>

<mosaic_0001>
#map = affine_map<(d0, d1) -> (0, 0)>
module attributes {stable_mosaic.version = 14 : i64} {
  func.func @_tr_body(%arg0: i32, %arg1: i32, %arg2: memref<416x100000xf32, #tpu.memory_space<hbm>>, %arg3: memref<2600000x16xf32, #tpu.memory_space<hbm>>, %arg4: memref<16x1000xf32, #tpu.memory_space<vmem>>, %arg5: memref<16x1000xf32, #tpu.memory_space<vmem>>, %arg6: memref<1000x16xf32, #tpu.memory_space<vmem>>, %arg7: memref<1000x16xf32, #tpu.memory_space<vmem>>, %arg8: memref<!tpu.dma_semaphore, #tpu.memory_space<semaphore_mem>>, %arg9: memref<!tpu.dma_semaphore, #tpu.memory_space<semaphore_mem>>, %arg10: memref<!tpu.dma_semaphore, #tpu.memory_space<semaphore_mem>>, %arg11: memref<!tpu.dma_semaphore, #tpu.memory_space<semaphore_mem>>) attributes {dimension_semantics = [#tpu.dimension_semantics<core_parallel>, #tpu.dimension_semantics<subcore_parallel>], iteration_bounds = array<i64: 2, 16>, scalar_prefetch = 0 : i64, scratch_operands = 8 : i64, tpu.core_type = #tpu.core_type<sc_vector_subcore>, window_params = [{transform_indices = #map}, {transform_indices = #map}]} {
    %mul3A = arith.constant 2 : i32
    %mul3A_0 = arith.muli %arg1, %mul3A : i32
    %add3A = arith.addi %mul3A_0, %arg0 : i32
    %iota3A = tpu.iota {dimensions = array<i32: 0>} : vector<16xi32>
    %add3A_1 = arith.constant 0 : i32
    %add3A_2 = arith.addi %add3A, %add3A_1 : i32
    %min3A = arith.constant 2599 : i32
    %min3A_3 = arith.minsi %add3A_2, %min3A : i32
    %jit3A = arith.constant 100 : i32
    %div3A = arith.divsi %min3A_3, %jit3A : i32
    %sign3A = arith.constant 0 : i32
    %sign3A_4 = arith.cmpi sgt, %min3A_3, %sign3A : i32
    %sign3A_5 = arith.extui %sign3A_4 : i1 to i32
    %sign3A_6 = arith.constant 0 : i32
    %sign3A_7 = arith.cmpi slt, %min3A_3, %sign3A_6 : i32
    %sign3A_8 = arith.extui %sign3A_7 : i1 to i32
    %sign3A_9 = arith.subi %sign3A_5, %sign3A_8 : i32
    %sign3A_10 = arith.constant 0 : i32
    %sign3A_11 = arith.cmpi sgt, %jit3A, %sign3A_10 : i32
    %sign3A_12 = arith.extui %sign3A_11 : i1 to i32
    %sign3A_13 = arith.constant 0 : i32
    %sign3A_14 = arith.cmpi slt, %jit3A, %sign3A_13 : i32
    %sign3A_15 = arith.extui %sign3A_14 : i1 to i32
    %sign3A_16 = arith.subi %sign3A_12, %sign3A_15 : i32
    %ne3A = arith.cmpi ne, %sign3A_9, %sign3A_16 : i32
    %rem3A = arith.remsi %min3A_3, %jit3A : i32
    %ne3A_17 = arith.constant 0 : i32
    %ne3A_18 = arith.cmpi ne, %rem3A, %ne3A_17 : i32
    %and3A = arith.andi %ne3A, %ne3A_18 : i1
    %sub3A = arith.constant 1 : i32
    %sub3A_19 = arith.subi %div3A, %sub3A : i32
    %select_n3A = arith.select %and3A, %sub3A_19, %div3A : i32
    %jit3A_20 = arith.constant 100 : i32
    %eq3A = arith.constant 0 : i32
    %eq3A_21 = arith.cmpi eq, %jit3A_20, %eq3A : i32
    %jit3A_22 = arith.constant 1 : i32
    %select_n3A_23 = arith.select %eq3A_21, %jit3A_22, %jit3A_20 : i32
    %rem3A_24 = arith.remsi %min3A_3, %select_n3A_23 : i32
    %ne3A_25 = arith.constant 0 : i32
    %ne3A_26 = arith.cmpi ne, %rem3A_24, %ne3A_25 : i32
    %lt3A = arith.constant 0 : i32
    %lt3A_27 = arith.cmpi slt, %rem3A_24, %lt3A : i32
    %lt3A_28 = arith.constant 0 : i32
    %lt3A_29 = arith.cmpi slt, %select_n3A_23, %lt3A_28 : i32
    %ne3A_30 = arith.xori %lt3A_27, %lt3A_29 : i1
    %and3A_31 = arith.andi %ne3A_30, %ne3A_26 : i1
    %add3A_32 = arith.addi %rem3A_24, %select_n3A_23 : i32
    %select_n3A_33 = arith.select %and3A_31, %add3A_32, %rem3A_24 : i32
    %mul3A_34 = arith.constant 1000 : i32
    %mul3A_35 = arith.muli %select_n3A_33, %mul3A_34 : i32
    %mul3A_36 = arith.constant 16 : i32
    %mul3A_37 = arith.muli %select_n3A, %mul3A_36 : i32
    %mul3A_38 = arith.constant 100000 : i32
    %mul3A_39 = arith.muli %select_n3A, %mul3A_38 : i32
    %add3A_40 = arith.addi %mul3A_39, %mul3A_35 : i32
    %dma_start3A = tpu.memref_slice %arg2[%mul3A_37, %mul3A_35] : memref<416x100000xf32, #tpu.memory_space<hbm>> -> memref<16x1000xf32, #tpu.memory_space<hbm>>
    %dma_start3A_41 = tpu.memref_slice %arg2[%mul3A_37, %mul3A_35] : memref<416x100000xf32, #tpu.memory_space<hbm>> -> memref<16x1000xf32, #tpu.memory_space<hbm>>
    tpu.enqueue_dma source(%dma_start3A_41 : memref<16x1000xf32, #tpu.memory_space<hbm>>) target(%arg4 : memref<16x1000xf32, #tpu.memory_space<vmem>>) target_semaphore(%arg8 : memref<!tpu.dma_semaphore, #tpu.memory_space<semaphore_mem>>)
    %add3A_42 = arith.constant 32 : i32
    %add3A_43 = arith.addi %add3A, %add3A_42 : i32
    %min3A_44 = arith.constant 2599 : i32
    %min3A_45 = arith.minsi %add3A_43, %min3A_44 : i32
    %jit3A_46 = arith.constant 100 : i32
    %div3A_47 = arith.divsi %min3A_45, %jit3A_46 : i32
    %sign3A_48 = arith.constant 0 : i32
    %sign3A_49 = arith.cmpi sgt, %min3A_45, %sign3A_48 : i32
    %sign3A_50 = arith.extui %sign3A_49 : i1 to i32
    %sign3A_51 = arith.constant 0 : i32
    %sign3A_52 = arith.cmpi slt, %min3A_45, %sign3A_51 : i32
    %sign3A_53 = arith.extui %sign3A_52 : i1 to i32
    %sign3A_54 = arith.subi %sign3A_50, %sign3A_53 : i32
    %sign3A_55 = arith.constant 0 : i32
    %sign3A_56 = arith.cmpi sgt, %jit3A_46, %sign3A_55 : i32
    %sign3A_57 = arith.extui %sign3A_56 : i1 to i32
    %sign3A_58 = arith.constant 0 : i32
    %sign3A_59 = arith.cmpi slt, %jit3A_46, %sign3A_58 : i32
    %sign3A_60 = arith.extui %sign3A_59 : i1 to i32
    %sign3A_61 = arith.subi %sign3A_57, %sign3A_60 : i32
    %ne3A_62 = arith.cmpi ne, %sign3A_54, %sign3A_61 : i32
    %rem3A_63 = arith.remsi %min3A_45, %jit3A_46 : i32
    %ne3A_64 = arith.constant 0 : i32
    %ne3A_65 = arith.cmpi ne, %rem3A_63, %ne3A_64 : i32
    %and3A_66 = arith.andi %ne3A_62, %ne3A_65 : i1
    %sub3A_67 = arith.constant 1 : i32
    %sub3A_68 = arith.subi %div3A_47, %sub3A_67 : i32
    %select_n3A_69 = arith.select %and3A_66, %sub3A_68, %div3A_47 : i32
    %jit3A_70 = arith.constant 100 : i32
    %eq3A_71 = arith.constant 0 : i32
    %eq3A_72 = arith.cmpi eq, %jit3A_70, %eq3A_71 : i32
    %jit3A_73 = arith.constant 1 : i32
    %select_n3A_74 = arith.select %eq3A_72, %jit3A_73, %jit3A_70 : i32
    %rem3A_75 = arith.remsi %min3A_45, %select_n3A_74 : i32
    %ne3A_76 = arith.constant 0 : i32
    %ne3A_77 = arith.cmpi ne, %rem3A_75, %ne3A_76 : i32
    %lt3A_78 = arith.constant 0 : i32
    %lt3A_79 = arith.cmpi slt, %rem3A_75, %lt3A_78 : i32
    %lt3A_80 = arith.constant 0 : i32
    %lt3A_81 = arith.cmpi slt, %select_n3A_74, %lt3A_80 : i32
    %ne3A_82 = arith.xori %lt3A_79, %lt3A_81 : i1
    %and3A_83 = arith.andi %ne3A_82, %ne3A_77 : i1
    %add3A_84 = arith.addi %rem3A_75, %select_n3A_74 : i32
    %select_n3A_85 = arith.select %and3A_83, %add3A_84, %rem3A_75 : i32
    %mul3A_86 = arith.constant 1000 : i32
    %mul3A_87 = arith.muli %select_n3A_85, %mul3A_86 : i32
    %mul3A_88 = arith.constant 16 : i32
    %mul3A_89 = arith.muli %select_n3A_69, %mul3A_88 : i32
    %mul3A_90 = arith.constant 100000 : i32
    %mul3A_91 = arith.muli %select_n3A_69, %mul3A_90 : i32
    %add3A_92 = arith.addi %mul3A_91, %mul3A_87 : i32
    %dma_start3A_93 = tpu.memref_slice %arg2[%mul3A_89, %mul3A_87] : memref<416x100000xf32, #tpu.memory_space<hbm>> -> memref<16x1000xf32, #tpu.memory_space<hbm>>
    %dma_start3A_94 = tpu.memref_slice %arg2[%mul3A_89, %mul3A_87] : memref<416x100000xf32, #tpu.memory_space<hbm>> -> memref<16x1000xf32, #tpu.memory_space<hbm>>
    tpu.enqueue_dma source(%dma_start3A_94 : memref<16x1000xf32, #tpu.memory_space<hbm>>) target(%arg5 : memref<16x1000xf32, #tpu.memory_space<vmem>>) target_semaphore(%arg9 : memref<!tpu.dma_semaphore, #tpu.memory_space<semaphore_mem>>)
    %add3A_95 = arith.constant 0 : i32
    %add3A_96 = arith.addi %add3A, %add3A_95 : i32
    %min3A_97 = arith.constant 2599 : i32
    %min3A_98 = arith.minsi %add3A_96, %min3A_97 : i32
    %jit3A_99 = arith.constant 100 : i32
    %div3A_100 = arith.divsi %min3A_98, %jit3A_99 : i32
    %sign3A_101 = arith.constant 0 : i32
    %sign3A_102 = arith.cmpi sgt, %min3A_98, %sign3A_101 : i32
    %sign3A_103 = arith.extui %sign3A_102 : i1 to i32
    %sign3A_104 = arith.constant 0 : i32
    %sign3A_105 = arith.cmpi slt, %min3A_98, %sign3A_104 : i32
    %sign3A_106 = arith.extui %sign3A_105 : i1 to i32
    %sign3A_107 = arith.subi %sign3A_103, %sign3A_106 : i32
    %sign3A_108 = arith.constant 0 : i32
    %sign3A_109 = arith.cmpi sgt, %jit3A_99, %sign3A_108 : i32
    %sign3A_110 = arith.extui %sign3A_109 : i1 to i32
    %sign3A_111 = arith.constant 0 : i32
    %sign3A_112 = arith.cmpi slt, %jit3A_99, %sign3A_111 : i32
    %sign3A_113 = arith.extui %sign3A_112 : i1 to i32
    %sign3A_114 = arith.subi %sign3A_110, %sign3A_113 : i32
    %ne3A_115 = arith.cmpi ne, %sign3A_107, %sign3A_114 : i32
    %rem3A_116 = arith.remsi %min3A_98, %jit3A_99 : i32
    %ne3A_117 = arith.constant 0 : i32
    %ne3A_118 = arith.cmpi ne, %rem3A_116, %ne3A_117 : i32
    %and3A_119 = arith.andi %ne3A_115, %ne3A_118 : i1
    %sub3A_120 = arith.constant 1 : i32
    %sub3A_121 = arith.subi %div3A_100, %sub3A_120 : i32
    %select_n3A_122 = arith.select %and3A_119, %sub3A_121, %div3A_100 : i32
    %jit3A_123 = arith.constant 100 : i32
    %eq3A_124 = arith.constant 0 : i32
    %eq3A_125 = arith.cmpi eq, %jit3A_123, %eq3A_124 : i32
    %jit3A_126 = arith.constant 1 : i32
    %select_n3A_127 = arith.select %eq3A_125, %jit3A_126, %jit3A_123 : i32
    %rem3A_128 = arith.remsi %min3A_98, %select_n3A_127 : i32
    %ne3A_129 = arith.constant 0 : i32
    %ne3A_130 = arith.cmpi ne, %rem3A_128, %ne3A_129 : i32
    %lt3A_131 = arith.constant 0 : i32
    %lt3A_132 = arith.cmpi slt, %rem3A_128, %lt3A_131 : i32
    %lt3A_133 = arith.constant 0 : i32
    %lt3A_134 = arith.cmpi slt, %select_n3A_127, %lt3A_133 : i32
    %ne3A_135 = arith.xori %lt3A_132, %lt3A_134 : i1
    %and3A_136 = arith.andi %ne3A_135, %ne3A_130 : i1
    %add3A_137 = arith.addi %rem3A_128, %select_n3A_127 : i32
    %select_n3A_138 = arith.select %and3A_136, %add3A_137, %rem3A_128 : i32
    %mul3A_139 = arith.constant 1000 : i32
    %mul3A_140 = arith.muli %select_n3A_138, %mul3A_139 : i32
    %mul3A_141 = arith.constant 16 : i32
    %mul3A_142 = arith.muli %select_n3A_122, %mul3A_141 : i32
    %mul3A_143 = arith.constant 100000 : i32
    %mul3A_144 = arith.muli %select_n3A_122, %mul3A_143 : i32
    %add3A_145 = arith.addi %mul3A_144, %mul3A_140 : i32
    %dma_wait3A = tpu.memref_slice %arg2[%mul3A_142, %mul3A_140] : memref<416x100000xf32, #tpu.memory_space<hbm>> -> memref<16x1000xf32, #tpu.memory_space<hbm>>
    %dma_wait3A_146 = tpu.memref_slice %arg2[%mul3A_142, %mul3A_140] : memref<416x100000xf32, #tpu.memory_space<hbm>> -> memref<16x1000xf32, #tpu.memory_space<hbm>>
    tpu.wait_dma2 semaphore(%arg8 : memref<!tpu.dma_semaphore, #tpu.memory_space<semaphore_mem>>) src(%dma_wait3A_146 : memref<16x1000xf32, #tpu.memory_space<hbm>>) dst(%arg4 : memref<16x1000xf32, #tpu.memory_space<vmem>>)
    %scan3A = arith.constant 0 : i32
    %scan3A_147 = arith.constant 0 : i32
    %scan3A_148 = arith.constant 1000 : i32
    %scan3A_149 = arith.addi %scan3A_147, %scan3A_148 : i32
    %scan3A_150 = arith.constant 20 : i32
    scf.for %scan3A_547 = %scan3A_147 to %scan3A_149 step %scan3A_150  : i32 {
      %broadcast_in_dim3A = vector.broadcast %scan3A_547 : i32 to vector<16xi32>
      %gather3A = tpu.vector_load_idx %arg4[%iota3A, %broadcast_in_dim3A] : memref<16x1000xf32, #tpu.memory_space<vmem>>[vector<16xi32>, vector<16xi32>], vector<16xf32>,
      %swap3A = arith.index_cast %scan3A_547 : i32 to index
      %swap3A_548 = arith.constant 0 : index
      %swap3A_549 = tpu.vector_load %arg6[%swap3A, %swap3A_548] {strides = array<i32>} : memref<1000x16xf32, #tpu.memory_space<vmem>>, vector<16xf32>,
      tpu.vector_store %arg6[%swap3A, %swap3A_548], %gather3A {strides = array<i32>} : memref<1000x16xf32, #tpu.memory_space<vmem>>, vector<16xf32>,
      %scan3A_550 = arith.constant 1 : i32
      %scan3A_551 = arith.addi %scan3A_547, %scan3A_550 : i32
      %broadcast_in_dim3A_552 = vector.broadcast %scan3A_551 : i32 to vector<16xi32>
      %gather3A_553 = tpu.vector_load_idx %arg4[%iota3A, %broadcast_in_dim3A_552] : memref<16x1000xf32, #tpu.memory_space<vmem>>[vector<16xi32>, vector<16xi32>], vector<16xf32>,
      %swap3A_554 = arith.index_cast %scan3A_551 : i32 to index
      %swap3A_555 = arith.constant 0 : index
      %swap3A_556 = tpu.vector_load %arg6[%swap3A_554, %swap3A_555] {strides = array<i32>} : memref<1000x16xf32, #tpu.memory_space<vmem>>, vector<16xf32>,
      tpu.vector_store %arg6[%swap3A_554, %swap3A_555], %gather3A_553 {strides = array<i32>} : memref<1000x16xf32, #tpu.memory_space<vmem>>, vector<16xf32>,
      %scan3A_557 = arith.constant 2 : i32
      %scan3A_558 = arith.addi %scan3A_547, %scan3A_557 : i32
      %broadcast_in_dim3A_559 = vector.broadcast %scan3A_558 : i32 to vector<16xi32>
      %gather3A_560 = tpu.vector_load_idx %arg4[%iota3A, %broadcast_in_dim3A_559] : memref<16x1000xf32, #tpu.memory_space<vmem>>[vector<16xi32>, vector<16xi32>], vector<16xf32>,
      %swap3A_561 = arith.index_cast %scan3A_558 : i32 to index
      %swap3A_562 = arith.constant 0 : index
      %swap3A_563 = tpu.vector_load %arg6[%swap3A_561, %swap3A_562] {strides = array<i32>} : memref<1000x16xf32, #tpu.memory_space<vmem>>, vector<16xf32>,
      tpu.vector_store %arg6[%swap3A_561, %swap3A_562], %gather3A_560 {strides = array<i32>} : memref<1000x16xf32, #tpu.memory_space<vmem>>, vector<16xf32>,
      %scan3A_564 = arith.constant 3 : i32
      %scan3A_565 = arith.addi %scan3A_547, %scan3A_564 : i32
      %broadcast_in_dim3A_566 = vector.broadcast %scan3A_565 : i32 to vector<16xi32>
      %gather3A_567 = tpu.vector_load_idx %arg4[%iota3A, %broadcast_in_dim3A_566] : memref<16x1000xf32, #tpu.memory_space<vmem>>[vector<16xi32>, vector<16xi32>], vector<16xf32>,
      %swap3A_568 = arith.index_cast %scan3A_565 : i32 to index
      %swap3A_569 = arith.constant 0 : index
      %swap3A_570 = tpu.vector_load %arg6[%swap3A_568, %swap3A_569] {strides = array<i32>} : memref<1000x16xf32, #tpu.memory_space<vmem>>, vector<16xf32>,
      tpu.vector_store %arg6[%swap3A_568, %swap3A_569], %gather3A_567 {strides = array<i32>} : memref<1000x16xf32, #tpu.memory_space<vmem>>, vector<16xf32>,
      %scan3A_571 = arith.constant 4 : i32
      %scan3A_572 = arith.addi %scan3A_547, %scan3A_571 : i32
      %broadcast_in_dim3A_573 = vector.broadcast %scan3A_572 : i32 to vector<16xi32>
      %gather3A_574 = tpu.vector_load_idx %arg4[%iota3A, %broadcast_in_dim3A_573] : memref<16x1000xf32, #tpu.memory_space<vmem>>[vector<16xi32>, vector<16xi32>], vector<16xf32>,
      %swap3A_575 = arith.index_cast %scan3A_572 : i32 to index
      %swap3A_576 = arith.constant 0 : index
      %swap3A_577 = tpu.vector_load %arg6[%swap3A_575, %swap3A_576] {strides = array<i32>} : memref<1000x16xf32, #tpu.memory_space<vmem>>, vector<16xf32>,
      tpu.vector_store %arg6[%swap3A_575, %swap3A_576], %gather3A_574 {strides = array<i32>} : memref<1000x16xf32, #tpu.memory_space<vmem>>, vector<16xf32>,
      %scan3A_578 = arith.constant 5 : i32
      %scan3A_579 = arith.addi %scan3A_547, %scan3A_578 : i32
      %broadcast_in_dim3A_580 = vector.broadcast %scan3A_579 : i32 to vector<16xi32>
      %gather3A_581 = tpu.vector_load_idx %arg4[%iota3A, %broadcast_in_dim3A_580] : memref<16x1000xf32, #tpu.memory_space<vmem>>[vector<16xi32>, vector<16xi32>], vector<16xf32>,
      %swap3A_582 = arith.index_cast %scan3A_579 : i32 to index
      %swap3A_583 = arith.constant 0 : index
      %swap3A_584 = tpu.vector_load %arg6[%swap3A_582, %swap3A_583] {strides = array<i32>} : memref<1000x16xf32, #tpu.memory_space<vmem>>, vector<16xf32>,
      tpu.vector_store %arg6[%swap3A_582, %swap3A_583], %gather3A_581 {strides = array<i32>} : memref<1000x16xf32, #tpu.memory_space<vmem>>, vector<16xf32>,
      %scan3A_585 = arith.constant 6 : i32
      %scan3A_586 = arith.addi %scan3A_547, %scan3A_585 : i32
      %broadcast_in_dim3A_587 = vector.broadcast %scan3A_586 : i32 to vector<16xi32>
      %gather3A_588 = tpu.vector_load_idx %arg4[%iota3A, %broadcast_in_dim3A_587] : memref<16x1000xf32, #tpu.memory_space<vmem>>[vector<16xi32>, vector<16xi32>], vector<16xf32>,
      %swap3A_589 = arith.index_cast %scan3A_586 : i32 to index
      %swap3A_590 = arith.constant 0 : index
      %swap3A_591 = tpu.vector_load %arg6[%swap3A_589, %swap3A_590] {strides = array<i32>} : memref<1000x16xf32, #tpu.memory_space<vmem>>, vector<16xf32>,
      tpu.vector_store %arg6[%swap3A_589, %swap3A_590], %gather3A_588 {strides = array<i32>} : memref<1000x16xf32, #tpu.memory_space<vmem>>, vector<16xf32>,
      %scan3A_592 = arith.constant 7 : i32
      %scan3A_593 = arith.addi %scan3A_547, %scan3A_592 : i32
      %broadcast_in_dim3A_594 = vector.broadcast %scan3A_593 : i32 to vector<16xi32>
      %gather3A_595 = tpu.vector_load_idx %arg4[%iota3A, %broadcast_in_dim3A_594] : memref<16x1000xf32, #tpu.memory_space<vmem>>[vector<16xi32>, vector<16xi32>], vector<16xf32>,
      %swap3A_596 = arith.index_cast %scan3A_593 : i32 to index
      %swap3A_597 = arith.constant 0 : index
      %swap3A_598 = tpu.vector_load %arg6[%swap3A_596, %swap3A_597] {strides = array<i32>} : memref<1000x16xf32, #tpu.memory_space<vmem>>, vector<16xf32>,
      tpu.vector_store %arg6[%swap3A_596, %swap3A_597], %gather3A_595 {strides = array<i32>} : memref<1000x16xf32, #tpu.memory_space<vmem>>, vector<16xf32>,
      %scan3A_599 = arith.constant 8 : i32
      %scan3A_600 = arith.addi %scan3A_547, %scan3A_599 : i32
      %broadcast_in_dim3A_601 = vector.broadcast %scan3A_600 : i32 to vector<16xi32>
      %gather3A_602 = tpu.vector_load_idx %arg4[%iota3A, %broadcast_in_dim3A_601] : memref<16x1000xf32, #tpu.memory_space<vmem>>[vector<16xi32>, vector<16xi32>], vector<16xf32>,
      %swap3A_603 = arith.index_cast %scan3A_600 : i32 to index
      %swap3A_604 = arith.constant 0 : index
      %swap3A_605 = tpu.vector_load %arg6[%swap3A_603, %swap3A_604] {strides = array<i32>} : memref<1000x16xf32, #tpu.memory_space<vmem>>, vector<16xf32>,
      tpu.vector_store %arg6[%swap3A_603, %swap3A_604], %gather3A_602 {strides = array<i32>} : memref<1000x16xf32, #tpu.memory_space<vmem>>, vector<16xf32>,
      %scan3A_606 = arith.constant 9 : i32
      %scan3A_607 = arith.addi %scan3A_547, %scan3A_606 : i32
      %broadcast_in_dim3A_608 = vector.broadcast %scan3A_607 : i32 to vector<16xi32>
      %gather3A_609 = tpu.vector_load_idx %arg4[%iota3A, %broadcast_in_dim3A_608] : memref<16x1000xf32, #tpu.memory_space<vmem>>[vector<16xi32>, vector<16xi32>], vector<16xf32>,
      %swap3A_610 = arith.index_cast %scan3A_607 : i32 to index
      %swap3A_611 = arith.constant 0 : index
      %swap3A_612 = tpu.vector_load %arg6[%swap3A_610, %swap3A_611] {strides = array<i32>} : memref<1000x16xf32, #tpu.memory_space<vmem>>, vector<16xf32>,
      tpu.vector_store %arg6[%swap3A_610, %swap3A_611], %gather3A_609 {strides = array<i32>} : memref<1000x16xf32, #tpu.memory_space<vmem>>, vector<16xf32>,
      %scan3A_613 = arith.constant 10 : i32
      %scan3A_614 = arith.addi %scan3A_547, %scan3A_613 : i32
      %broadcast_in_dim3A_615 = vector.broadcast %scan3A_614 : i32 to vector<16xi32>
      %gather3A_616 = tpu.vector_load_idx %arg4[%iota3A, %broadcast_in_dim3A_615] : memref<16x1000xf32, #tpu.memory_space<vmem>>[vector<16xi32>, vector<16xi32>], vector<16xf32>,
      %swap3A_617 = arith.index_cast %scan3A_614 : i32 to index
      %swap3A_618 = arith.constant 0 : index
      %swap3A_619 = tpu.vector_load %arg6[%swap3A_617, %swap3A_618] {strides = array<i32>} : memref<1000x16xf32, #tpu.memory_space<vmem>>, vector<16xf32>,
      tpu.vector_store %arg6[%swap3A_617, %swap3A_618], %gather3A_616 {strides = array<i32>} : memref<1000x16xf32, #tpu.memory_space<vmem>>, vector<16xf32>,
      %scan3A_620 = arith.constant 11 : i32
      %scan3A_621 = arith.addi %scan3A_547, %scan3A_620 : i32
      %broadcast_in_dim3A_622 = vector.broadcast %scan3A_621 : i32 to vector<16xi32>
      %gather3A_623 = tpu.vector_load_idx %arg4[%iota3A, %broadcast_in_dim3A_622] : memref<16x1000xf32, #tpu.memory_space<vmem>>[vector<16xi32>, vector<16xi32>], vector<16xf32>,
      %swap3A_624 = arith.index_cast %scan3A_621 : i32 to index
      %swap3A_625 = arith.constant 0 : index
      %swap3A_626 = tpu.vector_load %arg6[%swap3A_624, %swap3A_625] {strides = array<i32>} : memref<1000x16xf32, #tpu.memory_space<vmem>>, vector<16xf32>,
      tpu.vector_store %arg6[%swap3A_624, %swap3A_625], %gather3A_623 {strides = array<i32>} : memref<1000x16xf32, #tpu.memory_space<vmem>>, vector<16xf32>,
      %scan3A_627 = arith.constant 12 : i32
      %scan3A_628 = arith.addi %scan3A_547, %scan3A_627 : i32
      %broadcast_in_dim3A_629 = vector.broadcast %scan3A_628 : i32 to vector<16xi32>
      %gather3A_630 = tpu.vector_load_idx %arg4[%iota3A, %broadcast_in_dim3A_629] : memref<16x1000xf32, #tpu.memory_space<vmem>>[vector<16xi32>, vector<16xi32>], vector<16xf32>,
      %swap3A_631 = arith.index_cast %scan3A_628 : i32 to index
      %swap3A_632 = arith.constant 0 : index
      %swap3A_633 = tpu.vector_load %arg6[%swap3A_631, %swap3A_632] {strides = array<i32>} : memref<1000x16xf32, #tpu.memory_space<vmem>>, vector<16xf32>,
      tpu.vector_store %arg6[%swap3A_631, %swap3A_632], %gather3A_630 {strides = array<i32>} : memref<1000x16xf32, #tpu.memory_space<vmem>>, vector<16xf32>,
      %scan3A_634 = arith.constant 13 : i32
      %scan3A_635 = arith.addi %scan3A_547, %scan3A_634 : i32
      %broadcast_in_dim3A_636 = vector.broadcast %scan3A_635 : i32 to vector<16xi32>
      %gather3A_637 = tpu.vector_load_idx %arg4[%iota3A, %broadcast_in_dim3A_636] : memref<16x1000xf32, #tpu.memory_space<vmem>>[vector<16xi32>, vector<16xi32>], vector<16xf32>,
      %swap3A_638 = arith.index_cast %scan3A_635 : i32 to index
      %swap3A_639 = arith.constant 0 : index
      %swap3A_640 = tpu.vector_load %arg6[%swap3A_638, %swap3A_639] {strides = array<i32>} : memref<1000x16xf32, #tpu.memory_space<vmem>>, vector<16xf32>,
      tpu.vector_store %arg6[%swap3A_638, %swap3A_639], %gather3A_637 {strides = array<i32>} : memref<1000x16xf32, #tpu.memory_space<vmem>>, vector<16xf32>,
      %scan3A_641 = arith.constant 14 : i32
      %scan3A_642 = arith.addi %scan3A_547, %scan3A_641 : i32
      %broadcast_in_dim3A_643 = vector.broadcast %scan3A_642 : i32 to vector<16xi32>
      %gather3A_644 = tpu.vector_load_idx %arg4[%iota3A, %broadcast_in_dim3A_643] : memref<16x1000xf32, #tpu.memory_space<vmem>>[vector<16xi32>, vector<16xi32>], vector<16xf32>,
      %swap3A_645 = arith.index_cast %scan3A_642 : i32 to index
      %swap3A_646 = arith.constant 0 : index
      %swap3A_647 = tpu.vector_load %arg6[%swap3A_645, %swap3A_646] {strides = array<i32>} : memref<1000x16xf32, #tpu.memory_space<vmem>>, vector<16xf32>,
      tpu.vector_store %arg6[%swap3A_645, %swap3A_646], %gather3A_644 {strides = array<i32>} : memref<1000x16xf32, #tpu.memory_space<vmem>>, vector<16xf32>,
      %scan3A_648 = arith.constant 15 : i32
      %scan3A_649 = arith.addi %scan3A_547, %scan3A_648 : i32
      %broadcast_in_dim3A_650 = vector.broadcast %scan3A_649 : i32 to vector<16xi32>
      %gather3A_651 = tpu.vector_load_idx %arg4[%iota3A, %broadcast_in_dim3A_650] : memref<16x1000xf32, #tpu.memory_space<vmem>>[vector<16xi32>, vector<16xi32>], vector<16xf32>,
      %swap3A_652 = arith.index_cast %scan3A_649 : i32 to index
      %swap3A_653 = arith.constant 0 : index
      %swap3A_654 = tpu.vector_load %arg6[%swap3A_652, %swap3A_653] {strides = array<i32>} : memref<1000x16xf32, #tpu.memory_space<vmem>>, vector<16xf32>,
      tpu.vector_store %arg6[%swap3A_652, %swap3A_653], %gather3A_651 {strides = array<i32>} : memref<1000x16xf32, #tpu.memory_space<vmem>>, vector<16xf32>,
      %scan3A_655 = arith.constant 16 : i32
      %scan3A_656 = arith.addi %scan3A_547, %scan3A_655 : i32
      %broadcast_in_dim3A_657 = vector.broadcast %scan3A_656 : i32 to vector<16xi32>
      %gather3A_658 = tpu.vector_load_idx %arg4[%iota3A, %broadcast_in_dim3A_657] : memref<16x1000xf32, #tpu.memory_space<vmem>>[vector<16xi32>, vector<16xi32>], vector<16xf32>,
      %swap3A_659 = arith.index_cast %scan3A_656 : i32 to index
      %swap3A_660 = arith.constant 0 : index
      %swap3A_661 = tpu.vector_load %arg6[%swap3A_659, %swap3A_660] {strides = array<i32>} : memref<1000x16xf32, #tpu.memory_space<vmem>>, vector<16xf32>,
      tpu.vector_store %arg6[%swap3A_659, %swap3A_660], %gather3A_658 {strides = array<i32>} : memref<1000x16xf32, #tpu.memory_space<vmem>>, vector<16xf32>,
      %scan3A_662 = arith.constant 17 : i32
      %scan3A_663 = arith.addi %scan3A_547, %scan3A_662 : i32
      %broadcast_in_dim3A_664 = vector.broadcast %scan3A_663 : i32 to vector<16xi32>
      %gather3A_665 = tpu.vector_load_idx %arg4[%iota3A, %broadcast_in_dim3A_664] : memref<16x1000xf32, #tpu.memory_space<vmem>>[vector<16xi32>, vector<16xi32>], vector<16xf32>,
      %swap3A_666 = arith.index_cast %scan3A_663 : i32 to index
      %swap3A_667 = arith.constant 0 : index
      %swap3A_668 = tpu.vector_load %arg6[%swap3A_666, %swap3A_667] {strides = array<i32>} : memref<1000x16xf32, #tpu.memory_space<vmem>>, vector<16xf32>,
      tpu.vector_store %arg6[%swap3A_666, %swap3A_667], %gather3A_665 {strides = array<i32>} : memref<1000x16xf32, #tpu.memory_space<vmem>>, vector<16xf32>,
      %scan3A_669 = arith.constant 18 : i32
      %scan3A_670 = arith.addi %scan3A_547, %scan3A_669 : i32
      %broadcast_in_dim3A_671 = vector.broadcast %scan3A_670 : i32 to vector<16xi32>
      %gather3A_672 = tpu.vector_load_idx %arg4[%iota3A, %broadcast_in_dim3A_671] : memref<16x1000xf32, #tpu.memory_space<vmem>>[vector<16xi32>, vector<16xi32>], vector<16xf32>,
      %swap3A_673 = arith.index_cast %scan3A_670 : i32 to index
      %swap3A_674 = arith.constant 0 : index
      %swap3A_675 = tpu.vector_load %arg6[%swap3A_673, %swap3A_674] {strides = array<i32>} : memref<1000x16xf32, #tpu.memory_space<vmem>>, vector<16xf32>,
      tpu.vector_store %arg6[%swap3A_673, %swap3A_674], %gather3A_672 {strides = array<i32>} : memref<1000x16xf32, #tpu.memory_space<vmem>>, vector<16xf32>,
      %scan3A_676 = arith.constant 19 : i32
      %scan3A_677 = arith.addi %scan3A_547, %scan3A_676 : i32
      %broadcast_in_dim3A_678 = vector.broadcast %scan3A_677 : i32 to vector<16xi32>
      %gather3A_679 = tpu.vector_load_idx %arg4[%iota3A, %broadcast_in_dim3A_678] : memref<16x1000xf32, #tpu.memory_space<vmem>>[vector<16xi32>, vector<16xi32>], vector<16xf32>,
      %swap3A_680 = arith.index_cast %scan3A_677 : i32 to index
      %swap3A_681 = arith.constant 0 : index
      %swap3A_682 = tpu.vector_load %arg6[%swap3A_680, %swap3A_681] {strides = array<i32>} : memref<1000x16xf32, #tpu.memory_space<vmem>>, vector<16xf32>,
      tpu.vector_store %arg6[%swap3A_680, %swap3A_681], %gather3A_679 {strides = array<i32>} : memref<1000x16xf32, #tpu.memory_space<vmem>>, vector<16xf32>,
    }
    %scan3A_151 = arith.constant 1000 : i32
    %add3A_152 = arith.constant 64 : i32
    %add3A_153 = arith.addi %add3A, %add3A_152 : i32
    %min3A_154 = arith.constant 2599 : i32
    %min3A_155 = arith.minsi %add3A_153, %min3A_154 : i32
    %jit3A_156 = arith.constant 100 : i32
    %div3A_157 = arith.divsi %min3A_155, %jit3A_156 : i32
    %sign3A_158 = arith.constant 0 : i32
    %sign3A_159 = arith.cmpi sgt, %min3A_155, %sign3A_158 : i32
    %sign3A_160 = arith.extui %sign3A_159 : i1 to i32
    %sign3A_161 = arith.constant 0 : i32
    %sign3A_162 = arith.cmpi slt, %min3A_155, %sign3A_161 : i32
    %sign3A_163 = arith.extui %sign3A_162 : i1 to i32
    %sign3A_164 = arith.subi %sign3A_160, %sign3A_163 : i32
    %sign3A_165 = arith.constant 0 : i32
    %sign3A_166 = arith.cmpi sgt, %jit3A_156, %sign3A_165 : i32
    %sign3A_167 = arith.extui %sign3A_166 : i1 to i32
    %sign3A_168 = arith.constant 0 : i32
    %sign3A_169 = arith.cmpi slt, %jit3A_156, %sign3A_168 : i32
    %sign3A_170 = arith.extui %sign3A_169 : i1 to i32
    %sign3A_171 = arith.subi %sign3A_167, %sign3A_170 : i32
    %ne3A_172 = arith.cmpi ne, %sign3A_164, %sign3A_171 : i32
    %rem3A_173 = arith.remsi %min3A_155, %jit3A_156 : i32
    %ne3A_174 = arith.constant 0 : i32
    %ne3A_175 = arith.cmpi ne, %rem3A_173, %ne3A_174 : i32
    %and3A_176 = arith.andi %ne3A_172, %ne3A_175 : i1
    %sub3A_177 = arith.constant 1 : i32
    %sub3A_178 = arith.subi %div3A_157, %sub3A_177 : i32
    %select_n3A_179 = arith.select %and3A_176, %sub3A_178, %div3A_157 : i32
    %jit3A_180 = arith.constant 100 : i32
    %eq3A_181 = arith.constant 0 : i32
    %eq3A_182 = arith.cmpi eq, %jit3A_180, %eq3A_181 : i32
    %jit3A_183 = arith.constant 1 : i32
    %select_n3A_184 = arith.select %eq3A_182, %jit3A_183, %jit3A_180 : i32
    %rem3A_185 = arith.remsi %min3A_155, %select_n3A_184 : i32
    %ne3A_186 = arith.constant 0 : i32
    %ne3A_187 = arith.cmpi ne, %rem3A_185, %ne3A_186 : i32
    %lt3A_188 = arith.constant 0 : i32
    %lt3A_189 = arith.cmpi slt, %rem3A_185, %lt3A_188 : i32
    %lt3A_190 = arith.constant 0 : i32
    %lt3A_191 = arith.cmpi slt, %select_n3A_184, %lt3A_190 : i32
    %ne3A_192 = arith.xori %lt3A_189, %lt3A_191 : i1
    %and3A_193 = arith.andi %ne3A_192, %ne3A_187 : i1
    %add3A_194 = arith.addi %rem3A_185, %select_n3A_184 : i32
    %select_n3A_195 = arith.select %and3A_193, %add3A_194, %rem3A_185 : i32
    %mul3A_196 = arith.constant 1000 : i32
    %mul3A_197 = arith.muli %select_n3A_195, %mul3A_196 : i32
    %mul3A_198 = arith.constant 16 : i32
    %mul3A_199 = arith.muli %select_n3A_179, %mul3A_198 : i32
    %mul3A_200 = arith.constant 100000 : i32
    %mul3A_201 = arith.muli %select_n3A_179, %mul3A_200 : i32
    %add3A_202 = arith.addi %mul3A_201, %mul3A_197 : i32
    %dma_start3A_203 = tpu.memref_slice %arg2[%mul3A_199, %mul3A_197] : memref<416x100000xf32, #tpu.memory_space<hbm>> -> memref<16x1000xf32, #tpu.memory_space<hbm>>
    %dma_start3A_204 = tpu.memref_slice %arg2[%mul3A_199, %mul3A_197] : memref<416x100000xf32, #tpu.memory_space<hbm>> -> memref<16x1000xf32, #tpu.memory_space<hbm>>
    tpu.enqueue_dma source(%dma_start3A_204 : memref<16x1000xf32, #tpu.memory_space<hbm>>) target(%arg4 : memref<16x1000xf32, #tpu.memory_space<vmem>>) target_semaphore(%arg8 : memref<!tpu.dma_semaphore, #tpu.memory_space<semaphore_mem>>)
    %dma_start3A_205 = arith.constant 0 : i32
    %dma_start3A_206 = tpu.memref_slice %arg3[%add3A_145, %dma_start3A_205] : memref<2600000x16xf32, #tpu.memory_space<hbm>> -> memref<1000x16xf32, #tpu.memory_space<hbm>>
    %dma_start3A_207 = arith.constant 0 : i32
    %dma_start3A_208 = tpu.memref_slice %arg3[%add3A_145, %dma_start3A_207] : memref<2600000x16xf32, #tpu.memory_space<hbm>> -> memref<1000x16xf32, #tpu.memory_space<hbm>>
    tpu.enqueue_dma source(%arg6 : memref<1000x16xf32, #tpu.memory_space<vmem>>) target(%dma_start3A_208 : memref<1000x16xf32, #tpu.memory_space<hbm>>) target_semaphore(%arg10 : memref<!tpu.dma_semaphore, #tpu.memory_space<semaphore_mem>>)
    %add3A_209 = arith.constant 32 : i32
    %add3A_210 = arith.addi %add3A, %add3A_209 : i32
    %min3A_211 = arith.constant 2599 : i32
    %min3A_212 = arith.minsi %add3A_210, %min3A_211 : i32
    %jit3A_213 = arith.constant 100 : i32
    %div3A_214 = arith.divsi %min3A_212, %jit3A_213 : i32
    %sign3A_215 = arith.constant 0 : i32
    %sign3A_216 = arith.cmpi sgt, %min3A_212, %sign3A_215 : i32
    %sign3A_217 = arith.extui %sign3A_216 : i1 to i32
    %sign3A_218 = arith.constant 0 : i32
    %sign3A_219 = arith.cmpi slt, %min3A_212, %sign3A_218 : i32
    %sign3A_220 = arith.extui %sign3A_219 : i1 to i32
    %sign3A_221 = arith.subi %sign3A_217, %sign3A_220 : i32
    %sign3A_222 = arith.constant 0 : i32
    %sign3A_223 = arith.cmpi sgt, %jit3A_213, %sign3A_222 : i32
    %sign3A_224 = arith.extui %sign3A_223 : i1 to i32
    %sign3A_225 = arith.constant 0 : i32
    %sign3A_226 = arith.cmpi slt, %jit3A_213, %sign3A_225 : i32
    %sign3A_227 = arith.extui %sign3A_226 : i1 to i32
    %sign3A_228 = arith.subi %sign3A_224, %sign3A_227 : i32
    %ne3A_229 = arith.cmpi ne, %sign3A_221, %sign3A_228 : i32
    %rem3A_230 = arith.remsi %min3A_212, %jit3A_213 : i32
    %ne3A_231 = arith.constant 0 : i32
    %ne3A_232 = arith.cmpi ne, %rem3A_230, %ne3A_231 : i32
    %and3A_233 = arith.andi %ne3A_229, %ne3A_232 : i1
    %sub3A_234 = arith.constant 1 : i32
    %sub3A_235 = arith.subi %div3A_214, %sub3A_234 : i32
    %select_n3A_236 = arith.select %and3A_233, %sub3A_235, %div3A_214 : i32
    %jit3A_237 = arith.constant 100 : i32
    %eq3A_238 = arith.constant 0 : i32
    %eq3A_239 = arith.cmpi eq, %jit3A_237, %eq3A_238 : i32
    %jit3A_240 = arith.constant 1 : i32
    %select_n3A_241 = arith.select %eq3A_239, %jit3A_240, %jit3A_237 : i32
    %rem3A_242 = arith.remsi %min3A_212, %select_n3A_241 : i32
    %ne3A_243 = arith.constant 0 : i32
    %ne3A_244 = arith.cmpi ne, %rem3A_242, %ne3A_243 : i32
    %lt3A_245 = arith.constant 0 : i32
    %lt3A_246 = arith.cmpi slt, %rem3A_242, %lt3A_245 : i32
    %lt3A_247 = arith.constant 0 : i32
    %lt3A_248 = arith.cmpi slt, %select_n3A_241, %lt3A_247 : i32
    %ne3A_249 = arith.xori %lt3A_246, %lt3A_248 : i1
    %and3A_250 = arith.andi %ne3A_249, %ne3A_244 : i1
    %add3A_251 = arith.addi %rem3A_242, %select_n3A_241 : i32
    %select_n3A_252 = arith.select %and3A_250, %add3A_251, %rem3A_242 : i32
    %mul3A_253 = arith.constant 1000 : i32
    %mul3A_254 = arith.muli %select_n3A_252, %mul3A_253 : i32
    %mul3A_255 = arith.constant 16 : i32
    %mul3A_256 = arith.muli %select_n3A_236, %mul3A_255 : i32
    %mul3A_257 = arith.constant 100000 : i32
    %mul3A_258 = arith.muli %select_n3A_236, %mul3A_257 : i32
    %add3A_259 = arith.addi %mul3A_258, %mul3A_254 : i32
    %dma_wait3A_260 = tpu.memref_slice %arg2[%mul3A_256, %mul3A_254] : memref<416x100000xf32, #tpu.memory_space<hbm>> -> memref<16x1000xf32, #tpu.memory_space<hbm>>
    %dma_wait3A_261 = tpu.memref_slice %arg2[%mul3A_256, %mul3A_254] : memref<416x100000xf32, #tpu.memory_space<hbm>> -> memref<16x1000xf32, #tpu.memory_space<hbm>>
    tpu.wait_dma2 semaphore(%arg9 : memref<!tpu.dma_semaphore, #tpu.memory_space<semaphore_mem>>) src(%dma_wait3A_261 : memref<16x1000xf32, #tpu.memory_space<hbm>>) dst(%arg5 : memref<16x1000xf32, #tpu.memory_space<vmem>>)
    %scan3A_262 = arith.constant 0 : i32
    %scan3A_263 = arith.constant 0 : i32
    %scan3A_264 = arith.constant 1000 : i32
    %scan3A_265 = arith.addi %scan3A_263, %scan3A_264 : i32
    %scan3A_266 = arith.constant 20 : i32
    scf.for %scan3A_547 = %scan3A_263 to %scan3A_265 step %scan3A_266  : i32 {
      %broadcast_in_dim3A = vector.broadcast %scan3A_547 : i32 to vector<16xi32>
      %gather3A = tpu.vector_load_idx %arg5[%iota3A, %broadcast_in_dim3A] : memref<16x1000xf32, #tpu.memory_space<vmem>>[vector<16xi32>, vector<16xi32>], vector<16xf32>,
      %swap3A = arith.index_cast %scan3A_547 : i32 to index
      %swap3A_548 = arith.constant 0 : index
      %swap3A_549 = tpu.vector_load %arg7[%swap3A, %swap3A_548] {strides = array<i32>} : memref<1000x16xf32, #tpu.memory_space<vmem>>, vector<16xf32>,
      tpu.vector_store %arg7[%swap3A, %swap3A_548], %gather3A {strides = array<i32>} : memref<1000x16xf32, #tpu.memory_space<vmem>>, vector<16xf32>,
      %scan3A_550 = arith.constant 1 : i32
      %scan3A_551 = arith.addi %scan3A_547, %scan3A_550 : i32
      %broadcast_in_dim3A_552 = vector.broadcast %scan3A_551 : i32 to vector<16xi32>
      %gather3A_553 = tpu.vector_load_idx %arg5[%iota3A, %broadcast_in_dim3A_552] : memref<16x1000xf32, #tpu.memory_space<vmem>>[vector<16xi32>, vector<16xi32>], vector<16xf32>,
      %swap3A_554 = arith.index_cast %scan3A_551 : i32 to index
      %swap3A_555 = arith.constant 0 : index
      %swap3A_556 = tpu.vector_load %arg7[%swap3A_554, %swap3A_555] {strides = array<i32>} : memref<1000x16xf32, #tpu.memory_space<vmem>>, vector<16xf32>,
      tpu.vector_store %arg7[%swap3A_554, %swap3A_555], %gather3A_553 {strides = array<i32>} : memref<1000x16xf32, #tpu.memory_space<vmem>>, vector<16xf32>,
      %scan3A_557 = arith.constant 2 : i32
      %scan3A_558 = arith.addi %scan3A_547, %scan3A_557 : i32
      %broadcast_in_dim3A_559 = vector.broadcast %scan3A_558 : i32 to vector<16xi32>
      %gather3A_560 = tpu.vector_load_idx %arg5[%iota3A, %broadcast_in_dim3A_559] : memref<16x1000xf32, #tpu.memory_space<vmem>>[vector<16xi32>, vector<16xi32>], vector<16xf32>,
      %swap3A_561 = arith.index_cast %scan3A_558 : i32 to index
      %swap3A_562 = arith.constant 0 : index
      %swap3A_563 = tpu.vector_load %arg7[%swap3A_561, %swap3A_562] {strides = array<i32>} : memref<1000x16xf32, #tpu.memory_space<vmem>>, vector<16xf32>,
      tpu.vector_store %arg7[%swap3A_561, %swap3A_562], %gather3A_560 {strides = array<i32>} : memref<1000x16xf32, #tpu.memory_space<vmem>>, vector<16xf32>,
      %scan3A_564 = arith.constant 3 : i32
      %scan3A_565 = arith.addi %scan3A_547, %scan3A_564 : i32
      %broadcast_in_dim3A_566 = vector.broadcast %scan3A_565 : i32 to vector<16xi32>
      %gather3A_567 = tpu.vector_load_idx %arg5[%iota3A, %broadcast_in_dim3A_566] : memref<16x1000xf32, #tpu.memory_space<vmem>>[vector<16xi32>, vector<16xi32>], vector<16xf32>,
      %swap3A_568 = arith.index_cast %scan3A_565 : i32 to index
      %swap3A_569 = arith.constant 0 : index
      %swap3A_570 = tpu.vector_load %arg7[%swap3A_568, %swap3A_569] {strides = array<i32>} : memref<1000x16xf32, #tpu.memory_space<vmem>>, vector<16xf32>,
      tpu.vector_store %arg7[%swap3A_568, %swap3A_569], %gather3A_567 {strides = array<i32>} : memref<1000x16xf32, #tpu.memory_space<vmem>>, vector<16xf32>,
      %scan3A_571 = arith.constant 4 : i32
      %scan3A_572 = arith.addi %scan3A_547, %scan3A_571 : i32
      %broadcast_in_dim3A_573 = vector.broadcast %scan3A_572 : i32 to vector<16xi32>
      %gather3A_574 = tpu.vector_load_idx %arg5[%iota3A, %broadcast_in_dim3A_573] : memref<16x1000xf32, #tpu.memory_space<vmem>>[vector<16xi32>, vector<16xi32>], vector<16xf32>,
      %swap3A_575 = arith.index_cast %scan3A_572 : i32 to index
      %swap3A_576 = arith.constant 0 : index
      %swap3A_577 = tpu.vector_load %arg7[%swap3A_575, %swap3A_576] {strides = array<i32>} : memref<1000x16xf32, #tpu.memory_space<vmem>>, vector<16xf32>,
      tpu.vector_store %arg7[%swap3A_575, %swap3A_576], %gather3A_574 {strides = array<i32>} : memref<1000x16xf32, #tpu.memory_space<vmem>>, vector<16xf32>,
      %scan3A_578 = arith.constant 5 : i32
      %scan3A_579 = arith.addi %scan3A_547, %scan3A_578 : i32
      %broadcast_in_dim3A_580 = vector.broadcast %scan3A_579 : i32 to vector<16xi32>
      %gather3A_581 = tpu.vector_load_idx %arg5[%iota3A, %broadcast_in_dim3A_580] : memref<16x1000xf32, #tpu.memory_space<vmem>>[vector<16xi32>, vector<16xi32>], vector<16xf32>,
      %swap3A_582 = arith.index_cast %scan3A_579 : i32 to index
      %swap3A_583 = arith.constant 0 : index
      %swap3A_584 = tpu.vector_load %arg7[%swap3A_582, %swap3A_583] {strides = array<i32>} : memref<1000x16xf32, #tpu.memory_space<vmem>>, vector<16xf32>,
      tpu.vector_store %arg7[%swap3A_582, %swap3A_583], %gather3A_581 {strides = array<i32>} : memref<1000x16xf32, #tpu.memory_space<vmem>>, vector<16xf32>,
      %scan3A_585 = arith.constant 6 : i32
      %scan3A_586 = arith.addi %scan3A_547, %scan3A_585 : i32
      %broadcast_in_dim3A_587 = vector.broadcast %scan3A_586 : i32 to vector<16xi32>
      %gather3A_588 = tpu.vector_load_idx %arg5[%iota3A, %broadcast_in_dim3A_587] : memref<16x1000xf32, #tpu.memory_space<vmem>>[vector<16xi32>, vector<16xi32>], vector<16xf32>,
      %swap3A_589 = arith.index_cast %scan3A_586 : i32 to index
      %swap3A_590 = arith.constant 0 : index
      %swap3A_591 = tpu.vector_load %arg7[%swap3A_589, %swap3A_590] {strides = array<i32>} : memref<1000x16xf32, #tpu.memory_space<vmem>>, vector<16xf32>,
      tpu.vector_store %arg7[%swap3A_589, %swap3A_590], %gather3A_588 {strides = array<i32>} : memref<1000x16xf32, #tpu.memory_space<vmem>>, vector<16xf32>,
      %scan3A_592 = arith.constant 7 : i32
      %scan3A_593 = arith.addi %scan3A_547, %scan3A_592 : i32
      %broadcast_in_dim3A_594 = vector.broadcast %scan3A_593 : i32 to vector<16xi32>
      %gather3A_595 = tpu.vector_load_idx %arg5[%iota3A, %broadcast_in_dim3A_594] : memref<16x1000xf32, #tpu.memory_space<vmem>>[vector<16xi32>, vector<16xi32>], vector<16xf32>,
      %swap3A_596 = arith.index_cast %scan3A_593 : i32 to index
      %swap3A_597 = arith.constant 0 : index
      %swap3A_598 = tpu.vector_load %arg7[%swap3A_596, %swap3A_597] {strides = array<i32>} : memref<1000x16xf32, #tpu.memory_space<vmem>>, vector<16xf32>,
      tpu.vector_store %arg7[%swap3A_596, %swap3A_597], %gather3A_595 {strides = array<i32>} : memref<1000x16xf32, #tpu.memory_space<vmem>>, vector<16xf32>,
      %scan3A_599 = arith.constant 8 : i32
      %scan3A_600 = arith.addi %scan3A_547, %scan3A_599 : i32
      %broadcast_in_dim3A_601 = vector.broadcast %scan3A_600 : i32 to vector<16xi32>
      %gather3A_602 = tpu.vector_load_idx %arg5[%iota3A, %broadcast_in_dim3A_601] : memref<16x1000xf32, #tpu.memory_space<vmem>>[vector<16xi32>, vector<16xi32>], vector<16xf32>,
      %swap3A_603 = arith.index_cast %scan3A_600 : i32 to index
      %swap3A_604 = arith.constant 0 : index
      %swap3A_605 = tpu.vector_load %arg7[%swap3A_603, %swap3A_604] {strides = array<i32>} : memref<1000x16xf32, #tpu.memory_space<vmem>>, vector<16xf32>,
      tpu.vector_store %arg7[%swap3A_603, %swap3A_604], %gather3A_602 {strides = array<i32>} : memref<1000x16xf32, #tpu.memory_space<vmem>>, vector<16xf32>,
      %scan3A_606 = arith.constant 9 : i32
      %scan3A_607 = arith.addi %scan3A_547, %scan3A_606 : i32
      %broadcast_in_dim3A_608 = vector.broadcast %scan3A_607 : i32 to vector<16xi32>
      %gather3A_609 = tpu.vector_load_idx %arg5[%iota3A, %broadcast_in_dim3A_608] : memref<16x1000xf32, #tpu.memory_space<vmem>>[vector<16xi32>, vector<16xi32>], vector<16xf32>,
      %swap3A_610 = arith.index_cast %scan3A_607 : i32 to index
      %swap3A_611 = arith.constant 0 : index
      %swap3A_612 = tpu.vector_load %arg7[%swap3A_610, %swap3A_611] {strides = array<i32>} : memref<1000x16xf32, #tpu.memory_space<vmem>>, vector<16xf32>,
      tpu.vector_store %arg7[%swap3A_610, %swap3A_611], %gather3A_609 {strides = array<i32>} : memref<1000x16xf32, #tpu.memory_space<vmem>>, vector<16xf32>,
      %scan3A_613 = arith.constant 10 : i32
      %scan3A_614 = arith.addi %scan3A_547, %scan3A_613 : i32
      %broadcast_in_dim3A_615 = vector.broadcast %scan3A_614 : i32 to vector<16xi32>
      %gather3A_616 = tpu.vector_load_idx %arg5[%iota3A, %broadcast_in_dim3A_615] : memref<16x1000xf32, #tpu.memory_space<vmem>>[vector<16xi32>, vector<16xi32>], vector<16xf32>,
      %swap3A_617 = arith.index_cast %scan3A_614 : i32 to index
      %swap3A_618 = arith.constant 0 : index
      %swap3A_619 = tpu.vector_load %arg7[%swap3A_617, %swap3A_618] {strides = array<i32>} : memref<1000x16xf32, #tpu.memory_space<vmem>>, vector<16xf32>,
      tpu.vector_store %arg7[%swap3A_617, %swap3A_618], %gather3A_616 {strides = array<i32>} : memref<1000x16xf32, #tpu.memory_space<vmem>>, vector<16xf32>,
      %scan3A_620 = arith.constant 11 : i32
      %scan3A_621 = arith.addi %scan3A_547, %scan3A_620 : i32
      %broadcast_in_dim3A_622 = vector.broadcast %scan3A_621 : i32 to vector<16xi32>
      %gather3A_623 = tpu.vector_load_idx %arg5[%iota3A, %broadcast_in_dim3A_622] : memref<16x1000xf32, #tpu.memory_space<vmem>>[vector<16xi32>, vector<16xi32>], vector<16xf32>,
      %swap3A_624 = arith.index_cast %scan3A_621 : i32 to index
      %swap3A_625 = arith.constant 0 : index
      %swap3A_626 = tpu.vector_load %arg7[%swap3A_624, %swap3A_625] {strides = array<i32>} : memref<1000x16xf32, #tpu.memory_space<vmem>>, vector<16xf32>,
      tpu.vector_store %arg7[%swap3A_624, %swap3A_625], %gather3A_623 {strides = array<i32>} : memref<1000x16xf32, #tpu.memory_space<vmem>>, vector<16xf32>,
      %scan3A_627 = arith.constant 12 : i32
      %scan3A_628 = arith.addi %scan3A_547, %scan3A_627 : i32
      %broadcast_in_dim3A_629 = vector.broadcast %scan3A_628 : i32 to vector<16xi32>
      %gather3A_630 = tpu.vector_load_idx %arg5[%iota3A, %broadcast_in_dim3A_629] : memref<16x1000xf32, #tpu.memory_space<vmem>>[vector<16xi32>, vector<16xi32>], vector<16xf32>,
      %swap3A_631 = arith.index_cast %scan3A_628 : i32 to index
      %swap3A_632 = arith.constant 0 : index
      %swap3A_633 = tpu.vector_load %arg7[%swap3A_631, %swap3A_632] {strides = array<i32>} : memref<1000x16xf32, #tpu.memory_space<vmem>>, vector<16xf32>,
      tpu.vector_store %arg7[%swap3A_631, %swap3A_632], %gather3A_630 {strides = array<i32>} : memref<1000x16xf32, #tpu.memory_space<vmem>>, vector<16xf32>,
      %scan3A_634 = arith.constant 13 : i32
      %scan3A_635 = arith.addi %scan3A_547, %scan3A_634 : i32
      %broadcast_in_dim3A_636 = vector.broadcast %scan3A_635 : i32 to vector<16xi32>
      %gather3A_637 = tpu.vector_load_idx %arg5[%iota3A, %broadcast_in_dim3A_636] : memref<16x1000xf32, #tpu.memory_space<vmem>>[vector<16xi32>, vector<16xi32>], vector<16xf32>,
      %swap3A_638 = arith.index_cast %scan3A_635 : i32 to index
      %swap3A_639 = arith.constant 0 : index
      %swap3A_640 = tpu.vector_load %arg7[%swap3A_638, %swap3A_639] {strides = array<i32>} : memref<1000x16xf32, #tpu.memory_space<vmem>>, vector<16xf32>,
      tpu.vector_store %arg7[%swap3A_638, %swap3A_639], %gather3A_637 {strides = array<i32>} : memref<1000x16xf32, #tpu.memory_space<vmem>>, vector<16xf32>,
      %scan3A_641 = arith.constant 14 : i32
      %scan3A_642 = arith.addi %scan3A_547, %scan3A_641 : i32
      %broadcast_in_dim3A_643 = vector.broadcast %scan3A_642 : i32 to vector<16xi32>
      %gather3A_644 = tpu.vector_load_idx %arg5[%iota3A, %broadcast_in_dim3A_643] : memref<16x1000xf32, #tpu.memory_space<vmem>>[vector<16xi32>, vector<16xi32>], vector<16xf32>,
      %swap3A_645 = arith.index_cast %scan3A_642 : i32 to index
      %swap3A_646 = arith.constant 0 : index
      %swap3A_647 = tpu.vector_load %arg7[%swap3A_645, %swap3A_646] {strides = array<i32>} : memref<1000x16xf32, #tpu.memory_space<vmem>>, vector<16xf32>,
      tpu.vector_store %arg7[%swap3A_645, %swap3A_646], %gather3A_644 {strides = array<i32>} : memref<1000x16xf32, #tpu.memory_space<vmem>>, vector<16xf32>,
      %scan3A_648 = arith.constant 15 : i32
      %scan3A_649 = arith.addi %scan3A_547, %scan3A_648 : i32
      %broadcast_in_dim3A_650 = vector.broadcast %scan3A_649 : i32 to vector<16xi32>
      %gather3A_651 = tpu.vector_load_idx %arg5[%iota3A, %broadcast_in_dim3A_650] : memref<16x1000xf32, #tpu.memory_space<vmem>>[vector<16xi32>, vector<16xi32>], vector<16xf32>,
      %swap3A_652 = arith.index_cast %scan3A_649 : i32 to index
      %swap3A_653 = arith.constant 0 : index
      %swap3A_654 = tpu.vector_load %arg7[%swap3A_652, %swap3A_653] {strides = array<i32>} : memref<1000x16xf32, #tpu.memory_space<vmem>>, vector<16xf32>,
      tpu.vector_store %arg7[%swap3A_652, %swap3A_653], %gather3A_651 {strides = array<i32>} : memref<1000x16xf32, #tpu.memory_space<vmem>>, vector<16xf32>,
      %scan3A_655 = arith.constant 16 : i32
      %scan3A_656 = arith.addi %scan3A_547, %scan3A_655 : i32
      %broadcast_in_dim3A_657 = vector.broadcast %scan3A_656 : i32 to vector<16xi32>
      %gather3A_658 = tpu.vector_load_idx %arg5[%iota3A, %broadcast_in_dim3A_657] : memref<16x1000xf32, #tpu.memory_space<vmem>>[vector<16xi32>, vector<16xi32>], vector<16xf32>,
      %swap3A_659 = arith.index_cast %scan3A_656 : i32 to index
      %swap3A_660 = arith.constant 0 : index
      %swap3A_661 = tpu.vector_load %arg7[%swap3A_659, %swap3A_660] {strides = array<i32>} : memref<1000x16xf32, #tpu.memory_space<vmem>>, vector<16xf32>,
      tpu.vector_store %arg7[%swap3A_659, %swap3A_660], %gather3A_658 {strides = array<i32>} : memref<1000x16xf32, #tpu.memory_space<vmem>>, vector<16xf32>,
      %scan3A_662 = arith.constant 17 : i32
      %scan3A_663 = arith.addi %scan3A_547, %scan3A_662 : i32
      %broadcast_in_dim3A_664 = vector.broadcast %scan3A_663 : i32 to vector<16xi32>
      %gather3A_665 = tpu.vector_load_idx %arg5[%iota3A, %broadcast_in_dim3A_664] : memref<16x1000xf32, #tpu.memory_space<vmem>>[vector<16xi32>, vector<16xi32>], vector<16xf32>,
      %swap3A_666 = arith.index_cast %scan3A_663 : i32 to index
      %swap3A_667 = arith.constant 0 : index
      %swap3A_668 = tpu.vector_load %arg7[%swap3A_666, %swap3A_667] {strides = array<i32>} : memref<1000x16xf32, #tpu.memory_space<vmem>>, vector<16xf32>,
      tpu.vector_store %arg7[%swap3A_666, %swap3A_667], %gather3A_665 {strides = array<i32>} : memref<1000x16xf32, #tpu.memory_space<vmem>>, vector<16xf32>,
      %scan3A_669 = arith.constant 18 : i32
      %scan3A_670 = arith.addi %scan3A_547, %scan3A_669 : i32
      %broadcast_in_dim3A_671 = vector.broadcast %scan3A_670 : i32 to vector<16xi32>
      %gather3A_672 = tpu.vector_load_idx %arg5[%iota3A, %broadcast_in_dim3A_671] : memref<16x1000xf32, #tpu.memory_space<vmem>>[vector<16xi32>, vector<16xi32>], vector<16xf32>,
      %swap3A_673 = arith.index_cast %scan3A_670 : i32 to index
      %swap3A_674 = arith.constant 0 : index
      %swap3A_675 = tpu.vector_load %arg7[%swap3A_673, %swap3A_674] {strides = array<i32>} : memref<1000x16xf32, #tpu.memory_space<vmem>>, vector<16xf32>,
      tpu.vector_store %arg7[%swap3A_673, %swap3A_674], %gather3A_672 {strides = array<i32>} : memref<1000x16xf32, #tpu.memory_space<vmem>>, vector<16xf32>,
      %scan3A_676 = arith.constant 19 : i32
      %scan3A_677 = arith.addi %scan3A_547, %scan3A_676 : i32
      %broadcast_in_dim3A_678 = vector.broadcast %scan3A_677 : i32 to vector<16xi32>
      %gather3A_679 = tpu.vector_load_idx %arg5[%iota3A, %broadcast_in_dim3A_678] : memref<16x1000xf32, #tpu.memory_space<vmem>>[vector<16xi32>, vector<16xi32>], vector<16xf32>,
      %swap3A_680 = arith.index_cast %scan3A_677 : i32 to index
      %swap3A_681 = arith.constant 0 : index
      %swap3A_682 = tpu.vector_load %arg7[%swap3A_680, %swap3A_681] {strides = array<i32>} : memref<1000x16xf32, #tpu.memory_space<vmem>>, vector<16xf32>,
      tpu.vector_store %arg7[%swap3A_680, %swap3A_681], %gather3A_679 {strides = array<i32>} : memref<1000x16xf32, #tpu.memory_space<vmem>>, vector<16xf32>,
    }
    %scan3A_267 = arith.constant 1000 : i32
    %add3A_268 = arith.constant 96 : i32
    %add3A_269 = arith.addi %add3A, %add3A_268 : i32
    %min3A_270 = arith.constant 2599 : i32
    %min3A_271 = arith.minsi %add3A_269, %min3A_270 : i32
    %jit3A_272 = arith.constant 100 : i32
    %div3A_273 = arith.divsi %min3A_271, %jit3A_272 : i32
    %sign3A_274 = arith.constant 0 : i32
    %sign3A_275 = arith.cmpi sgt, %min3A_271, %sign3A_274 : i32
    %sign3A_276 = arith.extui %sign3A_275 : i1 to i32
    %sign3A_277 = arith.constant 0 : i32
    %sign3A_278 = arith.cmpi slt, %min3A_271, %sign3A_277 : i32
    %sign3A_279 = arith.extui %sign3A_278 : i1 to i32
    %sign3A_280 = arith.subi %sign3A_276, %sign3A_279 : i32
    %sign3A_281 = arith.constant 0 : i32
    %sign3A_282 = arith.cmpi sgt, %jit3A_272, %sign3A_281 : i32
    %sign3A_283 = arith.extui %sign3A_282 : i1 to i32
    %sign3A_284 = arith.constant 0 : i32
    %sign3A_285 = arith.cmpi slt, %jit3A_272, %sign3A_284 : i32
    %sign3A_286 = arith.extui %sign3A_285 : i1 to i32
    %sign3A_287 = arith.subi %sign3A_283, %sign3A_286 : i32
    %ne3A_288 = arith.cmpi ne, %sign3A_280, %sign3A_287 : i32
    %rem3A_289 = arith.remsi %min3A_271, %jit3A_272 : i32
    %ne3A_290 = arith.constant 0 : i32
    %ne3A_291 = arith.cmpi ne, %rem3A_289, %ne3A_290 : i32
    %and3A_292 = arith.andi %ne3A_288, %ne3A_291 : i1
    %sub3A_293 = arith.constant 1 : i32
    %sub3A_294 = arith.subi %div3A_273, %sub3A_293 : i32
    %select_n3A_295 = arith.select %and3A_292, %sub3A_294, %div3A_273 : i32
    %jit3A_296 = arith.constant 100 : i32
    %eq3A_297 = arith.constant 0 : i32
    %eq3A_298 = arith.cmpi eq, %jit3A_296, %eq3A_297 : i32
    %jit3A_299 = arith.constant 1 : i32
    %select_n3A_300 = arith.select %eq3A_298, %jit3A_299, %jit3A_296 : i32
    %rem3A_301 = arith.remsi %min3A_271, %select_n3A_300 : i32
    %ne3A_302 = arith.constant 0 : i32
    %ne3A_303 = arith.cmpi ne, %rem3A_301, %ne3A_302 : i32
    %lt3A_304 = arith.constant 0 : i32
    %lt3A_305 = arith.cmpi slt, %rem3A_301, %lt3A_304 : i32
    %lt3A_306 = arith.constant 0 : i32
    %lt3A_307 = arith.cmpi slt, %select_n3A_300, %lt3A_306 : i32
    %ne3A_308 = arith.xori %lt3A_305, %lt3A_307 : i1
    %and3A_309 = arith.andi %ne3A_308, %ne3A_303 : i1
    %add3A_310 = arith.addi %rem3A_301, %select_n3A_300 : i32
    %select_n3A_311 = arith.select %and3A_309, %add3A_310, %rem3A_301 : i32
    %mul3A_312 = arith.constant 1000 : i32
    %mul3A_313 = arith.muli %select_n3A_311, %mul3A_312 : i32
    %mul3A_314 = arith.constant 16 : i32
    %mul3A_315 = arith.muli %select_n3A_295, %mul3A_314 : i32
    %mul3A_316 = arith.constant 100000 : i32
    %mul3A_317 = arith.muli %select_n3A_295, %mul3A_316 : i32
    %add3A_318 = arith.addi %mul3A_317, %mul3A_313 : i32
    %dma_start3A_319 = tpu.memref_slice %arg2[%mul3A_315, %mul3A_313] : memref<416x100000xf32, #tpu.memory_space<hbm>> -> memref<16x1000xf32, #tpu.memory_space<hbm>>
    %dma_start3A_320 = tpu.memref_slice %arg2[%mul3A_315, %mul3A_313] : memref<416x100000xf32, #tpu.memory_space<hbm>> -> memref<16x1000xf32, #tpu.memory_space<hbm>>
    tpu.enqueue_dma source(%dma_start3A_320 : memref<16x1000xf32, #tpu.memory_space<hbm>>) target(%arg5 : memref<16x1000xf32, #tpu.memory_space<vmem>>) target_semaphore(%arg9 : memref<!tpu.dma_semaphore, #tpu.memory_space<semaphore_mem>>)
    %dma_start3A_321 = arith.constant 0 : i32
    %dma_start3A_322 = tpu.memref_slice %arg3[%add3A_259, %dma_start3A_321] : memref<2600000x16xf32, #tpu.memory_space<hbm>> -> memref<1000x16xf32, #tpu.memory_space<hbm>>
    %dma_start3A_323 = arith.constant 0 : i32
    %dma_start3A_324 = tpu.memref_slice %arg3[%add3A_259, %dma_start3A_323] : memref<2600000x16xf32, #tpu.memory_space<hbm>> -> memref<1000x16xf32, #tpu.memory_space<hbm>>
    tpu.enqueue_dma source(%arg7 : memref<1000x16xf32, #tpu.memory_space<vmem>>) target(%dma_start3A_324 : memref<1000x16xf32, #tpu.memory_space<hbm>>) target_semaphore(%arg11 : memref<!tpu.dma_semaphore, #tpu.memory_space<semaphore_mem>>)
    %scan3A_325 = arith.constant 0 : i32
    %scan3A_326 = arith.constant 1 : i32
    %scan3A_327 = arith.constant 40 : i32
    %scan3A_328 = arith.addi %scan3A_326, %scan3A_327 : i32
    %scan3A_329 = arith.constant 1 : i32
    scf.for %scan3A_547 = %scan3A_326 to %scan3A_328 step %scan3A_329  : i32 {
      %mul3A_548 = arith.constant 2 : i32
      %mul3A_549 = arith.muli %mul3A_548, %scan3A_547 : i32
      %mul3A_550 = arith.constant 32 : i32
      %mul3A_551 = arith.muli %mul3A_550, %mul3A_549 : i32
      %add3A_552 = arith.addi %add3A, %mul3A_551 : i32
      %min3A_553 = arith.constant 2599 : i32
      %min3A_554 = arith.minsi %add3A_552, %min3A_553 : i32
      %jit3A_555 = arith.constant 100 : i32
      %div3A_556 = arith.divsi %min3A_554, %jit3A_555 : i32
      %sign3A_557 = arith.constant 0 : i32
      %sign3A_558 = arith.cmpi sgt, %min3A_554, %sign3A_557 : i32
      %sign3A_559 = arith.extui %sign3A_558 : i1 to i32
      %sign3A_560 = arith.constant 0 : i32
      %sign3A_561 = arith.cmpi slt, %min3A_554, %sign3A_560 : i32
      %sign3A_562 = arith.extui %sign3A_561 : i1 to i32
      %sign3A_563 = arith.subi %sign3A_559, %sign3A_562 : i32
      %sign3A_564 = arith.constant 0 : i32
      %sign3A_565 = arith.cmpi sgt, %jit3A_555, %sign3A_564 : i32
      %sign3A_566 = arith.extui %sign3A_565 : i1 to i32
      %sign3A_567 = arith.constant 0 : i32
      %sign3A_568 = arith.cmpi slt, %jit3A_555, %sign3A_567 : i32
      %sign3A_569 = arith.extui %sign3A_568 : i1 to i32
      %sign3A_570 = arith.subi %sign3A_566, %sign3A_569 : i32
      %ne3A_571 = arith.cmpi ne, %sign3A_563, %sign3A_570 : i32
      %rem3A_572 = arith.remsi %min3A_554, %jit3A_555 : i32
      %ne3A_573 = arith.constant 0 : i32
      %ne3A_574 = arith.cmpi ne, %rem3A_572, %ne3A_573 : i32
      %and3A_575 = arith.andi %ne3A_571, %ne3A_574 : i1
      %sub3A_576 = arith.constant 1 : i32
      %sub3A_577 = arith.subi %div3A_556, %sub3A_576 : i32
      %select_n3A_578 = arith.select %and3A_575, %sub3A_577, %div3A_556 : i32
      %jit3A_579 = arith.constant 100 : i32
      %eq3A_580 = arith.constant 0 : i32
      %eq3A_581 = arith.cmpi eq, %jit3A_579, %eq3A_580 : i32
      %jit3A_582 = arith.constant 1 : i32
      %select_n3A_583 = arith.select %eq3A_581, %jit3A_582, %jit3A_579 : i32
      %rem3A_584 = arith.remsi %min3A_554, %select_n3A_583 : i32
      %ne3A_585 = arith.constant 0 : i32
      %ne3A_586 = arith.cmpi ne, %rem3A_584, %ne3A_585 : i32
      %lt3A_587 = arith.constant 0 : i32
      %lt3A_588 = arith.cmpi slt, %rem3A_584, %lt3A_587 : i32
      %lt3A_589 = arith.constant 0 : i32
      %lt3A_590 = arith.cmpi slt, %select_n3A_583, %lt3A_589 : i32
      %ne3A_591 = arith.xori %lt3A_588, %lt3A_590 : i1
      %and3A_592 = arith.andi %ne3A_591, %ne3A_586 : i1
      %add3A_593 = arith.addi %rem3A_584, %select_n3A_583 : i32
      %select_n3A_594 = arith.select %and3A_592, %add3A_593, %rem3A_584 : i32
      %mul3A_595 = arith.constant 1000 : i32
      %mul3A_596 = arith.muli %select_n3A_594, %mul3A_595 : i32
      %mul3A_597 = arith.constant 16 : i32
      %mul3A_598 = arith.muli %select_n3A_578, %mul3A_597 : i32
      %mul3A_599 = arith.constant 100000 : i32
      %mul3A_600 = arith.muli %select_n3A_578, %mul3A_599 : i32
      %add3A_601 = arith.addi %mul3A_600, %mul3A_596 : i32
      %dma_wait3A_602 = tpu.memref_slice %arg2[%mul3A_598, %mul3A_596] : memref<416x100000xf32, #tpu.memory_space<hbm>> -> memref<16x1000xf32, #tpu.memory_space<hbm>>
      %dma_wait3A_603 = tpu.memref_slice %arg2[%mul3A_598, %mul3A_596] : memref<416x100000xf32, #tpu.memory_space<hbm>> -> memref<16x1000xf32, #tpu.memory_space<hbm>>
      tpu.wait_dma2 semaphore(%arg8 : memref<!tpu.dma_semaphore, #tpu.memory_space<semaphore_mem>>) src(%dma_wait3A_603 : memref<16x1000xf32, #tpu.memory_space<hbm>>) dst(%arg4 : memref<16x1000xf32, #tpu.memory_space<vmem>>)
      %sub3A_604 = arith.constant 2 : i32
      %sub3A_605 = arith.subi %mul3A_549, %sub3A_604 : i32
      %mul3A_606 = arith.constant 32 : i32
      %mul3A_607 = arith.muli %mul3A_606, %sub3A_605 : i32
      %add3A_608 = arith.addi %add3A, %mul3A_607 : i32
      %min3A_609 = arith.constant 2599 : i32
      %min3A_610 = arith.minsi %add3A_608, %min3A_609 : i32
      %jit3A_611 = arith.constant 100 : i32
      %div3A_612 = arith.divsi %min3A_610, %jit3A_611 : i32
      %sign3A_613 = arith.constant 0 : i32
      %sign3A_614 = arith.cmpi sgt, %min3A_610, %sign3A_613 : i32
      %sign3A_615 = arith.extui %sign3A_614 : i1 to i32
      %sign3A_616 = arith.constant 0 : i32
      %sign3A_617 = arith.cmpi slt, %min3A_610, %sign3A_616 : i32
      %sign3A_618 = arith.extui %sign3A_617 : i1 to i32
      %sign3A_619 = arith.subi %sign3A_615, %sign3A_618 : i32
      %sign3A_620 = arith.constant 0 : i32
      %sign3A_621 = arith.cmpi sgt, %jit3A_611, %sign3A_620 : i32
      %sign3A_622 = arith.extui %sign3A_621 : i1 to i32
      %sign3A_623 = arith.constant 0 : i32
      %sign3A_624 = arith.cmpi slt, %jit3A_611, %sign3A_623 : i32
      %sign3A_625 = arith.extui %sign3A_624 : i1 to i32
      %sign3A_626 = arith.subi %sign3A_622, %sign3A_625 : i32
      %ne3A_627 = arith.cmpi ne, %sign3A_619, %sign3A_626 : i32
      %rem3A_628 = arith.remsi %min3A_610, %jit3A_611 : i32
      %ne3A_629 = arith.constant 0 : i32
      %ne3A_630 = arith.cmpi ne, %rem3A_628, %ne3A_629 : i32
      %and3A_631 = arith.andi %ne3A_627, %ne3A_630 : i1
      %sub3A_632 = arith.constant 1 : i32
      %sub3A_633 = arith.subi %div3A_612, %sub3A_632 : i32
      %select_n3A_634 = arith.select %and3A_631, %sub3A_633, %div3A_612 : i32
      %jit3A_635 = arith.constant 100 : i32
      %eq3A_636 = arith.constant 0 : i32
      %eq3A_637 = arith.cmpi eq, %jit3A_635, %eq3A_636 : i32
      %jit3A_638 = arith.constant 1 : i32
      %select_n3A_639 = arith.select %eq3A_637, %jit3A_638, %jit3A_635 : i32
      %rem3A_640 = arith.remsi %min3A_610, %select_n3A_639 : i32
      %ne3A_641 = arith.constant 0 : i32
      %ne3A_642 = arith.cmpi ne, %rem3A_640, %ne3A_641 : i32
      %lt3A_643 = arith.constant 0 : i32
      %lt3A_644 = arith.cmpi slt, %rem3A_640, %lt3A_643 : i32
      %lt3A_645 = arith.constant 0 : i32
      %lt3A_646 = arith.cmpi slt, %select_n3A_639, %lt3A_645 : i32
      %ne3A_647 = arith.xori %lt3A_644, %lt3A_646 : i1
      %and3A_648 = arith.andi %ne3A_647, %ne3A_642 : i1
      %add3A_649 = arith.addi %rem3A_640, %select_n3A_639 : i32
      %select_n3A_650 = arith.select %and3A_648, %add3A_649, %rem3A_640 : i32
      %mul3A_651 = arith.constant 1000 : i32
      %mul3A_652 = arith.muli %select_n3A_650, %mul3A_651 : i32
      %mul3A_653 = arith.constant 16 : i32
      %mul3A_654 = arith.muli %select_n3A_634, %mul3A_653 : i32
      %mul3A_655 = arith.constant 100000 : i32
      %mul3A_656 = arith.muli %select_n3A_634, %mul3A_655 : i32
      %add3A_657 = arith.addi %mul3A_656, %mul3A_652 : i32
      %dma_wait3A_658 = arith.constant 0 : i32
      %dma_wait3A_659 = tpu.memref_slice %arg3[%add3A_657, %dma_wait3A_658] : memref<2600000x16xf32, #tpu.memory_space<hbm>> -> memref<1000x16xf32, #tpu.memory_space<hbm>>
      %dma_wait3A_660 = arith.constant 0 : i32
      %dma_wait3A_661 = tpu.memref_slice %arg3[%add3A_657, %dma_wait3A_660] : memref<2600000x16xf32, #tpu.memory_space<hbm>> -> memref<1000x16xf32, #tpu.memory_space<hbm>>
      tpu.wait_dma2 semaphore(%arg10 : memref<!tpu.dma_semaphore, #tpu.memory_space<semaphore_mem>>) src(%arg6 : memref<1000x16xf32, #tpu.memory_space<vmem>>) dst(%dma_wait3A_661 : memref<1000x16xf32, #tpu.memory_space<hbm>>)
      %scan3A_662 = arith.constant 0 : i32
      %scan3A_663 = arith.constant 0 : i32
      %scan3A_664 = arith.constant 1000 : i32
      %scan3A_665 = arith.addi %scan3A_663, %scan3A_664 : i32
      %scan3A_666 = arith.constant 20 : i32
      scf.for %scan3A_910 = %scan3A_663 to %scan3A_665 step %scan3A_666  : i32 {
        %broadcast_in_dim3A = vector.broadcast %scan3A_910 : i32 to vector<16xi32>
        %gather3A = tpu.vector_load_idx %arg4[%iota3A, %broadcast_in_dim3A] : memref<16x1000xf32, #tpu.memory_space<vmem>>[vector<16xi32>, vector<16xi32>], vector<16xf32>,
        %swap3A = arith.index_cast %scan3A_910 : i32 to index
        %swap3A_911 = arith.constant 0 : index
        %swap3A_912 = tpu.vector_load %arg6[%swap3A, %swap3A_911] {strides = array<i32>} : memref<1000x16xf32, #tpu.memory_space<vmem>>, vector<16xf32>,
        tpu.vector_store %arg6[%swap3A, %swap3A_911], %gather3A {strides = array<i32>} : memref<1000x16xf32, #tpu.memory_space<vmem>>, vector<16xf32>,
        %scan3A_913 = arith.constant 1 : i32
        %scan3A_914 = arith.addi %scan3A_910, %scan3A_913 : i32
        %broadcast_in_dim3A_915 = vector.broadcast %scan3A_914 : i32 to vector<16xi32>
        %gather3A_916 = tpu.vector_load_idx %arg4[%iota3A, %broadcast_in_dim3A_915] : memref<16x1000xf32, #tpu.memory_space<vmem>>[vector<16xi32>, vector<16xi32>], vector<16xf32>,
        %swap3A_917 = arith.index_cast %scan3A_914 : i32 to index
        %swap3A_918 = arith.constant 0 : index
        %swap3A_919 = tpu.vector_load %arg6[%swap3A_917, %swap3A_918] {strides = array<i32>} : memref<1000x16xf32, #tpu.memory_space<vmem>>, vector<16xf32>,
        tpu.vector_store %arg6[%swap3A_917, %swap3A_918], %gather3A_916 {strides = array<i32>} : memref<1000x16xf32, #tpu.memory_space<vmem>>, vector<16xf32>,
        %scan3A_920 = arith.constant 2 : i32
        %scan3A_921 = arith.addi %scan3A_910, %scan3A_920 : i32
        %broadcast_in_dim3A_922 = vector.broadcast %scan3A_921 : i32 to vector<16xi32>
        %gather3A_923 = tpu.vector_load_idx %arg4[%iota3A, %broadcast_in_dim3A_922] : memref<16x1000xf32, #tpu.memory_space<vmem>>[vector<16xi32>, vector<16xi32>], vector<16xf32>,
        %swap3A_924 = arith.index_cast %scan3A_921 : i32 to index
        %swap3A_925 = arith.constant 0 : index
        %swap3A_926 = tpu.vector_load %arg6[%swap3A_924, %swap3A_925] {strides = array<i32>} : memref<1000x16xf32, #tpu.memory_space<vmem>>, vector<16xf32>,
        tpu.vector_store %arg6[%swap3A_924, %swap3A_925], %gather3A_923 {strides = array<i32>} : memref<1000x16xf32, #tpu.memory_space<vmem>>, vector<16xf32>,
        %scan3A_927 = arith.constant 3 : i32
        %scan3A_928 = arith.addi %scan3A_910, %scan3A_927 : i32
        %broadcast_in_dim3A_929 = vector.broadcast %scan3A_928 : i32 to vector<16xi32>
        %gather3A_930 = tpu.vector_load_idx %arg4[%iota3A, %broadcast_in_dim3A_929] : memref<16x1000xf32, #tpu.memory_space<vmem>>[vector<16xi32>, vector<16xi32>], vector<16xf32>,
        %swap3A_931 = arith.index_cast %scan3A_928 : i32 to index
        %swap3A_932 = arith.constant 0 : index
        %swap3A_933 = tpu.vector_load %arg6[%swap3A_931, %swap3A_932] {strides = array<i32>} : memref<1000x16xf32, #tpu.memory_space<vmem>>, vector<16xf32>,
        tpu.vector_store %arg6[%swap3A_931, %swap3A_932], %gather3A_930 {strides = array<i32>} : memref<1000x16xf32, #tpu.memory_space<vmem>>, vector<16xf32>,
        %scan3A_934 = arith.constant 4 : i32
        %scan3A_935 = arith.addi %scan3A_910, %scan3A_934 : i32
        %broadcast_in_dim3A_936 = vector.broadcast %scan3A_935 : i32 to vector<16xi32>
        %gather3A_937 = tpu.vector_load_idx %arg4[%iota3A, %broadcast_in_dim3A_936] : memref<16x1000xf32, #tpu.memory_space<vmem>>[vector<16xi32>, vector<16xi32>], vector<16xf32>,
        %swap3A_938 = arith.index_cast %scan3A_935 : i32 to index
        %swap3A_939 = arith.constant 0 : index
        %swap3A_940 = tpu.vector_load %arg6[%swap3A_938, %swap3A_939] {strides = array<i32>} : memref<1000x16xf32, #tpu.memory_space<vmem>>, vector<16xf32>,
        tpu.vector_store %arg6[%swap3A_938, %swap3A_939], %gather3A_937 {strides = array<i32>} : memref<1000x16xf32, #tpu.memory_space<vmem>>, vector<16xf32>,
        %scan3A_941 = arith.constant 5 : i32
        %scan3A_942 = arith.addi %scan3A_910, %scan3A_941 : i32
        %broadcast_in_dim3A_943 = vector.broadcast %scan3A_942 : i32 to vector<16xi32>
        %gather3A_944 = tpu.vector_load_idx %arg4[%iota3A, %broadcast_in_dim3A_943] : memref<16x1000xf32, #tpu.memory_space<vmem>>[vector<16xi32>, vector<16xi32>], vector<16xf32>,
        %swap3A_945 = arith.index_cast %scan3A_942 : i32 to index
        %swap3A_946 = arith.constant 0 : index
        %swap3A_947 = tpu.vector_load %arg6[%swap3A_945, %swap3A_946] {strides = array<i32>} : memref<1000x16xf32, #tpu.memory_space<vmem>>, vector<16xf32>,
        tpu.vector_store %arg6[%swap3A_945, %swap3A_946], %gather3A_944 {strides = array<i32>} : memref<1000x16xf32, #tpu.memory_space<vmem>>, vector<16xf32>,
        %scan3A_948 = arith.constant 6 : i32
        %scan3A_949 = arith.addi %scan3A_910, %scan3A_948 : i32
        %broadcast_in_dim3A_950 = vector.broadcast %scan3A_949 : i32 to vector<16xi32>
        %gather3A_951 = tpu.vector_load_idx %arg4[%iota3A, %broadcast_in_dim3A_950] : memref<16x1000xf32, #tpu.memory_space<vmem>>[vector<16xi32>, vector<16xi32>], vector<16xf32>,
        %swap3A_952 = arith.index_cast %scan3A_949 : i32 to index
        %swap3A_953 = arith.constant 0 : index
        %swap3A_954 = tpu.vector_load %arg6[%swap3A_952, %swap3A_953] {strides = array<i32>} : memref<1000x16xf32, #tpu.memory_space<vmem>>, vector<16xf32>,
        tpu.vector_store %arg6[%swap3A_952, %swap3A_953], %gather3A_951 {strides = array<i32>} : memref<1000x16xf32, #tpu.memory_space<vmem>>, vector<16xf32>,
        %scan3A_955 = arith.constant 7 : i32
        %scan3A_956 = arith.addi %scan3A_910, %scan3A_955 : i32
        %broadcast_in_dim3A_957 = vector.broadcast %scan3A_956 : i32 to vector<16xi32>
        %gather3A_958 = tpu.vector_load_idx %arg4[%iota3A, %broadcast_in_dim3A_957] : memref<16x1000xf32, #tpu.memory_space<vmem>>[vector<16xi32>, vector<16xi32>], vector<16xf32>,
        %swap3A_959 = arith.index_cast %scan3A_956 : i32 to index
        %swap3A_960 = arith.constant 0 : index
        %swap3A_961 = tpu.vector_load %arg6[%swap3A_959, %swap3A_960] {strides = array<i32>} : memref<1000x16xf32, #tpu.memory_space<vmem>>, vector<16xf32>,
        tpu.vector_store %arg6[%swap3A_959, %swap3A_960], %gather3A_958 {strides = array<i32>} : memref<1000x16xf32, #tpu.memory_space<vmem>>, vector<16xf32>,
        %scan3A_962 = arith.constant 8 : i32
        %scan3A_963 = arith.addi %scan3A_910, %scan3A_962 : i32
        %broadcast_in_dim3A_964 = vector.broadcast %scan3A_963 : i32 to vector<16xi32>
        %gather3A_965 = tpu.vector_load_idx %arg4[%iota3A, %broadcast_in_dim3A_964] : memref<16x1000xf32, #tpu.memory_space<vmem>>[vector<16xi32>, vector<16xi32>], vector<16xf32>,
        %swap3A_966 = arith.index_cast %scan3A_963 : i32 to index
        %swap3A_967 = arith.constant 0 : index
        %swap3A_968 = tpu.vector_load %arg6[%swap3A_966, %swap3A_967] {strides = array<i32>} : memref<1000x16xf32, #tpu.memory_space<vmem>>, vector<16xf32>,
        tpu.vector_store %arg6[%swap3A_966, %swap3A_967], %gather3A_965 {strides = array<i32>} : memref<1000x16xf32, #tpu.memory_space<vmem>>, vector<16xf32>,
        %scan3A_969 = arith.constant 9 : i32
        %scan3A_970 = arith.addi %scan3A_910, %scan3A_969 : i32
        %broadcast_in_dim3A_971 = vector.broadcast %scan3A_970 : i32 to vector<16xi32>
        %gather3A_972 = tpu.vector_load_idx %arg4[%iota3A, %broadcast_in_dim3A_971] : memref<16x1000xf32, #tpu.memory_space<vmem>>[vector<16xi32>, vector<16xi32>], vector<16xf32>,
        %swap3A_973 = arith.index_cast %scan3A_970 : i32 to index
        %swap3A_974 = arith.constant 0 : index
        %swap3A_975 = tpu.vector_load %arg6[%swap3A_973, %swap3A_974] {strides = array<i32>} : memref<1000x16xf32, #tpu.memory_space<vmem>>, vector<16xf32>,
        tpu.vector_store %arg6[%swap3A_973, %swap3A_974], %gather3A_972 {strides = array<i32>} : memref<1000x16xf32, #tpu.memory_space<vmem>>, vector<16xf32>,
        %scan3A_976 = arith.constant 10 : i32
        %scan3A_977 = arith.addi %scan3A_910, %scan3A_976 : i32
        %broadcast_in_dim3A_978 = vector.broadcast %scan3A_977 : i32 to vector<16xi32>
        %gather3A_979 = tpu.vector_load_idx %arg4[%iota3A, %broadcast_in_dim3A_978] : memref<16x1000xf32, #tpu.memory_space<vmem>>[vector<16xi32>, vector<16xi32>], vector<16xf32>,
        %swap3A_980 = arith.index_cast %scan3A_977 : i32 to index
        %swap3A_981 = arith.constant 0 : index
        %swap3A_982 = tpu.vector_load %arg6[%swap3A_980, %swap3A_981] {strides = array<i32>} : memref<1000x16xf32, #tpu.memory_space<vmem>>, vector<16xf32>,
        tpu.vector_store %arg6[%swap3A_980, %swap3A_981], %gather3A_979 {strides = array<i32>} : memref<1000x16xf32, #tpu.memory_space<vmem>>, vector<16xf32>,
        %scan3A_983 = arith.constant 11 : i32
        %scan3A_984 = arith.addi %scan3A_910, %scan3A_983 : i32
        %broadcast_in_dim3A_985 = vector.broadcast %scan3A_984 : i32 to vector<16xi32>
        %gather3A_986 = tpu.vector_load_idx %arg4[%iota3A, %broadcast_in_dim3A_985] : memref<16x1000xf32, #tpu.memory_space<vmem>>[vector<16xi32>, vector<16xi32>], vector<16xf32>,
        %swap3A_987 = arith.index_cast %scan3A_984 : i32 to index
        %swap3A_988 = arith.constant 0 : index
        %swap3A_989 = tpu.vector_load %arg6[%swap3A_987, %swap3A_988] {strides = array<i32>} : memref<1000x16xf32, #tpu.memory_space<vmem>>, vector<16xf32>,
        tpu.vector_store %arg6[%swap3A_987, %swap3A_988], %gather3A_986 {strides = array<i32>} : memref<1000x16xf32, #tpu.memory_space<vmem>>, vector<16xf32>,
        %scan3A_990 = arith.constant 12 : i32
        %scan3A_991 = arith.addi %scan3A_910, %scan3A_990 : i32
        %broadcast_in_dim3A_992 = vector.broadcast %scan3A_991 : i32 to vector<16xi32>
        %gather3A_993 = tpu.vector_load_idx %arg4[%iota3A, %broadcast_in_dim3A_992] : memref<16x1000xf32, #tpu.memory_space<vmem>>[vector<16xi32>, vector<16xi32>], vector<16xf32>,
        %swap3A_994 = arith.index_cast %scan3A_991 : i32 to index
        %swap3A_995 = arith.constant 0 : index
        %swap3A_996 = tpu.vector_load %arg6[%swap3A_994, %swap3A_995] {strides = array<i32>} : memref<1000x16xf32, #tpu.memory_space<vmem>>, vector<16xf32>,
        tpu.vector_store %arg6[%swap3A_994, %swap3A_995], %gather3A_993 {strides = array<i32>} : memref<1000x16xf32, #tpu.memory_space<vmem>>, vector<16xf32>,
        %scan3A_997 = arith.constant 13 : i32
        %scan3A_998 = arith.addi %scan3A_910, %scan3A_997 : i32
        %broadcast_in_dim3A_999 = vector.broadcast %scan3A_998 : i32 to vector<16xi32>
        %gather3A_1000 = tpu.vector_load_idx %arg4[%iota3A, %broadcast_in_dim3A_999] : memref<16x1000xf32, #tpu.memory_space<vmem>>[vector<16xi32>, vector<16xi32>], vector<16xf32>,
        %swap3A_1001 = arith.index_cast %scan3A_998 : i32 to index
        %swap3A_1002 = arith.constant 0 : index
        %swap3A_1003 = tpu.vector_load %arg6[%swap3A_1001, %swap3A_1002] {strides = array<i32>} : memref<1000x16xf32, #tpu.memory_space<vmem>>, vector<16xf32>,
        tpu.vector_store %arg6[%swap3A_1001, %swap3A_1002], %gather3A_1000 {strides = array<i32>} : memref<1000x16xf32, #tpu.memory_space<vmem>>, vector<16xf32>,
        %scan3A_1004 = arith.constant 14 : i32
        %scan3A_1005 = arith.addi %scan3A_910, %scan3A_1004 : i32
        %broadcast_in_dim3A_1006 = vector.broadcast %scan3A_1005 : i32 to vector<16xi32>
        %gather3A_1007 = tpu.vector_load_idx %arg4[%iota3A, %broadcast_in_dim3A_1006] : memref<16x1000xf32, #tpu.memory_space<vmem>>[vector<16xi32>, vector<16xi32>], vector<16xf32>,
        %swap3A_1008 = arith.index_cast %scan3A_1005 : i32 to index
        %swap3A_1009 = arith.constant 0 : index
        %swap3A_1010 = tpu.vector_load %arg6[%swap3A_1008, %swap3A_1009] {strides = array<i32>} : memref<1000x16xf32, #tpu.memory_space<vmem>>, vector<16xf32>,
        tpu.vector_store %arg6[%swap3A_1008, %swap3A_1009], %gather3A_1007 {strides = array<i32>} : memref<1000x16xf32, #tpu.memory_space<vmem>>, vector<16xf32>,
        %scan3A_1011 = arith.constant 15 : i32
        %scan3A_1012 = arith.addi %scan3A_910, %scan3A_1011 : i32
        %broadcast_in_dim3A_1013 = vector.broadcast %scan3A_1012 : i32 to vector<16xi32>
        %gather3A_1014 = tpu.vector_load_idx %arg4[%iota3A, %broadcast_in_dim3A_1013] : memref<16x1000xf32, #tpu.memory_space<vmem>>[vector<16xi32>, vector<16xi32>], vector<16xf32>,
        %swap3A_1015 = arith.index_cast %scan3A_1012 : i32 to index
        %swap3A_1016 = arith.constant 0 : index
        %swap3A_1017 = tpu.vector_load %arg6[%swap3A_1015, %swap3A_1016] {strides = array<i32>} : memref<1000x16xf32, #tpu.memory_space<vmem>>, vector<16xf32>,
        tpu.vector_store %arg6[%swap3A_1015, %swap3A_1016], %gather3A_1014 {strides = array<i32>} : memref<1000x16xf32, #tpu.memory_space<vmem>>, vector<16xf32>,
        %scan3A_1018 = arith.constant 16 : i32
        %scan3A_1019 = arith.addi %scan3A_910, %scan3A_1018 : i32
        %broadcast_in_dim3A_1020 = vector.broadcast %scan3A_1019 : i32 to vector<16xi32>
        %gather3A_1021 = tpu.vector_load_idx %arg4[%iota3A, %broadcast_in_dim3A_1020] : memref<16x1000xf32, #tpu.memory_space<vmem>>[vector<16xi32>, vector<16xi32>], vector<16xf32>,
        %swap3A_1022 = arith.index_cast %scan3A_1019 : i32 to index
        %swap3A_1023 = arith.constant 0 : index
        %swap3A_1024 = tpu.vector_load %arg6[%swap3A_1022, %swap3A_1023] {strides = array<i32>} : memref<1000x16xf32, #tpu.memory_space<vmem>>, vector<16xf32>,
        tpu.vector_store %arg6[%swap3A_1022, %swap3A_1023], %gather3A_1021 {strides = array<i32>} : memref<1000x16xf32, #tpu.memory_space<vmem>>, vector<16xf32>,
        %scan3A_1025 = arith.constant 17 : i32
        %scan3A_1026 = arith.addi %scan3A_910, %scan3A_1025 : i32
        %broadcast_in_dim3A_1027 = vector.broadcast %scan3A_1026 : i32 to vector<16xi32>
        %gather3A_1028 = tpu.vector_load_idx %arg4[%iota3A, %broadcast_in_dim3A_1027] : memref<16x1000xf32, #tpu.memory_space<vmem>>[vector<16xi32>, vector<16xi32>], vector<16xf32>,
        %swap3A_1029 = arith.index_cast %scan3A_1026 : i32 to index
        %swap3A_1030 = arith.constant 0 : index
        %swap3A_1031 = tpu.vector_load %arg6[%swap3A_1029, %swap3A_1030] {strides = array<i32>} : memref<1000x16xf32, #tpu.memory_space<vmem>>, vector<16xf32>,
        tpu.vector_store %arg6[%swap3A_1029, %swap3A_1030], %gather3A_1028 {strides = array<i32>} : memref<1000x16xf32, #tpu.memory_space<vmem>>, vector<16xf32>,
        %scan3A_1032 = arith.constant 18 : i32
        %scan3A_1033 = arith.addi %scan3A_910, %scan3A_1032 : i32
        %broadcast_in_dim3A_1034 = vector.broadcast %scan3A_1033 : i32 to vector<16xi32>
        %gather3A_1035 = tpu.vector_load_idx %arg4[%iota3A, %broadcast_in_dim3A_1034] : memref<16x1000xf32, #tpu.memory_space<vmem>>[vector<16xi32>, vector<16xi32>], vector<16xf32>,
        %swap3A_1036 = arith.index_cast %scan3A_1033 : i32 to index
        %swap3A_1037 = arith.constant 0 : index
        %swap3A_1038 = tpu.vector_load %arg6[%swap3A_1036, %swap3A_1037] {strides = array<i32>} : memref<1000x16xf32, #tpu.memory_space<vmem>>, vector<16xf32>,
        tpu.vector_store %arg6[%swap3A_1036, %swap3A_1037], %gather3A_1035 {strides = array<i32>} : memref<1000x16xf32, #tpu.memory_space<vmem>>, vector<16xf32>,
        %scan3A_1039 = arith.constant 19 : i32
        %scan3A_1040 = arith.addi %scan3A_910, %scan3A_1039 : i32
        %broadcast_in_dim3A_1041 = vector.broadcast %scan3A_1040 : i32 to vector<16xi32>
        %gather3A_1042 = tpu.vector_load_idx %arg4[%iota3A, %broadcast_in_dim3A_1041] : memref<16x1000xf32, #tpu.memory_space<vmem>>[vector<16xi32>, vector<16xi32>], vector<16xf32>,
        %swap3A_1043 = arith.index_cast %scan3A_1040 : i32 to index
        %swap3A_1044 = arith.constant 0 : index
        %swap3A_1045 = tpu.vector_load %arg6[%swap3A_1043, %swap3A_1044] {strides = array<i32>} : memref<1000x16xf32, #tpu.memory_space<vmem>>, vector<16xf32>,
        tpu.vector_store %arg6[%swap3A_1043, %swap3A_1044], %gather3A_1042 {strides = array<i32>} : memref<1000x16xf32, #tpu.memory_space<vmem>>, vector<16xf32>,
      }
      %scan3A_667 = arith.constant 1000 : i32
      %add3A_668 = arith.constant 2 : i32
      %add3A_669 = arith.addi %mul3A_549, %add3A_668 : i32
      %mul3A_670 = arith.constant 32 : i32
      %mul3A_671 = arith.muli %mul3A_670, %add3A_669 : i32
      %add3A_672 = arith.addi %add3A, %mul3A_671 : i32
      %min3A_673 = arith.constant 2599 : i32
      %min3A_674 = arith.minsi %add3A_672, %min3A_673 : i32
      %jit3A_675 = arith.constant 100 : i32
      %div3A_676 = arith.divsi %min3A_674, %jit3A_675 : i32
      %sign3A_677 = arith.constant 0 : i32
      %sign3A_678 = arith.cmpi sgt, %min3A_674, %sign3A_677 : i32
      %sign3A_679 = arith.extui %sign3A_678 : i1 to i32
      %sign3A_680 = arith.constant 0 : i32
      %sign3A_681 = arith.cmpi slt, %min3A_674, %sign3A_680 : i32
      %sign3A_682 = arith.extui %sign3A_681 : i1 to i32
      %sign3A_683 = arith.subi %sign3A_679, %sign3A_682 : i32
      %sign3A_684 = arith.constant 0 : i32
      %sign3A_685 = arith.cmpi sgt, %jit3A_675, %sign3A_684 : i32
      %sign3A_686 = arith.extui %sign3A_685 : i1 to i32
      %sign3A_687 = arith.constant 0 : i32
      %sign3A_688 = arith.cmpi slt, %jit3A_675, %sign3A_687 : i32
      %sign3A_689 = arith.extui %sign3A_688 : i1 to i32
      %sign3A_690 = arith.subi %sign3A_686, %sign3A_689 : i32
      %ne3A_691 = arith.cmpi ne, %sign3A_683, %sign3A_690 : i32
      %rem3A_692 = arith.remsi %min3A_674, %jit3A_675 : i32
      %ne3A_693 = arith.constant 0 : i32
      %ne3A_694 = arith.cmpi ne, %rem3A_692, %ne3A_693 : i32
      %and3A_695 = arith.andi %ne3A_691, %ne3A_694 : i1
      %sub3A_696 = arith.constant 1 : i32
      %sub3A_697 = arith.subi %div3A_676, %sub3A_696 : i32
      %select_n3A_698 = arith.select %and3A_695, %sub3A_697, %div3A_676 : i32
      %jit3A_699 = arith.constant 100 : i32
      %eq3A_700 = arith.constant 0 : i32
      %eq3A_701 = arith.cmpi eq, %jit3A_699, %eq3A_700 : i32
      %jit3A_702 = arith.constant 1 : i32
      %select_n3A_703 = arith.select %eq3A_701, %jit3A_702, %jit3A_699 : i32
      %rem3A_704 = arith.remsi %min3A_674, %select_n3A_703 : i32
      %ne3A_705 = arith.constant 0 : i32
      %ne3A_706 = arith.cmpi ne, %rem3A_704, %ne3A_705 : i32
      %lt3A_707 = arith.constant 0 : i32
      %lt3A_708 = arith.cmpi slt, %rem3A_704, %lt3A_707 : i32
      %lt3A_709 = arith.constant 0 : i32
      %lt3A_710 = arith.cmpi slt, %select_n3A_703, %lt3A_709 : i32
      %ne3A_711 = arith.xori %lt3A_708, %lt3A_710 : i1
      %and3A_712 = arith.andi %ne3A_711, %ne3A_706 : i1
      %add3A_713 = arith.addi %rem3A_704, %select_n3A_703 : i32
      %select_n3A_714 = arith.select %and3A_712, %add3A_713, %rem3A_704 : i32
      %mul3A_715 = arith.constant 1000 : i32
      %mul3A_716 = arith.muli %select_n3A_714, %mul3A_715 : i32
      %mul3A_717 = arith.constant 16 : i32
      %mul3A_718 = arith.muli %select_n3A_698, %mul3A_717 : i32
      %mul3A_719 = arith.constant 100000 : i32
      %mul3A_720 = arith.muli %select_n3A_698, %mul3A_719 : i32
      %add3A_721 = arith.addi %mul3A_720, %mul3A_716 : i32
      %dma_start3A_722 = tpu.memref_slice %arg2[%mul3A_718, %mul3A_716] : memref<416x100000xf32, #tpu.memory_space<hbm>> -> memref<16x1000xf32, #tpu.memory_space<hbm>>
      %dma_start3A_723 = tpu.memref_slice %arg2[%mul3A_718, %mul3A_716] : memref<416x100000xf32, #tpu.memory_space<hbm>> -> memref<16x1000xf32, #tpu.memory_space<hbm>>
      tpu.enqueue_dma source(%dma_start3A_723 : memref<16x1000xf32, #tpu.memory_space<hbm>>) target(%arg4 : memref<16x1000xf32, #tpu.memory_space<vmem>>) target_semaphore(%arg8 : memref<!tpu.dma_semaphore, #tpu.memory_space<semaphore_mem>>)
      %dma_start3A_724 = arith.constant 0 : i32
      %dma_start3A_725 = tpu.memref_slice %arg3[%add3A_601, %dma_start3A_724] : memref<2600000x16xf32, #tpu.memory_space<hbm>> -> memref<1000x16xf32, #tpu.memory_space<hbm>>
      %dma_start3A_726 = arith.constant 0 : i32
      %dma_start3A_727 = tpu.memref_slice %arg3[%add3A_601, %dma_start3A_726] : memref<2600000x16xf32, #tpu.memory_space<hbm>> -> memref<1000x16xf32, #tpu.memory_space<hbm>>
      tpu.enqueue_dma source(%arg6 : memref<1000x16xf32, #tpu.memory_space<vmem>>) target(%dma_start3A_727 : memref<1000x16xf32, #tpu.memory_space<hbm>>) target_semaphore(%arg10 : memref<!tpu.dma_semaphore, #tpu.memory_space<semaphore_mem>>)
      %mul3A_728 = arith.constant 2 : i32
      %mul3A_729 = arith.muli %mul3A_728, %scan3A_547 : i32
      %add3A_730 = arith.constant 1 : i32
      %add3A_731 = arith.addi %mul3A_729, %add3A_730 : i32
      %mul3A_732 = arith.constant 32 : i32
      %mul3A_733 = arith.muli %mul3A_732, %add3A_731 : i32
      %add3A_734 = arith.addi %add3A, %mul3A_733 : i32
      %min3A_735 = arith.constant 2599 : i32
      %min3A_736 = arith.minsi %add3A_734, %min3A_735 : i32
      %jit3A_737 = arith.constant 100 : i32
      %div3A_738 = arith.divsi %min3A_736, %jit3A_737 : i32
      %sign3A_739 = arith.constant 0 : i32
      %sign3A_740 = arith.cmpi sgt, %min3A_736, %sign3A_739 : i32
      %sign3A_741 = arith.extui %sign3A_740 : i1 to i32
      %sign3A_742 = arith.constant 0 : i32
      %sign3A_743 = arith.cmpi slt, %min3A_736, %sign3A_742 : i32
      %sign3A_744 = arith.extui %sign3A_743 : i1 to i32
      %sign3A_745 = arith.subi %sign3A_741, %sign3A_744 : i32
      %sign3A_746 = arith.constant 0 : i32
      %sign3A_747 = arith.cmpi sgt, %jit3A_737, %sign3A_746 : i32
      %sign3A_748 = arith.extui %sign3A_747 : i1 to i32
      %sign3A_749 = arith.constant 0 : i32
      %sign3A_750 = arith.cmpi slt, %jit3A_737, %sign3A_749 : i32
      %sign3A_751 = arith.extui %sign3A_750 : i1 to i32
      %sign3A_752 = arith.subi %sign3A_748, %sign3A_751 : i32
      %ne3A_753 = arith.cmpi ne, %sign3A_745, %sign3A_752 : i32
      %rem3A_754 = arith.remsi %min3A_736, %jit3A_737 : i32
      %ne3A_755 = arith.constant 0 : i32
      %ne3A_756 = arith.cmpi ne, %rem3A_754, %ne3A_755 : i32
      %and3A_757 = arith.andi %ne3A_753, %ne3A_756 : i1
      %sub3A_758 = arith.constant 1 : i32
      %sub3A_759 = arith.subi %div3A_738, %sub3A_758 : i32
      %select_n3A_760 = arith.select %and3A_757, %sub3A_759, %div3A_738 : i32
      %jit3A_761 = arith.constant 100 : i32
      %eq3A_762 = arith.constant 0 : i32
      %eq3A_763 = arith.cmpi eq, %jit3A_761, %eq3A_762 : i32
      %jit3A_764 = arith.constant 1 : i32
      %select_n3A_765 = arith.select %eq3A_763, %jit3A_764, %jit3A_761 : i32
      %rem3A_766 = arith.remsi %min3A_736, %select_n3A_765 : i32
      %ne3A_767 = arith.constant 0 : i32
      %ne3A_768 = arith.cmpi ne, %rem3A_766, %ne3A_767 : i32
      %lt3A_769 = arith.constant 0 : i32
      %lt3A_770 = arith.cmpi slt, %rem3A_766, %lt3A_769 : i32
      %lt3A_771 = arith.constant 0 : i32
      %lt3A_772 = arith.cmpi slt, %select_n3A_765, %lt3A_771 : i32
      %ne3A_773 = arith.xori %lt3A_770, %lt3A_772 : i1
      %and3A_774 = arith.andi %ne3A_773, %ne3A_768 : i1
      %add3A_775 = arith.addi %rem3A_766, %select_n3A_765 : i32
      %select_n3A_776 = arith.select %and3A_774, %add3A_775, %rem3A_766 : i32
      %mul3A_777 = arith.constant 1000 : i32
      %mul3A_778 = arith.muli %select_n3A_776, %mul3A_777 : i32
      %mul3A_779 = arith.constant 16 : i32
      %mul3A_780 = arith.muli %select_n3A_760, %mul3A_779 : i32
      %mul3A_781 = arith.constant 100000 : i32
      %mul3A_782 = arith.muli %select_n3A_760, %mul3A_781 : i32
      %add3A_783 = arith.addi %mul3A_782, %mul3A_778 : i32
      %dma_wait3A_784 = tpu.memref_slice %arg2[%mul3A_780, %mul3A_778] : memref<416x100000xf32, #tpu.memory_space<hbm>> -> memref<16x1000xf32, #tpu.memory_space<hbm>>
      %dma_wait3A_785 = tpu.memref_slice %arg2[%mul3A_780, %mul3A_778] : memref<416x100000xf32, #tpu.memory_space<hbm>> -> memref<16x1000xf32, #tpu.memory_space<hbm>>
      tpu.wait_dma2 semaphore(%arg9 : memref<!tpu.dma_semaphore, #tpu.memory_space<semaphore_mem>>) src(%dma_wait3A_785 : memref<16x1000xf32, #tpu.memory_space<hbm>>) dst(%arg5 : memref<16x1000xf32, #tpu.memory_space<vmem>>)
      %sub3A_786 = arith.constant 2 : i32
      %sub3A_787 = arith.subi %add3A_731, %sub3A_786 : i32
      %mul3A_788 = arith.constant 32 : i32
      %mul3A_789 = arith.muli %mul3A_788, %sub3A_787 : i32
      %add3A_790 = arith.addi %add3A, %mul3A_789 : i32
      %min3A_791 = arith.constant 2599 : i32
      %min3A_792 = arith.minsi %add3A_790, %min3A_791 : i32
      %jit3A_793 = arith.constant 100 : i32
      %div3A_794 = arith.divsi %min3A_792, %jit3A_793 : i32
      %sign3A_795 = arith.constant 0 : i32
      %sign3A_796 = arith.cmpi sgt, %min3A_792, %sign3A_795 : i32
      %sign3A_797 = arith.extui %sign3A_796 : i1 to i32
      %sign3A_798 = arith.constant 0 : i32
      %sign3A_799 = arith.cmpi slt, %min3A_792, %sign3A_798 : i32
      %sign3A_800 = arith.extui %sign3A_799 : i1 to i32
      %sign3A_801 = arith.subi %sign3A_797, %sign3A_800 : i32
      %sign3A_802 = arith.constant 0 : i32
      %sign3A_803 = arith.cmpi sgt, %jit3A_793, %sign3A_802 : i32
      %sign3A_804 = arith.extui %sign3A_803 : i1 to i32
      %sign3A_805 = arith.constant 0 : i32
      %sign3A_806 = arith.cmpi slt, %jit3A_793, %sign3A_805 : i32
      %sign3A_807 = arith.extui %sign3A_806 : i1 to i32
      %sign3A_808 = arith.subi %sign3A_804, %sign3A_807 : i32
      %ne3A_809 = arith.cmpi ne, %sign3A_801, %sign3A_808 : i32
      %rem3A_810 = arith.remsi %min3A_792, %jit3A_793 : i32
      %ne3A_811 = arith.constant 0 : i32
      %ne3A_812 = arith.cmpi ne, %rem3A_810, %ne3A_811 : i32
      %and3A_813 = arith.andi %ne3A_809, %ne3A_812 : i1
      %sub3A_814 = arith.constant 1 : i32
      %sub3A_815 = arith.subi %div3A_794, %sub3A_814 : i32
      %select_n3A_816 = arith.select %and3A_813, %sub3A_815, %div3A_794 : i32
      %jit3A_817 = arith.constant 100 : i32
      %eq3A_818 = arith.constant 0 : i32
      %eq3A_819 = arith.cmpi eq, %jit3A_817, %eq3A_818 : i32
      %jit3A_820 = arith.constant 1 : i32
      %select_n3A_821 = arith.select %eq3A_819, %jit3A_820, %jit3A_817 : i32
      %rem3A_822 = arith.remsi %min3A_792, %select_n3A_821 : i32
      %ne3A_823 = arith.constant 0 : i32
      %ne3A_824 = arith.cmpi ne, %rem3A_822, %ne3A_823 : i32
      %lt3A_825 = arith.constant 0 : i32
      %lt3A_826 = arith.cmpi slt, %rem3A_822, %lt3A_825 : i32
      %lt3A_827 = arith.constant 0 : i32
      %lt3A_828 = arith.cmpi slt, %select_n3A_821, %lt3A_827 : i32
      %ne3A_829 = arith.xori %lt3A_826, %lt3A_828 : i1
      %and3A_830 = arith.andi %ne3A_829, %ne3A_824 : i1
      %add3A_831 = arith.addi %rem3A_822, %select_n3A_821 : i32
      %select_n3A_832 = arith.select %and3A_830, %add3A_831, %rem3A_822 : i32
      %mul3A_833 = arith.constant 1000 : i32
      %mul3A_834 = arith.muli %select_n3A_832, %mul3A_833 : i32
      %mul3A_835 = arith.constant 16 : i32
      %mul3A_836 = arith.muli %select_n3A_816, %mul3A_835 : i32
      %mul3A_837 = arith.constant 100000 : i32
      %mul3A_838 = arith.muli %select_n3A_816, %mul3A_837 : i32
      %add3A_839 = arith.addi %mul3A_838, %mul3A_834 : i32
      %dma_wait3A_840 = arith.constant 0 : i32
      %dma_wait3A_841 = tpu.memref_slice %arg3[%add3A_839, %dma_wait3A_840] : memref<2600000x16xf32, #tpu.memory_space<hbm>> -> memref<1000x16xf32, #tpu.memory_space<hbm>>
      %dma_wait3A_842 = arith.constant 0 : i32
      %dma_wait3A_843 = tpu.memref_slice %arg3[%add3A_839, %dma_wait3A_842] : memref<2600000x16xf32, #tpu.memory_space<hbm>> -> memref<1000x16xf32, #tpu.memory_space<hbm>>
      tpu.wait_dma2 semaphore(%arg11 : memref<!tpu.dma_semaphore, #tpu.memory_space<semaphore_mem>>) src(%arg7 : memref<1000x16xf32, #tpu.memory_space<vmem>>) dst(%dma_wait3A_843 : memref<1000x16xf32, #tpu.memory_space<hbm>>)
      %scan3A_844 = arith.constant 0 : i32
      %scan3A_845 = arith.constant 0 : i32
      %scan3A_846 = arith.constant 1000 : i32
      %scan3A_847 = arith.addi %scan3A_845, %scan3A_846 : i32
      %scan3A_848 = arith.constant 20 : i32
      scf.for %scan3A_910 = %scan3A_845 to %scan3A_847 step %scan3A_848  : i32 {
        %broadcast_in_dim3A = vector.broadcast %scan3A_910 : i32 to vector<16xi32>
        %gather3A = tpu.vector_load_idx %arg5[%iota3A, %broadcast_in_dim3A] : memref<16x1000xf32, #tpu.memory_space<vmem>>[vector<16xi32>, vector<16xi32>], vector<16xf32>,
        %swap3A = arith.index_cast %scan3A_910 : i32 to index
        %swap3A_911 = arith.constant 0 : index
        %swap3A_912 = tpu.vector_load %arg7[%swap3A, %swap3A_911] {strides = array<i32>} : memref<1000x16xf32, #tpu.memory_space<vmem>>, vector<16xf32>,
        tpu.vector_store %arg7[%swap3A, %swap3A_911], %gather3A {strides = array<i32>} : memref<1000x16xf32, #tpu.memory_space<vmem>>, vector<16xf32>,
        %scan3A_913 = arith.constant 1 : i32
        %scan3A_914 = arith.addi %scan3A_910, %scan3A_913 : i32
        %broadcast_in_dim3A_915 = vector.broadcast %scan3A_914 : i32 to vector<16xi32>
        %gather3A_916 = tpu.vector_load_idx %arg5[%iota3A, %broadcast_in_dim3A_915] : memref<16x1000xf32, #tpu.memory_space<vmem>>[vector<16xi32>, vector<16xi32>], vector<16xf32>,
        %swap3A_917 = arith.index_cast %scan3A_914 : i32 to index
        %swap3A_918 = arith.constant 0 : index
        %swap3A_919 = tpu.vector_load %arg7[%swap3A_917, %swap3A_918] {strides = array<i32>} : memref<1000x16xf32, #tpu.memory_space<vmem>>, vector<16xf32>,
        tpu.vector_store %arg7[%swap3A_917, %swap3A_918], %gather3A_916 {strides = array<i32>} : memref<1000x16xf32, #tpu.memory_space<vmem>>, vector<16xf32>,
        %scan3A_920 = arith.constant 2 : i32
        %scan3A_921 = arith.addi %scan3A_910, %scan3A_920 : i32
        %broadcast_in_dim3A_922 = vector.broadcast %scan3A_921 : i32 to vector<16xi32>
        %gather3A_923 = tpu.vector_load_idx %arg5[%iota3A, %broadcast_in_dim3A_922] : memref<16x1000xf32, #tpu.memory_space<vmem>>[vector<16xi32>, vector<16xi32>], vector<16xf32>,
        %swap3A_924 = arith.index_cast %scan3A_921 : i32 to index
        %swap3A_925 = arith.constant 0 : index
        %swap3A_926 = tpu.vector_load %arg7[%swap3A_924, %swap3A_925] {strides = array<i32>} : memref<1000x16xf32, #tpu.memory_space<vmem>>, vector<16xf32>,
        tpu.vector_store %arg7[%swap3A_924, %swap3A_925], %gather3A_923 {strides = array<i32>} : memref<1000x16xf32, #tpu.memory_space<vmem>>, vector<16xf32>,
        %scan3A_927 = arith.constant 3 : i32
        %scan3A_928 = arith.addi %scan3A_910, %scan3A_927 : i32
        %broadcast_in_dim3A_929 = vector.broadcast %scan3A_928 : i32 to vector<16xi32>
        %gather3A_930 = tpu.vector_load_idx %arg5[%iota3A, %broadcast_in_dim3A_929] : memref<16x1000xf32, #tpu.memory_space<vmem>>[vector<16xi32>, vector<16xi32>], vector<16xf32>,
        %swap3A_931 = arith.index_cast %scan3A_928 : i32 to index
        %swap3A_932 = arith.constant 0 : index
        %swap3A_933 = tpu.vector_load %arg7[%swap3A_931, %swap3A_932] {strides = array<i32>} : memref<1000x16xf32, #tpu.memory_space<vmem>>, vector<16xf32>,
        tpu.vector_store %arg7[%swap3A_931, %swap3A_932], %gather3A_930 {strides = array<i32>} : memref<1000x16xf32, #tpu.memory_space<vmem>>, vector<16xf32>,
        %scan3A_934 = arith.constant 4 : i32
        %scan3A_935 = arith.addi %scan3A_910, %scan3A_934 : i32
        %broadcast_in_dim3A_936 = vector.broadcast %scan3A_935 : i32 to vector<16xi32>
        %gather3A_937 = tpu.vector_load_idx %arg5[%iota3A, %broadcast_in_dim3A_936] : memref<16x1000xf32, #tpu.memory_space<vmem>>[vector<16xi32>, vector<16xi32>], vector<16xf32>,
        %swap3A_938 = arith.index_cast %scan3A_935 : i32 to index
        %swap3A_939 = arith.constant 0 : index
        %swap3A_940 = tpu.vector_load %arg7[%swap3A_938, %swap3A_939] {strides = array<i32>} : memref<1000x16xf32, #tpu.memory_space<vmem>>, vector<16xf32>,
        tpu.vector_store %arg7[%swap3A_938, %swap3A_939], %gather3A_937 {strides = array<i32>} : memref<1000x16xf32, #tpu.memory_space<vmem>>, vector<16xf32>,
        %scan3A_941 = arith.constant 5 : i32
        %scan3A_942 = arith.addi %scan3A_910, %scan3A_941 : i32
        %broadcast_in_dim3A_943 = vector.broadcast %scan3A_942 : i32 to vector<16xi32>
        %gather3A_944 = tpu.vector_load_idx %arg5[%iota3A, %broadcast_in_dim3A_943] : memref<16x1000xf32, #tpu.memory_space<vmem>>[vector<16xi32>, vector<16xi32>], vector<16xf32>,
        %swap3A_945 = arith.index_cast %scan3A_942 : i32 to index
        %swap3A_946 = arith.constant 0 : index
        %swap3A_947 = tpu.vector_load %arg7[%swap3A_945, %swap3A_946] {strides = array<i32>} : memref<1000x16xf32, #tpu.memory_space<vmem>>, vector<16xf32>,
        tpu.vector_store %arg7[%swap3A_945, %swap3A_946], %gather3A_944 {strides = array<i32>} : memref<1000x16xf32, #tpu.memory_space<vmem>>, vector<16xf32>,
        %scan3A_948 = arith.constant 6 : i32
        %scan3A_949 = arith.addi %scan3A_910, %scan3A_948 : i32
        %broadcast_in_dim3A_950 = vector.broadcast %scan3A_949 : i32 to vector<16xi32>
        %gather3A_951 = tpu.vector_load_idx %arg5[%iota3A, %broadcast_in_dim3A_950] : memref<16x1000xf32, #tpu.memory_space<vmem>>[vector<16xi32>, vector<16xi32>], vector<16xf32>,
        %swap3A_952 = arith.index_cast %scan3A_949 : i32 to index
        %swap3A_953 = arith.constant 0 : index
        %swap3A_954 = tpu.vector_load %arg7[%swap3A_952, %swap3A_953] {strides = array<i32>} : memref<1000x16xf32, #tpu.memory_space<vmem>>, vector<16xf32>,
        tpu.vector_store %arg7[%swap3A_952, %swap3A_953], %gather3A_951 {strides = array<i32>} : memref<1000x16xf32, #tpu.memory_space<vmem>>, vector<16xf32>,
        %scan3A_955 = arith.constant 7 : i32
        %scan3A_956 = arith.addi %scan3A_910, %scan3A_955 : i32
        %broadcast_in_dim3A_957 = vector.broadcast %scan3A_956 : i32 to vector<16xi32>
        %gather3A_958 = tpu.vector_load_idx %arg5[%iota3A, %broadcast_in_dim3A_957] : memref<16x1000xf32, #tpu.memory_space<vmem>>[vector<16xi32>, vector<16xi32>], vector<16xf32>,
        %swap3A_959 = arith.index_cast %scan3A_956 : i32 to index
        %swap3A_960 = arith.constant 0 : index
        %swap3A_961 = tpu.vector_load %arg7[%swap3A_959, %swap3A_960] {strides = array<i32>} : memref<1000x16xf32, #tpu.memory_space<vmem>>, vector<16xf32>,
        tpu.vector_store %arg7[%swap3A_959, %swap3A_960], %gather3A_958 {strides = array<i32>} : memref<1000x16xf32, #tpu.memory_space<vmem>>, vector<16xf32>,
        %scan3A_962 = arith.constant 8 : i32
        %scan3A_963 = arith.addi %scan3A_910, %scan3A_962 : i32
        %broadcast_in_dim3A_964 = vector.broadcast %scan3A_963 : i32 to vector<16xi32>
        %gather3A_965 = tpu.vector_load_idx %arg5[%iota3A, %broadcast_in_dim3A_964] : memref<16x1000xf32, #tpu.memory_space<vmem>>[vector<16xi32>, vector<16xi32>], vector<16xf32>,
        %swap3A_966 = arith.index_cast %scan3A_963 : i32 to index
        %swap3A_967 = arith.constant 0 : index
        %swap3A_968 = tpu.vector_load %arg7[%swap3A_966, %swap3A_967] {strides = array<i32>} : memref<1000x16xf32, #tpu.memory_space<vmem>>, vector<16xf32>,
        tpu.vector_store %arg7[%swap3A_966, %swap3A_967], %gather3A_965 {strides = array<i32>} : memref<1000x16xf32, #tpu.memory_space<vmem>>, vector<16xf32>,
        %scan3A_969 = arith.constant 9 : i32
        %scan3A_970 = arith.addi %scan3A_910, %scan3A_969 : i32
        %broadcast_in_dim3A_971 = vector.broadcast %scan3A_970 : i32 to vector<16xi32>
        %gather3A_972 = tpu.vector_load_idx %arg5[%iota3A, %broadcast_in_dim3A_971] : memref<16x1000xf32, #tpu.memory_space<vmem>>[vector<16xi32>, vector<16xi32>], vector<16xf32>,
        %swap3A_973 = arith.index_cast %scan3A_970 : i32 to index
        %swap3A_974 = arith.constant 0 : index
        %swap3A_975 = tpu.vector_load %arg7[%swap3A_973, %swap3A_974] {strides = array<i32>} : memref<1000x16xf32, #tpu.memory_space<vmem>>, vector<16xf32>,
        tpu.vector_store %arg7[%swap3A_973, %swap3A_974], %gather3A_972 {strides = array<i32>} : memref<1000x16xf32, #tpu.memory_space<vmem>>, vector<16xf32>,
        %scan3A_976 = arith.constant 10 : i32
        %scan3A_977 = arith.addi %scan3A_910, %scan3A_976 : i32
        %broadcast_in_dim3A_978 = vector.broadcast %scan3A_977 : i32 to vector<16xi32>
        %gather3A_979 = tpu.vector_load_idx %arg5[%iota3A, %broadcast_in_dim3A_978] : memref<16x1000xf32, #tpu.memory_space<vmem>>[vector<16xi32>, vector<16xi32>], vector<16xf32>,
        %swap3A_980 = arith.index_cast %scan3A_977 : i32 to index
        %swap3A_981 = arith.constant 0 : index
        %swap3A_982 = tpu.vector_load %arg7[%swap3A_980, %swap3A_981] {strides = array<i32>} : memref<1000x16xf32, #tpu.memory_space<vmem>>, vector<16xf32>,
        tpu.vector_store %arg7[%swap3A_980, %swap3A_981], %gather3A_979 {strides = array<i32>} : memref<1000x16xf32, #tpu.memory_space<vmem>>, vector<16xf32>,
        %scan3A_983 = arith.constant 11 : i32
        %scan3A_984 = arith.addi %scan3A_910, %scan3A_983 : i32
        %broadcast_in_dim3A_985 = vector.broadcast %scan3A_984 : i32 to vector<16xi32>
        %gather3A_986 = tpu.vector_load_idx %arg5[%iota3A, %broadcast_in_dim3A_985] : memref<16x1000xf32, #tpu.memory_space<vmem>>[vector<16xi32>, vector<16xi32>], vector<16xf32>,
        %swap3A_987 = arith.index_cast %scan3A_984 : i32 to index
        %swap3A_988 = arith.constant 0 : index
        %swap3A_989 = tpu.vector_load %arg7[%swap3A_987, %swap3A_988] {strides = array<i32>} : memref<1000x16xf32, #tpu.memory_space<vmem>>, vector<16xf32>,
        tpu.vector_store %arg7[%swap3A_987, %swap3A_988], %gather3A_986 {strides = array<i32>} : memref<1000x16xf32, #tpu.memory_space<vmem>>, vector<16xf32>,
        %scan3A_990 = arith.constant 12 : i32
        %scan3A_991 = arith.addi %scan3A_910, %scan3A_990 : i32
        %broadcast_in_dim3A_992 = vector.broadcast %scan3A_991 : i32 to vector<16xi32>
        %gather3A_993 = tpu.vector_load_idx %arg5[%iota3A, %broadcast_in_dim3A_992] : memref<16x1000xf32, #tpu.memory_space<vmem>>[vector<16xi32>, vector<16xi32>], vector<16xf32>,
        %swap3A_994 = arith.index_cast %scan3A_991 : i32 to index
        %swap3A_995 = arith.constant 0 : index
        %swap3A_996 = tpu.vector_load %arg7[%swap3A_994, %swap3A_995] {strides = array<i32>} : memref<1000x16xf32, #tpu.memory_space<vmem>>, vector<16xf32>,
        tpu.vector_store %arg7[%swap3A_994, %swap3A_995], %gather3A_993 {strides = array<i32>} : memref<1000x16xf32, #tpu.memory_space<vmem>>, vector<16xf32>,
        %scan3A_997 = arith.constant 13 : i32
        %scan3A_998 = arith.addi %scan3A_910, %scan3A_997 : i32
        %broadcast_in_dim3A_999 = vector.broadcast %scan3A_998 : i32 to vector<16xi32>
        %gather3A_1000 = tpu.vector_load_idx %arg5[%iota3A, %broadcast_in_dim3A_999] : memref<16x1000xf32, #tpu.memory_space<vmem>>[vector<16xi32>, vector<16xi32>], vector<16xf32>,
        %swap3A_1001 = arith.index_cast %scan3A_998 : i32 to index
        %swap3A_1002 = arith.constant 0 : index
        %swap3A_1003 = tpu.vector_load %arg7[%swap3A_1001, %swap3A_1002] {strides = array<i32>} : memref<1000x16xf32, #tpu.memory_space<vmem>>, vector<16xf32>,
        tpu.vector_store %arg7[%swap3A_1001, %swap3A_1002], %gather3A_1000 {strides = array<i32>} : memref<1000x16xf32, #tpu.memory_space<vmem>>, vector<16xf32>,
        %scan3A_1004 = arith.constant 14 : i32
        %scan3A_1005 = arith.addi %scan3A_910, %scan3A_1004 : i32
        %broadcast_in_dim3A_1006 = vector.broadcast %scan3A_1005 : i32 to vector<16xi32>
        %gather3A_1007 = tpu.vector_load_idx %arg5[%iota3A, %broadcast_in_dim3A_1006] : memref<16x1000xf32, #tpu.memory_space<vmem>>[vector<16xi32>, vector<16xi32>], vector<16xf32>,
        %swap3A_1008 = arith.index_cast %scan3A_1005 : i32 to index
        %swap3A_1009 = arith.constant 0 : index
        %swap3A_1010 = tpu.vector_load %arg7[%swap3A_1008, %swap3A_1009] {strides = array<i32>} : memref<1000x16xf32, #tpu.memory_space<vmem>>, vector<16xf32>,
        tpu.vector_store %arg7[%swap3A_1008, %swap3A_1009], %gather3A_1007 {strides = array<i32>} : memref<1000x16xf32, #tpu.memory_space<vmem>>, vector<16xf32>,
        %scan3A_1011 = arith.constant 15 : i32
        %scan3A_1012 = arith.addi %scan3A_910, %scan3A_1011 : i32
        %broadcast_in_dim3A_1013 = vector.broadcast %scan3A_1012 : i32 to vector<16xi32>
        %gather3A_1014 = tpu.vector_load_idx %arg5[%iota3A, %broadcast_in_dim3A_1013] : memref<16x1000xf32, #tpu.memory_space<vmem>>[vector<16xi32>, vector<16xi32>], vector<16xf32>,
        %swap3A_1015 = arith.index_cast %scan3A_1012 : i32 to index
        %swap3A_1016 = arith.constant 0 : index
        %swap3A_1017 = tpu.vector_load %arg7[%swap3A_1015, %swap3A_1016] {strides = array<i32>} : memref<1000x16xf32, #tpu.memory_space<vmem>>, vector<16xf32>,
        tpu.vector_store %arg7[%swap3A_1015, %swap3A_1016], %gather3A_1014 {strides = array<i32>} : memref<1000x16xf32, #tpu.memory_space<vmem>>, vector<16xf32>,
        %scan3A_1018 = arith.constant 16 : i32
        %scan3A_1019 = arith.addi %scan3A_910, %scan3A_1018 : i32
        %broadcast_in_dim3A_1020 = vector.broadcast %scan3A_1019 : i32 to vector<16xi32>
        %gather3A_1021 = tpu.vector_load_idx %arg5[%iota3A, %broadcast_in_dim3A_1020] : memref<16x1000xf32, #tpu.memory_space<vmem>>[vector<16xi32>, vector<16xi32>], vector<16xf32>,
        %swap3A_1022 = arith.index_cast %scan3A_1019 : i32 to index
        %swap3A_1023 = arith.constant 0 : index
        %swap3A_1024 = tpu.vector_load %arg7[%swap3A_1022, %swap3A_1023] {strides = array<i32>} : memref<1000x16xf32, #tpu.memory_space<vmem>>, vector<16xf32>,
        tpu.vector_store %arg7[%swap3A_1022, %swap3A_1023], %gather3A_1021 {strides = array<i32>} : memref<1000x16xf32, #tpu.memory_space<vmem>>, vector<16xf32>,
        %scan3A_1025 = arith.constant 17 : i32
        %scan3A_1026 = arith.addi %scan3A_910, %scan3A_1025 : i32
        %broadcast_in_dim3A_1027 = vector.broadcast %scan3A_1026 : i32 to vector<16xi32>
        %gather3A_1028 = tpu.vector_load_idx %arg5[%iota3A, %broadcast_in_dim3A_1027] : memref<16x1000xf32, #tpu.memory_space<vmem>>[vector<16xi32>, vector<16xi32>], vector<16xf32>,
        %swap3A_1029 = arith.index_cast %scan3A_1026 : i32 to index
        %swap3A_1030 = arith.constant 0 : index
        %swap3A_1031 = tpu.vector_load %arg7[%swap3A_1029, %swap3A_1030] {strides = array<i32>} : memref<1000x16xf32, #tpu.memory_space<vmem>>, vector<16xf32>,
        tpu.vector_store %arg7[%swap3A_1029, %swap3A_1030], %gather3A_1028 {strides = array<i32>} : memref<1000x16xf32, #tpu.memory_space<vmem>>, vector<16xf32>,
        %scan3A_1032 = arith.constant 18 : i32
        %scan3A_1033 = arith.addi %scan3A_910, %scan3A_1032 : i32
        %broadcast_in_dim3A_1034 = vector.broadcast %scan3A_1033 : i32 to vector<16xi32>
        %gather3A_1035 = tpu.vector_load_idx %arg5[%iota3A, %broadcast_in_dim3A_1034] : memref<16x1000xf32, #tpu.memory_space<vmem>>[vector<16xi32>, vector<16xi32>], vector<16xf32>,
        %swap3A_1036 = arith.index_cast %scan3A_1033 : i32 to index
        %swap3A_1037 = arith.constant 0 : index
        %swap3A_1038 = tpu.vector_load %arg7[%swap3A_1036, %swap3A_1037] {strides = array<i32>} : memref<1000x16xf32, #tpu.memory_space<vmem>>, vector<16xf32>,
        tpu.vector_store %arg7[%swap3A_1036, %swap3A_1037], %gather3A_1035 {strides = array<i32>} : memref<1000x16xf32, #tpu.memory_space<vmem>>, vector<16xf32>,
        %scan3A_1039 = arith.constant 19 : i32
        %scan3A_1040 = arith.addi %scan3A_910, %scan3A_1039 : i32
        %broadcast_in_dim3A_1041 = vector.broadcast %scan3A_1040 : i32 to vector<16xi32>
        %gather3A_1042 = tpu.vector_load_idx %arg5[%iota3A, %broadcast_in_dim3A_1041] : memref<16x1000xf32, #tpu.memory_space<vmem>>[vector<16xi32>, vector<16xi32>], vector<16xf32>,
        %swap3A_1043 = arith.index_cast %scan3A_1040 : i32 to index
        %swap3A_1044 = arith.constant 0 : index
        %swap3A_1045 = tpu.vector_load %arg7[%swap3A_1043, %swap3A_1044] {strides = array<i32>} : memref<1000x16xf32, #tpu.memory_space<vmem>>, vector<16xf32>,
        tpu.vector_store %arg7[%swap3A_1043, %swap3A_1044], %gather3A_1042 {strides = array<i32>} : memref<1000x16xf32, #tpu.memory_space<vmem>>, vector<16xf32>,
      }
      %scan3A_849 = arith.constant 1000 : i32
      %add3A_850 = arith.constant 2 : i32
      %add3A_851 = arith.addi %add3A_731, %add3A_850 : i32
      %mul3A_852 = arith.constant 32 : i32
      %mul3A_853 = arith.muli %mul3A_852, %add3A_851 : i32
      %add3A_854 = arith.addi %add3A, %mul3A_853 : i32
      %min3A_855 = arith.constant 2599 : i32
      %min3A_856 = arith.minsi %add3A_854, %min3A_855 : i32
      %jit3A_857 = arith.constant 100 : i32
      %div3A_858 = arith.divsi %min3A_856, %jit3A_857 : i32
      %sign3A_859 = arith.constant 0 : i32
      %sign3A_860 = arith.cmpi sgt, %min3A_856, %sign3A_859 : i32
      %sign3A_861 = arith.extui %sign3A_860 : i1 to i32
      %sign3A_862 = arith.constant 0 : i32
      %sign3A_863 = arith.cmpi slt, %min3A_856, %sign3A_862 : i32
      %sign3A_864 = arith.extui %sign3A_863 : i1 to i32
      %sign3A_865 = arith.subi %sign3A_861, %sign3A_864 : i32
      %sign3A_866 = arith.constant 0 : i32
      %sign3A_867 = arith.cmpi sgt, %jit3A_857, %sign3A_866 : i32
      %sign3A_868 = arith.extui %sign3A_867 : i1 to i32
      %sign3A_869 = arith.constant 0 : i32
      %sign3A_870 = arith.cmpi slt, %jit3A_857, %sign3A_869 : i32
      %sign3A_871 = arith.extui %sign3A_870 : i1 to i32
      %sign3A_872 = arith.subi %sign3A_868, %sign3A_871 : i32
      %ne3A_873 = arith.cmpi ne, %sign3A_865, %sign3A_872 : i32
      %rem3A_874 = arith.remsi %min3A_856, %jit3A_857 : i32
      %ne3A_875 = arith.constant 0 : i32
      %ne3A_876 = arith.cmpi ne, %rem3A_874, %ne3A_875 : i32
      %and3A_877 = arith.andi %ne3A_873, %ne3A_876 : i1
      %sub3A_878 = arith.constant 1 : i32
      %sub3A_879 = arith.subi %div3A_858, %sub3A_878 : i32
      %select_n3A_880 = arith.select %and3A_877, %sub3A_879, %div3A_858 : i32
      %jit3A_881 = arith.constant 100 : i32
      %eq3A_882 = arith.constant 0 : i32
      %eq3A_883 = arith.cmpi eq, %jit3A_881, %eq3A_882 : i32
      %jit3A_884 = arith.constant 1 : i32
      %select_n3A_885 = arith.select %eq3A_883, %jit3A_884, %jit3A_881 : i32
      %rem3A_886 = arith.remsi %min3A_856, %select_n3A_885 : i32
      %ne3A_887 = arith.constant 0 : i32
      %ne3A_888 = arith.cmpi ne, %rem3A_886, %ne3A_887 : i32
      %lt3A_889 = arith.constant 0 : i32
      %lt3A_890 = arith.cmpi slt, %rem3A_886, %lt3A_889 : i32
      %lt3A_891 = arith.constant 0 : i32
      %lt3A_892 = arith.cmpi slt, %select_n3A_885, %lt3A_891 : i32
      %ne3A_893 = arith.xori %lt3A_890, %lt3A_892 : i1
      %and3A_894 = arith.andi %ne3A_893, %ne3A_888 : i1
      %add3A_895 = arith.addi %rem3A_886, %select_n3A_885 : i32
      %select_n3A_896 = arith.select %and3A_894, %add3A_895, %rem3A_886 : i32
      %mul3A_897 = arith.constant 1000 : i32
      %mul3A_898 = arith.muli %select_n3A_896, %mul3A_897 : i32
      %mul3A_899 = arith.constant 16 : i32
      %mul3A_900 = arith.muli %select_n3A_880, %mul3A_899 : i32
      %mul3A_901 = arith.constant 100000 : i32
      %mul3A_902 = arith.muli %select_n3A_880, %mul3A_901 : i32
      %add3A_903 = arith.addi %mul3A_902, %mul3A_898 : i32
      %dma_start3A_904 = tpu.memref_slice %arg2[%mul3A_900, %mul3A_898] : memref<416x100000xf32, #tpu.memory_space<hbm>> -> memref<16x1000xf32, #tpu.memory_space<hbm>>
      %dma_start3A_905 = tpu.memref_slice %arg2[%mul3A_900, %mul3A_898] : memref<416x100000xf32, #tpu.memory_space<hbm>> -> memref<16x1000xf32, #tpu.memory_space<hbm>>
      tpu.enqueue_dma source(%dma_start3A_905 : memref<16x1000xf32, #tpu.memory_space<hbm>>) target(%arg5 : memref<16x1000xf32, #tpu.memory_space<vmem>>) target_semaphore(%arg9 : memref<!tpu.dma_semaphore, #tpu.memory_space<semaphore_mem>>)
      %dma_start3A_906 = arith.constant 0 : i32
      %dma_start3A_907 = tpu.memref_slice %arg3[%add3A_783, %dma_start3A_906] : memref<2600000x16xf32, #tpu.memory_space<hbm>> -> memref<1000x16xf32, #tpu.memory_space<hbm>>
      %dma_start3A_908 = arith.constant 0 : i32
      %dma_start3A_909 = tpu.memref_slice %arg3[%add3A_783, %dma_start3A_908] : memref<2600000x16xf32, #tpu.memory_space<hbm>> -> memref<1000x16xf32, #tpu.memory_space<hbm>>
      tpu.enqueue_dma source(%arg7 : memref<1000x16xf32, #tpu.memory_space<vmem>>) target(%dma_start3A_909 : memref<1000x16xf32, #tpu.memory_space<hbm>>) target_semaphore(%arg11 : memref<!tpu.dma_semaphore, #tpu.memory_space<semaphore_mem>>)
    }
    %scan3A_330 = arith.constant 40 : i32
    %add3A_331 = arith.constant 2624 : i32
    %add3A_332 = arith.addi %add3A, %add3A_331 : i32
    %min3A_333 = arith.constant 2599 : i32
    %min3A_334 = arith.minsi %add3A_332, %min3A_333 : i32
    %jit3A_335 = arith.constant 100 : i32
    %div3A_336 = arith.divsi %min3A_334, %jit3A_335 : i32
    %sign3A_337 = arith.constant 0 : i32
    %sign3A_338 = arith.cmpi sgt, %min3A_334, %sign3A_337 : i32
    %sign3A_339 = arith.extui %sign3A_338 : i1 to i32
    %sign3A_340 = arith.constant 0 : i32
    %sign3A_341 = arith.cmpi slt, %min3A_334, %sign3A_340 : i32
    %sign3A_342 = arith.extui %sign3A_341 : i1 to i32
    %sign3A_343 = arith.subi %sign3A_339, %sign3A_342 : i32
    %sign3A_344 = arith.constant 0 : i32
    %sign3A_345 = arith.cmpi sgt, %jit3A_335, %sign3A_344 : i32
    %sign3A_346 = arith.extui %sign3A_345 : i1 to i32
    %sign3A_347 = arith.constant 0 : i32
    %sign3A_348 = arith.cmpi slt, %jit3A_335, %sign3A_347 : i32
    %sign3A_349 = arith.extui %sign3A_348 : i1 to i32
    %sign3A_350 = arith.subi %sign3A_346, %sign3A_349 : i32
    %ne3A_351 = arith.cmpi ne, %sign3A_343, %sign3A_350 : i32
    %rem3A_352 = arith.remsi %min3A_334, %jit3A_335 : i32
    %ne3A_353 = arith.constant 0 : i32
    %ne3A_354 = arith.cmpi ne, %rem3A_352, %ne3A_353 : i32
    %and3A_355 = arith.andi %ne3A_351, %ne3A_354 : i1
    %sub3A_356 = arith.constant 1 : i32
    %sub3A_357 = arith.subi %div3A_336, %sub3A_356 : i32
    %select_n3A_358 = arith.select %and3A_355, %sub3A_357, %div3A_336 : i32
    %jit3A_359 = arith.constant 100 : i32
    %eq3A_360 = arith.constant 0 : i32
    %eq3A_361 = arith.cmpi eq, %jit3A_359, %eq3A_360 : i32
    %jit3A_362 = arith.constant 1 : i32
    %select_n3A_363 = arith.select %eq3A_361, %jit3A_362, %jit3A_359 : i32
    %rem3A_364 = arith.remsi %min3A_334, %select_n3A_363 : i32
    %ne3A_365 = arith.constant 0 : i32
    %ne3A_366 = arith.cmpi ne, %rem3A_364, %ne3A_365 : i32
    %lt3A_367 = arith.constant 0 : i32
    %lt3A_368 = arith.cmpi slt, %rem3A_364, %lt3A_367 : i32
    %lt3A_369 = arith.constant 0 : i32
    %lt3A_370 = arith.cmpi slt, %select_n3A_363, %lt3A_369 : i32
    %ne3A_371 = arith.xori %lt3A_368, %lt3A_370 : i1
    %and3A_372 = arith.andi %ne3A_371, %ne3A_366 : i1
    %add3A_373 = arith.addi %rem3A_364, %select_n3A_363 : i32
    %select_n3A_374 = arith.select %and3A_372, %add3A_373, %rem3A_364 : i32
    %mul3A_375 = arith.constant 1000 : i32
    %mul3A_376 = arith.muli %select_n3A_374, %mul3A_375 : i32
    %mul3A_377 = arith.constant 16 : i32
    %mul3A_378 = arith.muli %select_n3A_358, %mul3A_377 : i32
    %mul3A_379 = arith.constant 100000 : i32
    %mul3A_380 = arith.muli %select_n3A_358, %mul3A_379 : i32
    %add3A_381 = arith.addi %mul3A_380, %mul3A_376 : i32
    %add3A_382 = arith.constant 2656 : i32
    %add3A_383 = arith.addi %add3A, %add3A_382 : i32
    %min3A_384 = arith.constant 2599 : i32
    %min3A_385 = arith.minsi %add3A_383, %min3A_384 : i32
    %jit3A_386 = arith.constant 100 : i32
    %div3A_387 = arith.divsi %min3A_385, %jit3A_386 : i32
    %sign3A_388 = arith.constant 0 : i32
    %sign3A_389 = arith.cmpi sgt, %min3A_385, %sign3A_388 : i32
    %sign3A_390 = arith.extui %sign3A_389 : i1 to i32
    %sign3A_391 = arith.constant 0 : i32
    %sign3A_392 = arith.cmpi slt, %min3A_385, %sign3A_391 : i32
    %sign3A_393 = arith.extui %sign3A_392 : i1 to i32
    %sign3A_394 = arith.subi %sign3A_390, %sign3A_393 : i32
    %sign3A_395 = arith.constant 0 : i32
    %sign3A_396 = arith.cmpi sgt, %jit3A_386, %sign3A_395 : i32
    %sign3A_397 = arith.extui %sign3A_396 : i1 to i32
    %sign3A_398 = arith.constant 0 : i32
    %sign3A_399 = arith.cmpi slt, %jit3A_386, %sign3A_398 : i32
    %sign3A_400 = arith.extui %sign3A_399 : i1 to i32
    %sign3A_401 = arith.subi %sign3A_397, %sign3A_400 : i32
    %ne3A_402 = arith.cmpi ne, %sign3A_394, %sign3A_401 : i32
    %rem3A_403 = arith.remsi %min3A_385, %jit3A_386 : i32
    %ne3A_404 = arith.constant 0 : i32
    %ne3A_405 = arith.cmpi ne, %rem3A_403, %ne3A_404 : i32
    %and3A_406 = arith.andi %ne3A_402, %ne3A_405 : i1
    %sub3A_407 = arith.constant 1 : i32
    %sub3A_408 = arith.subi %div3A_387, %sub3A_407 : i32
    %select_n3A_409 = arith.select %and3A_406, %sub3A_408, %div3A_387 : i32
    %jit3A_410 = arith.constant 100 : i32
    %eq3A_411 = arith.constant 0 : i32
    %eq3A_412 = arith.cmpi eq, %jit3A_410, %eq3A_411 : i32
    %jit3A_413 = arith.constant 1 : i32
    %select_n3A_414 = arith.select %eq3A_412, %jit3A_413, %jit3A_410 : i32
    %rem3A_415 = arith.remsi %min3A_385, %select_n3A_414 : i32
    %ne3A_416 = arith.constant 0 : i32
    %ne3A_417 = arith.cmpi ne, %rem3A_415, %ne3A_416 : i32
    %lt3A_418 = arith.constant 0 : i32
    %lt3A_419 = arith.cmpi slt, %rem3A_415, %lt3A_418 : i32
    %lt3A_420 = arith.constant 0 : i32
    %lt3A_421 = arith.cmpi slt, %select_n3A_414, %lt3A_420 : i32
    %ne3A_422 = arith.xori %lt3A_419, %lt3A_421 : i1
    %and3A_423 = arith.andi %ne3A_422, %ne3A_417 : i1
    %add3A_424 = arith.addi %rem3A_415, %select_n3A_414 : i32
    %select_n3A_425 = arith.select %and3A_423, %add3A_424, %rem3A_415 : i32
    %mul3A_426 = arith.constant 1000 : i32
    %mul3A_427 = arith.muli %select_n3A_425, %mul3A_426 : i32
    %mul3A_428 = arith.constant 16 : i32
    %mul3A_429 = arith.muli %select_n3A_409, %mul3A_428 : i32
    %mul3A_430 = arith.constant 100000 : i32
    %mul3A_431 = arith.muli %select_n3A_409, %mul3A_430 : i32
    %add3A_432 = arith.addi %mul3A_431, %mul3A_427 : i32
    %dma_wait3A_433 = tpu.memref_slice %arg2[%mul3A_378, %mul3A_376] : memref<416x100000xf32, #tpu.memory_space<hbm>> -> memref<16x1000xf32, #tpu.memory_space<hbm>>
    %dma_wait3A_434 = tpu.memref_slice %arg2[%mul3A_378, %mul3A_376] : memref<416x100000xf32, #tpu.memory_space<hbm>> -> memref<16x1000xf32, #tpu.memory_space<hbm>>
    tpu.wait_dma2 semaphore(%arg8 : memref<!tpu.dma_semaphore, #tpu.memory_space<semaphore_mem>>) src(%dma_wait3A_434 : memref<16x1000xf32, #tpu.memory_space<hbm>>) dst(%arg4 : memref<16x1000xf32, #tpu.memory_space<vmem>>)
    %dma_wait3A_435 = tpu.memref_slice %arg2[%mul3A_429, %mul3A_427] : memref<416x100000xf32, #tpu.memory_space<hbm>> -> memref<16x1000xf32, #tpu.memory_space<hbm>>
    %dma_wait3A_436 = tpu.memref_slice %arg2[%mul3A_429, %mul3A_427] : memref<416x100000xf32, #tpu.memory_space<hbm>> -> memref<16x1000xf32, #tpu.memory_space<hbm>>
    tpu.wait_dma2 semaphore(%arg9 : memref<!tpu.dma_semaphore, #tpu.memory_space<semaphore_mem>>) src(%dma_wait3A_436 : memref<16x1000xf32, #tpu.memory_space<hbm>>) dst(%arg5 : memref<16x1000xf32, #tpu.memory_space<vmem>>)
    %add3A_437 = arith.constant 2560 : i32
    %add3A_438 = arith.addi %add3A, %add3A_437 : i32
    %min3A_439 = arith.constant 2599 : i32
    %min3A_440 = arith.minsi %add3A_438, %min3A_439 : i32
    %jit3A_441 = arith.constant 100 : i32
    %div3A_442 = arith.divsi %min3A_440, %jit3A_441 : i32
    %sign3A_443 = arith.constant 0 : i32
    %sign3A_444 = arith.cmpi sgt, %min3A_440, %sign3A_443 : i32
    %sign3A_445 = arith.extui %sign3A_444 : i1 to i32
    %sign3A_446 = arith.constant 0 : i32
    %sign3A_447 = arith.cmpi slt, %min3A_440, %sign3A_446 : i32
    %sign3A_448 = arith.extui %sign3A_447 : i1 to i32
    %sign3A_449 = arith.subi %sign3A_445, %sign3A_448 : i32
    %sign3A_450 = arith.constant 0 : i32
    %sign3A_451 = arith.cmpi sgt, %jit3A_441, %sign3A_450 : i32
    %sign3A_452 = arith.extui %sign3A_451 : i1 to i32
    %sign3A_453 = arith.constant 0 : i32
    %sign3A_454 = arith.cmpi slt, %jit3A_441, %sign3A_453 : i32
    %sign3A_455 = arith.extui %sign3A_454 : i1 to i32
    %sign3A_456 = arith.subi %sign3A_452, %sign3A_455 : i32
    %ne3A_457 = arith.cmpi ne, %sign3A_449, %sign3A_456 : i32
    %rem3A_458 = arith.remsi %min3A_440, %jit3A_441 : i32
    %ne3A_459 = arith.constant 0 : i32
    %ne3A_460 = arith.cmpi ne, %rem3A_458, %ne3A_459 : i32
    %and3A_461 = arith.andi %ne3A_457, %ne3A_460 : i1
    %sub3A_462 = arith.constant 1 : i32
    %sub3A_463 = arith.subi %div3A_442, %sub3A_462 : i32
    %select_n3A_464 = arith.select %and3A_461, %sub3A_463, %div3A_442 : i32
    %jit3A_465 = arith.constant 100 : i32
    %eq3A_466 = arith.constant 0 : i32
    %eq3A_467 = arith.cmpi eq, %jit3A_465, %eq3A_466 : i32
    %jit3A_468 = arith.constant 1 : i32
    %select_n3A_469 = arith.select %eq3A_467, %jit3A_468, %jit3A_465 : i32
    %rem3A_470 = arith.remsi %min3A_440, %select_n3A_469 : i32
    %ne3A_471 = arith.constant 0 : i32
    %ne3A_472 = arith.cmpi ne, %rem3A_470, %ne3A_471 : i32
    %lt3A_473 = arith.constant 0 : i32
    %lt3A_474 = arith.cmpi slt, %rem3A_470, %lt3A_473 : i32
    %lt3A_475 = arith.constant 0 : i32
    %lt3A_476 = arith.cmpi slt, %select_n3A_469, %lt3A_475 : i32
    %ne3A_477 = arith.xori %lt3A_474, %lt3A_476 : i1
    %and3A_478 = arith.andi %ne3A_477, %ne3A_472 : i1
    %add3A_479 = arith.addi %rem3A_470, %select_n3A_469 : i32
    %select_n3A_480 = arith.select %and3A_478, %add3A_479, %rem3A_470 : i32
    %mul3A_481 = arith.constant 1000 : i32
    %mul3A_482 = arith.muli %select_n3A_480, %mul3A_481 : i32
    %mul3A_483 = arith.constant 16 : i32
    %mul3A_484 = arith.muli %select_n3A_464, %mul3A_483 : i32
    %mul3A_485 = arith.constant 100000 : i32
    %mul3A_486 = arith.muli %select_n3A_464, %mul3A_485 : i32
    %add3A_487 = arith.addi %mul3A_486, %mul3A_482 : i32
    %add3A_488 = arith.constant 2592 : i32
    %add3A_489 = arith.addi %add3A, %add3A_488 : i32
    %min3A_490 = arith.constant 2599 : i32
    %min3A_491 = arith.minsi %add3A_489, %min3A_490 : i32
    %jit3A_492 = arith.constant 100 : i32
    %div3A_493 = arith.divsi %min3A_491, %jit3A_492 : i32
    %sign3A_494 = arith.constant 0 : i32
    %sign3A_495 = arith.cmpi sgt, %min3A_491, %sign3A_494 : i32
    %sign3A_496 = arith.extui %sign3A_495 : i1 to i32
    %sign3A_497 = arith.constant 0 : i32
    %sign3A_498 = arith.cmpi slt, %min3A_491, %sign3A_497 : i32
    %sign3A_499 = arith.extui %sign3A_498 : i1 to i32
    %sign3A_500 = arith.subi %sign3A_496, %sign3A_499 : i32
    %sign3A_501 = arith.constant 0 : i32
    %sign3A_502 = arith.cmpi sgt, %jit3A_492, %sign3A_501 : i32
    %sign3A_503 = arith.extui %sign3A_502 : i1 to i32
    %sign3A_504 = arith.constant 0 : i32
    %sign3A_505 = arith.cmpi slt, %jit3A_492, %sign3A_504 : i32
    %sign3A_506 = arith.extui %sign3A_505 : i1 to i32
    %sign3A_507 = arith.subi %sign3A_503, %sign3A_506 : i32
    %ne3A_508 = arith.cmpi ne, %sign3A_500, %sign3A_507 : i32
    %rem3A_509 = arith.remsi %min3A_491, %jit3A_492 : i32
    %ne3A_510 = arith.constant 0 : i32
    %ne3A_511 = arith.cmpi ne, %rem3A_509, %ne3A_510 : i32
    %and3A_512 = arith.andi %ne3A_508, %ne3A_511 : i1
    %sub3A_513 = arith.constant 1 : i32
    %sub3A_514 = arith.subi %div3A_493, %sub3A_513 : i32
    %select_n3A_515 = arith.select %and3A_512, %sub3A_514, %div3A_493 : i32
    %jit3A_516 = arith.constant 100 : i32
    %eq3A_517 = arith.constant 0 : i32
    %eq3A_518 = arith.cmpi eq, %jit3A_516, %eq3A_517 : i32
    %jit3A_519 = arith.constant 1 : i32
    %select_n3A_520 = arith.select %eq3A_518, %jit3A_519, %jit3A_516 : i32
    %rem3A_521 = arith.remsi %min3A_491, %select_n3A_520 : i32
    %ne3A_522 = arith.constant 0 : i32
    %ne3A_523 = arith.cmpi ne, %rem3A_521, %ne3A_522 : i32
    %lt3A_524 = arith.constant 0 : i32
    %lt3A_525 = arith.cmpi slt, %rem3A_521, %lt3A_524 : i32
    %lt3A_526 = arith.constant 0 : i32
    %lt3A_527 = arith.cmpi slt, %select_n3A_520, %lt3A_526 : i32
    %ne3A_528 = arith.xori %lt3A_525, %lt3A_527 : i1
    %and3A_529 = arith.andi %ne3A_528, %ne3A_523 : i1
    %add3A_530 = arith.addi %rem3A_521, %select_n3A_520 : i32
    %select_n3A_531 = arith.select %and3A_529, %add3A_530, %rem3A_521 : i32
    %mul3A_532 = arith.constant 1000 : i32
    %mul3A_533 = arith.muli %select_n3A_531, %mul3A_532 : i32
    %mul3A_534 = arith.constant 16 : i32
    %mul3A_535 = arith.muli %select_n3A_515, %mul3A_534 : i32
    %mul3A_536 = arith.constant 100000 : i32
    %mul3A_537 = arith.muli %select_n3A_515, %mul3A_536 : i32
    %add3A_538 = arith.addi %mul3A_537, %mul3A_533 : i32
    %dma_wait3A_539 = arith.constant 0 : i32
    %dma_wait3A_540 = tpu.memref_slice %arg3[%add3A_487, %dma_wait3A_539] : memref<2600000x16xf32, #tpu.memory_space<hbm>> -> memref<1000x16xf32, #tpu.memory_space<hbm>>
    %dma_wait3A_541 = arith.constant 0 : i32
    %dma_wait3A_542 = tpu.memref_slice %arg3[%add3A_487, %dma_wait3A_541] : memref<2600000x16xf32, #tpu.memory_space<hbm>> -> memref<1000x16xf32, #tpu.memory_space<hbm>>
    tpu.wait_dma2 semaphore(%arg10 : memref<!tpu.dma_semaphore, #tpu.memory_space<semaphore_mem>>) src(%arg6 : memref<1000x16xf32, #tpu.memory_space<vmem>>) dst(%dma_wait3A_542 : memref<1000x16xf32, #tpu.memory_space<hbm>>)
    %dma_wait3A_543 = arith.constant 0 : i32
    %dma_wait3A_544 = tpu.memref_slice %arg3[%add3A_538, %dma_wait3A_543] : memref<2600000x16xf32, #tpu.memory_space<hbm>> -> memref<1000x16xf32, #tpu.memory_space<hbm>>
    %dma_wait3A_545 = arith.constant 0 : i32
    %dma_wait3A_546 = tpu.memref_slice %arg3[%add3A_538, %dma_wait3A_545] : memref<2600000x16xf32, #tpu.memory_space<hbm>> -> memref<1000x16xf32, #tpu.memory_space<hbm>>
    tpu.wait_dma2 semaphore(%arg11 : memref<!tpu.dma_semaphore, #tpu.memory_space<semaphore_mem>>) src(%arg7 : memref<1000x16xf32, #tpu.memory_space<vmem>>) dst(%dma_wait3A_546 : memref<1000x16xf32, #tpu.memory_space<hbm>>)
    return
  }
}

#map = affine_map<(d0, d1) -> (0, 0)>
module attributes {stable_mosaic.version = 14 : i64} {
  func.func @_sc_body(%arg0: i32, %arg1: i32, %arg2: memref<51200x100xi32, #tpu.memory_space<hbm>>, %arg3: memref<51200x100xf32, #tpu.memory_space<hbm>>, %arg4: memref<2600000x16xf32, #tpu.memory_space<hbm>>, %arg5: memref<51200x490xf32, #tpu.memory_space<hbm>>, %arg6: memref<1600x32xi32, #tpu.memory_space<vmem>>, %arg7: memref<10x80xi32, #tpu.memory_space<vmem>>, %arg8: memref<10x80xi32, #tpu.memory_space<vmem>>, %arg9: memref<800x16xf32, #tpu.memory_space<vmem>>, %arg10: memref<800x16xf32, #tpu.memory_space<vmem>>, %arg11: memref<100x76xf32, #tpu.memory_space<vmem>>, %arg12: memref<100x76xf32, #tpu.memory_space<vmem>>, %arg13: memref<100x74xf32, #tpu.memory_space<vmem>>, %arg14: memref<100x74xf32, #tpu.memory_space<vmem>>, %arg15: memref<!tpu.dma_semaphore, #tpu.memory_space<semaphore_mem>>, %arg16: memref<!tpu.dma_semaphore, #tpu.memory_space<semaphore_mem>>, %arg17: memref<!tpu.dma_semaphore, #tpu.memory_space<semaphore_mem>>) attributes {dimension_semantics = [#tpu.dimension_semantics<core_parallel>, #tpu.dimension_semantics<subcore_parallel>], iteration_bounds = array<i64: 2, 16>, scalar_prefetch = 0 : i64, scratch_operands = 12 : i64, tpu.core_type = #tpu.core_type<sc_vector_subcore>, window_params = [{transform_indices = #map}, {transform_indices = #map}, {transform_indices = #map}, {transform_indices = #map}]} {
    %mul3A = arith.constant 2 : i32
    %mul3A_0 = arith.muli %arg1, %mul3A : i32
    %add3A = arith.addi %mul3A_0, %arg0 : i32
    %mul3A_1 = arith.constant 1600 : i32
    %mul3A_2 = arith.muli %add3A, %mul3A_1 : i32
    "tpu.region"() ({
      %run_scoped3A = tpu.sem_alloc : memref<!tpu.dma_semaphore, #tpu.memory_space<semaphore_mem>>
      %dma_start3A_491 = arith.constant 0 : i32
      %dma_start3A_492 = tpu.memref_slice %arg2[%mul3A_2, %dma_start3A_491] : memref<51200x100xi32, #tpu.memory_space<hbm>> -> memref<1600x32xi32, #tpu.memory_space<hbm>>
      %dma_start3A_493 = arith.constant 0 : i32
      %dma_start3A_494 = tpu.memref_slice %arg2[%mul3A_2, %dma_start3A_493] : memref<51200x100xi32, #tpu.memory_space<hbm>> -> memref<1600x32xi32, #tpu.memory_space<hbm>>
      tpu.enqueue_dma source(%dma_start3A_494 : memref<1600x32xi32, #tpu.memory_space<hbm>>) target(%arg6 : memref<1600x32xi32, #tpu.memory_space<vmem>>) target_semaphore(%run_scoped3A : memref<!tpu.dma_semaphore, #tpu.memory_space<semaphore_mem>>)
      %dma_wait3A_495 = arith.constant 0 : i32
      %dma_wait3A_496 = tpu.memref_slice %arg2[%mul3A_2, %dma_wait3A_495] : memref<51200x100xi32, #tpu.memory_space<hbm>> -> memref<1600x32xi32, #tpu.memory_space<hbm>>
      %dma_wait3A_497 = arith.constant 0 : i32
      %dma_wait3A_498 = tpu.memref_slice %arg2[%mul3A_2, %dma_wait3A_497] : memref<51200x100xi32, #tpu.memory_space<hbm>> -> memref<1600x32xi32, #tpu.memory_space<hbm>>
      tpu.wait_dma2 semaphore(%run_scoped3A : memref<!tpu.dma_semaphore, #tpu.memory_space<semaphore_mem>>) src(%dma_wait3A_498 : memref<1600x32xi32, #tpu.memory_space<hbm>>) dst(%arg6 : memref<1600x32xi32, #tpu.memory_space<vmem>>)
      tpu.yield
    }) : () -> ()
    %iota3A = tpu.iota {dimensions = array<i32: 0>} : vector<16xi32>
    %broadcast_in_dim3A = arith.constant 0 : i32
    %broadcast_in_dim3A_3 = vector.broadcast %broadcast_in_dim3A : i32 to vector<16xi32>
    %scan3A = arith.constant 0 : i32
    %scan3A_4 = arith.constant 0 : i32
    %scan3A_5 = arith.constant 50 : i32
    %scan3A_6 = arith.addi %scan3A_4, %scan3A_5 : i32
    %scan3A_7 = arith.constant 1 : i32
    scf.for %scan3A_491 = %scan3A_4 to %scan3A_6 step %scan3A_7  : i32 {
      %mul3A_492 = arith.constant 16 : i32
      %mul3A_493 = arith.muli %mul3A_492, %scan3A_491 : i32
      %add3A_494 = arith.constant 0 : i32
      %add3A_495 = arith.addi %add3A_494, %mul3A_493 : i32
      %add3A_496 = vector.broadcast %add3A_495 : i32 to vector<16xi32>
      %add3A_497 = arith.addi %iota3A, %add3A_496 : vector<16xi32>
      %gather3A = tpu.vector_load_idx %arg6[%add3A_497, %broadcast_in_dim3A_3] : memref<1600x32xi32, #tpu.memory_space<vmem>>[vector<16xi32>, vector<16xi32>], vector<16xi32>,
      %add3A_498 = arith.constant 0 : i32
      %add3A_499 = vector.broadcast %add3A_498 : i32 to vector<16xi32>
      %add3A_500 = arith.addi %gather3A, %add3A_499 : vector<16xi32>
      %jit3A = arith.constant 5 : i32
      %div3A = arith.divsi %scan3A_491, %jit3A : i32
      %sign3A = arith.constant 0 : i32
      %sign3A_501 = arith.cmpi sgt, %scan3A_491, %sign3A : i32
      %sign3A_502 = arith.extui %sign3A_501 : i1 to i32
      %sign3A_503 = arith.constant 0 : i32
      %sign3A_504 = arith.cmpi slt, %scan3A_491, %sign3A_503 : i32
      %sign3A_505 = arith.extui %sign3A_504 : i1 to i32
      %sign3A_506 = arith.subi %sign3A_502, %sign3A_505 : i32
      %sign3A_507 = arith.constant 0 : i32
      %sign3A_508 = arith.cmpi sgt, %jit3A, %sign3A_507 : i32
      %sign3A_509 = arith.extui %sign3A_508 : i1 to i32
      %sign3A_510 = arith.constant 0 : i32
      %sign3A_511 = arith.cmpi slt, %jit3A, %sign3A_510 : i32
      %sign3A_512 = arith.extui %sign3A_511 : i1 to i32
      %sign3A_513 = arith.subi %sign3A_509, %sign3A_512 : i32
      %ne3A = arith.cmpi ne, %sign3A_506, %sign3A_513 : i32
      %rem3A = arith.remsi %scan3A_491, %jit3A : i32
      %ne3A_514 = arith.constant 0 : i32
      %ne3A_515 = arith.cmpi ne, %rem3A, %ne3A_514 : i32
      %and3A = arith.andi %ne3A, %ne3A_515 : i1
      %sub3A = arith.constant 1 : i32
      %sub3A_516 = arith.subi %div3A, %sub3A : i32
      %select_n3A = arith.select %and3A, %sub3A_516, %div3A : i32
      %jit3A_517 = arith.constant 5 : i32
      %eq3A = arith.constant 0 : i32
      %eq3A_518 = arith.cmpi eq, %jit3A_517, %eq3A : i32
      %jit3A_519 = arith.constant 1 : i32
      %select_n3A_520 = arith.select %eq3A_518, %jit3A_519, %jit3A_517 : i32
      %rem3A_521 = arith.remsi %scan3A_491, %select_n3A_520 : i32
      %ne3A_522 = arith.constant 0 : i32
      %ne3A_523 = arith.cmpi ne, %rem3A_521, %ne3A_522 : i32
      %lt3A = arith.constant 0 : i32
      %lt3A_524 = arith.cmpi slt, %rem3A_521, %lt3A : i32
      %lt3A_525 = arith.constant 0 : i32
      %lt3A_526 = arith.cmpi slt, %select_n3A_520, %lt3A_525 : i32
      %ne3A_527 = arith.xori %lt3A_524, %lt3A_526 : i1
      %and3A_528 = arith.andi %ne3A_527, %ne3A_523 : i1
      %add3A_529 = arith.addi %rem3A_521, %select_n3A_520 : i32
      %select_n3A_530 = arith.select %and3A_528, %add3A_529, %rem3A_521 : i32
      %mul3A_531 = arith.constant 16 : i32
      %mul3A_532 = arith.muli %select_n3A_530, %mul3A_531 : i32
      %swap3A = arith.index_cast %select_n3A : i32 to index
      %swap3A_533 = arith.index_cast %mul3A_532 : i32 to index
      %swap3A_534 = tpu.vector_load %arg7[%swap3A, %swap3A_533] {strides = array<i32>} : memref<10x80xi32, #tpu.memory_space<vmem>>, vector<16xi32>,
      tpu.vector_store %arg7[%swap3A, %swap3A_533], %add3A_500 {strides = array<i32>} : memref<10x80xi32, #tpu.memory_space<vmem>>, vector<16xi32>,
    }
    %scan3A_8 = arith.constant 50 : i32
    %dma_start3A = arith.constant 0 : i32
    %dma_start3A_9 = arith.constant 0 : i32
    %dma_start3A_10 = arith.constant 0 : i32
    %dma_start3A_11 = tpu.memref_slice %arg9[%dma_start3A_9, %dma_start3A_10] : memref<800x16xf32, #tpu.memory_space<vmem>> -> memref<80x16xf32, #tpu.memory_space<vmem>>
    %dma_start3A_12 = arith.constant 0 : i32
    %dma_start3A_13 = tpu.memref_slice %arg7[%dma_start3A, %dma_start3A_12] : memref<10x80xi32, #tpu.memory_space<vmem>> -> memref<1x80xi32, #tpu.memory_space<vmem>>
    %dma_start3A_14 = tpu.memref_squeeze %dma_start3A_13 : memref<1x80xi32, #tpu.memory_space<vmem>> -> memref<80xi32, #tpu.memory_space<vmem>>
    %dma_start3A_15 = arith.constant 0 : i32
    %dma_start3A_16 = arith.constant 0 : i32
    %dma_start3A_17 = tpu.memref_slice %arg4[%dma_start3A_15, %dma_start3A_16] : memref<2600000x16xf32, #tpu.memory_space<hbm>> -> memref<2600000x16xf32, #tpu.memory_space<hbm>>
    tpu.enqueue_indirect_dma source(%dma_start3A_17 : memref<2600000x16xf32, #tpu.memory_space<hbm>>) target(%dma_start3A_11 : memref<80x16xf32, #tpu.memory_space<vmem>>) offsets(%dma_start3A_14 : memref<80xi32, #tpu.memory_space<vmem>>) semaphore(%arg15 : memref<!tpu.dma_semaphore, #tpu.memory_space<semaphore_mem>>)
    %dma_start3A_18 = arith.constant 1 : i32
    %dma_start3A_19 = arith.constant 80 : i32
    %dma_start3A_20 = arith.constant 0 : i32
    %dma_start3A_21 = tpu.memref_slice %arg9[%dma_start3A_19, %dma_start3A_20] : memref<800x16xf32, #tpu.memory_space<vmem>> -> memref<80x16xf32, #tpu.memory_space<vmem>>
    %dma_start3A_22 = arith.constant 0 : i32
    %dma_start3A_23 = tpu.memref_slice %arg7[%dma_start3A_18, %dma_start3A_22] : memref<10x80xi32, #tpu.memory_space<vmem>> -> memref<1x80xi32, #tpu.memory_space<vmem>>
    %dma_start3A_24 = tpu.memref_squeeze %dma_start3A_23 : memref<1x80xi32, #tpu.memory_space<vmem>> -> memref<80xi32, #tpu.memory_space<vmem>>
    %dma_start3A_25 = arith.constant 0 : i32
    %dma_start3A_26 = arith.constant 0 : i32
    %dma_start3A_27 = tpu.memref_slice %arg4[%dma_start3A_25, %dma_start3A_26] : memref<2600000x16xf32, #tpu.memory_space<hbm>> -> memref<2600000x16xf32, #tpu.memory_space<hbm>>
    tpu.enqueue_indirect_dma source(%dma_start3A_27 : memref<2600000x16xf32, #tpu.memory_space<hbm>>) target(%dma_start3A_21 : memref<80x16xf32, #tpu.memory_space<vmem>>) offsets(%dma_start3A_24 : memref<80xi32, #tpu.memory_space<vmem>>) semaphore(%arg15 : memref<!tpu.dma_semaphore, #tpu.memory_space<semaphore_mem>>)
    %dma_start3A_28 = arith.constant 2 : i32
    %dma_start3A_29 = arith.constant 160 : i32
    %dma_start3A_30 = arith.constant 0 : i32
    %dma_start3A_31 = tpu.memref_slice %arg9[%dma_start3A_29, %dma_start3A_30] : memref<800x16xf32, #tpu.memory_space<vmem>> -> memref<80x16xf32, #tpu.memory_space<vmem>>
    %dma_start3A_32 = arith.constant 0 : i32
    %dma_start3A_33 = tpu.memref_slice %arg7[%dma_start3A_28, %dma_start3A_32] : memref<10x80xi32, #tpu.memory_space<vmem>> -> memref<1x80xi32, #tpu.memory_space<vmem>>
    %dma_start3A_34 = tpu.memref_squeeze %dma_start3A_33 : memref<1x80xi32, #tpu.memory_space<vmem>> -> memref<80xi32, #tpu.memory_space<vmem>>
    %dma_start3A_35 = arith.constant 0 : i32
    %dma_start3A_36 = arith.constant 0 : i32
    %dma_start3A_37 = tpu.memref_slice %arg4[%dma_start3A_35, %dma_start3A_36] : memref<2600000x16xf32, #tpu.memory_space<hbm>> -> memref<2600000x16xf32, #tpu.memory_space<hbm>>
    tpu.enqueue_indirect_dma source(%dma_start3A_37 : memref<2600000x16xf32, #tpu.memory_space<hbm>>) target(%dma_start3A_31 : memref<80x16xf32, #tpu.memory_space<vmem>>) offsets(%dma_start3A_34 : memref<80xi32, #tpu.memory_space<vmem>>) semaphore(%arg15 : memref<!tpu.dma_semaphore, #tpu.memory_space<semaphore_mem>>)
    %dma_start3A_38 = arith.constant 3 : i32
    %dma_start3A_39 = arith.constant 240 : i32
    %dma_start3A_40 = arith.constant 0 : i32
    %dma_start3A_41 = tpu.memref_slice %arg9[%dma_start3A_39, %dma_start3A_40] : memref<800x16xf32, #tpu.memory_space<vmem>> -> memref<80x16xf32, #tpu.memory_space<vmem>>
    %dma_start3A_42 = arith.constant 0 : i32
    %dma_start3A_43 = tpu.memref_slice %arg7[%dma_start3A_38, %dma_start3A_42] : memref<10x80xi32, #tpu.memory_space<vmem>> -> memref<1x80xi32, #tpu.memory_space<vmem>>
    %dma_start3A_44 = tpu.memref_squeeze %dma_start3A_43 : memref<1x80xi32, #tpu.memory_space<vmem>> -> memref<80xi32, #tpu.memory_space<vmem>>
    %dma_start3A_45 = arith.constant 0 : i32
    %dma_start3A_46 = arith.constant 0 : i32
    %dma_start3A_47 = tpu.memref_slice %arg4[%dma_start3A_45, %dma_start3A_46] : memref<2600000x16xf32, #tpu.memory_space<hbm>> -> memref<2600000x16xf32, #tpu.memory_space<hbm>>
    tpu.enqueue_indirect_dma source(%dma_start3A_47 : memref<2600000x16xf32, #tpu.memory_space<hbm>>) target(%dma_start3A_41 : memref<80x16xf32, #tpu.memory_space<vmem>>) offsets(%dma_start3A_44 : memref<80xi32, #tpu.memory_space<vmem>>) semaphore(%arg15 : memref<!tpu.dma_semaphore, #tpu.memory_space<semaphore_mem>>)
    %dma_start3A_48 = arith.constant 4 : i32
    %dma_start3A_49 = arith.constant 320 : i32
    %dma_start3A_50 = arith.constant 0 : i32
    %dma_start3A_51 = tpu.memref_slice %arg9[%dma_start3A_49, %dma_start3A_50] : memref<800x16xf32, #tpu.memory_space<vmem>> -> memref<80x16xf32, #tpu.memory_space<vmem>>
    %dma_start3A_52 = arith.constant 0 : i32
    %dma_start3A_53 = tpu.memref_slice %arg7[%dma_start3A_48, %dma_start3A_52] : memref<10x80xi32, #tpu.memory_space<vmem>> -> memref<1x80xi32, #tpu.memory_space<vmem>>
    %dma_start3A_54 = tpu.memref_squeeze %dma_start3A_53 : memref<1x80xi32, #tpu.memory_space<vmem>> -> memref<80xi32, #tpu.memory_space<vmem>>
    %dma_start3A_55 = arith.constant 0 : i32
    %dma_start3A_56 = arith.constant 0 : i32
    %dma_start3A_57 = tpu.memref_slice %arg4[%dma_start3A_55, %dma_start3A_56] : memref<2600000x16xf32, #tpu.memory_space<hbm>> -> memref<2600000x16xf32, #tpu.memory_space<hbm>>
    tpu.enqueue_indirect_dma source(%dma_start3A_57 : memref<2600000x16xf32, #tpu.memory_space<hbm>>) target(%dma_start3A_51 : memref<80x16xf32, #tpu.memory_space<vmem>>) offsets(%dma_start3A_54 : memref<80xi32, #tpu.memory_space<vmem>>) semaphore(%arg15 : memref<!tpu.dma_semaphore, #tpu.memory_space<semaphore_mem>>)
    %dma_start3A_58 = arith.constant 5 : i32
    %dma_start3A_59 = arith.constant 400 : i32
    %dma_start3A_60 = arith.constant 0 : i32
    %dma_start3A_61 = tpu.memref_slice %arg9[%dma_start3A_59, %dma_start3A_60] : memref<800x16xf32, #tpu.memory_space<vmem>> -> memref<80x16xf32, #tpu.memory_space<vmem>>
    %dma_start3A_62 = arith.constant 0 : i32
    %dma_start3A_63 = tpu.memref_slice %arg7[%dma_start3A_58, %dma_start3A_62] : memref<10x80xi32, #tpu.memory_space<vmem>> -> memref<1x80xi32, #tpu.memory_space<vmem>>
    %dma_start3A_64 = tpu.memref_squeeze %dma_start3A_63 : memref<1x80xi32, #tpu.memory_space<vmem>> -> memref<80xi32, #tpu.memory_space<vmem>>
    %dma_start3A_65 = arith.constant 0 : i32
    %dma_start3A_66 = arith.constant 0 : i32
    %dma_start3A_67 = tpu.memref_slice %arg4[%dma_start3A_65, %dma_start3A_66] : memref<2600000x16xf32, #tpu.memory_space<hbm>> -> memref<2600000x16xf32, #tpu.memory_space<hbm>>
    tpu.enqueue_indirect_dma source(%dma_start3A_67 : memref<2600000x16xf32, #tpu.memory_space<hbm>>) target(%dma_start3A_61 : memref<80x16xf32, #tpu.memory_space<vmem>>) offsets(%dma_start3A_64 : memref<80xi32, #tpu.memory_space<vmem>>) semaphore(%arg15 : memref<!tpu.dma_semaphore, #tpu.memory_space<semaphore_mem>>)
    %dma_start3A_68 = arith.constant 6 : i32
    %dma_start3A_69 = arith.constant 480 : i32
    %dma_start3A_70 = arith.constant 0 : i32
    %dma_start3A_71 = tpu.memref_slice %arg9[%dma_start3A_69, %dma_start3A_70] : memref<800x16xf32, #tpu.memory_space<vmem>> -> memref<80x16xf32, #tpu.memory_space<vmem>>
    %dma_start3A_72 = arith.constant 0 : i32
    %dma_start3A_73 = tpu.memref_slice %arg7[%dma_start3A_68, %dma_start3A_72] : memref<10x80xi32, #tpu.memory_space<vmem>> -> memref<1x80xi32, #tpu.memory_space<vmem>>
    %dma_start3A_74 = tpu.memref_squeeze %dma_start3A_73 : memref<1x80xi32, #tpu.memory_space<vmem>> -> memref<80xi32, #tpu.memory_space<vmem>>
    %dma_start3A_75 = arith.constant 0 : i32
    %dma_start3A_76 = arith.constant 0 : i32
    %dma_start3A_77 = tpu.memref_slice %arg4[%dma_start3A_75, %dma_start3A_76] : memref<2600000x16xf32, #tpu.memory_space<hbm>> -> memref<2600000x16xf32, #tpu.memory_space<hbm>>
    tpu.enqueue_indirect_dma source(%dma_start3A_77 : memref<2600000x16xf32, #tpu.memory_space<hbm>>) target(%dma_start3A_71 : memref<80x16xf32, #tpu.memory_space<vmem>>) offsets(%dma_start3A_74 : memref<80xi32, #tpu.memory_space<vmem>>) semaphore(%arg15 : memref<!tpu.dma_semaphore, #tpu.memory_space<semaphore_mem>>)
    %dma_start3A_78 = arith.constant 7 : i32
    %dma_start3A_79 = arith.constant 560 : i32
    %dma_start3A_80 = arith.constant 0 : i32
    %dma_start3A_81 = tpu.memref_slice %arg9[%dma_start3A_79, %dma_start3A_80] : memref<800x16xf32, #tpu.memory_space<vmem>> -> memref<80x16xf32, #tpu.memory_space<vmem>>
    %dma_start3A_82 = arith.constant 0 : i32
    %dma_start3A_83 = tpu.memref_slice %arg7[%dma_start3A_78, %dma_start3A_82] : memref<10x80xi32, #tpu.memory_space<vmem>> -> memref<1x80xi32, #tpu.memory_space<vmem>>
    %dma_start3A_84 = tpu.memref_squeeze %dma_start3A_83 : memref<1x80xi32, #tpu.memory_space<vmem>> -> memref<80xi32, #tpu.memory_space<vmem>>
    %dma_start3A_85 = arith.constant 0 : i32
    %dma_start3A_86 = arith.constant 0 : i32
    %dma_start3A_87 = tpu.memref_slice %arg4[%dma_start3A_85, %dma_start3A_86] : memref<2600000x16xf32, #tpu.memory_space<hbm>> -> memref<2600000x16xf32, #tpu.memory_space<hbm>>
    tpu.enqueue_indirect_dma source(%dma_start3A_87 : memref<2600000x16xf32, #tpu.memory_space<hbm>>) target(%dma_start3A_81 : memref<80x16xf32, #tpu.memory_space<vmem>>) offsets(%dma_start3A_84 : memref<80xi32, #tpu.memory_space<vmem>>) semaphore(%arg15 : memref<!tpu.dma_semaphore, #tpu.memory_space<semaphore_mem>>)
    %dma_start3A_88 = arith.constant 8 : i32
    %dma_start3A_89 = arith.constant 640 : i32
    %dma_start3A_90 = arith.constant 0 : i32
    %dma_start3A_91 = tpu.memref_slice %arg9[%dma_start3A_89, %dma_start3A_90] : memref<800x16xf32, #tpu.memory_space<vmem>> -> memref<80x16xf32, #tpu.memory_space<vmem>>
    %dma_start3A_92 = arith.constant 0 : i32
    %dma_start3A_93 = tpu.memref_slice %arg7[%dma_start3A_88, %dma_start3A_92] : memref<10x80xi32, #tpu.memory_space<vmem>> -> memref<1x80xi32, #tpu.memory_space<vmem>>
    %dma_start3A_94 = tpu.memref_squeeze %dma_start3A_93 : memref<1x80xi32, #tpu.memory_space<vmem>> -> memref<80xi32, #tpu.memory_space<vmem>>
    %dma_start3A_95 = arith.constant 0 : i32
    %dma_start3A_96 = arith.constant 0 : i32
    %dma_start3A_97 = tpu.memref_slice %arg4[%dma_start3A_95, %dma_start3A_96] : memref<2600000x16xf32, #tpu.memory_space<hbm>> -> memref<2600000x16xf32, #tpu.memory_space<hbm>>
    tpu.enqueue_indirect_dma source(%dma_start3A_97 : memref<2600000x16xf32, #tpu.memory_space<hbm>>) target(%dma_start3A_91 : memref<80x16xf32, #tpu.memory_space<vmem>>) offsets(%dma_start3A_94 : memref<80xi32, #tpu.memory_space<vmem>>) semaphore(%arg15 : memref<!tpu.dma_semaphore, #tpu.memory_space<semaphore_mem>>)
    %dma_start3A_98 = arith.constant 9 : i32
    %dma_start3A_99 = arith.constant 720 : i32
    %dma_start3A_100 = arith.constant 0 : i32
    %dma_start3A_101 = tpu.memref_slice %arg9[%dma_start3A_99, %dma_start3A_100] : memref<800x16xf32, #tpu.memory_space<vmem>> -> memref<80x16xf32, #tpu.memory_space<vmem>>
    %dma_start3A_102 = arith.constant 0 : i32
    %dma_start3A_103 = tpu.memref_slice %arg7[%dma_start3A_98, %dma_start3A_102] : memref<10x80xi32, #tpu.memory_space<vmem>> -> memref<1x80xi32, #tpu.memory_space<vmem>>
    %dma_start3A_104 = tpu.memref_squeeze %dma_start3A_103 : memref<1x80xi32, #tpu.memory_space<vmem>> -> memref<80xi32, #tpu.memory_space<vmem>>
    %dma_start3A_105 = arith.constant 0 : i32
    %dma_start3A_106 = arith.constant 0 : i32
    %dma_start3A_107 = tpu.memref_slice %arg4[%dma_start3A_105, %dma_start3A_106] : memref<2600000x16xf32, #tpu.memory_space<hbm>> -> memref<2600000x16xf32, #tpu.memory_space<hbm>>
    tpu.enqueue_indirect_dma source(%dma_start3A_107 : memref<2600000x16xf32, #tpu.memory_space<hbm>>) target(%dma_start3A_101 : memref<80x16xf32, #tpu.memory_space<vmem>>) offsets(%dma_start3A_104 : memref<80xi32, #tpu.memory_space<vmem>>) semaphore(%arg15 : memref<!tpu.dma_semaphore, #tpu.memory_space<semaphore_mem>>)
    %dma_wait3A = arith.constant 0 : i32
    %dma_wait3A_108 = arith.constant 0 : i32
    %dma_wait3A_109 = arith.constant 0 : i32
    %dma_wait3A_110 = tpu.memref_slice %arg9[%dma_wait3A_108, %dma_wait3A_109] : memref<800x16xf32, #tpu.memory_space<vmem>> -> memref<80x16xf32, #tpu.memory_space<vmem>>
    %dma_wait3A_111 = arith.constant 0 : i32
    %dma_wait3A_112 = tpu.memref_slice %arg7[%dma_wait3A, %dma_wait3A_111] : memref<10x80xi32, #tpu.memory_space<vmem>> -> memref<1x80xi32, #tpu.memory_space<vmem>>
    %dma_wait3A_113 = tpu.memref_squeeze %dma_wait3A_112 : memref<1x80xi32, #tpu.memory_space<vmem>> -> memref<80xi32, #tpu.memory_space<vmem>>
    %dma_wait3A_114 = arith.constant 0 : i32
    %dma_wait3A_115 = arith.constant 0 : i32
    %dma_wait3A_116 = tpu.memref_slice %arg4[%dma_wait3A_114, %dma_wait3A_115] : memref<2600000x16xf32, #tpu.memory_space<hbm>> -> memref<2600000x16xf32, #tpu.memory_space<hbm>>
    tpu.wait_indirect_dma semaphore(%arg15 : memref<!tpu.dma_semaphore, #tpu.memory_space<semaphore_mem>>) src(%dma_wait3A_116 : memref<2600000x16xf32, #tpu.memory_space<hbm>>) dst(%dma_wait3A_110 : memref<80x16xf32, #tpu.memory_space<vmem>>)
    %dma_wait3A_117 = arith.constant 1 : i32
    %dma_wait3A_118 = arith.constant 80 : i32
    %dma_wait3A_119 = arith.constant 0 : i32
    %dma_wait3A_120 = tpu.memref_slice %arg9[%dma_wait3A_118, %dma_wait3A_119] : memref<800x16xf32, #tpu.memory_space<vmem>> -> memref<80x16xf32, #tpu.memory_space<vmem>>
    %dma_wait3A_121 = arith.constant 0 : i32
    %dma_wait3A_122 = tpu.memref_slice %arg7[%dma_wait3A_117, %dma_wait3A_121] : memref<10x80xi32, #tpu.memory_space<vmem>> -> memref<1x80xi32, #tpu.memory_space<vmem>>
    %dma_wait3A_123 = tpu.memref_squeeze %dma_wait3A_122 : memref<1x80xi32, #tpu.memory_space<vmem>> -> memref<80xi32, #tpu.memory_space<vmem>>
    %dma_wait3A_124 = arith.constant 0 : i32
    %dma_wait3A_125 = arith.constant 0 : i32
    %dma_wait3A_126 = tpu.memref_slice %arg4[%dma_wait3A_124, %dma_wait3A_125] : memref<2600000x16xf32, #tpu.memory_space<hbm>> -> memref<2600000x16xf32, #tpu.memory_space<hbm>>
    tpu.wait_indirect_dma semaphore(%arg15 : memref<!tpu.dma_semaphore, #tpu.memory_space<semaphore_mem>>) src(%dma_wait3A_126 : memref<2600000x16xf32, #tpu.memory_space<hbm>>) dst(%dma_wait3A_120 : memref<80x16xf32, #tpu.memory_space<vmem>>)
    %dma_wait3A_127 = arith.constant 2 : i32
    %dma_wait3A_128 = arith.constant 160 : i32
    %dma_wait3A_129 = arith.constant 0 : i32
    %dma_wait3A_130 = tpu.memref_slice %arg9[%dma_wait3A_128, %dma_wait3A_129] : memref<800x16xf32, #tpu.memory_space<vmem>> -> memref<80x16xf32, #tpu.memory_space<vmem>>
    %dma_wait3A_131 = arith.constant 0 : i32
    %dma_wait3A_132 = tpu.memref_slice %arg7[%dma_wait3A_127, %dma_wait3A_131] : memref<10x80xi32, #tpu.memory_space<vmem>> -> memref<1x80xi32, #tpu.memory_space<vmem>>
    %dma_wait3A_133 = tpu.memref_squeeze %dma_wait3A_132 : memref<1x80xi32, #tpu.memory_space<vmem>> -> memref<80xi32, #tpu.memory_space<vmem>>
    %dma_wait3A_134 = arith.constant 0 : i32
    %dma_wait3A_135 = arith.constant 0 : i32
    %dma_wait3A_136 = tpu.memref_slice %arg4[%dma_wait3A_134, %dma_wait3A_135] : memref<2600000x16xf32, #tpu.memory_space<hbm>> -> memref<2600000x16xf32, #tpu.memory_space<hbm>>
    tpu.wait_indirect_dma semaphore(%arg15 : memref<!tpu.dma_semaphore, #tpu.memory_space<semaphore_mem>>) src(%dma_wait3A_136 : memref<2600000x16xf32, #tpu.memory_space<hbm>>) dst(%dma_wait3A_130 : memref<80x16xf32, #tpu.memory_space<vmem>>)
    %dma_wait3A_137 = arith.constant 3 : i32
    %dma_wait3A_138 = arith.constant 240 : i32
    %dma_wait3A_139 = arith.constant 0 : i32
    %dma_wait3A_140 = tpu.memref_slice %arg9[%dma_wait3A_138, %dma_wait3A_139] : memref<800x16xf32, #tpu.memory_space<vmem>> -> memref<80x16xf32, #tpu.memory_space<vmem>>
    %dma_wait3A_141 = arith.constant 0 : i32
    %dma_wait3A_142 = tpu.memref_slice %arg7[%dma_wait3A_137, %dma_wait3A_141] : memref<10x80xi32, #tpu.memory_space<vmem>> -> memref<1x80xi32, #tpu.memory_space<vmem>>
    %dma_wait3A_143 = tpu.memref_squeeze %dma_wait3A_142 : memref<1x80xi32, #tpu.memory_space<vmem>> -> memref<80xi32, #tpu.memory_space<vmem>>
    %dma_wait3A_144 = arith.constant 0 : i32
    %dma_wait3A_145 = arith.constant 0 : i32
    %dma_wait3A_146 = tpu.memref_slice %arg4[%dma_wait3A_144, %dma_wait3A_145] : memref<2600000x16xf32, #tpu.memory_space<hbm>> -> memref<2600000x16xf32, #tpu.memory_space<hbm>>
    tpu.wait_indirect_dma semaphore(%arg15 : memref<!tpu.dma_semaphore, #tpu.memory_space<semaphore_mem>>) src(%dma_wait3A_146 : memref<2600000x16xf32, #tpu.memory_space<hbm>>) dst(%dma_wait3A_140 : memref<80x16xf32, #tpu.memory_space<vmem>>)
    %dma_wait3A_147 = arith.constant 4 : i32
    %dma_wait3A_148 = arith.constant 320 : i32
    %dma_wait3A_149 = arith.constant 0 : i32
    %dma_wait3A_150 = tpu.memref_slice %arg9[%dma_wait3A_148, %dma_wait3A_149] : memref<800x16xf32, #tpu.memory_space<vmem>> -> memref<80x16xf32, #tpu.memory_space<vmem>>
    %dma_wait3A_151 = arith.constant 0 : i32
    %dma_wait3A_152 = tpu.memref_slice %arg7[%dma_wait3A_147, %dma_wait3A_151] : memref<10x80xi32, #tpu.memory_space<vmem>> -> memref<1x80xi32, #tpu.memory_space<vmem>>
    %dma_wait3A_153 = tpu.memref_squeeze %dma_wait3A_152 : memref<1x80xi32, #tpu.memory_space<vmem>> -> memref<80xi32, #tpu.memory_space<vmem>>
    %dma_wait3A_154 = arith.constant 0 : i32
    %dma_wait3A_155 = arith.constant 0 : i32
    %dma_wait3A_156 = tpu.memref_slice %arg4[%dma_wait3A_154, %dma_wait3A_155] : memref<2600000x16xf32, #tpu.memory_space<hbm>> -> memref<2600000x16xf32, #tpu.memory_space<hbm>>
    tpu.wait_indirect_dma semaphore(%arg15 : memref<!tpu.dma_semaphore, #tpu.memory_space<semaphore_mem>>) src(%dma_wait3A_156 : memref<2600000x16xf32, #tpu.memory_space<hbm>>) dst(%dma_wait3A_150 : memref<80x16xf32, #tpu.memory_space<vmem>>)
    %dma_wait3A_157 = arith.constant 5 : i32
    %dma_wait3A_158 = arith.constant 400 : i32
    %dma_wait3A_159 = arith.constant 0 : i32
    %dma_wait3A_160 = tpu.memref_slice %arg9[%dma_wait3A_158, %dma_wait3A_159] : memref<800x16xf32, #tpu.memory_space<vmem>> -> memref<80x16xf32, #tpu.memory_space<vmem>>
    %dma_wait3A_161 = arith.constant 0 : i32
    %dma_wait3A_162 = tpu.memref_slice %arg7[%dma_wait3A_157, %dma_wait3A_161] : memref<10x80xi32, #tpu.memory_space<vmem>> -> memref<1x80xi32, #tpu.memory_space<vmem>>
    %dma_wait3A_163 = tpu.memref_squeeze %dma_wait3A_162 : memref<1x80xi32, #tpu.memory_space<vmem>> -> memref<80xi32, #tpu.memory_space<vmem>>
    %dma_wait3A_164 = arith.constant 0 : i32
    %dma_wait3A_165 = arith.constant 0 : i32
    %dma_wait3A_166 = tpu.memref_slice %arg4[%dma_wait3A_164, %dma_wait3A_165] : memref<2600000x16xf32, #tpu.memory_space<hbm>> -> memref<2600000x16xf32, #tpu.memory_space<hbm>>
    tpu.wait_indirect_dma semaphore(%arg15 : memref<!tpu.dma_semaphore, #tpu.memory_space<semaphore_mem>>) src(%dma_wait3A_166 : memref<2600000x16xf32, #tpu.memory_space<hbm>>) dst(%dma_wait3A_160 : memref<80x16xf32, #tpu.memory_space<vmem>>)
    %dma_wait3A_167 = arith.constant 6 : i32
    %dma_wait3A_168 = arith.constant 480 : i32
    %dma_wait3A_169 = arith.constant 0 : i32
    %dma_wait3A_170 = tpu.memref_slice %arg9[%dma_wait3A_168, %dma_wait3A_169] : memref<800x16xf32, #tpu.memory_space<vmem>> -> memref<80x16xf32, #tpu.memory_space<vmem>>
    %dma_wait3A_171 = arith.constant 0 : i32
    %dma_wait3A_172 = tpu.memref_slice %arg7[%dma_wait3A_167, %dma_wait3A_171] : memref<10x80xi32, #tpu.memory_space<vmem>> -> memref<1x80xi32, #tpu.memory_space<vmem>>
    %dma_wait3A_173 = tpu.memref_squeeze %dma_wait3A_172 : memref<1x80xi32, #tpu.memory_space<vmem>> -> memref<80xi32, #tpu.memory_space<vmem>>
    %dma_wait3A_174 = arith.constant 0 : i32
    %dma_wait3A_175 = arith.constant 0 : i32
    %dma_wait3A_176 = tpu.memref_slice %arg4[%dma_wait3A_174, %dma_wait3A_175] : memref<2600000x16xf32, #tpu.memory_space<hbm>> -> memref<2600000x16xf32, #tpu.memory_space<hbm>>
    tpu.wait_indirect_dma semaphore(%arg15 : memref<!tpu.dma_semaphore, #tpu.memory_space<semaphore_mem>>) src(%dma_wait3A_176 : memref<2600000x16xf32, #tpu.memory_space<hbm>>) dst(%dma_wait3A_170 : memref<80x16xf32, #tpu.memory_space<vmem>>)
    %dma_wait3A_177 = arith.constant 7 : i32
    %dma_wait3A_178 = arith.constant 560 : i32
    %dma_wait3A_179 = arith.constant 0 : i32
    %dma_wait3A_180 = tpu.memref_slice %arg9[%dma_wait3A_178, %dma_wait3A_179] : memref<800x16xf32, #tpu.memory_space<vmem>> -> memref<80x16xf32, #tpu.memory_space<vmem>>
    %dma_wait3A_181 = arith.constant 0 : i32
    %dma_wait3A_182 = tpu.memref_slice %arg7[%dma_wait3A_177, %dma_wait3A_181] : memref<10x80xi32, #tpu.memory_space<vmem>> -> memref<1x80xi32, #tpu.memory_space<vmem>>
    %dma_wait3A_183 = tpu.memref_squeeze %dma_wait3A_182 : memref<1x80xi32, #tpu.memory_space<vmem>> -> memref<80xi32, #tpu.memory_space<vmem>>
    %dma_wait3A_184 = arith.constant 0 : i32
    %dma_wait3A_185 = arith.constant 0 : i32
    %dma_wait3A_186 = tpu.memref_slice %arg4[%dma_wait3A_184, %dma_wait3A_185] : memref<2600000x16xf32, #tpu.memory_space<hbm>> -> memref<2600000x16xf32, #tpu.memory_space<hbm>>
    tpu.wait_indirect_dma semaphore(%arg15 : memref<!tpu.dma_semaphore, #tpu.memory_space<semaphore_mem>>) src(%dma_wait3A_186 : memref<2600000x16xf32, #tpu.memory_space<hbm>>) dst(%dma_wait3A_180 : memref<80x16xf32, #tpu.memory_space<vmem>>)
    %dma_wait3A_187 = arith.constant 8 : i32
    %dma_wait3A_188 = arith.constant 640 : i32
    %dma_wait3A_189 = arith.constant 0 : i32
    %dma_wait3A_190 = tpu.memref_slice %arg9[%dma_wait3A_188, %dma_wait3A_189] : memref<800x16xf32, #tpu.memory_space<vmem>> -> memref<80x16xf32, #tpu.memory_space<vmem>>
    %dma_wait3A_191 = arith.constant 0 : i32
    %dma_wait3A_192 = tpu.memref_slice %arg7[%dma_wait3A_187, %dma_wait3A_191] : memref<10x80xi32, #tpu.memory_space<vmem>> -> memref<1x80xi32, #tpu.memory_space<vmem>>
    %dma_wait3A_193 = tpu.memref_squeeze %dma_wait3A_192 : memref<1x80xi32, #tpu.memory_space<vmem>> -> memref<80xi32, #tpu.memory_space<vmem>>
    %dma_wait3A_194 = arith.constant 0 : i32
    %dma_wait3A_195 = arith.constant 0 : i32
    %dma_wait3A_196 = tpu.memref_slice %arg4[%dma_wait3A_194, %dma_wait3A_195] : memref<2600000x16xf32, #tpu.memory_space<hbm>> -> memref<2600000x16xf32, #tpu.memory_space<hbm>>
    tpu.wait_indirect_dma semaphore(%arg15 : memref<!tpu.dma_semaphore, #tpu.memory_space<semaphore_mem>>) src(%dma_wait3A_196 : memref<2600000x16xf32, #tpu.memory_space<hbm>>) dst(%dma_wait3A_190 : memref<80x16xf32, #tpu.memory_space<vmem>>)
    %dma_wait3A_197 = arith.constant 9 : i32
    %dma_wait3A_198 = arith.constant 720 : i32
    %dma_wait3A_199 = arith.constant 0 : i32
    %dma_wait3A_200 = tpu.memref_slice %arg9[%dma_wait3A_198, %dma_wait3A_199] : memref<800x16xf32, #tpu.memory_space<vmem>> -> memref<80x16xf32, #tpu.memory_space<vmem>>
    %dma_wait3A_201 = arith.constant 0 : i32
    %dma_wait3A_202 = tpu.memref_slice %arg7[%dma_wait3A_197, %dma_wait3A_201] : memref<10x80xi32, #tpu.memory_space<vmem>> -> memref<1x80xi32, #tpu.memory_space<vmem>>
    %dma_wait3A_203 = tpu.memref_squeeze %dma_wait3A_202 : memref<1x80xi32, #tpu.memory_space<vmem>> -> memref<80xi32, #tpu.memory_space<vmem>>
    %dma_wait3A_204 = arith.constant 0 : i32
    %dma_wait3A_205 = arith.constant 0 : i32
    %dma_wait3A_206 = tpu.memref_slice %arg4[%dma_wait3A_204, %dma_wait3A_205] : memref<2600000x16xf32, #tpu.memory_space<hbm>> -> memref<2600000x16xf32, #tpu.memory_space<hbm>>
    tpu.wait_indirect_dma semaphore(%arg15 : memref<!tpu.dma_semaphore, #tpu.memory_space<semaphore_mem>>) src(%dma_wait3A_206 : memref<2600000x16xf32, #tpu.memory_space<hbm>>) dst(%dma_wait3A_200 : memref<80x16xf32, #tpu.memory_space<vmem>>)
    %add3A_207 = arith.constant 0 : i32
    %add3A_208 = arith.addi %mul3A_2, %add3A_207 : i32
    %dma_start3A_209 = arith.constant 0 : i32
    %dma_start3A_210 = tpu.memref_slice %arg5[%add3A_208, %dma_start3A_209] : memref<51200x490xf32, #tpu.memory_space<hbm>> -> memref<800x16xf32, #tpu.memory_space<hbm>>
    %dma_start3A_211 = arith.constant 0 : i32
    %dma_start3A_212 = tpu.memref_slice %arg5[%add3A_208, %dma_start3A_211] : memref<51200x490xf32, #tpu.memory_space<hbm>> -> memref<800x16xf32, #tpu.memory_space<hbm>>
    tpu.enqueue_dma source(%arg9 : memref<800x16xf32, #tpu.memory_space<vmem>>) target(%dma_start3A_212 : memref<800x16xf32, #tpu.memory_space<hbm>>) target_semaphore(%arg16 : memref<!tpu.dma_semaphore, #tpu.memory_space<semaphore_mem>>)
    %broadcast_in_dim3A_213 = arith.constant 0 : i32
    %broadcast_in_dim3A_214 = vector.broadcast %broadcast_in_dim3A_213 : i32 to vector<16xi32>
    %scan3A_215 = arith.constant 0 : i32
    %scan3A_216 = arith.constant 0 : i32
    %scan3A_217 = arith.constant 50 : i32
    %scan3A_218 = arith.addi %scan3A_216, %scan3A_217 : i32
    %scan3A_219 = arith.constant 1 : i32
    scf.for %scan3A_491 = %scan3A_216 to %scan3A_218 step %scan3A_219  : i32 {
      %mul3A_492 = arith.constant 16 : i32
      %mul3A_493 = arith.muli %mul3A_492, %scan3A_491 : i32
      %add3A_494 = arith.constant 800 : i32
      %add3A_495 = arith.addi %add3A_494, %mul3A_493 : i32
      %add3A_496 = vector.broadcast %add3A_495 : i32 to vector<16xi32>
      %add3A_497 = arith.addi %iota3A, %add3A_496 : vector<16xi32>
      %gather3A = tpu.vector_load_idx %arg6[%add3A_497, %broadcast_in_dim3A_214] : memref<1600x32xi32, #tpu.memory_space<vmem>>[vector<16xi32>, vector<16xi32>], vector<16xi32>,
      %add3A_498 = arith.constant 0 : i32
      %add3A_499 = vector.broadcast %add3A_498 : i32 to vector<16xi32>
      %add3A_500 = arith.addi %gather3A, %add3A_499 : vector<16xi32>
      %jit3A = arith.constant 5 : i32
      %div3A = arith.divsi %scan3A_491, %jit3A : i32
      %sign3A = arith.constant 0 : i32
      %sign3A_501 = arith.cmpi sgt, %scan3A_491, %sign3A : i32
      %sign3A_502 = arith.extui %sign3A_501 : i1 to i32
      %sign3A_503 = arith.constant 0 : i32
      %sign3A_504 = arith.cmpi slt, %scan3A_491, %sign3A_503 : i32
      %sign3A_505 = arith.extui %sign3A_504 : i1 to i32
      %sign3A_506 = arith.subi %sign3A_502, %sign3A_505 : i32
      %sign3A_507 = arith.constant 0 : i32
      %sign3A_508 = arith.cmpi sgt, %jit3A, %sign3A_507 : i32
      %sign3A_509 = arith.extui %sign3A_508 : i1 to i32
      %sign3A_510 = arith.constant 0 : i32
      %sign3A_511 = arith.cmpi slt, %jit3A, %sign3A_510 : i32
      %sign3A_512 = arith.extui %sign3A_511 : i1 to i32
      %sign3A_513 = arith.subi %sign3A_509, %sign3A_512 : i32
      %ne3A = arith.cmpi ne, %sign3A_506, %sign3A_513 : i32
      %rem3A = arith.remsi %scan3A_491, %jit3A : i32
      %ne3A_514 = arith.constant 0 : i32
      %ne3A_515 = arith.cmpi ne, %rem3A, %ne3A_514 : i32
      %and3A = arith.andi %ne3A, %ne3A_515 : i1
      %sub3A = arith.constant 1 : i32
      %sub3A_516 = arith.subi %div3A, %sub3A : i32
      %select_n3A = arith.select %and3A, %sub3A_516, %div3A : i32
      %jit3A_517 = arith.constant 5 : i32
      %eq3A = arith.constant 0 : i32
      %eq3A_518 = arith.cmpi eq, %jit3A_517, %eq3A : i32
      %jit3A_519 = arith.constant 1 : i32
      %select_n3A_520 = arith.select %eq3A_518, %jit3A_519, %jit3A_517 : i32
      %rem3A_521 = arith.remsi %scan3A_491, %select_n3A_520 : i32
      %ne3A_522 = arith.constant 0 : i32
      %ne3A_523 = arith.cmpi ne, %rem3A_521, %ne3A_522 : i32
      %lt3A = arith.constant 0 : i32
      %lt3A_524 = arith.cmpi slt, %rem3A_521, %lt3A : i32
      %lt3A_525 = arith.constant 0 : i32
      %lt3A_526 = arith.cmpi slt, %select_n3A_520, %lt3A_525 : i32
      %ne3A_527 = arith.xori %lt3A_524, %lt3A_526 : i1
      %and3A_528 = arith.andi %ne3A_527, %ne3A_523 : i1
      %add3A_529 = arith.addi %rem3A_521, %select_n3A_520 : i32
      %select_n3A_530 = arith.select %and3A_528, %add3A_529, %rem3A_521 : i32
      %mul3A_531 = arith.constant 16 : i32
      %mul3A_532 = arith.muli %select_n3A_530, %mul3A_531 : i32
      %swap3A = arith.index_cast %select_n3A : i32 to index
      %swap3A_533 = arith.index_cast %mul3A_532 : i32 to index
      %swap3A_534 = tpu.vector_load %arg8[%swap3A, %swap3A_533] {strides = array<i32>} : memref<10x80xi32, #tpu.memory_space<vmem>>, vector<16xi32>,
      tpu.vector_store %arg8[%swap3A, %swap3A_533], %add3A_500 {strides = array<i32>} : memref<10x80xi32, #tpu.memory_space<vmem>>, vector<16xi32>,
    }
    %scan3A_220 = arith.constant 50 : i32
    %dma_start3A_221 = arith.constant 0 : i32
    %dma_start3A_222 = arith.constant 0 : i32
    %dma_start3A_223 = arith.constant 0 : i32
    %dma_start3A_224 = tpu.memref_slice %arg10[%dma_start3A_222, %dma_start3A_223] : memref<800x16xf32, #tpu.memory_space<vmem>> -> memref<80x16xf32, #tpu.memory_space<vmem>>
    %dma_start3A_225 = arith.constant 0 : i32
    %dma_start3A_226 = tpu.memref_slice %arg8[%dma_start3A_221, %dma_start3A_225] : memref<10x80xi32, #tpu.memory_space<vmem>> -> memref<1x80xi32, #tpu.memory_space<vmem>>
    %dma_start3A_227 = tpu.memref_squeeze %dma_start3A_226 : memref<1x80xi32, #tpu.memory_space<vmem>> -> memref<80xi32, #tpu.memory_space<vmem>>
    %dma_start3A_228 = arith.constant 0 : i32
    %dma_start3A_229 = arith.constant 0 : i32
    %dma_start3A_230 = tpu.memref_slice %arg4[%dma_start3A_228, %dma_start3A_229] : memref<2600000x16xf32, #tpu.memory_space<hbm>> -> memref<2600000x16xf32, #tpu.memory_space<hbm>>
    tpu.enqueue_indirect_dma source(%dma_start3A_230 : memref<2600000x16xf32, #tpu.memory_space<hbm>>) target(%dma_start3A_224 : memref<80x16xf32, #tpu.memory_space<vmem>>) offsets(%dma_start3A_227 : memref<80xi32, #tpu.memory_space<vmem>>) semaphore(%arg15 : memref<!tpu.dma_semaphore, #tpu.memory_space<semaphore_mem>>)
    %dma_start3A_231 = arith.constant 1 : i32
    %dma_start3A_232 = arith.constant 80 : i32
    %dma_start3A_233 = arith.constant 0 : i32
    %dma_start3A_234 = tpu.memref_slice %arg10[%dma_start3A_232, %dma_start3A_233] : memref<800x16xf32, #tpu.memory_space<vmem>> -> memref<80x16xf32, #tpu.memory_space<vmem>>
    %dma_start3A_235 = arith.constant 0 : i32
    %dma_start3A_236 = tpu.memref_slice %arg8[%dma_start3A_231, %dma_start3A_235] : memref<10x80xi32, #tpu.memory_space<vmem>> -> memref<1x80xi32, #tpu.memory_space<vmem>>
    %dma_start3A_237 = tpu.memref_squeeze %dma_start3A_236 : memref<1x80xi32, #tpu.memory_space<vmem>> -> memref<80xi32, #tpu.memory_space<vmem>>
    %dma_start3A_238 = arith.constant 0 : i32
    %dma_start3A_239 = arith.constant 0 : i32
    %dma_start3A_240 = tpu.memref_slice %arg4[%dma_start3A_238, %dma_start3A_239] : memref<2600000x16xf32, #tpu.memory_space<hbm>> -> memref<2600000x16xf32, #tpu.memory_space<hbm>>
    tpu.enqueue_indirect_dma source(%dma_start3A_240 : memref<2600000x16xf32, #tpu.memory_space<hbm>>) target(%dma_start3A_234 : memref<80x16xf32, #tpu.memory_space<vmem>>) offsets(%dma_start3A_237 : memref<80xi32, #tpu.memory_space<vmem>>) semaphore(%arg15 : memref<!tpu.dma_semaphore, #tpu.memory_space<semaphore_mem>>)
    %dma_start3A_241 = arith.constant 2 : i32
    %dma_start3A_242 = arith.constant 160 : i32
    %dma_start3A_243 = arith.constant 0 : i32
    %dma_start3A_244 = tpu.memref_slice %arg10[%dma_start3A_242, %dma_start3A_243] : memref<800x16xf32, #tpu.memory_space<vmem>> -> memref<80x16xf32, #tpu.memory_space<vmem>>
    %dma_start3A_245 = arith.constant 0 : i32
    %dma_start3A_246 = tpu.memref_slice %arg8[%dma_start3A_241, %dma_start3A_245] : memref<10x80xi32, #tpu.memory_space<vmem>> -> memref<1x80xi32, #tpu.memory_space<vmem>>
    %dma_start3A_247 = tpu.memref_squeeze %dma_start3A_246 : memref<1x80xi32, #tpu.memory_space<vmem>> -> memref<80xi32, #tpu.memory_space<vmem>>
    %dma_start3A_248 = arith.constant 0 : i32
    %dma_start3A_249 = arith.constant 0 : i32
    %dma_start3A_250 = tpu.memref_slice %arg4[%dma_start3A_248, %dma_start3A_249] : memref<2600000x16xf32, #tpu.memory_space<hbm>> -> memref<2600000x16xf32, #tpu.memory_space<hbm>>
    tpu.enqueue_indirect_dma source(%dma_start3A_250 : memref<2600000x16xf32, #tpu.memory_space<hbm>>) target(%dma_start3A_244 : memref<80x16xf32, #tpu.memory_space<vmem>>) offsets(%dma_start3A_247 : memref<80xi32, #tpu.memory_space<vmem>>) semaphore(%arg15 : memref<!tpu.dma_semaphore, #tpu.memory_space<semaphore_mem>>)
    %dma_start3A_251 = arith.constant 3 : i32
    %dma_start3A_252 = arith.constant 240 : i32
    %dma_start3A_253 = arith.constant 0 : i32
    %dma_start3A_254 = tpu.memref_slice %arg10[%dma_start3A_252, %dma_start3A_253] : memref<800x16xf32, #tpu.memory_space<vmem>> -> memref<80x16xf32, #tpu.memory_space<vmem>>
    %dma_start3A_255 = arith.constant 0 : i32
    %dma_start3A_256 = tpu.memref_slice %arg8[%dma_start3A_251, %dma_start3A_255] : memref<10x80xi32, #tpu.memory_space<vmem>> -> memref<1x80xi32, #tpu.memory_space<vmem>>
    %dma_start3A_257 = tpu.memref_squeeze %dma_start3A_256 : memref<1x80xi32, #tpu.memory_space<vmem>> -> memref<80xi32, #tpu.memory_space<vmem>>
    %dma_start3A_258 = arith.constant 0 : i32
    %dma_start3A_259 = arith.constant 0 : i32
    %dma_start3A_260 = tpu.memref_slice %arg4[%dma_start3A_258, %dma_start3A_259] : memref<2600000x16xf32, #tpu.memory_space<hbm>> -> memref<2600000x16xf32, #tpu.memory_space<hbm>>
    tpu.enqueue_indirect_dma source(%dma_start3A_260 : memref<2600000x16xf32, #tpu.memory_space<hbm>>) target(%dma_start3A_254 : memref<80x16xf32, #tpu.memory_space<vmem>>) offsets(%dma_start3A_257 : memref<80xi32, #tpu.memory_space<vmem>>) semaphore(%arg15 : memref<!tpu.dma_semaphore, #tpu.memory_space<semaphore_mem>>)
    %dma_start3A_261 = arith.constant 4 : i32
    %dma_start3A_262 = arith.constant 320 : i32
    %dma_start3A_263 = arith.constant 0 : i32
    %dma_start3A_264 = tpu.memref_slice %arg10[%dma_start3A_262, %dma_start3A_263] : memref<800x16xf32, #tpu.memory_space<vmem>> -> memref<80x16xf32, #tpu.memory_space<vmem>>
    %dma_start3A_265 = arith.constant 0 : i32
    %dma_start3A_266 = tpu.memref_slice %arg8[%dma_start3A_261, %dma_start3A_265] : memref<10x80xi32, #tpu.memory_space<vmem>> -> memref<1x80xi32, #tpu.memory_space<vmem>>
    %dma_start3A_267 = tpu.memref_squeeze %dma_start3A_266 : memref<1x80xi32, #tpu.memory_space<vmem>> -> memref<80xi32, #tpu.memory_space<vmem>>
    %dma_start3A_268 = arith.constant 0 : i32
    %dma_start3A_269 = arith.constant 0 : i32
    %dma_start3A_270 = tpu.memref_slice %arg4[%dma_start3A_268, %dma_start3A_269] : memref<2600000x16xf32, #tpu.memory_space<hbm>> -> memref<2600000x16xf32, #tpu.memory_space<hbm>>
    tpu.enqueue_indirect_dma source(%dma_start3A_270 : memref<2600000x16xf32, #tpu.memory_space<hbm>>) target(%dma_start3A_264 : memref<80x16xf32, #tpu.memory_space<vmem>>) offsets(%dma_start3A_267 : memref<80xi32, #tpu.memory_space<vmem>>) semaphore(%arg15 : memref<!tpu.dma_semaphore, #tpu.memory_space<semaphore_mem>>)
    %dma_start3A_271 = arith.constant 5 : i32
    %dma_start3A_272 = arith.constant 400 : i32
    %dma_start3A_273 = arith.constant 0 : i32
    %dma_start3A_274 = tpu.memref_slice %arg10[%dma_start3A_272, %dma_start3A_273] : memref<800x16xf32, #tpu.memory_space<vmem>> -> memref<80x16xf32, #tpu.memory_space<vmem>>
    %dma_start3A_275 = arith.constant 0 : i32
    %dma_start3A_276 = tpu.memref_slice %arg8[%dma_start3A_271, %dma_start3A_275] : memref<10x80xi32, #tpu.memory_space<vmem>> -> memref<1x80xi32, #tpu.memory_space<vmem>>
    %dma_start3A_277 = tpu.memref_squeeze %dma_start3A_276 : memref<1x80xi32, #tpu.memory_space<vmem>> -> memref<80xi32, #tpu.memory_space<vmem>>
    %dma_start3A_278 = arith.constant 0 : i32
    %dma_start3A_279 = arith.constant 0 : i32
    %dma_start3A_280 = tpu.memref_slice %arg4[%dma_start3A_278, %dma_start3A_279] : memref<2600000x16xf32, #tpu.memory_space<hbm>> -> memref<2600000x16xf32, #tpu.memory_space<hbm>>
    tpu.enqueue_indirect_dma source(%dma_start3A_280 : memref<2600000x16xf32, #tpu.memory_space<hbm>>) target(%dma_start3A_274 : memref<80x16xf32, #tpu.memory_space<vmem>>) offsets(%dma_start3A_277 : memref<80xi32, #tpu.memory_space<vmem>>) semaphore(%arg15 : memref<!tpu.dma_semaphore, #tpu.memory_space<semaphore_mem>>)
    %dma_start3A_281 = arith.constant 6 : i32
    %dma_start3A_282 = arith.constant 480 : i32
    %dma_start3A_283 = arith.constant 0 : i32
    %dma_start3A_284 = tpu.memref_slice %arg10[%dma_start3A_282, %dma_start3A_283] : memref<800x16xf32, #tpu.memory_space<vmem>> -> memref<80x16xf32, #tpu.memory_space<vmem>>
    %dma_start3A_285 = arith.constant 0 : i32
    %dma_start3A_286 = tpu.memref_slice %arg8[%dma_start3A_281, %dma_start3A_285] : memref<10x80xi32, #tpu.memory_space<vmem>> -> memref<1x80xi32, #tpu.memory_space<vmem>>
    %dma_start3A_287 = tpu.memref_squeeze %dma_start3A_286 : memref<1x80xi32, #tpu.memory_space<vmem>> -> memref<80xi32, #tpu.memory_space<vmem>>
    %dma_start3A_288 = arith.constant 0 : i32
    %dma_start3A_289 = arith.constant 0 : i32
    %dma_start3A_290 = tpu.memref_slice %arg4[%dma_start3A_288, %dma_start3A_289] : memref<2600000x16xf32, #tpu.memory_space<hbm>> -> memref<2600000x16xf32, #tpu.memory_space<hbm>>
    tpu.enqueue_indirect_dma source(%dma_start3A_290 : memref<2600000x16xf32, #tpu.memory_space<hbm>>) target(%dma_start3A_284 : memref<80x16xf32, #tpu.memory_space<vmem>>) offsets(%dma_start3A_287 : memref<80xi32, #tpu.memory_space<vmem>>) semaphore(%arg15 : memref<!tpu.dma_semaphore, #tpu.memory_space<semaphore_mem>>)
    %dma_start3A_291 = arith.constant 7 : i32
    %dma_start3A_292 = arith.constant 560 : i32
    %dma_start3A_293 = arith.constant 0 : i32
    %dma_start3A_294 = tpu.memref_slice %arg10[%dma_start3A_292, %dma_start3A_293] : memref<800x16xf32, #tpu.memory_space<vmem>> -> memref<80x16xf32, #tpu.memory_space<vmem>>
    %dma_start3A_295 = arith.constant 0 : i32
    %dma_start3A_296 = tpu.memref_slice %arg8[%dma_start3A_291, %dma_start3A_295] : memref<10x80xi32, #tpu.memory_space<vmem>> -> memref<1x80xi32, #tpu.memory_space<vmem>>
    %dma_start3A_297 = tpu.memref_squeeze %dma_start3A_296 : memref<1x80xi32, #tpu.memory_space<vmem>> -> memref<80xi32, #tpu.memory_space<vmem>>
    %dma_start3A_298 = arith.constant 0 : i32
    %dma_start3A_299 = arith.constant 0 : i32
    %dma_start3A_300 = tpu.memref_slice %arg4[%dma_start3A_298, %dma_start3A_299] : memref<2600000x16xf32, #tpu.memory_space<hbm>> -> memref<2600000x16xf32, #tpu.memory_space<hbm>>
    tpu.enqueue_indirect_dma source(%dma_start3A_300 : memref<2600000x16xf32, #tpu.memory_space<hbm>>) target(%dma_start3A_294 : memref<80x16xf32, #tpu.memory_space<vmem>>) offsets(%dma_start3A_297 : memref<80xi32, #tpu.memory_space<vmem>>) semaphore(%arg15 : memref<!tpu.dma_semaphore, #tpu.memory_space<semaphore_mem>>)
    %dma_start3A_301 = arith.constant 8 : i32
    %dma_start3A_302 = arith.constant 640 : i32
    %dma_start3A_303 = arith.constant 0 : i32
    %dma_start3A_304 = tpu.memref_slice %arg10[%dma_start3A_302, %dma_start3A_303] : memref<800x16xf32, #tpu.memory_space<vmem>> -> memref<80x16xf32, #tpu.memory_space<vmem>>
    %dma_start3A_305 = arith.constant 0 : i32
    %dma_start3A_306 = tpu.memref_slice %arg8[%dma_start3A_301, %dma_start3A_305] : memref<10x80xi32, #tpu.memory_space<vmem>> -> memref<1x80xi32, #tpu.memory_space<vmem>>
    %dma_start3A_307 = tpu.memref_squeeze %dma_start3A_306 : memref<1x80xi32, #tpu.memory_space<vmem>> -> memref<80xi32, #tpu.memory_space<vmem>>
    %dma_start3A_308 = arith.constant 0 : i32
    %dma_start3A_309 = arith.constant 0 : i32
    %dma_start3A_310 = tpu.memref_slice %arg4[%dma_start3A_308, %dma_start3A_309] : memref<2600000x16xf32, #tpu.memory_space<hbm>> -> memref<2600000x16xf32, #tpu.memory_space<hbm>>
    tpu.enqueue_indirect_dma source(%dma_start3A_310 : memref<2600000x16xf32, #tpu.memory_space<hbm>>) target(%dma_start3A_304 : memref<80x16xf32, #tpu.memory_space<vmem>>) offsets(%dma_start3A_307 : memref<80xi32, #tpu.memory_space<vmem>>) semaphore(%arg15 : memref<!tpu.dma_semaphore, #tpu.memory_space<semaphore_mem>>)
    %dma_start3A_311 = arith.constant 9 : i32
    %dma_start3A_312 = arith.constant 720 : i32
    %dma_start3A_313 = arith.constant 0 : i32
    %dma_start3A_314 = tpu.memref_slice %arg10[%dma_start3A_312, %dma_start3A_313] : memref<800x16xf32, #tpu.memory_space<vmem>> -> memref<80x16xf32, #tpu.memory_space<vmem>>
    %dma_start3A_315 = arith.constant 0 : i32
    %dma_start3A_316 = tpu.memref_slice %arg8[%dma_start3A_311, %dma_start3A_315] : memref<10x80xi32, #tpu.memory_space<vmem>> -> memref<1x80xi32, #tpu.memory_space<vmem>>
    %dma_start3A_317 = tpu.memref_squeeze %dma_start3A_316 : memref<1x80xi32, #tpu.memory_space<vmem>> -> memref<80xi32, #tpu.memory_space<vmem>>
    %dma_start3A_318 = arith.constant 0 : i32
    %dma_start3A_319 = arith.constant 0 : i32
    %dma_start3A_320 = tpu.memref_slice %arg4[%dma_start3A_318, %dma_start3A_319] : memref<2600000x16xf32, #tpu.memory_space<hbm>> -> memref<2600000x16xf32, #tpu.memory_space<hbm>>
    tpu.enqueue_indirect_dma source(%dma_start3A_320 : memref<2600000x16xf32, #tpu.memory_space<hbm>>) target(%dma_start3A_314 : memref<80x16xf32, #tpu.memory_space<vmem>>) offsets(%dma_start3A_317 : memref<80xi32, #tpu.memory_space<vmem>>) semaphore(%arg15 : memref<!tpu.dma_semaphore, #tpu.memory_space<semaphore_mem>>)
    %dma_wait3A_321 = arith.constant 0 : i32
    %dma_wait3A_322 = arith.constant 0 : i32
    %dma_wait3A_323 = arith.constant 0 : i32
    %dma_wait3A_324 = tpu.memref_slice %arg10[%dma_wait3A_322, %dma_wait3A_323] : memref<800x16xf32, #tpu.memory_space<vmem>> -> memref<80x16xf32, #tpu.memory_space<vmem>>
    %dma_wait3A_325 = arith.constant 0 : i32
    %dma_wait3A_326 = tpu.memref_slice %arg8[%dma_wait3A_321, %dma_wait3A_325] : memref<10x80xi32, #tpu.memory_space<vmem>> -> memref<1x80xi32, #tpu.memory_space<vmem>>
    %dma_wait3A_327 = tpu.memref_squeeze %dma_wait3A_326 : memref<1x80xi32, #tpu.memory_space<vmem>> -> memref<80xi32, #tpu.memory_space<vmem>>
    %dma_wait3A_328 = arith.constant 0 : i32
    %dma_wait3A_329 = arith.constant 0 : i32
    %dma_wait3A_330 = tpu.memref_slice %arg4[%dma_wait3A_328, %dma_wait3A_329] : memref<2600000x16xf32, #tpu.memory_space<hbm>> -> memref<2600000x16xf32, #tpu.memory_space<hbm>>
    tpu.wait_indirect_dma semaphore(%arg15 : memref<!tpu.dma_semaphore, #tpu.memory_space<semaphore_mem>>) src(%dma_wait3A_330 : memref<2600000x16xf32, #tpu.memory_space<hbm>>) dst(%dma_wait3A_324 : memref<80x16xf32, #tpu.memory_space<vmem>>)
    %dma_wait3A_331 = arith.constant 1 : i32
    %dma_wait3A_332 = arith.constant 80 : i32
    %dma_wait3A_333 = arith.constant 0 : i32
    %dma_wait3A_334 = tpu.memref_slice %arg10[%dma_wait3A_332, %dma_wait3A_333] : memref<800x16xf32, #tpu.memory_space<vmem>> -> memref<80x16xf32, #tpu.memory_space<vmem>>
    %dma_wait3A_335 = arith.constant 0 : i32
    %dma_wait3A_336 = tpu.memref_slice %arg8[%dma_wait3A_331, %dma_wait3A_335] : memref<10x80xi32, #tpu.memory_space<vmem>> -> memref<1x80xi32, #tpu.memory_space<vmem>>
    %dma_wait3A_337 = tpu.memref_squeeze %dma_wait3A_336 : memref<1x80xi32, #tpu.memory_space<vmem>> -> memref<80xi32, #tpu.memory_space<vmem>>
    %dma_wait3A_338 = arith.constant 0 : i32
    %dma_wait3A_339 = arith.constant 0 : i32
    %dma_wait3A_340 = tpu.memref_slice %arg4[%dma_wait3A_338, %dma_wait3A_339] : memref<2600000x16xf32, #tpu.memory_space<hbm>> -> memref<2600000x16xf32, #tpu.memory_space<hbm>>
    tpu.wait_indirect_dma semaphore(%arg15 : memref<!tpu.dma_semaphore, #tpu.memory_space<semaphore_mem>>) src(%dma_wait3A_340 : memref<2600000x16xf32, #tpu.memory_space<hbm>>) dst(%dma_wait3A_334 : memref<80x16xf32, #tpu.memory_space<vmem>>)
    %dma_wait3A_341 = arith.constant 2 : i32
    %dma_wait3A_342 = arith.constant 160 : i32
    %dma_wait3A_343 = arith.constant 0 : i32
    %dma_wait3A_344 = tpu.memref_slice %arg10[%dma_wait3A_342, %dma_wait3A_343] : memref<800x16xf32, #tpu.memory_space<vmem>> -> memref<80x16xf32, #tpu.memory_space<vmem>>
    %dma_wait3A_345 = arith.constant 0 : i32
    %dma_wait3A_346 = tpu.memref_slice %arg8[%dma_wait3A_341, %dma_wait3A_345] : memref<10x80xi32, #tpu.memory_space<vmem>> -> memref<1x80xi32, #tpu.memory_space<vmem>>
    %dma_wait3A_347 = tpu.memref_squeeze %dma_wait3A_346 : memref<1x80xi32, #tpu.memory_space<vmem>> -> memref<80xi32, #tpu.memory_space<vmem>>
    %dma_wait3A_348 = arith.constant 0 : i32
    %dma_wait3A_349 = arith.constant 0 : i32
    %dma_wait3A_350 = tpu.memref_slice %arg4[%dma_wait3A_348, %dma_wait3A_349] : memref<2600000x16xf32, #tpu.memory_space<hbm>> -> memref<2600000x16xf32, #tpu.memory_space<hbm>>
    tpu.wait_indirect_dma semaphore(%arg15 : memref<!tpu.dma_semaphore, #tpu.memory_space<semaphore_mem>>) src(%dma_wait3A_350 : memref<2600000x16xf32, #tpu.memory_space<hbm>>) dst(%dma_wait3A_344 : memref<80x16xf32, #tpu.memory_space<vmem>>)
    %dma_wait3A_351 = arith.constant 3 : i32
    %dma_wait3A_352 = arith.constant 240 : i32
    %dma_wait3A_353 = arith.constant 0 : i32
    %dma_wait3A_354 = tpu.memref_slice %arg10[%dma_wait3A_352, %dma_wait3A_353] : memref<800x16xf32, #tpu.memory_space<vmem>> -> memref<80x16xf32, #tpu.memory_space<vmem>>
    %dma_wait3A_355 = arith.constant 0 : i32
    %dma_wait3A_356 = tpu.memref_slice %arg8[%dma_wait3A_351, %dma_wait3A_355] : memref<10x80xi32, #tpu.memory_space<vmem>> -> memref<1x80xi32, #tpu.memory_space<vmem>>
    %dma_wait3A_357 = tpu.memref_squeeze %dma_wait3A_356 : memref<1x80xi32, #tpu.memory_space<vmem>> -> memref<80xi32, #tpu.memory_space<vmem>>
    %dma_wait3A_358 = arith.constant 0 : i32
    %dma_wait3A_359 = arith.constant 0 : i32
    %dma_wait3A_360 = tpu.memref_slice %arg4[%dma_wait3A_358, %dma_wait3A_359] : memref<2600000x16xf32, #tpu.memory_space<hbm>> -> memref<2600000x16xf32, #tpu.memory_space<hbm>>
    tpu.wait_indirect_dma semaphore(%arg15 : memref<!tpu.dma_semaphore, #tpu.memory_space<semaphore_mem>>) src(%dma_wait3A_360 : memref<2600000x16xf32, #tpu.memory_space<hbm>>) dst(%dma_wait3A_354 : memref<80x16xf32, #tpu.memory_space<vmem>>)
    %dma_wait3A_361 = arith.constant 4 : i32
    %dma_wait3A_362 = arith.constant 320 : i32
    %dma_wait3A_363 = arith.constant 0 : i32
    %dma_wait3A_364 = tpu.memref_slice %arg10[%dma_wait3A_362, %dma_wait3A_363] : memref<800x16xf32, #tpu.memory_space<vmem>> -> memref<80x16xf32, #tpu.memory_space<vmem>>
    %dma_wait3A_365 = arith.constant 0 : i32
    %dma_wait3A_366 = tpu.memref_slice %arg8[%dma_wait3A_361, %dma_wait3A_365] : memref<10x80xi32, #tpu.memory_space<vmem>> -> memref<1x80xi32, #tpu.memory_space<vmem>>
    %dma_wait3A_367 = tpu.memref_squeeze %dma_wait3A_366 : memref<1x80xi32, #tpu.memory_space<vmem>> -> memref<80xi32, #tpu.memory_space<vmem>>
    %dma_wait3A_368 = arith.constant 0 : i32
    %dma_wait3A_369 = arith.constant 0 : i32
    %dma_wait3A_370 = tpu.memref_slice %arg4[%dma_wait3A_368, %dma_wait3A_369] : memref<2600000x16xf32, #tpu.memory_space<hbm>> -> memref<2600000x16xf32, #tpu.memory_space<hbm>>
    tpu.wait_indirect_dma semaphore(%arg15 : memref<!tpu.dma_semaphore, #tpu.memory_space<semaphore_mem>>) src(%dma_wait3A_370 : memref<2600000x16xf32, #tpu.memory_space<hbm>>) dst(%dma_wait3A_364 : memref<80x16xf32, #tpu.memory_space<vmem>>)
    %dma_wait3A_371 = arith.constant 5 : i32
    %dma_wait3A_372 = arith.constant 400 : i32
    %dma_wait3A_373 = arith.constant 0 : i32
    %dma_wait3A_374 = tpu.memref_slice %arg10[%dma_wait3A_372, %dma_wait3A_373] : memref<800x16xf32, #tpu.memory_space<vmem>> -> memref<80x16xf32, #tpu.memory_space<vmem>>
    %dma_wait3A_375 = arith.constant 0 : i32
    %dma_wait3A_376 = tpu.memref_slice %arg8[%dma_wait3A_371, %dma_wait3A_375] : memref<10x80xi32, #tpu.memory_space<vmem>> -> memref<1x80xi32, #tpu.memory_space<vmem>>
    %dma_wait3A_377 = tpu.memref_squeeze %dma_wait3A_376 : memref<1x80xi32, #tpu.memory_space<vmem>> -> memref<80xi32, #tpu.memory_space<vmem>>
    %dma_wait3A_378 = arith.constant 0 : i32
    %dma_wait3A_379 = arith.constant 0 : i32
    %dma_wait3A_380 = tpu.memref_slice %arg4[%dma_wait3A_378, %dma_wait3A_379] : memref<2600000x16xf32, #tpu.memory_space<hbm>> -> memref<2600000x16xf32, #tpu.memory_space<hbm>>
    tpu.wait_indirect_dma semaphore(%arg15 : memref<!tpu.dma_semaphore, #tpu.memory_space<semaphore_mem>>) src(%dma_wait3A_380 : memref<2600000x16xf32, #tpu.memory_space<hbm>>) dst(%dma_wait3A_374 : memref<80x16xf32, #tpu.memory_space<vmem>>)
    %dma_wait3A_381 = arith.constant 6 : i32
    %dma_wait3A_382 = arith.constant 480 : i32
    %dma_wait3A_383 = arith.constant 0 : i32
    %dma_wait3A_384 = tpu.memref_slice %arg10[%dma_wait3A_382, %dma_wait3A_383] : memref<800x16xf32, #tpu.memory_space<vmem>> -> memref<80x16xf32, #tpu.memory_space<vmem>>
    %dma_wait3A_385 = arith.constant 0 : i32
    %dma_wait3A_386 = tpu.memref_slice %arg8[%dma_wait3A_381, %dma_wait3A_385] : memref<10x80xi32, #tpu.memory_space<vmem>> -> memref<1x80xi32, #tpu.memory_space<vmem>>
    %dma_wait3A_387 = tpu.memref_squeeze %dma_wait3A_386 : memref<1x80xi32, #tpu.memory_space<vmem>> -> memref<80xi32, #tpu.memory_space<vmem>>
    %dma_wait3A_388 = arith.constant 0 : i32
    %dma_wait3A_389 = arith.constant 0 : i32
    %dma_wait3A_390 = tpu.memref_slice %arg4[%dma_wait3A_388, %dma_wait3A_389] : memref<2600000x16xf32, #tpu.memory_space<hbm>> -> memref<2600000x16xf32, #tpu.memory_space<hbm>>
    tpu.wait_indirect_dma semaphore(%arg15 : memref<!tpu.dma_semaphore, #tpu.memory_space<semaphore_mem>>) src(%dma_wait3A_390 : memref<2600000x16xf32, #tpu.memory_space<hbm>>) dst(%dma_wait3A_384 : memref<80x16xf32, #tpu.memory_space<vmem>>)
    %dma_wait3A_391 = arith.constant 7 : i32
    %dma_wait3A_392 = arith.constant 560 : i32
    %dma_wait3A_393 = arith.constant 0 : i32
    %dma_wait3A_394 = tpu.memref_slice %arg10[%dma_wait3A_392, %dma_wait3A_393] : memref<800x16xf32, #tpu.memory_space<vmem>> -> memref<80x16xf32, #tpu.memory_space<vmem>>
    %dma_wait3A_395 = arith.constant 0 : i32
    %dma_wait3A_396 = tpu.memref_slice %arg8[%dma_wait3A_391, %dma_wait3A_395] : memref<10x80xi32, #tpu.memory_space<vmem>> -> memref<1x80xi32, #tpu.memory_space<vmem>>
    %dma_wait3A_397 = tpu.memref_squeeze %dma_wait3A_396 : memref<1x80xi32, #tpu.memory_space<vmem>> -> memref<80xi32, #tpu.memory_space<vmem>>
    %dma_wait3A_398 = arith.constant 0 : i32
    %dma_wait3A_399 = arith.constant 0 : i32
    %dma_wait3A_400 = tpu.memref_slice %arg4[%dma_wait3A_398, %dma_wait3A_399] : memref<2600000x16xf32, #tpu.memory_space<hbm>> -> memref<2600000x16xf32, #tpu.memory_space<hbm>>
    tpu.wait_indirect_dma semaphore(%arg15 : memref<!tpu.dma_semaphore, #tpu.memory_space<semaphore_mem>>) src(%dma_wait3A_400 : memref<2600000x16xf32, #tpu.memory_space<hbm>>) dst(%dma_wait3A_394 : memref<80x16xf32, #tpu.memory_space<vmem>>)
    %dma_wait3A_401 = arith.constant 8 : i32
    %dma_wait3A_402 = arith.constant 640 : i32
    %dma_wait3A_403 = arith.constant 0 : i32
    %dma_wait3A_404 = tpu.memref_slice %arg10[%dma_wait3A_402, %dma_wait3A_403] : memref<800x16xf32, #tpu.memory_space<vmem>> -> memref<80x16xf32, #tpu.memory_space<vmem>>
    %dma_wait3A_405 = arith.constant 0 : i32
    %dma_wait3A_406 = tpu.memref_slice %arg8[%dma_wait3A_401, %dma_wait3A_405] : memref<10x80xi32, #tpu.memory_space<vmem>> -> memref<1x80xi32, #tpu.memory_space<vmem>>
    %dma_wait3A_407 = tpu.memref_squeeze %dma_wait3A_406 : memref<1x80xi32, #tpu.memory_space<vmem>> -> memref<80xi32, #tpu.memory_space<vmem>>
    %dma_wait3A_408 = arith.constant 0 : i32
    %dma_wait3A_409 = arith.constant 0 : i32
    %dma_wait3A_410 = tpu.memref_slice %arg4[%dma_wait3A_408, %dma_wait3A_409] : memref<2600000x16xf32, #tpu.memory_space<hbm>> -> memref<2600000x16xf32, #tpu.memory_space<hbm>>
    tpu.wait_indirect_dma semaphore(%arg15 : memref<!tpu.dma_semaphore, #tpu.memory_space<semaphore_mem>>) src(%dma_wait3A_410 : memref<2600000x16xf32, #tpu.memory_space<hbm>>) dst(%dma_wait3A_404 : memref<80x16xf32, #tpu.memory_space<vmem>>)
    %dma_wait3A_411 = arith.constant 9 : i32
    %dma_wait3A_412 = arith.constant 720 : i32
    %dma_wait3A_413 = arith.constant 0 : i32
    %dma_wait3A_414 = tpu.memref_slice %arg10[%dma_wait3A_412, %dma_wait3A_413] : memref<800x16xf32, #tpu.memory_space<vmem>> -> memref<80x16xf32, #tpu.memory_space<vmem>>
    %dma_wait3A_415 = arith.constant 0 : i32
    %dma_wait3A_416 = tpu.memref_slice %arg8[%dma_wait3A_411, %dma_wait3A_415] : memref<10x80xi32, #tpu.memory_space<vmem>> -> memref<1x80xi32, #tpu.memory_space<vmem>>
    %dma_wait3A_417 = tpu.memref_squeeze %dma_wait3A_416 : memref<1x80xi32, #tpu.memory_space<vmem>> -> memref<80xi32, #tpu.memory_space<vmem>>
    %dma_wait3A_418 = arith.constant 0 : i32
    %dma_wait3A_419 = arith.constant 0 : i32
    %dma_wait3A_420 = tpu.memref_slice %arg4[%dma_wait3A_418, %dma_wait3A_419] : memref<2600000x16xf32, #tpu.memory_space<hbm>> -> memref<2600000x16xf32, #tpu.memory_space<hbm>>
    tpu.wait_indirect_dma semaphore(%arg15 : memref<!tpu.dma_semaphore, #tpu.memory_space<semaphore_mem>>) src(%dma_wait3A_420 : memref<2600000x16xf32, #tpu.memory_space<hbm>>) dst(%dma_wait3A_414 : memref<80x16xf32, #tpu.memory_space<vmem>>)
    %add3A_421 = arith.constant 800 : i32
    %add3A_422 = arith.addi %mul3A_2, %add3A_421 : i32
    %dma_start3A_423 = arith.constant 0 : i32
    %dma_start3A_424 = tpu.memref_slice %arg5[%add3A_422, %dma_start3A_423] : memref<51200x490xf32, #tpu.memory_space<hbm>> -> memref<800x16xf32, #tpu.memory_space<hbm>>
    %dma_start3A_425 = arith.constant 0 : i32
    %dma_start3A_426 = tpu.memref_slice %arg5[%add3A_422, %dma_start3A_425] : memref<51200x490xf32, #tpu.memory_space<hbm>> -> memref<800x16xf32, #tpu.memory_space<hbm>>
    tpu.enqueue_dma source(%arg10 : memref<800x16xf32, #tpu.memory_space<vmem>>) target(%dma_start3A_426 : memref<800x16xf32, #tpu.memory_space<hbm>>) target_semaphore(%arg17 : memref<!tpu.dma_semaphore, #tpu.memory_space<semaphore_mem>>)
    %scan3A_427 = arith.constant 0 : i32
    %scan3A_428 = arith.constant 1 : i32
    %scan3A_429 = arith.constant 25 : i32
    %scan3A_430 = arith.addi %scan3A_428, %scan3A_429 : i32
    %scan3A_431 = arith.constant 1 : i32
    scf.for %scan3A_491 = %scan3A_428 to %scan3A_430 step %scan3A_431  : i32 {
      %sub3A = arith.constant 1 : i32
      %sub3A_492 = arith.subi %scan3A_491, %sub3A : i32
      %add3A_493 = arith.constant 0 : i32
      %add3A_494 = arith.addi %mul3A_2, %add3A_493 : i32
      %mul3A_495 = arith.constant 16 : i32
      %mul3A_496 = arith.muli %sub3A_492, %mul3A_495 : i32
      %dma_wait3A_497 = tpu.memref_slice %arg5[%add3A_494, %mul3A_496] : memref<51200x490xf32, #tpu.memory_space<hbm>> -> memref<800x16xf32, #tpu.memory_space<hbm>>
      %dma_wait3A_498 = tpu.memref_slice %arg5[%add3A_494, %mul3A_496] : memref<51200x490xf32, #tpu.memory_space<hbm>> -> memref<800x16xf32, #tpu.memory_space<hbm>>
      tpu.wait_dma2 semaphore(%arg16 : memref<!tpu.dma_semaphore, #tpu.memory_space<semaphore_mem>>) src(%arg9 : memref<800x16xf32, #tpu.memory_space<vmem>>) dst(%dma_wait3A_498 : memref<800x16xf32, #tpu.memory_space<hbm>>)
      %broadcast_in_dim3A_499 = vector.broadcast %scan3A_491 : i32 to vector<16xi32>
      %mul3A_500 = arith.constant 100000 : i32
      %mul3A_501 = arith.muli %scan3A_491, %mul3A_500 : i32
      %scan3A_502 = arith.constant 0 : i32
      %scan3A_503 = arith.constant 0 : i32
      %scan3A_504 = arith.constant 50 : i32
      %scan3A_505 = arith.addi %scan3A_503, %scan3A_504 : i32
      %scan3A_506 = arith.constant 1 : i32
      scf.for %scan3A_937 = %scan3A_503 to %scan3A_505 step %scan3A_506  : i32 {
        %mul3A_938 = arith.constant 16 : i32
        %mul3A_939 = arith.muli %mul3A_938, %scan3A_937 : i32
        %add3A_940 = arith.constant 0 : i32
        %add3A_941 = arith.addi %add3A_940, %mul3A_939 : i32
        %add3A_942 = vector.broadcast %add3A_941 : i32 to vector<16xi32>
        %add3A_943 = arith.addi %iota3A, %add3A_942 : vector<16xi32>
        %gather3A = tpu.vector_load_idx %arg6[%add3A_943, %broadcast_in_dim3A_499] : memref<1600x32xi32, #tpu.memory_space<vmem>>[vector<16xi32>, vector<16xi32>], vector<16xi32>,
        %add3A_944 = vector.broadcast %mul3A_501 : i32 to vector<16xi32>
        %add3A_945 = arith.addi %gather3A, %add3A_944 : vector<16xi32>
        %jit3A = arith.constant 5 : i32
        %div3A = arith.divsi %scan3A_937, %jit3A : i32
        %sign3A = arith.constant 0 : i32
        %sign3A_946 = arith.cmpi sgt, %scan3A_937, %sign3A : i32
        %sign3A_947 = arith.extui %sign3A_946 : i1 to i32
        %sign3A_948 = arith.constant 0 : i32
        %sign3A_949 = arith.cmpi slt, %scan3A_937, %sign3A_948 : i32
        %sign3A_950 = arith.extui %sign3A_949 : i1 to i32
        %sign3A_951 = arith.subi %sign3A_947, %sign3A_950 : i32
        %sign3A_952 = arith.constant 0 : i32
        %sign3A_953 = arith.cmpi sgt, %jit3A, %sign3A_952 : i32
        %sign3A_954 = arith.extui %sign3A_953 : i1 to i32
        %sign3A_955 = arith.constant 0 : i32
        %sign3A_956 = arith.cmpi slt, %jit3A, %sign3A_955 : i32
        %sign3A_957 = arith.extui %sign3A_956 : i1 to i32
        %sign3A_958 = arith.subi %sign3A_954, %sign3A_957 : i32
        %ne3A = arith.cmpi ne, %sign3A_951, %sign3A_958 : i32
        %rem3A = arith.remsi %scan3A_937, %jit3A : i32
        %ne3A_959 = arith.constant 0 : i32
        %ne3A_960 = arith.cmpi ne, %rem3A, %ne3A_959 : i32
        %and3A = arith.andi %ne3A, %ne3A_960 : i1
        %sub3A_961 = arith.constant 1 : i32
        %sub3A_962 = arith.subi %div3A, %sub3A_961 : i32
        %select_n3A = arith.select %and3A, %sub3A_962, %div3A : i32
        %jit3A_963 = arith.constant 5 : i32
        %eq3A = arith.constant 0 : i32
        %eq3A_964 = arith.cmpi eq, %jit3A_963, %eq3A : i32
        %jit3A_965 = arith.constant 1 : i32
        %select_n3A_966 = arith.select %eq3A_964, %jit3A_965, %jit3A_963 : i32
        %rem3A_967 = arith.remsi %scan3A_937, %select_n3A_966 : i32
        %ne3A_968 = arith.constant 0 : i32
        %ne3A_969 = arith.cmpi ne, %rem3A_967, %ne3A_968 : i32
        %lt3A = arith.constant 0 : i32
        %lt3A_970 = arith.cmpi slt, %rem3A_967, %lt3A : i32
        %lt3A_971 = arith.constant 0 : i32
        %lt3A_972 = arith.cmpi slt, %select_n3A_966, %lt3A_971 : i32
        %ne3A_973 = arith.xori %lt3A_970, %lt3A_972 : i1
        %and3A_974 = arith.andi %ne3A_973, %ne3A_969 : i1
        %add3A_975 = arith.addi %rem3A_967, %select_n3A_966 : i32
        %select_n3A_976 = arith.select %and3A_974, %add3A_975, %rem3A_967 : i32
        %mul3A_977 = arith.constant 16 : i32
        %mul3A_978 = arith.muli %select_n3A_976, %mul3A_977 : i32
        %swap3A = arith.index_cast %select_n3A : i32 to index
        %swap3A_979 = arith.index_cast %mul3A_978 : i32 to index
        %swap3A_980 = tpu.vector_load %arg7[%swap3A, %swap3A_979] {strides = array<i32>} : memref<10x80xi32, #tpu.memory_space<vmem>>, vector<16xi32>,
        tpu.vector_store %arg7[%swap3A, %swap3A_979], %add3A_945 {strides = array<i32>} : memref<10x80xi32, #tpu.memory_space<vmem>>, vector<16xi32>,
      }
      %scan3A_507 = arith.constant 50 : i32
      %dma_start3A_508 = arith.constant 0 : i32
      %dma_start3A_509 = arith.constant 0 : i32
      %dma_start3A_510 = arith.constant 0 : i32
      %dma_start3A_511 = tpu.memref_slice %arg9[%dma_start3A_509, %dma_start3A_510] : memref<800x16xf32, #tpu.memory_space<vmem>> -> memref<80x16xf32, #tpu.memory_space<vmem>>
      %dma_start3A_512 = arith.constant 0 : i32
      %dma_start3A_513 = tpu.memref_slice %arg7[%dma_start3A_508, %dma_start3A_512] : memref<10x80xi32, #tpu.memory_space<vmem>> -> memref<1x80xi32, #tpu.memory_space<vmem>>
      %dma_start3A_514 = tpu.memref_squeeze %dma_start3A_513 : memref<1x80xi32, #tpu.memory_space<vmem>> -> memref<80xi32, #tpu.memory_space<vmem>>
      %dma_start3A_515 = arith.constant 0 : i32
      %dma_start3A_516 = arith.constant 0 : i32
      %dma_start3A_517 = tpu.memref_slice %arg4[%dma_start3A_515, %dma_start3A_516] : memref<2600000x16xf32, #tpu.memory_space<hbm>> -> memref<2600000x16xf32, #tpu.memory_space<hbm>>
      tpu.enqueue_indirect_dma source(%dma_start3A_517 : memref<2600000x16xf32, #tpu.memory_space<hbm>>) target(%dma_start3A_511 : memref<80x16xf32, #tpu.memory_space<vmem>>) offsets(%dma_start3A_514 : memref<80xi32, #tpu.memory_space<vmem>>) semaphore(%arg15 : memref<!tpu.dma_semaphore, #tpu.memory_space<semaphore_mem>>)
      %dma_start3A_518 = arith.constant 1 : i32
      %dma_start3A_519 = arith.constant 80 : i32
      %dma_start3A_520 = arith.constant 0 : i32
      %dma_start3A_521 = tpu.memref_slice %arg9[%dma_start3A_519, %dma_start3A_520] : memref<800x16xf32, #tpu.memory_space<vmem>> -> memref<80x16xf32, #tpu.memory_space<vmem>>
      %dma_start3A_522 = arith.constant 0 : i32
      %dma_start3A_523 = tpu.memref_slice %arg7[%dma_start3A_518, %dma_start3A_522] : memref<10x80xi32, #tpu.memory_space<vmem>> -> memref<1x80xi32, #tpu.memory_space<vmem>>
      %dma_start3A_524 = tpu.memref_squeeze %dma_start3A_523 : memref<1x80xi32, #tpu.memory_space<vmem>> -> memref<80xi32, #tpu.memory_space<vmem>>
      %dma_start3A_525 = arith.constant 0 : i32
      %dma_start3A_526 = arith.constant 0 : i32
      %dma_start3A_527 = tpu.memref_slice %arg4[%dma_start3A_525, %dma_start3A_526] : memref<2600000x16xf32, #tpu.memory_space<hbm>> -> memref<2600000x16xf32, #tpu.memory_space<hbm>>
      tpu.enqueue_indirect_dma source(%dma_start3A_527 : memref<2600000x16xf32, #tpu.memory_space<hbm>>) target(%dma_start3A_521 : memref<80x16xf32, #tpu.memory_space<vmem>>) offsets(%dma_start3A_524 : memref<80xi32, #tpu.memory_space<vmem>>) semaphore(%arg15 : memref<!tpu.dma_semaphore, #tpu.memory_space<semaphore_mem>>)
      %dma_start3A_528 = arith.constant 2 : i32
      %dma_start3A_529 = arith.constant 160 : i32
      %dma_start3A_530 = arith.constant 0 : i32
      %dma_start3A_531 = tpu.memref_slice %arg9[%dma_start3A_529, %dma_start3A_530] : memref<800x16xf32, #tpu.memory_space<vmem>> -> memref<80x16xf32, #tpu.memory_space<vmem>>
      %dma_start3A_532 = arith.constant 0 : i32
      %dma_start3A_533 = tpu.memref_slice %arg7[%dma_start3A_528, %dma_start3A_532] : memref<10x80xi32, #tpu.memory_space<vmem>> -> memref<1x80xi32, #tpu.memory_space<vmem>>
      %dma_start3A_534 = tpu.memref_squeeze %dma_start3A_533 : memref<1x80xi32, #tpu.memory_space<vmem>> -> memref<80xi32, #tpu.memory_space<vmem>>
      %dma_start3A_535 = arith.constant 0 : i32
      %dma_start3A_536 = arith.constant 0 : i32
      %dma_start3A_537 = tpu.memref_slice %arg4[%dma_start3A_535, %dma_start3A_536] : memref<2600000x16xf32, #tpu.memory_space<hbm>> -> memref<2600000x16xf32, #tpu.memory_space<hbm>>
      tpu.enqueue_indirect_dma source(%dma_start3A_537 : memref<2600000x16xf32, #tpu.memory_space<hbm>>) target(%dma_start3A_531 : memref<80x16xf32, #tpu.memory_space<vmem>>) offsets(%dma_start3A_534 : memref<80xi32, #tpu.memory_space<vmem>>) semaphore(%arg15 : memref<!tpu.dma_semaphore, #tpu.memory_space<semaphore_mem>>)
      %dma_start3A_538 = arith.constant 3 : i32
      %dma_start3A_539 = arith.constant 240 : i32
      %dma_start3A_540 = arith.constant 0 : i32
      %dma_start3A_541 = tpu.memref_slice %arg9[%dma_start3A_539, %dma_start3A_540] : memref<800x16xf32, #tpu.memory_space<vmem>> -> memref<80x16xf32, #tpu.memory_space<vmem>>
      %dma_start3A_542 = arith.constant 0 : i32
      %dma_start3A_543 = tpu.memref_slice %arg7[%dma_start3A_538, %dma_start3A_542] : memref<10x80xi32, #tpu.memory_space<vmem>> -> memref<1x80xi32, #tpu.memory_space<vmem>>
      %dma_start3A_544 = tpu.memref_squeeze %dma_start3A_543 : memref<1x80xi32, #tpu.memory_space<vmem>> -> memref<80xi32, #tpu.memory_space<vmem>>
      %dma_start3A_545 = arith.constant 0 : i32
      %dma_start3A_546 = arith.constant 0 : i32
      %dma_start3A_547 = tpu.memref_slice %arg4[%dma_start3A_545, %dma_start3A_546] : memref<2600000x16xf32, #tpu.memory_space<hbm>> -> memref<2600000x16xf32, #tpu.memory_space<hbm>>
      tpu.enqueue_indirect_dma source(%dma_start3A_547 : memref<2600000x16xf32, #tpu.memory_space<hbm>>) target(%dma_start3A_541 : memref<80x16xf32, #tpu.memory_space<vmem>>) offsets(%dma_start3A_544 : memref<80xi32, #tpu.memory_space<vmem>>) semaphore(%arg15 : memref<!tpu.dma_semaphore, #tpu.memory_space<semaphore_mem>>)
      %dma_start3A_548 = arith.constant 4 : i32
      %dma_start3A_549 = arith.constant 320 : i32
      %dma_start3A_550 = arith.constant 0 : i32
      %dma_start3A_551 = tpu.memref_slice %arg9[%dma_start3A_549, %dma_start3A_550] : memref<800x16xf32, #tpu.memory_space<vmem>> -> memref<80x16xf32, #tpu.memory_space<vmem>>
      %dma_start3A_552 = arith.constant 0 : i32
      %dma_start3A_553 = tpu.memref_slice %arg7[%dma_start3A_548, %dma_start3A_552] : memref<10x80xi32, #tpu.memory_space<vmem>> -> memref<1x80xi32, #tpu.memory_space<vmem>>
      %dma_start3A_554 = tpu.memref_squeeze %dma_start3A_553 : memref<1x80xi32, #tpu.memory_space<vmem>> -> memref<80xi32, #tpu.memory_space<vmem>>
      %dma_start3A_555 = arith.constant 0 : i32
      %dma_start3A_556 = arith.constant 0 : i32
      %dma_start3A_557 = tpu.memref_slice %arg4[%dma_start3A_555, %dma_start3A_556] : memref<2600000x16xf32, #tpu.memory_space<hbm>> -> memref<2600000x16xf32, #tpu.memory_space<hbm>>
      tpu.enqueue_indirect_dma source(%dma_start3A_557 : memref<2600000x16xf32, #tpu.memory_space<hbm>>) target(%dma_start3A_551 : memref<80x16xf32, #tpu.memory_space<vmem>>) offsets(%dma_start3A_554 : memref<80xi32, #tpu.memory_space<vmem>>) semaphore(%arg15 : memref<!tpu.dma_semaphore, #tpu.memory_space<semaphore_mem>>)
      %dma_start3A_558 = arith.constant 5 : i32
      %dma_start3A_559 = arith.constant 400 : i32
      %dma_start3A_560 = arith.constant 0 : i32
      %dma_start3A_561 = tpu.memref_slice %arg9[%dma_start3A_559, %dma_start3A_560] : memref<800x16xf32, #tpu.memory_space<vmem>> -> memref<80x16xf32, #tpu.memory_space<vmem>>
      %dma_start3A_562 = arith.constant 0 : i32
      %dma_start3A_563 = tpu.memref_slice %arg7[%dma_start3A_558, %dma_start3A_562] : memref<10x80xi32, #tpu.memory_space<vmem>> -> memref<1x80xi32, #tpu.memory_space<vmem>>
      %dma_start3A_564 = tpu.memref_squeeze %dma_start3A_563 : memref<1x80xi32, #tpu.memory_space<vmem>> -> memref<80xi32, #tpu.memory_space<vmem>>
      %dma_start3A_565 = arith.constant 0 : i32
      %dma_start3A_566 = arith.constant 0 : i32
      %dma_start3A_567 = tpu.memref_slice %arg4[%dma_start3A_565, %dma_start3A_566] : memref<2600000x16xf32, #tpu.memory_space<hbm>> -> memref<2600000x16xf32, #tpu.memory_space<hbm>>
      tpu.enqueue_indirect_dma source(%dma_start3A_567 : memref<2600000x16xf32, #tpu.memory_space<hbm>>) target(%dma_start3A_561 : memref<80x16xf32, #tpu.memory_space<vmem>>) offsets(%dma_start3A_564 : memref<80xi32, #tpu.memory_space<vmem>>) semaphore(%arg15 : memref<!tpu.dma_semaphore, #tpu.memory_space<semaphore_mem>>)
      %dma_start3A_568 = arith.constant 6 : i32
      %dma_start3A_569 = arith.constant 480 : i32
      %dma_start3A_570 = arith.constant 0 : i32
      %dma_start3A_571 = tpu.memref_slice %arg9[%dma_start3A_569, %dma_start3A_570] : memref<800x16xf32, #tpu.memory_space<vmem>> -> memref<80x16xf32, #tpu.memory_space<vmem>>
      %dma_start3A_572 = arith.constant 0 : i32
      %dma_start3A_573 = tpu.memref_slice %arg7[%dma_start3A_568, %dma_start3A_572] : memref<10x80xi32, #tpu.memory_space<vmem>> -> memref<1x80xi32, #tpu.memory_space<vmem>>
      %dma_start3A_574 = tpu.memref_squeeze %dma_start3A_573 : memref<1x80xi32, #tpu.memory_space<vmem>> -> memref<80xi32, #tpu.memory_space<vmem>>
      %dma_start3A_575 = arith.constant 0 : i32
      %dma_start3A_576 = arith.constant 0 : i32
      %dma_start3A_577 = tpu.memref_slice %arg4[%dma_start3A_575, %dma_start3A_576] : memref<2600000x16xf32, #tpu.memory_space<hbm>> -> memref<2600000x16xf32, #tpu.memory_space<hbm>>
      tpu.enqueue_indirect_dma source(%dma_start3A_577 : memref<2600000x16xf32, #tpu.memory_space<hbm>>) target(%dma_start3A_571 : memref<80x16xf32, #tpu.memory_space<vmem>>) offsets(%dma_start3A_574 : memref<80xi32, #tpu.memory_space<vmem>>) semaphore(%arg15 : memref<!tpu.dma_semaphore, #tpu.memory_space<semaphore_mem>>)
      %dma_start3A_578 = arith.constant 7 : i32
      %dma_start3A_579 = arith.constant 560 : i32
      %dma_start3A_580 = arith.constant 0 : i32
      %dma_start3A_581 = tpu.memref_slice %arg9[%dma_start3A_579, %dma_start3A_580] : memref<800x16xf32, #tpu.memory_space<vmem>> -> memref<80x16xf32, #tpu.memory_space<vmem>>
      %dma_start3A_582 = arith.constant 0 : i32
      %dma_start3A_583 = tpu.memref_slice %arg7[%dma_start3A_578, %dma_start3A_582] : memref<10x80xi32, #tpu.memory_space<vmem>> -> memref<1x80xi32, #tpu.memory_space<vmem>>
      %dma_start3A_584 = tpu.memref_squeeze %dma_start3A_583 : memref<1x80xi32, #tpu.memory_space<vmem>> -> memref<80xi32, #tpu.memory_space<vmem>>
      %dma_start3A_585 = arith.constant 0 : i32
      %dma_start3A_586 = arith.constant 0 : i32
      %dma_start3A_587 = tpu.memref_slice %arg4[%dma_start3A_585, %dma_start3A_586] : memref<2600000x16xf32, #tpu.memory_space<hbm>> -> memref<2600000x16xf32, #tpu.memory_space<hbm>>
      tpu.enqueue_indirect_dma source(%dma_start3A_587 : memref<2600000x16xf32, #tpu.memory_space<hbm>>) target(%dma_start3A_581 : memref<80x16xf32, #tpu.memory_space<vmem>>) offsets(%dma_start3A_584 : memref<80xi32, #tpu.memory_space<vmem>>) semaphore(%arg15 : memref<!tpu.dma_semaphore, #tpu.memory_space<semaphore_mem>>)
      %dma_start3A_588 = arith.constant 8 : i32
      %dma_start3A_589 = arith.constant 640 : i32
      %dma_start3A_590 = arith.constant 0 : i32
      %dma_start3A_591 = tpu.memref_slice %arg9[%dma_start3A_589, %dma_start3A_590] : memref<800x16xf32, #tpu.memory_space<vmem>> -> memref<80x16xf32, #tpu.memory_space<vmem>>
      %dma_start3A_592 = arith.constant 0 : i32
      %dma_start3A_593 = tpu.memref_slice %arg7[%dma_start3A_588, %dma_start3A_592] : memref<10x80xi32, #tpu.memory_space<vmem>> -> memref<1x80xi32, #tpu.memory_space<vmem>>
      %dma_start3A_594 = tpu.memref_squeeze %dma_start3A_593 : memref<1x80xi32, #tpu.memory_space<vmem>> -> memref<80xi32, #tpu.memory_space<vmem>>
      %dma_start3A_595 = arith.constant 0 : i32
      %dma_start3A_596 = arith.constant 0 : i32
      %dma_start3A_597 = tpu.memref_slice %arg4[%dma_start3A_595, %dma_start3A_596] : memref<2600000x16xf32, #tpu.memory_space<hbm>> -> memref<2600000x16xf32, #tpu.memory_space<hbm>>
      tpu.enqueue_indirect_dma source(%dma_start3A_597 : memref<2600000x16xf32, #tpu.memory_space<hbm>>) target(%dma_start3A_591 : memref<80x16xf32, #tpu.memory_space<vmem>>) offsets(%dma_start3A_594 : memref<80xi32, #tpu.memory_space<vmem>>) semaphore(%arg15 : memref<!tpu.dma_semaphore, #tpu.memory_space<semaphore_mem>>)
      %dma_start3A_598 = arith.constant 9 : i32
      %dma_start3A_599 = arith.constant 720 : i32
      %dma_start3A_600 = arith.constant 0 : i32
      %dma_start3A_601 = tpu.memref_slice %arg9[%dma_start3A_599, %dma_start3A_600] : memref<800x16xf32, #tpu.memory_space<vmem>> -> memref<80x16xf32, #tpu.memory_space<vmem>>
      %dma_start3A_602 = arith.constant 0 : i32
      %dma_start3A_603 = tpu.memref_slice %arg7[%dma_start3A_598, %dma_start3A_602] : memref<10x80xi32, #tpu.memory_space<vmem>> -> memref<1x80xi32, #tpu.memory_space<vmem>>
      %dma_start3A_604 = tpu.memref_squeeze %dma_start3A_603 : memref<1x80xi32, #tpu.memory_space<vmem>> -> memref<80xi32, #tpu.memory_space<vmem>>
      %dma_start3A_605 = arith.constant 0 : i32
      %dma_start3A_606 = arith.constant 0 : i32
      %dma_start3A_607 = tpu.memref_slice %arg4[%dma_start3A_605, %dma_start3A_606] : memref<2600000x16xf32, #tpu.memory_space<hbm>> -> memref<2600000x16xf32, #tpu.memory_space<hbm>>
      tpu.enqueue_indirect_dma source(%dma_start3A_607 : memref<2600000x16xf32, #tpu.memory_space<hbm>>) target(%dma_start3A_601 : memref<80x16xf32, #tpu.memory_space<vmem>>) offsets(%dma_start3A_604 : memref<80xi32, #tpu.memory_space<vmem>>) semaphore(%arg15 : memref<!tpu.dma_semaphore, #tpu.memory_space<semaphore_mem>>)
      %dma_wait3A_608 = arith.constant 0 : i32
      %dma_wait3A_609 = arith.constant 0 : i32
      %dma_wait3A_610 = arith.constant 0 : i32
      %dma_wait3A_611 = tpu.memref_slice %arg9[%dma_wait3A_609, %dma_wait3A_610] : memref<800x16xf32, #tpu.memory_space<vmem>> -> memref<80x16xf32, #tpu.memory_space<vmem>>
      %dma_wait3A_612 = arith.constant 0 : i32
      %dma_wait3A_613 = tpu.memref_slice %arg7[%dma_wait3A_608, %dma_wait3A_612] : memref<10x80xi32, #tpu.memory_space<vmem>> -> memref<1x80xi32, #tpu.memory_space<vmem>>
      %dma_wait3A_614 = tpu.memref_squeeze %dma_wait3A_613 : memref<1x80xi32, #tpu.memory_space<vmem>> -> memref<80xi32, #tpu.memory_space<vmem>>
      %dma_wait3A_615 = arith.constant 0 : i32
      %dma_wait3A_616 = arith.constant 0 : i32
      %dma_wait3A_617 = tpu.memref_slice %arg4[%dma_wait3A_615, %dma_wait3A_616] : memref<2600000x16xf32, #tpu.memory_space<hbm>> -> memref<2600000x16xf32, #tpu.memory_space<hbm>>
      tpu.wait_indirect_dma semaphore(%arg15 : memref<!tpu.dma_semaphore, #tpu.memory_space<semaphore_mem>>) src(%dma_wait3A_617 : memref<2600000x16xf32, #tpu.memory_space<hbm>>) dst(%dma_wait3A_611 : memref<80x16xf32, #tpu.memory_space<vmem>>)
      %dma_wait3A_618 = arith.constant 1 : i32
      %dma_wait3A_619 = arith.constant 80 : i32
      %dma_wait3A_620 = arith.constant 0 : i32
      %dma_wait3A_621 = tpu.memref_slice %arg9[%dma_wait3A_619, %dma_wait3A_620] : memref<800x16xf32, #tpu.memory_space<vmem>> -> memref<80x16xf32, #tpu.memory_space<vmem>>
      %dma_wait3A_622 = arith.constant 0 : i32
      %dma_wait3A_623 = tpu.memref_slice %arg7[%dma_wait3A_618, %dma_wait3A_622] : memref<10x80xi32, #tpu.memory_space<vmem>> -> memref<1x80xi32, #tpu.memory_space<vmem>>
      %dma_wait3A_624 = tpu.memref_squeeze %dma_wait3A_623 : memref<1x80xi32, #tpu.memory_space<vmem>> -> memref<80xi32, #tpu.memory_space<vmem>>
      %dma_wait3A_625 = arith.constant 0 : i32
      %dma_wait3A_626 = arith.constant 0 : i32
      %dma_wait3A_627 = tpu.memref_slice %arg4[%dma_wait3A_625, %dma_wait3A_626] : memref<2600000x16xf32, #tpu.memory_space<hbm>> -> memref<2600000x16xf32, #tpu.memory_space<hbm>>
      tpu.wait_indirect_dma semaphore(%arg15 : memref<!tpu.dma_semaphore, #tpu.memory_space<semaphore_mem>>) src(%dma_wait3A_627 : memref<2600000x16xf32, #tpu.memory_space<hbm>>) dst(%dma_wait3A_621 : memref<80x16xf32, #tpu.memory_space<vmem>>)
      %dma_wait3A_628 = arith.constant 2 : i32
      %dma_wait3A_629 = arith.constant 160 : i32
      %dma_wait3A_630 = arith.constant 0 : i32
      %dma_wait3A_631 = tpu.memref_slice %arg9[%dma_wait3A_629, %dma_wait3A_630] : memref<800x16xf32, #tpu.memory_space<vmem>> -> memref<80x16xf32, #tpu.memory_space<vmem>>
      %dma_wait3A_632 = arith.constant 0 : i32
      %dma_wait3A_633 = tpu.memref_slice %arg7[%dma_wait3A_628, %dma_wait3A_632] : memref<10x80xi32, #tpu.memory_space<vmem>> -> memref<1x80xi32, #tpu.memory_space<vmem>>
      %dma_wait3A_634 = tpu.memref_squeeze %dma_wait3A_633 : memref<1x80xi32, #tpu.memory_space<vmem>> -> memref<80xi32, #tpu.memory_space<vmem>>
      %dma_wait3A_635 = arith.constant 0 : i32
      %dma_wait3A_636 = arith.constant 0 : i32
      %dma_wait3A_637 = tpu.memref_slice %arg4[%dma_wait3A_635, %dma_wait3A_636] : memref<2600000x16xf32, #tpu.memory_space<hbm>> -> memref<2600000x16xf32, #tpu.memory_space<hbm>>
      tpu.wait_indirect_dma semaphore(%arg15 : memref<!tpu.dma_semaphore, #tpu.memory_space<semaphore_mem>>) src(%dma_wait3A_637 : memref<2600000x16xf32, #tpu.memory_space<hbm>>) dst(%dma_wait3A_631 : memref<80x16xf32, #tpu.memory_space<vmem>>)
      %dma_wait3A_638 = arith.constant 3 : i32
      %dma_wait3A_639 = arith.constant 240 : i32
      %dma_wait3A_640 = arith.constant 0 : i32
      %dma_wait3A_641 = tpu.memref_slice %arg9[%dma_wait3A_639, %dma_wait3A_640] : memref<800x16xf32, #tpu.memory_space<vmem>> -> memref<80x16xf32, #tpu.memory_space<vmem>>
      %dma_wait3A_642 = arith.constant 0 : i32
      %dma_wait3A_643 = tpu.memref_slice %arg7[%dma_wait3A_638, %dma_wait3A_642] : memref<10x80xi32, #tpu.memory_space<vmem>> -> memref<1x80xi32, #tpu.memory_space<vmem>>
      %dma_wait3A_644 = tpu.memref_squeeze %dma_wait3A_643 : memref<1x80xi32, #tpu.memory_space<vmem>> -> memref<80xi32, #tpu.memory_space<vmem>>
      %dma_wait3A_645 = arith.constant 0 : i32
      %dma_wait3A_646 = arith.constant 0 : i32
      %dma_wait3A_647 = tpu.memref_slice %arg4[%dma_wait3A_645, %dma_wait3A_646] : memref<2600000x16xf32, #tpu.memory_space<hbm>> -> memref<2600000x16xf32, #tpu.memory_space<hbm>>
      tpu.wait_indirect_dma semaphore(%arg15 : memref<!tpu.dma_semaphore, #tpu.memory_space<semaphore_mem>>) src(%dma_wait3A_647 : memref<2600000x16xf32, #tpu.memory_space<hbm>>) dst(%dma_wait3A_641 : memref<80x16xf32, #tpu.memory_space<vmem>>)
      %dma_wait3A_648 = arith.constant 4 : i32
      %dma_wait3A_649 = arith.constant 320 : i32
      %dma_wait3A_650 = arith.constant 0 : i32
      %dma_wait3A_651 = tpu.memref_slice %arg9[%dma_wait3A_649, %dma_wait3A_650] : memref<800x16xf32, #tpu.memory_space<vmem>> -> memref<80x16xf32, #tpu.memory_space<vmem>>
      %dma_wait3A_652 = arith.constant 0 : i32
      %dma_wait3A_653 = tpu.memref_slice %arg7[%dma_wait3A_648, %dma_wait3A_652] : memref<10x80xi32, #tpu.memory_space<vmem>> -> memref<1x80xi32, #tpu.memory_space<vmem>>
      %dma_wait3A_654 = tpu.memref_squeeze %dma_wait3A_653 : memref<1x80xi32, #tpu.memory_space<vmem>> -> memref<80xi32, #tpu.memory_space<vmem>>
      %dma_wait3A_655 = arith.constant 0 : i32
      %dma_wait3A_656 = arith.constant 0 : i32
      %dma_wait3A_657 = tpu.memref_slice %arg4[%dma_wait3A_655, %dma_wait3A_656] : memref<2600000x16xf32, #tpu.memory_space<hbm>> -> memref<2600000x16xf32, #tpu.memory_space<hbm>>
      tpu.wait_indirect_dma semaphore(%arg15 : memref<!tpu.dma_semaphore, #tpu.memory_space<semaphore_mem>>) src(%dma_wait3A_657 : memref<2600000x16xf32, #tpu.memory_space<hbm>>) dst(%dma_wait3A_651 : memref<80x16xf32, #tpu.memory_space<vmem>>)
      %dma_wait3A_658 = arith.constant 5 : i32
      %dma_wait3A_659 = arith.constant 400 : i32
      %dma_wait3A_660 = arith.constant 0 : i32
      %dma_wait3A_661 = tpu.memref_slice %arg9[%dma_wait3A_659, %dma_wait3A_660] : memref<800x16xf32, #tpu.memory_space<vmem>> -> memref<80x16xf32, #tpu.memory_space<vmem>>
      %dma_wait3A_662 = arith.constant 0 : i32
      %dma_wait3A_663 = tpu.memref_slice %arg7[%dma_wait3A_658, %dma_wait3A_662] : memref<10x80xi32, #tpu.memory_space<vmem>> -> memref<1x80xi32, #tpu.memory_space<vmem>>
      %dma_wait3A_664 = tpu.memref_squeeze %dma_wait3A_663 : memref<1x80xi32, #tpu.memory_space<vmem>> -> memref<80xi32, #tpu.memory_space<vmem>>
      %dma_wait3A_665 = arith.constant 0 : i32
      %dma_wait3A_666 = arith.constant 0 : i32
      %dma_wait3A_667 = tpu.memref_slice %arg4[%dma_wait3A_665, %dma_wait3A_666] : memref<2600000x16xf32, #tpu.memory_space<hbm>> -> memref<2600000x16xf32, #tpu.memory_space<hbm>>
      tpu.wait_indirect_dma semaphore(%arg15 : memref<!tpu.dma_semaphore, #tpu.memory_space<semaphore_mem>>) src(%dma_wait3A_667 : memref<2600000x16xf32, #tpu.memory_space<hbm>>) dst(%dma_wait3A_661 : memref<80x16xf32, #tpu.memory_space<vmem>>)
      %dma_wait3A_668 = arith.constant 6 : i32
      %dma_wait3A_669 = arith.constant 480 : i32
      %dma_wait3A_670 = arith.constant 0 : i32
      %dma_wait3A_671 = tpu.memref_slice %arg9[%dma_wait3A_669, %dma_wait3A_670] : memref<800x16xf32, #tpu.memory_space<vmem>> -> memref<80x16xf32, #tpu.memory_space<vmem>>
      %dma_wait3A_672 = arith.constant 0 : i32
      %dma_wait3A_673 = tpu.memref_slice %arg7[%dma_wait3A_668, %dma_wait3A_672] : memref<10x80xi32, #tpu.memory_space<vmem>> -> memref<1x80xi32, #tpu.memory_space<vmem>>
      %dma_wait3A_674 = tpu.memref_squeeze %dma_wait3A_673 : memref<1x80xi32, #tpu.memory_space<vmem>> -> memref<80xi32, #tpu.memory_space<vmem>>
      %dma_wait3A_675 = arith.constant 0 : i32
      %dma_wait3A_676 = arith.constant 0 : i32
      %dma_wait3A_677 = tpu.memref_slice %arg4[%dma_wait3A_675, %dma_wait3A_676] : memref<2600000x16xf32, #tpu.memory_space<hbm>> -> memref<2600000x16xf32, #tpu.memory_space<hbm>>
      tpu.wait_indirect_dma semaphore(%arg15 : memref<!tpu.dma_semaphore, #tpu.memory_space<semaphore_mem>>) src(%dma_wait3A_677 : memref<2600000x16xf32, #tpu.memory_space<hbm>>) dst(%dma_wait3A_671 : memref<80x16xf32, #tpu.memory_space<vmem>>)
      %dma_wait3A_678 = arith.constant 7 : i32
      %dma_wait3A_679 = arith.constant 560 : i32
      %dma_wait3A_680 = arith.constant 0 : i32
      %dma_wait3A_681 = tpu.memref_slice %arg9[%dma_wait3A_679, %dma_wait3A_680] : memref<800x16xf32, #tpu.memory_space<vmem>> -> memref<80x16xf32, #tpu.memory_space<vmem>>
      %dma_wait3A_682 = arith.constant 0 : i32
      %dma_wait3A_683 = tpu.memref_slice %arg7[%dma_wait3A_678, %dma_wait3A_682] : memref<10x80xi32, #tpu.memory_space<vmem>> -> memref<1x80xi32, #tpu.memory_space<vmem>>
      %dma_wait3A_684 = tpu.memref_squeeze %dma_wait3A_683 : memref<1x80xi32, #tpu.memory_space<vmem>> -> memref<80xi32, #tpu.memory_space<vmem>>
      %dma_wait3A_685 = arith.constant 0 : i32
      %dma_wait3A_686 = arith.constant 0 : i32
      %dma_wait3A_687 = tpu.memref_slice %arg4[%dma_wait3A_685, %dma_wait3A_686] : memref<2600000x16xf32, #tpu.memory_space<hbm>> -> memref<2600000x16xf32, #tpu.memory_space<hbm>>
      tpu.wait_indirect_dma semaphore(%arg15 : memref<!tpu.dma_semaphore, #tpu.memory_space<semaphore_mem>>) src(%dma_wait3A_687 : memref<2600000x16xf32, #tpu.memory_space<hbm>>) dst(%dma_wait3A_681 : memref<80x16xf32, #tpu.memory_space<vmem>>)
      %dma_wait3A_688 = arith.constant 8 : i32
      %dma_wait3A_689 = arith.constant 640 : i32
      %dma_wait3A_690 = arith.constant 0 : i32
      %dma_wait3A_691 = tpu.memref_slice %arg9[%dma_wait3A_689, %dma_wait3A_690] : memref<800x16xf32, #tpu.memory_space<vmem>> -> memref<80x16xf32, #tpu.memory_space<vmem>>
      %dma_wait3A_692 = arith.constant 0 : i32
      %dma_wait3A_693 = tpu.memref_slice %arg7[%dma_wait3A_688, %dma_wait3A_692] : memref<10x80xi32, #tpu.memory_space<vmem>> -> memref<1x80xi32, #tpu.memory_space<vmem>>
      %dma_wait3A_694 = tpu.memref_squeeze %dma_wait3A_693 : memref<1x80xi32, #tpu.memory_space<vmem>> -> memref<80xi32, #tpu.memory_space<vmem>>
      %dma_wait3A_695 = arith.constant 0 : i32
      %dma_wait3A_696 = arith.constant 0 : i32
      %dma_wait3A_697 = tpu.memref_slice %arg4[%dma_wait3A_695, %dma_wait3A_696] : memref<2600000x16xf32, #tpu.memory_space<hbm>> -> memref<2600000x16xf32, #tpu.memory_space<hbm>>
      tpu.wait_indirect_dma semaphore(%arg15 : memref<!tpu.dma_semaphore, #tpu.memory_space<semaphore_mem>>) src(%dma_wait3A_697 : memref<2600000x16xf32, #tpu.memory_space<hbm>>) dst(%dma_wait3A_691 : memref<80x16xf32, #tpu.memory_space<vmem>>)
      %dma_wait3A_698 = arith.constant 9 : i32
      %dma_wait3A_699 = arith.constant 720 : i32
      %dma_wait3A_700 = arith.constant 0 : i32
      %dma_wait3A_701 = tpu.memref_slice %arg9[%dma_wait3A_699, %dma_wait3A_700] : memref<800x16xf32, #tpu.memory_space<vmem>> -> memref<80x16xf32, #tpu.memory_space<vmem>>
      %dma_wait3A_702 = arith.constant 0 : i32
      %dma_wait3A_703 = tpu.memref_slice %arg7[%dma_wait3A_698, %dma_wait3A_702] : memref<10x80xi32, #tpu.memory_space<vmem>> -> memref<1x80xi32, #tpu.memory_space<vmem>>
      %dma_wait3A_704 = tpu.memref_squeeze %dma_wait3A_703 : memref<1x80xi32, #tpu.memory_space<vmem>> -> memref<80xi32, #tpu.memory_space<vmem>>
      %dma_wait3A_705 = arith.constant 0 : i32
      %dma_wait3A_706 = arith.constant 0 : i32
      %dma_wait3A_707 = tpu.memref_slice %arg4[%dma_wait3A_705, %dma_wait3A_706] : memref<2600000x16xf32, #tpu.memory_space<hbm>> -> memref<2600000x16xf32, #tpu.memory_space<hbm>>
      tpu.wait_indirect_dma semaphore(%arg15 : memref<!tpu.dma_semaphore, #tpu.memory_space<semaphore_mem>>) src(%dma_wait3A_707 : memref<2600000x16xf32, #tpu.memory_space<hbm>>) dst(%dma_wait3A_701 : memref<80x16xf32, #tpu.memory_space<vmem>>)
      %add3A_708 = arith.constant 0 : i32
      %add3A_709 = arith.addi %mul3A_2, %add3A_708 : i32
      %mul3A_710 = arith.constant 16 : i32
      %mul3A_711 = arith.muli %scan3A_491, %mul3A_710 : i32
      %dma_start3A_712 = tpu.memref_slice %arg5[%add3A_709, %mul3A_711] : memref<51200x490xf32, #tpu.memory_space<hbm>> -> memref<800x16xf32, #tpu.memory_space<hbm>>
      %dma_start3A_713 = tpu.memref_slice %arg5[%add3A_709, %mul3A_711] : memref<51200x490xf32, #tpu.memory_space<hbm>> -> memref<800x16xf32, #tpu.memory_space<hbm>>
      tpu.enqueue_dma source(%arg9 : memref<800x16xf32, #tpu.memory_space<vmem>>) target(%dma_start3A_713 : memref<800x16xf32, #tpu.memory_space<hbm>>) target_semaphore(%arg16 : memref<!tpu.dma_semaphore, #tpu.memory_space<semaphore_mem>>)
      %sub3A_714 = arith.constant 1 : i32
      %sub3A_715 = arith.subi %scan3A_491, %sub3A_714 : i32
      %add3A_716 = arith.constant 800 : i32
      %add3A_717 = arith.addi %mul3A_2, %add3A_716 : i32
      %mul3A_718 = arith.constant 16 : i32
      %mul3A_719 = arith.muli %sub3A_715, %mul3A_718 : i32
      %dma_wait3A_720 = tpu.memref_slice %arg5[%add3A_717, %mul3A_719] : memref<51200x490xf32, #tpu.memory_space<hbm>> -> memref<800x16xf32, #tpu.memory_space<hbm>>
      %dma_wait3A_721 = tpu.memref_slice %arg5[%add3A_717, %mul3A_719] : memref<51200x490xf32, #tpu.memory_space<hbm>> -> memref<800x16xf32, #tpu.memory_space<hbm>>
      tpu.wait_dma2 semaphore(%arg17 : memref<!tpu.dma_semaphore, #tpu.memory_space<semaphore_mem>>) src(%arg10 : memref<800x16xf32, #tpu.memory_space<vmem>>) dst(%dma_wait3A_721 : memref<800x16xf32, #tpu.memory_space<hbm>>)
      %broadcast_in_dim3A_722 = vector.broadcast %scan3A_491 : i32 to vector<16xi32>
      %mul3A_723 = arith.constant 100000 : i32
      %mul3A_724 = arith.muli %scan3A_491, %mul3A_723 : i32
      %scan3A_725 = arith.constant 0 : i32
      %scan3A_726 = arith.constant 0 : i32
      %scan3A_727 = arith.constant 50 : i32
      %scan3A_728 = arith.addi %scan3A_726, %scan3A_727 : i32
      %scan3A_729 = arith.constant 1 : i32
      scf.for %scan3A_937 = %scan3A_726 to %scan3A_728 step %scan3A_729  : i32 {
        %mul3A_938 = arith.constant 16 : i32
        %mul3A_939 = arith.muli %mul3A_938, %scan3A_937 : i32
        %add3A_940 = arith.constant 800 : i32
        %add3A_941 = arith.addi %add3A_940, %mul3A_939 : i32
        %add3A_942 = vector.broadcast %add3A_941 : i32 to vector<16xi32>
        %add3A_943 = arith.addi %iota3A, %add3A_942 : vector<16xi32>
        %gather3A = tpu.vector_load_idx %arg6[%add3A_943, %broadcast_in_dim3A_722] : memref<1600x32xi32, #tpu.memory_space<vmem>>[vector<16xi32>, vector<16xi32>], vector<16xi32>,
        %add3A_944 = vector.broadcast %mul3A_724 : i32 to vector<16xi32>
        %add3A_945 = arith.addi %gather3A, %add3A_944 : vector<16xi32>
        %jit3A = arith.constant 5 : i32
        %div3A = arith.divsi %scan3A_937, %jit3A : i32
        %sign3A = arith.constant 0 : i32
        %sign3A_946 = arith.cmpi sgt, %scan3A_937, %sign3A : i32
        %sign3A_947 = arith.extui %sign3A_946 : i1 to i32
        %sign3A_948 = arith.constant 0 : i32
        %sign3A_949 = arith.cmpi slt, %scan3A_937, %sign3A_948 : i32
        %sign3A_950 = arith.extui %sign3A_949 : i1 to i32
        %sign3A_951 = arith.subi %sign3A_947, %sign3A_950 : i32
        %sign3A_952 = arith.constant 0 : i32
        %sign3A_953 = arith.cmpi sgt, %jit3A, %sign3A_952 : i32
        %sign3A_954 = arith.extui %sign3A_953 : i1 to i32
        %sign3A_955 = arith.constant 0 : i32
        %sign3A_956 = arith.cmpi slt, %jit3A, %sign3A_955 : i32
        %sign3A_957 = arith.extui %sign3A_956 : i1 to i32
        %sign3A_958 = arith.subi %sign3A_954, %sign3A_957 : i32
        %ne3A = arith.cmpi ne, %sign3A_951, %sign3A_958 : i32
        %rem3A = arith.remsi %scan3A_937, %jit3A : i32
        %ne3A_959 = arith.constant 0 : i32
        %ne3A_960 = arith.cmpi ne, %rem3A, %ne3A_959 : i32
        %and3A = arith.andi %ne3A, %ne3A_960 : i1
        %sub3A_961 = arith.constant 1 : i32
        %sub3A_962 = arith.subi %div3A, %sub3A_961 : i32
        %select_n3A = arith.select %and3A, %sub3A_962, %div3A : i32
        %jit3A_963 = arith.constant 5 : i32
        %eq3A = arith.constant 0 : i32
        %eq3A_964 = arith.cmpi eq, %jit3A_963, %eq3A : i32
        %jit3A_965 = arith.constant 1 : i32
        %select_n3A_966 = arith.select %eq3A_964, %jit3A_965, %jit3A_963 : i32
        %rem3A_967 = arith.remsi %scan3A_937, %select_n3A_966 : i32
        %ne3A_968 = arith.constant 0 : i32
        %ne3A_969 = arith.cmpi ne, %rem3A_967, %ne3A_968 : i32
        %lt3A = arith.constant 0 : i32
        %lt3A_970 = arith.cmpi slt, %rem3A_967, %lt3A : i32
        %lt3A_971 = arith.constant 0 : i32
        %lt3A_972 = arith.cmpi slt, %select_n3A_966, %lt3A_971 : i32
        %ne3A_973 = arith.xori %lt3A_970, %lt3A_972 : i1
        %and3A_974 = arith.andi %ne3A_973, %ne3A_969 : i1
        %add3A_975 = arith.addi %rem3A_967, %select_n3A_966 : i32
        %select_n3A_976 = arith.select %and3A_974, %add3A_975, %rem3A_967 : i32
        %mul3A_977 = arith.constant 16 : i32
        %mul3A_978 = arith.muli %select_n3A_976, %mul3A_977 : i32
        %swap3A = arith.index_cast %select_n3A : i32 to index
        %swap3A_979 = arith.index_cast %mul3A_978 : i32 to index
        %swap3A_980 = tpu.vector_load %arg8[%swap3A, %swap3A_979] {strides = array<i32>} : memref<10x80xi32, #tpu.memory_space<vmem>>, vector<16xi32>,
        tpu.vector_store %arg8[%swap3A, %swap3A_979], %add3A_945 {strides = array<i32>} : memref<10x80xi32, #tpu.memory_space<vmem>>, vector<16xi32>,
      }
      %scan3A_730 = arith.constant 50 : i32
      %dma_start3A_731 = arith.constant 0 : i32
      %dma_start3A_732 = arith.constant 0 : i32
      %dma_start3A_733 = arith.constant 0 : i32
      %dma_start3A_734 = tpu.memref_slice %arg10[%dma_start3A_732, %dma_start3A_733] : memref<800x16xf32, #tpu.memory_space<vmem>> -> memref<80x16xf32, #tpu.memory_space<vmem>>
      %dma_start3A_735 = arith.constant 0 : i32
      %dma_start3A_736 = tpu.memref_slice %arg8[%dma_start3A_731, %dma_start3A_735] : memref<10x80xi32, #tpu.memory_space<vmem>> -> memref<1x80xi32, #tpu.memory_space<vmem>>
      %dma_start3A_737 = tpu.memref_squeeze %dma_start3A_736 : memref<1x80xi32, #tpu.memory_space<vmem>> -> memref<80xi32, #tpu.memory_space<vmem>>
      %dma_start3A_738 = arith.constant 0 : i32
      %dma_start3A_739 = arith.constant 0 : i32
      %dma_start3A_740 = tpu.memref_slice %arg4[%dma_start3A_738, %dma_start3A_739] : memref<2600000x16xf32, #tpu.memory_space<hbm>> -> memref<2600000x16xf32, #tpu.memory_space<hbm>>
      tpu.enqueue_indirect_dma source(%dma_start3A_740 : memref<2600000x16xf32, #tpu.memory_space<hbm>>) target(%dma_start3A_734 : memref<80x16xf32, #tpu.memory_space<vmem>>) offsets(%dma_start3A_737 : memref<80xi32, #tpu.memory_space<vmem>>) semaphore(%arg15 : memref<!tpu.dma_semaphore, #tpu.memory_space<semaphore_mem>>)
      %dma_start3A_741 = arith.constant 1 : i32
      %dma_start3A_742 = arith.constant 80 : i32
      %dma_start3A_743 = arith.constant 0 : i32
      %dma_start3A_744 = tpu.memref_slice %arg10[%dma_start3A_742, %dma_start3A_743] : memref<800x16xf32, #tpu.memory_space<vmem>> -> memref<80x16xf32, #tpu.memory_space<vmem>>
      %dma_start3A_745 = arith.constant 0 : i32
      %dma_start3A_746 = tpu.memref_slice %arg8[%dma_start3A_741, %dma_start3A_745] : memref<10x80xi32, #tpu.memory_space<vmem>> -> memref<1x80xi32, #tpu.memory_space<vmem>>
      %dma_start3A_747 = tpu.memref_squeeze %dma_start3A_746 : memref<1x80xi32, #tpu.memory_space<vmem>> -> memref<80xi32, #tpu.memory_space<vmem>>
      %dma_start3A_748 = arith.constant 0 : i32
      %dma_start3A_749 = arith.constant 0 : i32
      %dma_start3A_750 = tpu.memref_slice %arg4[%dma_start3A_748, %dma_start3A_749] : memref<2600000x16xf32, #tpu.memory_space<hbm>> -> memref<2600000x16xf32, #tpu.memory_space<hbm>>
      tpu.enqueue_indirect_dma source(%dma_start3A_750 : memref<2600000x16xf32, #tpu.memory_space<hbm>>) target(%dma_start3A_744 : memref<80x16xf32, #tpu.memory_space<vmem>>) offsets(%dma_start3A_747 : memref<80xi32, #tpu.memory_space<vmem>>) semaphore(%arg15 : memref<!tpu.dma_semaphore, #tpu.memory_space<semaphore_mem>>)
      %dma_start3A_751 = arith.constant 2 : i32
      %dma_start3A_752 = arith.constant 160 : i32
      %dma_start3A_753 = arith.constant 0 : i32
      %dma_start3A_754 = tpu.memref_slice %arg10[%dma_start3A_752, %dma_start3A_753] : memref<800x16xf32, #tpu.memory_space<vmem>> -> memref<80x16xf32, #tpu.memory_space<vmem>>
      %dma_start3A_755 = arith.constant 0 : i32
      %dma_start3A_756 = tpu.memref_slice %arg8[%dma_start3A_751, %dma_start3A_755] : memref<10x80xi32, #tpu.memory_space<vmem>> -> memref<1x80xi32, #tpu.memory_space<vmem>>
      %dma_start3A_757 = tpu.memref_squeeze %dma_start3A_756 : memref<1x80xi32, #tpu.memory_space<vmem>> -> memref<80xi32, #tpu.memory_space<vmem>>
      %dma_start3A_758 = arith.constant 0 : i32
      %dma_start3A_759 = arith.constant 0 : i32
      %dma_start3A_760 = tpu.memref_slice %arg4[%dma_start3A_758, %dma_start3A_759] : memref<2600000x16xf32, #tpu.memory_space<hbm>> -> memref<2600000x16xf32, #tpu.memory_space<hbm>>
      tpu.enqueue_indirect_dma source(%dma_start3A_760 : memref<2600000x16xf32, #tpu.memory_space<hbm>>) target(%dma_start3A_754 : memref<80x16xf32, #tpu.memory_space<vmem>>) offsets(%dma_start3A_757 : memref<80xi32, #tpu.memory_space<vmem>>) semaphore(%arg15 : memref<!tpu.dma_semaphore, #tpu.memory_space<semaphore_mem>>)
      %dma_start3A_761 = arith.constant 3 : i32
      %dma_start3A_762 = arith.constant 240 : i32
      %dma_start3A_763 = arith.constant 0 : i32
      %dma_start3A_764 = tpu.memref_slice %arg10[%dma_start3A_762, %dma_start3A_763] : memref<800x16xf32, #tpu.memory_space<vmem>> -> memref<80x16xf32, #tpu.memory_space<vmem>>
      %dma_start3A_765 = arith.constant 0 : i32
      %dma_start3A_766 = tpu.memref_slice %arg8[%dma_start3A_761, %dma_start3A_765] : memref<10x80xi32, #tpu.memory_space<vmem>> -> memref<1x80xi32, #tpu.memory_space<vmem>>
      %dma_start3A_767 = tpu.memref_squeeze %dma_start3A_766 : memref<1x80xi32, #tpu.memory_space<vmem>> -> memref<80xi32, #tpu.memory_space<vmem>>
      %dma_start3A_768 = arith.constant 0 : i32
      %dma_start3A_769 = arith.constant 0 : i32
      %dma_start3A_770 = tpu.memref_slice %arg4[%dma_start3A_768, %dma_start3A_769] : memref<2600000x16xf32, #tpu.memory_space<hbm>> -> memref<2600000x16xf32, #tpu.memory_space<hbm>>
      tpu.enqueue_indirect_dma source(%dma_start3A_770 : memref<2600000x16xf32, #tpu.memory_space<hbm>>) target(%dma_start3A_764 : memref<80x16xf32, #tpu.memory_space<vmem>>) offsets(%dma_start3A_767 : memref<80xi32, #tpu.memory_space<vmem>>) semaphore(%arg15 : memref<!tpu.dma_semaphore, #tpu.memory_space<semaphore_mem>>)
      %dma_start3A_771 = arith.constant 4 : i32
      %dma_start3A_772 = arith.constant 320 : i32
      %dma_start3A_773 = arith.constant 0 : i32
      %dma_start3A_774 = tpu.memref_slice %arg10[%dma_start3A_772, %dma_start3A_773] : memref<800x16xf32, #tpu.memory_space<vmem>> -> memref<80x16xf32, #tpu.memory_space<vmem>>
      %dma_start3A_775 = arith.constant 0 : i32
      %dma_start3A_776 = tpu.memref_slice %arg8[%dma_start3A_771, %dma_start3A_775] : memref<10x80xi32, #tpu.memory_space<vmem>> -> memref<1x80xi32, #tpu.memory_space<vmem>>
      %dma_start3A_777 = tpu.memref_squeeze %dma_start3A_776 : memref<1x80xi32, #tpu.memory_space<vmem>> -> memref<80xi32, #tpu.memory_space<vmem>>
      %dma_start3A_778 = arith.constant 0 : i32
      %dma_start3A_779 = arith.constant 0 : i32
      %dma_start3A_780 = tpu.memref_slice %arg4[%dma_start3A_778, %dma_start3A_779] : memref<2600000x16xf32, #tpu.memory_space<hbm>> -> memref<2600000x16xf32, #tpu.memory_space<hbm>>
      tpu.enqueue_indirect_dma source(%dma_start3A_780 : memref<2600000x16xf32, #tpu.memory_space<hbm>>) target(%dma_start3A_774 : memref<80x16xf32, #tpu.memory_space<vmem>>) offsets(%dma_start3A_777 : memref<80xi32, #tpu.memory_space<vmem>>) semaphore(%arg15 : memref<!tpu.dma_semaphore, #tpu.memory_space<semaphore_mem>>)
      %dma_start3A_781 = arith.constant 5 : i32
      %dma_start3A_782 = arith.constant 400 : i32
      %dma_start3A_783 = arith.constant 0 : i32
      %dma_start3A_784 = tpu.memref_slice %arg10[%dma_start3A_782, %dma_start3A_783] : memref<800x16xf32, #tpu.memory_space<vmem>> -> memref<80x16xf32, #tpu.memory_space<vmem>>
      %dma_start3A_785 = arith.constant 0 : i32
      %dma_start3A_786 = tpu.memref_slice %arg8[%dma_start3A_781, %dma_start3A_785] : memref<10x80xi32, #tpu.memory_space<vmem>> -> memref<1x80xi32, #tpu.memory_space<vmem>>
      %dma_start3A_787 = tpu.memref_squeeze %dma_start3A_786 : memref<1x80xi32, #tpu.memory_space<vmem>> -> memref<80xi32, #tpu.memory_space<vmem>>
      %dma_start3A_788 = arith.constant 0 : i32
      %dma_start3A_789 = arith.constant 0 : i32
      %dma_start3A_790 = tpu.memref_slice %arg4[%dma_start3A_788, %dma_start3A_789] : memref<2600000x16xf32, #tpu.memory_space<hbm>> -> memref<2600000x16xf32, #tpu.memory_space<hbm>>
      tpu.enqueue_indirect_dma source(%dma_start3A_790 : memref<2600000x16xf32, #tpu.memory_space<hbm>>) target(%dma_start3A_784 : memref<80x16xf32, #tpu.memory_space<vmem>>) offsets(%dma_start3A_787 : memref<80xi32, #tpu.memory_space<vmem>>) semaphore(%arg15 : memref<!tpu.dma_semaphore, #tpu.memory_space<semaphore_mem>>)
      %dma_start3A_791 = arith.constant 6 : i32
      %dma_start3A_792 = arith.constant 480 : i32
      %dma_start3A_793 = arith.constant 0 : i32
      %dma_start3A_794 = tpu.memref_slice %arg10[%dma_start3A_792, %dma_start3A_793] : memref<800x16xf32, #tpu.memory_space<vmem>> -> memref<80x16xf32, #tpu.memory_space<vmem>>
      %dma_start3A_795 = arith.constant 0 : i32
      %dma_start3A_796 = tpu.memref_slice %arg8[%dma_start3A_791, %dma_start3A_795] : memref<10x80xi32, #tpu.memory_space<vmem>> -> memref<1x80xi32, #tpu.memory_space<vmem>>
      %dma_start3A_797 = tpu.memref_squeeze %dma_start3A_796 : memref<1x80xi32, #tpu.memory_space<vmem>> -> memref<80xi32, #tpu.memory_space<vmem>>
      %dma_start3A_798 = arith.constant 0 : i32
      %dma_start3A_799 = arith.constant 0 : i32
      %dma_start3A_800 = tpu.memref_slice %arg4[%dma_start3A_798, %dma_start3A_799] : memref<2600000x16xf32, #tpu.memory_space<hbm>> -> memref<2600000x16xf32, #tpu.memory_space<hbm>>
      tpu.enqueue_indirect_dma source(%dma_start3A_800 : memref<2600000x16xf32, #tpu.memory_space<hbm>>) target(%dma_start3A_794 : memref<80x16xf32, #tpu.memory_space<vmem>>) offsets(%dma_start3A_797 : memref<80xi32, #tpu.memory_space<vmem>>) semaphore(%arg15 : memref<!tpu.dma_semaphore, #tpu.memory_space<semaphore_mem>>)
      %dma_start3A_801 = arith.constant 7 : i32
      %dma_start3A_802 = arith.constant 560 : i32
      %dma_start3A_803 = arith.constant 0 : i32
      %dma_start3A_804 = tpu.memref_slice %arg10[%dma_start3A_802, %dma_start3A_803] : memref<800x16xf32, #tpu.memory_space<vmem>> -> memref<80x16xf32, #tpu.memory_space<vmem>>
      %dma_start3A_805 = arith.constant 0 : i32
      %dma_start3A_806 = tpu.memref_slice %arg8[%dma_start3A_801, %dma_start3A_805] : memref<10x80xi32, #tpu.memory_space<vmem>> -> memref<1x80xi32, #tpu.memory_space<vmem>>
      %dma_start3A_807 = tpu.memref_squeeze %dma_start3A_806 : memref<1x80xi32, #tpu.memory_space<vmem>> -> memref<80xi32, #tpu.memory_space<vmem>>
      %dma_start3A_808 = arith.constant 0 : i32
      %dma_start3A_809 = arith.constant 0 : i32
      %dma_start3A_810 = tpu.memref_slice %arg4[%dma_start3A_808, %dma_start3A_809] : memref<2600000x16xf32, #tpu.memory_space<hbm>> -> memref<2600000x16xf32, #tpu.memory_space<hbm>>
      tpu.enqueue_indirect_dma source(%dma_start3A_810 : memref<2600000x16xf32, #tpu.memory_space<hbm>>) target(%dma_start3A_804 : memref<80x16xf32, #tpu.memory_space<vmem>>) offsets(%dma_start3A_807 : memref<80xi32, #tpu.memory_space<vmem>>) semaphore(%arg15 : memref<!tpu.dma_semaphore, #tpu.memory_space<semaphore_mem>>)
      %dma_start3A_811 = arith.constant 8 : i32
      %dma_start3A_812 = arith.constant 640 : i32
      %dma_start3A_813 = arith.constant 0 : i32
      %dma_start3A_814 = tpu.memref_slice %arg10[%dma_start3A_812, %dma_start3A_813] : memref<800x16xf32, #tpu.memory_space<vmem>> -> memref<80x16xf32, #tpu.memory_space<vmem>>
      %dma_start3A_815 = arith.constant 0 : i32
      %dma_start3A_816 = tpu.memref_slice %arg8[%dma_start3A_811, %dma_start3A_815] : memref<10x80xi32, #tpu.memory_space<vmem>> -> memref<1x80xi32, #tpu.memory_space<vmem>>
      %dma_start3A_817 = tpu.memref_squeeze %dma_start3A_816 : memref<1x80xi32, #tpu.memory_space<vmem>> -> memref<80xi32, #tpu.memory_space<vmem>>
      %dma_start3A_818 = arith.constant 0 : i32
      %dma_start3A_819 = arith.constant 0 : i32
      %dma_start3A_820 = tpu.memref_slice %arg4[%dma_start3A_818, %dma_start3A_819] : memref<2600000x16xf32, #tpu.memory_space<hbm>> -> memref<2600000x16xf32, #tpu.memory_space<hbm>>
      tpu.enqueue_indirect_dma source(%dma_start3A_820 : memref<2600000x16xf32, #tpu.memory_space<hbm>>) target(%dma_start3A_814 : memref<80x16xf32, #tpu.memory_space<vmem>>) offsets(%dma_start3A_817 : memref<80xi32, #tpu.memory_space<vmem>>) semaphore(%arg15 : memref<!tpu.dma_semaphore, #tpu.memory_space<semaphore_mem>>)
      %dma_start3A_821 = arith.constant 9 : i32
      %dma_start3A_822 = arith.constant 720 : i32
      %dma_start3A_823 = arith.constant 0 : i32
      %dma_start3A_824 = tpu.memref_slice %arg10[%dma_start3A_822, %dma_start3A_823] : memref<800x16xf32, #tpu.memory_space<vmem>> -> memref<80x16xf32, #tpu.memory_space<vmem>>
      %dma_start3A_825 = arith.constant 0 : i32
      %dma_start3A_826 = tpu.memref_slice %arg8[%dma_start3A_821, %dma_start3A_825] : memref<10x80xi32, #tpu.memory_space<vmem>> -> memref<1x80xi32, #tpu.memory_space<vmem>>
      %dma_start3A_827 = tpu.memref_squeeze %dma_start3A_826 : memref<1x80xi32, #tpu.memory_space<vmem>> -> memref<80xi32, #tpu.memory_space<vmem>>
      %dma_start3A_828 = arith.constant 0 : i32
      %dma_start3A_829 = arith.constant 0 : i32
      %dma_start3A_830 = tpu.memref_slice %arg4[%dma_start3A_828, %dma_start3A_829] : memref<2600000x16xf32, #tpu.memory_space<hbm>> -> memref<2600000x16xf32, #tpu.memory_space<hbm>>
      tpu.enqueue_indirect_dma source(%dma_start3A_830 : memref<2600000x16xf32, #tpu.memory_space<hbm>>) target(%dma_start3A_824 : memref<80x16xf32, #tpu.memory_space<vmem>>) offsets(%dma_start3A_827 : memref<80xi32, #tpu.memory_space<vmem>>) semaphore(%arg15 : memref<!tpu.dma_semaphore, #tpu.memory_space<semaphore_mem>>)
      %dma_wait3A_831 = arith.constant 0 : i32
      %dma_wait3A_832 = arith.constant 0 : i32
      %dma_wait3A_833 = arith.constant 0 : i32
      %dma_wait3A_834 = tpu.memref_slice %arg10[%dma_wait3A_832, %dma_wait3A_833] : memref<800x16xf32, #tpu.memory_space<vmem>> -> memref<80x16xf32, #tpu.memory_space<vmem>>
      %dma_wait3A_835 = arith.constant 0 : i32
      %dma_wait3A_836 = tpu.memref_slice %arg8[%dma_wait3A_831, %dma_wait3A_835] : memref<10x80xi32, #tpu.memory_space<vmem>> -> memref<1x80xi32, #tpu.memory_space<vmem>>
      %dma_wait3A_837 = tpu.memref_squeeze %dma_wait3A_836 : memref<1x80xi32, #tpu.memory_space<vmem>> -> memref<80xi32, #tpu.memory_space<vmem>>
      %dma_wait3A_838 = arith.constant 0 : i32
      %dma_wait3A_839 = arith.constant 0 : i32
      %dma_wait3A_840 = tpu.memref_slice %arg4[%dma_wait3A_838, %dma_wait3A_839] : memref<2600000x16xf32, #tpu.memory_space<hbm>> -> memref<2600000x16xf32, #tpu.memory_space<hbm>>
      tpu.wait_indirect_dma semaphore(%arg15 : memref<!tpu.dma_semaphore, #tpu.memory_space<semaphore_mem>>) src(%dma_wait3A_840 : memref<2600000x16xf32, #tpu.memory_space<hbm>>) dst(%dma_wait3A_834 : memref<80x16xf32, #tpu.memory_space<vmem>>)
      %dma_wait3A_841 = arith.constant 1 : i32
      %dma_wait3A_842 = arith.constant 80 : i32
      %dma_wait3A_843 = arith.constant 0 : i32
      %dma_wait3A_844 = tpu.memref_slice %arg10[%dma_wait3A_842, %dma_wait3A_843] : memref<800x16xf32, #tpu.memory_space<vmem>> -> memref<80x16xf32, #tpu.memory_space<vmem>>
      %dma_wait3A_845 = arith.constant 0 : i32
      %dma_wait3A_846 = tpu.memref_slice %arg8[%dma_wait3A_841, %dma_wait3A_845] : memref<10x80xi32, #tpu.memory_space<vmem>> -> memref<1x80xi32, #tpu.memory_space<vmem>>
      %dma_wait3A_847 = tpu.memref_squeeze %dma_wait3A_846 : memref<1x80xi32, #tpu.memory_space<vmem>> -> memref<80xi32, #tpu.memory_space<vmem>>
      %dma_wait3A_848 = arith.constant 0 : i32
      %dma_wait3A_849 = arith.constant 0 : i32
      %dma_wait3A_850 = tpu.memref_slice %arg4[%dma_wait3A_848, %dma_wait3A_849] : memref<2600000x16xf32, #tpu.memory_space<hbm>> -> memref<2600000x16xf32, #tpu.memory_space<hbm>>
      tpu.wait_indirect_dma semaphore(%arg15 : memref<!tpu.dma_semaphore, #tpu.memory_space<semaphore_mem>>) src(%dma_wait3A_850 : memref<2600000x16xf32, #tpu.memory_space<hbm>>) dst(%dma_wait3A_844 : memref<80x16xf32, #tpu.memory_space<vmem>>)
      %dma_wait3A_851 = arith.constant 2 : i32
      %dma_wait3A_852 = arith.constant 160 : i32
      %dma_wait3A_853 = arith.constant 0 : i32
      %dma_wait3A_854 = tpu.memref_slice %arg10[%dma_wait3A_852, %dma_wait3A_853] : memref<800x16xf32, #tpu.memory_space<vmem>> -> memref<80x16xf32, #tpu.memory_space<vmem>>
      %dma_wait3A_855 = arith.constant 0 : i32
      %dma_wait3A_856 = tpu.memref_slice %arg8[%dma_wait3A_851, %dma_wait3A_855] : memref<10x80xi32, #tpu.memory_space<vmem>> -> memref<1x80xi32, #tpu.memory_space<vmem>>
      %dma_wait3A_857 = tpu.memref_squeeze %dma_wait3A_856 : memref<1x80xi32, #tpu.memory_space<vmem>> -> memref<80xi32, #tpu.memory_space<vmem>>
      %dma_wait3A_858 = arith.constant 0 : i32
      %dma_wait3A_859 = arith.constant 0 : i32
      %dma_wait3A_860 = tpu.memref_slice %arg4[%dma_wait3A_858, %dma_wait3A_859] : memref<2600000x16xf32, #tpu.memory_space<hbm>> -> memref<2600000x16xf32, #tpu.memory_space<hbm>>
      tpu.wait_indirect_dma semaphore(%arg15 : memref<!tpu.dma_semaphore, #tpu.memory_space<semaphore_mem>>) src(%dma_wait3A_860 : memref<2600000x16xf32, #tpu.memory_space<hbm>>) dst(%dma_wait3A_854 : memref<80x16xf32, #tpu.memory_space<vmem>>)
      %dma_wait3A_861 = arith.constant 3 : i32
      %dma_wait3A_862 = arith.constant 240 : i32
      %dma_wait3A_863 = arith.constant 0 : i32
      %dma_wait3A_864 = tpu.memref_slice %arg10[%dma_wait3A_862, %dma_wait3A_863] : memref<800x16xf32, #tpu.memory_space<vmem>> -> memref<80x16xf32, #tpu.memory_space<vmem>>
      %dma_wait3A_865 = arith.constant 0 : i32
      %dma_wait3A_866 = tpu.memref_slice %arg8[%dma_wait3A_861, %dma_wait3A_865] : memref<10x80xi32, #tpu.memory_space<vmem>> -> memref<1x80xi32, #tpu.memory_space<vmem>>
      %dma_wait3A_867 = tpu.memref_squeeze %dma_wait3A_866 : memref<1x80xi32, #tpu.memory_space<vmem>> -> memref<80xi32, #tpu.memory_space<vmem>>
      %dma_wait3A_868 = arith.constant 0 : i32
      %dma_wait3A_869 = arith.constant 0 : i32
      %dma_wait3A_870 = tpu.memref_slice %arg4[%dma_wait3A_868, %dma_wait3A_869] : memref<2600000x16xf32, #tpu.memory_space<hbm>> -> memref<2600000x16xf32, #tpu.memory_space<hbm>>
      tpu.wait_indirect_dma semaphore(%arg15 : memref<!tpu.dma_semaphore, #tpu.memory_space<semaphore_mem>>) src(%dma_wait3A_870 : memref<2600000x16xf32, #tpu.memory_space<hbm>>) dst(%dma_wait3A_864 : memref<80x16xf32, #tpu.memory_space<vmem>>)
      %dma_wait3A_871 = arith.constant 4 : i32
      %dma_wait3A_872 = arith.constant 320 : i32
      %dma_wait3A_873 = arith.constant 0 : i32
      %dma_wait3A_874 = tpu.memref_slice %arg10[%dma_wait3A_872, %dma_wait3A_873] : memref<800x16xf32, #tpu.memory_space<vmem>> -> memref<80x16xf32, #tpu.memory_space<vmem>>
      %dma_wait3A_875 = arith.constant 0 : i32
      %dma_wait3A_876 = tpu.memref_slice %arg8[%dma_wait3A_871, %dma_wait3A_875] : memref<10x80xi32, #tpu.memory_space<vmem>> -> memref<1x80xi32, #tpu.memory_space<vmem>>
      %dma_wait3A_877 = tpu.memref_squeeze %dma_wait3A_876 : memref<1x80xi32, #tpu.memory_space<vmem>> -> memref<80xi32, #tpu.memory_space<vmem>>
      %dma_wait3A_878 = arith.constant 0 : i32
      %dma_wait3A_879 = arith.constant 0 : i32
      %dma_wait3A_880 = tpu.memref_slice %arg4[%dma_wait3A_878, %dma_wait3A_879] : memref<2600000x16xf32, #tpu.memory_space<hbm>> -> memref<2600000x16xf32, #tpu.memory_space<hbm>>
      tpu.wait_indirect_dma semaphore(%arg15 : memref<!tpu.dma_semaphore, #tpu.memory_space<semaphore_mem>>) src(%dma_wait3A_880 : memref<2600000x16xf32, #tpu.memory_space<hbm>>) dst(%dma_wait3A_874 : memref<80x16xf32, #tpu.memory_space<vmem>>)
      %dma_wait3A_881 = arith.constant 5 : i32
      %dma_wait3A_882 = arith.constant 400 : i32
      %dma_wait3A_883 = arith.constant 0 : i32
      %dma_wait3A_884 = tpu.memref_slice %arg10[%dma_wait3A_882, %dma_wait3A_883] : memref<800x16xf32, #tpu.memory_space<vmem>> -> memref<80x16xf32, #tpu.memory_space<vmem>>
      %dma_wait3A_885 = arith.constant 0 : i32
      %dma_wait3A_886 = tpu.memref_slice %arg8[%dma_wait3A_881, %dma_wait3A_885] : memref<10x80xi32, #tpu.memory_space<vmem>> -> memref<1x80xi32, #tpu.memory_space<vmem>>
      %dma_wait3A_887 = tpu.memref_squeeze %dma_wait3A_886 : memref<1x80xi32, #tpu.memory_space<vmem>> -> memref<80xi32, #tpu.memory_space<vmem>>
      %dma_wait3A_888 = arith.constant 0 : i32
      %dma_wait3A_889 = arith.constant 0 : i32
      %dma_wait3A_890 = tpu.memref_slice %arg4[%dma_wait3A_888, %dma_wait3A_889] : memref<2600000x16xf32, #tpu.memory_space<hbm>> -> memref<2600000x16xf32, #tpu.memory_space<hbm>>
      tpu.wait_indirect_dma semaphore(%arg15 : memref<!tpu.dma_semaphore, #tpu.memory_space<semaphore_mem>>) src(%dma_wait3A_890 : memref<2600000x16xf32, #tpu.memory_space<hbm>>) dst(%dma_wait3A_884 : memref<80x16xf32, #tpu.memory_space<vmem>>)
      %dma_wait3A_891 = arith.constant 6 : i32
      %dma_wait3A_892 = arith.constant 480 : i32
      %dma_wait3A_893 = arith.constant 0 : i32
      %dma_wait3A_894 = tpu.memref_slice %arg10[%dma_wait3A_892, %dma_wait3A_893] : memref<800x16xf32, #tpu.memory_space<vmem>> -> memref<80x16xf32, #tpu.memory_space<vmem>>
      %dma_wait3A_895 = arith.constant 0 : i32
      %dma_wait3A_896 = tpu.memref_slice %arg8[%dma_wait3A_891, %dma_wait3A_895] : memref<10x80xi32, #tpu.memory_space<vmem>> -> memref<1x80xi32, #tpu.memory_space<vmem>>
      %dma_wait3A_897 = tpu.memref_squeeze %dma_wait3A_896 : memref<1x80xi32, #tpu.memory_space<vmem>> -> memref<80xi32, #tpu.memory_space<vmem>>
      %dma_wait3A_898 = arith.constant 0 : i32
      %dma_wait3A_899 = arith.constant 0 : i32
      %dma_wait3A_900 = tpu.memref_slice %arg4[%dma_wait3A_898, %dma_wait3A_899] : memref<2600000x16xf32, #tpu.memory_space<hbm>> -> memref<2600000x16xf32, #tpu.memory_space<hbm>>
      tpu.wait_indirect_dma semaphore(%arg15 : memref<!tpu.dma_semaphore, #tpu.memory_space<semaphore_mem>>) src(%dma_wait3A_900 : memref<2600000x16xf32, #tpu.memory_space<hbm>>) dst(%dma_wait3A_894 : memref<80x16xf32, #tpu.memory_space<vmem>>)
      %dma_wait3A_901 = arith.constant 7 : i32
      %dma_wait3A_902 = arith.constant 560 : i32
      %dma_wait3A_903 = arith.constant 0 : i32
      %dma_wait3A_904 = tpu.memref_slice %arg10[%dma_wait3A_902, %dma_wait3A_903] : memref<800x16xf32, #tpu.memory_space<vmem>> -> memref<80x16xf32, #tpu.memory_space<vmem>>
      %dma_wait3A_905 = arith.constant 0 : i32
      %dma_wait3A_906 = tpu.memref_slice %arg8[%dma_wait3A_901, %dma_wait3A_905] : memref<10x80xi32, #tpu.memory_space<vmem>> -> memref<1x80xi32, #tpu.memory_space<vmem>>
      %dma_wait3A_907 = tpu.memref_squeeze %dma_wait3A_906 : memref<1x80xi32, #tpu.memory_space<vmem>> -> memref<80xi32, #tpu.memory_space<vmem>>
      %dma_wait3A_908 = arith.constant 0 : i32
      %dma_wait3A_909 = arith.constant 0 : i32
      %dma_wait3A_910 = tpu.memref_slice %arg4[%dma_wait3A_908, %dma_wait3A_909] : memref<2600000x16xf32, #tpu.memory_space<hbm>> -> memref<2600000x16xf32, #tpu.memory_space<hbm>>
      tpu.wait_indirect_dma semaphore(%arg15 : memref<!tpu.dma_semaphore, #tpu.memory_space<semaphore_mem>>) src(%dma_wait3A_910 : memref<2600000x16xf32, #tpu.memory_space<hbm>>) dst(%dma_wait3A_904 : memref<80x16xf32, #tpu.memory_space<vmem>>)
      %dma_wait3A_911 = arith.constant 8 : i32
      %dma_wait3A_912 = arith.constant 640 : i32
      %dma_wait3A_913 = arith.constant 0 : i32
      %dma_wait3A_914 = tpu.memref_slice %arg10[%dma_wait3A_912, %dma_wait3A_913] : memref<800x16xf32, #tpu.memory_space<vmem>> -> memref<80x16xf32, #tpu.memory_space<vmem>>
      %dma_wait3A_915 = arith.constant 0 : i32
      %dma_wait3A_916 = tpu.memref_slice %arg8[%dma_wait3A_911, %dma_wait3A_915] : memref<10x80xi32, #tpu.memory_space<vmem>> -> memref<1x80xi32, #tpu.memory_space<vmem>>
      %dma_wait3A_917 = tpu.memref_squeeze %dma_wait3A_916 : memref<1x80xi32, #tpu.memory_space<vmem>> -> memref<80xi32, #tpu.memory_space<vmem>>
      %dma_wait3A_918 = arith.constant 0 : i32
      %dma_wait3A_919 = arith.constant 0 : i32
      %dma_wait3A_920 = tpu.memref_slice %arg4[%dma_wait3A_918, %dma_wait3A_919] : memref<2600000x16xf32, #tpu.memory_space<hbm>> -> memref<2600000x16xf32, #tpu.memory_space<hbm>>
      tpu.wait_indirect_dma semaphore(%arg15 : memref<!tpu.dma_semaphore, #tpu.memory_space<semaphore_mem>>) src(%dma_wait3A_920 : memref<2600000x16xf32, #tpu.memory_space<hbm>>) dst(%dma_wait3A_914 : memref<80x16xf32, #tpu.memory_space<vmem>>)
      %dma_wait3A_921 = arith.constant 9 : i32
      %dma_wait3A_922 = arith.constant 720 : i32
      %dma_wait3A_923 = arith.constant 0 : i32
      %dma_wait3A_924 = tpu.memref_slice %arg10[%dma_wait3A_922, %dma_wait3A_923] : memref<800x16xf32, #tpu.memory_space<vmem>> -> memref<80x16xf32, #tpu.memory_space<vmem>>
      %dma_wait3A_925 = arith.constant 0 : i32
      %dma_wait3A_926 = tpu.memref_slice %arg8[%dma_wait3A_921, %dma_wait3A_925] : memref<10x80xi32, #tpu.memory_space<vmem>> -> memref<1x80xi32, #tpu.memory_space<vmem>>
      %dma_wait3A_927 = tpu.memref_squeeze %dma_wait3A_926 : memref<1x80xi32, #tpu.memory_space<vmem>> -> memref<80xi32, #tpu.memory_space<vmem>>
      %dma_wait3A_928 = arith.constant 0 : i32
      %dma_wait3A_929 = arith.constant 0 : i32
      %dma_wait3A_930 = tpu.memref_slice %arg4[%dma_wait3A_928, %dma_wait3A_929] : memref<2600000x16xf32, #tpu.memory_space<hbm>> -> memref<2600000x16xf32, #tpu.memory_space<hbm>>
      tpu.wait_indirect_dma semaphore(%arg15 : memref<!tpu.dma_semaphore, #tpu.memory_space<semaphore_mem>>) src(%dma_wait3A_930 : memref<2600000x16xf32, #tpu.memory_space<hbm>>) dst(%dma_wait3A_924 : memref<80x16xf32, #tpu.memory_space<vmem>>)
      %add3A_931 = arith.constant 800 : i32
      %add3A_932 = arith.addi %mul3A_2, %add3A_931 : i32
      %mul3A_933 = arith.constant 16 : i32
      %mul3A_934 = arith.muli %scan3A_491, %mul3A_933 : i32
      %dma_start3A_935 = tpu.memref_slice %arg5[%add3A_932, %mul3A_934] : memref<51200x490xf32, #tpu.memory_space<hbm>> -> memref<800x16xf32, #tpu.memory_space<hbm>>
      %dma_start3A_936 = tpu.memref_slice %arg5[%add3A_932, %mul3A_934] : memref<51200x490xf32, #tpu.memory_space<hbm>> -> memref<800x16xf32, #tpu.memory_space<hbm>>
      tpu.enqueue_dma source(%arg10 : memref<800x16xf32, #tpu.memory_space<vmem>>) target(%dma_start3A_936 : memref<800x16xf32, #tpu.memory_space<hbm>>) target_semaphore(%arg17 : memref<!tpu.dma_semaphore, #tpu.memory_space<semaphore_mem>>)
    }
    %scan3A_432 = arith.constant 25 : i32
    %add3A_433 = arith.constant 0 : i32
    %add3A_434 = arith.addi %mul3A_2, %add3A_433 : i32
    "tpu.region"() ({
      %run_scoped3A = tpu.sem_alloc : memref<!tpu.dma_semaphore, #tpu.memory_space<semaphore_mem>>
      %dma_start3A_491 = arith.constant 24 : i32
      %dma_start3A_492 = tpu.memref_slice %arg3[%add3A_434, %dma_start3A_491] : memref<51200x100xf32, #tpu.memory_space<hbm>> -> memref<100x76xf32, #tpu.memory_space<hbm>>
      %dma_start3A_493 = arith.constant 24 : i32
      %dma_start3A_494 = tpu.memref_slice %arg3[%add3A_434, %dma_start3A_493] : memref<51200x100xf32, #tpu.memory_space<hbm>> -> memref<100x76xf32, #tpu.memory_space<hbm>>
      tpu.enqueue_dma source(%dma_start3A_494 : memref<100x76xf32, #tpu.memory_space<hbm>>) target(%arg11 : memref<100x76xf32, #tpu.memory_space<vmem>>) target_semaphore(%run_scoped3A : memref<!tpu.dma_semaphore, #tpu.memory_space<semaphore_mem>>)
      %dma_wait3A_495 = arith.constant 24 : i32
      %dma_wait3A_496 = tpu.memref_slice %arg3[%add3A_434, %dma_wait3A_495] : memref<51200x100xf32, #tpu.memory_space<hbm>> -> memref<100x76xf32, #tpu.memory_space<hbm>>
      %dma_wait3A_497 = arith.constant 24 : i32
      %dma_wait3A_498 = tpu.memref_slice %arg3[%add3A_434, %dma_wait3A_497] : memref<51200x100xf32, #tpu.memory_space<hbm>> -> memref<100x76xf32, #tpu.memory_space<hbm>>
      tpu.wait_dma2 semaphore(%run_scoped3A : memref<!tpu.dma_semaphore, #tpu.memory_space<semaphore_mem>>) src(%dma_wait3A_498 : memref<100x76xf32, #tpu.memory_space<hbm>>) dst(%arg11 : memref<100x76xf32, #tpu.memory_space<vmem>>)
      tpu.yield
    }) : () -> ()
    %scan3A_435 = arith.constant 0 : i32
    %scan3A_436 = arith.constant 0 : i32
    %scan3A_437 = arith.constant 100 : i32
    %scan3A_438 = arith.addi %scan3A_436, %scan3A_437 : i32
    %scan3A_439 = arith.constant 1 : i32
    scf.for %scan3A_491 = %scan3A_436 to %scan3A_438 step %scan3A_439  : i32 {
      %broadcast_in_dim3A_492 = vector.broadcast %scan3A_491 : i32 to vector<16xi32>
      %add3A_493 = arith.constant 2 : i32
      %add3A_494 = vector.broadcast %add3A_493 : i32 to vector<16xi32>
      %add3A_495 = arith.addi %iota3A, %add3A_494 : vector<16xi32>
      %gather3A = tpu.vector_load_idx %arg11[%broadcast_in_dim3A_492, %add3A_495] : memref<100x76xf32, #tpu.memory_space<vmem>>[vector<16xi32>, vector<16xi32>], vector<16xf32>,
      %swap3A = arith.index_cast %scan3A_491 : i32 to index
      %swap3A_496 = arith.constant 0 : index
      %swap3A_497 = tpu.vector_load %arg13[%swap3A, %swap3A_496] {strides = array<i32>} : memref<100x74xf32, #tpu.memory_space<vmem>>, vector<16xf32>,
      tpu.vector_store %arg13[%swap3A, %swap3A_496], %gather3A {strides = array<i32>} : memref<100x74xf32, #tpu.memory_space<vmem>>, vector<16xf32>,
      %add3A_498 = arith.constant 18 : i32
      %add3A_499 = vector.broadcast %add3A_498 : i32 to vector<16xi32>
      %add3A_500 = arith.addi %iota3A, %add3A_499 : vector<16xi32>
      %gather3A_501 = tpu.vector_load_idx %arg11[%broadcast_in_dim3A_492, %add3A_500] : memref<100x76xf32, #tpu.memory_space<vmem>>[vector<16xi32>, vector<16xi32>], vector<16xf32>,
      %swap3A_502 = arith.index_cast %scan3A_491 : i32 to index
      %swap3A_503 = arith.constant 16 : index
      %swap3A_504 = tpu.vector_load %arg13[%swap3A_502, %swap3A_503] {strides = array<i32>} : memref<100x74xf32, #tpu.memory_space<vmem>>, vector<16xf32>,
      tpu.vector_store %arg13[%swap3A_502, %swap3A_503], %gather3A_501 {strides = array<i32>} : memref<100x74xf32, #tpu.memory_space<vmem>>, vector<16xf32>,
      %add3A_505 = arith.constant 34 : i32
      %add3A_506 = vector.broadcast %add3A_505 : i32 to vector<16xi32>
      %add3A_507 = arith.addi %iota3A, %add3A_506 : vector<16xi32>
      %gather3A_508 = tpu.vector_load_idx %arg11[%broadcast_in_dim3A_492, %add3A_507] : memref<100x76xf32, #tpu.memory_space<vmem>>[vector<16xi32>, vector<16xi32>], vector<16xf32>,
      %swap3A_509 = arith.index_cast %scan3A_491 : i32 to index
      %swap3A_510 = arith.constant 32 : index
      %swap3A_511 = tpu.vector_load %arg13[%swap3A_509, %swap3A_510] {strides = array<i32>} : memref<100x74xf32, #tpu.memory_space<vmem>>, vector<16xf32>,
      tpu.vector_store %arg13[%swap3A_509, %swap3A_510], %gather3A_508 {strides = array<i32>} : memref<100x74xf32, #tpu.memory_space<vmem>>, vector<16xf32>,
      %add3A_512 = arith.constant 50 : i32
      %add3A_513 = vector.broadcast %add3A_512 : i32 to vector<16xi32>
      %add3A_514 = arith.addi %iota3A, %add3A_513 : vector<16xi32>
      %gather3A_515 = tpu.vector_load_idx %arg11[%broadcast_in_dim3A_492, %add3A_514] : memref<100x76xf32, #tpu.memory_space<vmem>>[vector<16xi32>, vector<16xi32>], vector<16xf32>,
      %swap3A_516 = arith.index_cast %scan3A_491 : i32 to index
      %swap3A_517 = arith.constant 48 : index
      %swap3A_518 = tpu.vector_load %arg13[%swap3A_516, %swap3A_517] {strides = array<i32>} : memref<100x74xf32, #tpu.memory_space<vmem>>, vector<16xf32>,
      tpu.vector_store %arg13[%swap3A_516, %swap3A_517], %gather3A_515 {strides = array<i32>} : memref<100x74xf32, #tpu.memory_space<vmem>>, vector<16xf32>,
      %lt3A = arith.constant 10 : i32
      %lt3A_519 = vector.broadcast %lt3A : i32 to vector<16xi32>
      %lt3A_520 = arith.cmpi slt, %iota3A, %lt3A_519 : vector<16xi32>
      %add3A_521 = arith.constant 66 : i32
      %add3A_522 = vector.broadcast %add3A_521 : i32 to vector<16xi32>
      %add3A_523 = arith.addi %iota3A, %add3A_522 : vector<16xi32>
      %jit3A = arith.constant 0 : i32
      %broadcast_in_dim3A_524 = vector.broadcast %jit3A : i32 to vector<16xi32>
      %select_n3A = arith.select %lt3A_520, %add3A_523, %broadcast_in_dim3A_524 : vector<16xi1>, vector<16xi32>
      %add3A_525 = arith.constant 64 : i32
      %add3A_526 = vector.broadcast %add3A_525 : i32 to vector<16xi32>
      %add3A_527 = arith.addi %iota3A, %add3A_526 : vector<16xi32>
      %jit3A_528 = arith.constant 0 : i32
      %broadcast_in_dim3A_529 = vector.broadcast %jit3A_528 : i32 to vector<16xi32>
      %select_n3A_530 = arith.select %lt3A_520, %add3A_527, %broadcast_in_dim3A_529 : vector<16xi1>, vector<16xi32>
      %gather3A_531 = tpu.vector_load_idx %arg11[%broadcast_in_dim3A_492, %select_n3A] masked %lt3A_520 : memref<100x76xf32, #tpu.memory_space<vmem>>[vector<16xi32>, vector<16xi32>], vector<16xf32>, vector<16xi1>
      tpu.vector_store_idx %arg13[%broadcast_in_dim3A_492, %select_n3A_530], %gather3A_531 masked %lt3A_520 : memref<100x74xf32, #tpu.memory_space<vmem>>[vector<16xi32>, vector<16xi32>], vector<16xf32>, vector<16xi1>
    }
    %scan3A_440 = arith.constant 100 : i32
    %add3A_441 = arith.constant 0 : i32
    %add3A_442 = arith.addi %mul3A_2, %add3A_441 : i32
    %dma_wait3A_443 = arith.constant 400 : i32
    %dma_wait3A_444 = tpu.memref_slice %arg5[%add3A_442, %dma_wait3A_443] : memref<51200x490xf32, #tpu.memory_space<hbm>> -> memref<800x16xf32, #tpu.memory_space<hbm>>
    %dma_wait3A_445 = arith.constant 400 : i32
    %dma_wait3A_446 = tpu.memref_slice %arg5[%add3A_442, %dma_wait3A_445] : memref<51200x490xf32, #tpu.memory_space<hbm>> -> memref<800x16xf32, #tpu.memory_space<hbm>>
    tpu.wait_dma2 semaphore(%arg16 : memref<!tpu.dma_semaphore, #tpu.memory_space<semaphore_mem>>) src(%arg9 : memref<800x16xf32, #tpu.memory_space<vmem>>) dst(%dma_wait3A_446 : memref<800x16xf32, #tpu.memory_space<hbm>>)
    %add3A_447 = arith.constant 0 : i32
    %add3A_448 = arith.addi %mul3A_2, %add3A_447 : i32
    %dma_start3A_449 = arith.constant 416 : i32
    %dma_start3A_450 = tpu.memref_slice %arg5[%add3A_448, %dma_start3A_449] : memref<51200x490xf32, #tpu.memory_space<hbm>> -> memref<100x74xf32, #tpu.memory_space<hbm>>
    %dma_start3A_451 = arith.constant 416 : i32
    %dma_start3A_452 = tpu.memref_slice %arg5[%add3A_448, %dma_start3A_451] : memref<51200x490xf32, #tpu.memory_space<hbm>> -> memref<100x74xf32, #tpu.memory_space<hbm>>
    tpu.enqueue_dma source(%arg13 : memref<100x74xf32, #tpu.memory_space<vmem>>) target(%dma_start3A_452 : memref<100x74xf32, #tpu.memory_space<hbm>>) target_semaphore(%arg16 : memref<!tpu.dma_semaphore, #tpu.memory_space<semaphore_mem>>)
    %add3A_453 = arith.constant 100 : i32
    %add3A_454 = arith.addi %mul3A_2, %add3A_453 : i32
    "tpu.region"() ({
      %run_scoped3A = tpu.sem_alloc : memref<!tpu.dma_semaphore, #tpu.memory_space<semaphore_mem>>
      %dma_start3A_491 = arith.constant 24 : i32
      %dma_start3A_492 = tpu.memref_slice %arg3[%add3A_454, %dma_start3A_491] : memref<51200x100xf32, #tpu.memory_space<hbm>> -> memref<100x76xf32, #tpu.memory_space<hbm>>
      %dma_start3A_493 = arith.constant 24 : i32
      %dma_start3A_494 = tpu.memref_slice %arg3[%add3A_454, %dma_start3A_493] : memref<51200x100xf32, #tpu.memory_space<hbm>> -> memref<100x76xf32, #tpu.memory_space<hbm>>
      tpu.enqueue_dma source(%dma_start3A_494 : memref<100x76xf32, #tpu.memory_space<hbm>>) target(%arg12 : memref<100x76xf32, #tpu.memory_space<vmem>>) target_semaphore(%run_scoped3A : memref<!tpu.dma_semaphore, #tpu.memory_space<semaphore_mem>>)
      %dma_wait3A_495 = arith.constant 24 : i32
      %dma_wait3A_496 = tpu.memref_slice %arg3[%add3A_454, %dma_wait3A_495] : memref<51200x100xf32, #tpu.memory_space<hbm>> -> memref<100x76xf32, #tpu.memory_space<hbm>>
      %dma_wait3A_497 = arith.constant 24 : i32
      %dma_wait3A_498 = tpu.memref_slice %arg3[%add3A_454, %dma_wait3A_497] : memref<51200x100xf32, #tpu.memory_space<hbm>> -> memref<100x76xf32, #tpu.memory_space<hbm>>
      tpu.wait_dma2 semaphore(%run_scoped3A : memref<!tpu.dma_semaphore, #tpu.memory_space<semaphore_mem>>) src(%dma_wait3A_498 : memref<100x76xf32, #tpu.memory_space<hbm>>) dst(%arg12 : memref<100x76xf32, #tpu.memory_space<vmem>>)
      tpu.yield
    }) : () -> ()
    %scan3A_455 = arith.constant 0 : i32
    %scan3A_456 = arith.constant 0 : i32
    %scan3A_457 = arith.constant 100 : i32
    %scan3A_458 = arith.addi %scan3A_456, %scan3A_457 : i32
    %scan3A_459 = arith.constant 1 : i32
    scf.for %scan3A_491 = %scan3A_456 to %scan3A_458 step %scan3A_459  : i32 {
      %broadcast_in_dim3A_492 = vector.broadcast %scan3A_491 : i32 to vector<16xi32>
      %add3A_493 = arith.constant 2 : i32
      %add3A_494 = vector.broadcast %add3A_493 : i32 to vector<16xi32>
      %add3A_495 = arith.addi %iota3A, %add3A_494 : vector<16xi32>
      %gather3A = tpu.vector_load_idx %arg12[%broadcast_in_dim3A_492, %add3A_495] : memref<100x76xf32, #tpu.memory_space<vmem>>[vector<16xi32>, vector<16xi32>], vector<16xf32>,
      %swap3A = arith.index_cast %scan3A_491 : i32 to index
      %swap3A_496 = arith.constant 0 : index
      %swap3A_497 = tpu.vector_load %arg14[%swap3A, %swap3A_496] {strides = array<i32>} : memref<100x74xf32, #tpu.memory_space<vmem>>, vector<16xf32>,
      tpu.vector_store %arg14[%swap3A, %swap3A_496], %gather3A {strides = array<i32>} : memref<100x74xf32, #tpu.memory_space<vmem>>, vector<16xf32>,
      %add3A_498 = arith.constant 18 : i32
      %add3A_499 = vector.broadcast %add3A_498 : i32 to vector<16xi32>
      %add3A_500 = arith.addi %iota3A, %add3A_499 : vector<16xi32>
      %gather3A_501 = tpu.vector_load_idx %arg12[%broadcast_in_dim3A_492, %add3A_500] : memref<100x76xf32, #tpu.memory_space<vmem>>[vector<16xi32>, vector<16xi32>], vector<16xf32>,
      %swap3A_502 = arith.index_cast %scan3A_491 : i32 to index
      %swap3A_503 = arith.constant 16 : index
      %swap3A_504 = tpu.vector_load %arg14[%swap3A_502, %swap3A_503] {strides = array<i32>} : memref<100x74xf32, #tpu.memory_space<vmem>>, vector<16xf32>,
      tpu.vector_store %arg14[%swap3A_502, %swap3A_503], %gather3A_501 {strides = array<i32>} : memref<100x74xf32, #tpu.memory_space<vmem>>, vector<16xf32>,
      %add3A_505 = arith.constant 34 : i32
      %add3A_506 = vector.broadcast %add3A_505 : i32 to vector<16xi32>
      %add3A_507 = arith.addi %iota3A, %add3A_506 : vector<16xi32>
      %gather3A_508 = tpu.vector_load_idx %arg12[%broadcast_in_dim3A_492, %add3A_507] : memref<100x76xf32, #tpu.memory_space<vmem>>[vector<16xi32>, vector<16xi32>], vector<16xf32>,
      %swap3A_509 = arith.index_cast %scan3A_491 : i32 to index
      %swap3A_510 = arith.constant 32 : index
      %swap3A_511 = tpu.vector_load %arg14[%swap3A_509, %swap3A_510] {strides = array<i32>} : memref<100x74xf32, #tpu.memory_space<vmem>>, vector<16xf32>,
      tpu.vector_store %arg14[%swap3A_509, %swap3A_510], %gather3A_508 {strides = array<i32>} : memref<100x74xf32, #tpu.memory_space<vmem>>, vector<16xf32>,
      %add3A_512 = arith.constant 50 : i32
      %add3A_513 = vector.broadcast %add3A_512 : i32 to vector<16xi32>
      %add3A_514 = arith.addi %iota3A, %add3A_513 : vector<16xi32>
      %gather3A_515 = tpu.vector_load_idx %arg12[%broadcast_in_dim3A_492, %add3A_514] : memref<100x76xf32, #tpu.memory_space<vmem>>[vector<16xi32>, vector<16xi32>], vector<16xf32>,
      %swap3A_516 = arith.index_cast %scan3A_491 : i32 to index
      %swap3A_517 = arith.constant 48 : index
      %swap3A_518 = tpu.vector_load %arg14[%swap3A_516, %swap3A_517] {strides = array<i32>} : memref<100x74xf32, #tpu.memory_space<vmem>>, vector<16xf32>,
      tpu.vector_store %arg14[%swap3A_516, %swap3A_517], %gather3A_515 {strides = array<i32>} : memref<100x74xf32, #tpu.memory_space<vmem>>, vector<16xf32>,
      %lt3A = arith.constant 10 : i32
      %lt3A_519 = vector.broadcast %lt3A : i32 to vector<16xi32>
      %lt3A_520 = arith.cmpi slt, %iota3A, %lt3A_519 : vector<16xi32>
      %add3A_521 = arith.constant 66 : i32
      %add3A_522 = vector.broadcast %add3A_521 : i32 to vector<16xi32>
      %add3A_523 = arith.addi %iota3A, %add3A_522 : vector<16xi32>
      %jit3A = arith.constant 0 : i32
      %broadcast_in_dim3A_524 = vector.broadcast %jit3A : i32 to vector<16xi32>
      %select_n3A = arith.select %lt3A_520, %add3A_523, %broadcast_in_dim3A_524 : vector<16xi1>, vector<16xi32>
      %add3A_525 = arith.constant 64 : i32
      %add3A_526 = vector.broadcast %add3A_525 : i32 to vector<16xi32>
      %add3A_527 = arith.addi %iota3A, %add3A_526 : vector<16xi32>
      %jit3A_528 = arith.constant 0 : i32
      %broadcast_in_dim3A_529 = vector.broadcast %jit3A_528 : i32 to vector<16xi32>
      %select_n3A_530 = arith.select %lt3A_520, %add3A_527, %broadcast_in_dim3A_529 : vector<16xi1>, vector<16xi32>
      %gather3A_531 = tpu.vector_load_idx %arg12[%broadcast_in_dim3A_492, %select_n3A] masked %lt3A_520 : memref<100x76xf32, #tpu.memory_space<vmem>>[vector<16xi32>, vector<16xi32>], vector<16xf32>, vector<16xi1>
      tpu.vector_store_idx %arg14[%broadcast_in_dim3A_492, %select_n3A_530], %gather3A_531 masked %lt3A_520 : memref<100x74xf32, #tpu.memory_space<vmem>>[vector<16xi32>, vector<16xi32>], vector<16xf32>, vector<16xi1>
    }
    %scan3A_460 = arith.constant 100 : i32
    %add3A_461 = arith.constant 800 : i32
    %add3A_462 = arith.addi %mul3A_2, %add3A_461 : i32
    %dma_wait3A_463 = arith.constant 400 : i32
    %dma_wait3A_464 = tpu.memref_slice %arg5[%add3A_462, %dma_wait3A_463] : memref<51200x490xf32, #tpu.memory_space<hbm>> -> memref<800x16xf32, #tpu.memory_space<hbm>>
    %dma_wait3A_465 = arith.constant 400 : i32
    %dma_wait3A_466 = tpu.memref_slice %arg5[%add3A_462, %dma_wait3A_465] : memref<51200x490xf32, #tpu.memory_space<hbm>> -> memref<800x16xf32, #tpu.memory_space<hbm>>
    tpu.wait_dma2 semaphore(%arg17 : memref<!tpu.dma_semaphore, #tpu.memory_space<semaphore_mem>>) src(%arg10 : memref<800x16xf32, #tpu.memory_space<vmem>>) dst(%dma_wait3A_466 : memref<800x16xf32, #tpu.memory_space<hbm>>)
    %add3A_467 = arith.constant 100 : i32
    %add3A_468 = arith.addi %mul3A_2, %add3A_467 : i32
    %dma_start3A_469 = arith.constant 416 : i32
    %dma_start3A_470 = tpu.memref_slice %arg5[%add3A_468, %dma_start3A_469] : memref<51200x490xf32, #tpu.memory_space<hbm>> -> memref<100x74xf32, #tpu.memory_space<hbm>>
    %dma_start3A_471 = arith.constant 416 : i32
    %dma_start3A_472 = tpu.memref_slice %arg5[%add3A_468, %dma_start3A_471] : memref<51200x490xf32, #tpu.memory_space<hbm>> -> memref<100x74xf32, #tpu.memory_space<hbm>>
    tpu.enqueue_dma source(%arg14 : memref<100x74xf32, #tpu.memory_space<vmem>>) target(%dma_start3A_472 : memref<100x74xf32, #tpu.memory_space<hbm>>) target_semaphore(%arg17 : memref<!tpu.dma_semaphore, #tpu.memory_space<semaphore_mem>>)
    %scan3A_473 = arith.constant 0 : i32
    %scan3A_474 = arith.constant 1 : i32
    %scan3A_475 = arith.constant 7 : i32
    %scan3A_476 = arith.addi %scan3A_474, %scan3A_475 : i32
    %scan3A_477 = arith.constant 1 : i32
    scf.for %scan3A_491 = %scan3A_474 to %scan3A_476 step %scan3A_477  : i32 {
      %mul3A_492 = arith.constant 2 : i32
      %mul3A_493 = arith.muli %mul3A_492, %scan3A_491 : i32
      %mul3A_494 = arith.constant 100 : i32
      %mul3A_495 = arith.muli %mul3A_493, %mul3A_494 : i32
      %add3A_496 = arith.addi %mul3A_2, %mul3A_495 : i32
      "tpu.region"() ({
        %run_scoped3A = tpu.sem_alloc : memref<!tpu.dma_semaphore, #tpu.memory_space<semaphore_mem>>
        %dma_start3A_547 = arith.constant 24 : i32
        %dma_start3A_548 = tpu.memref_slice %arg3[%add3A_496, %dma_start3A_547] : memref<51200x100xf32, #tpu.memory_space<hbm>> -> memref<100x76xf32, #tpu.memory_space<hbm>>
        %dma_start3A_549 = arith.constant 24 : i32
        %dma_start3A_550 = tpu.memref_slice %arg3[%add3A_496, %dma_start3A_549] : memref<51200x100xf32, #tpu.memory_space<hbm>> -> memref<100x76xf32, #tpu.memory_space<hbm>>
        tpu.enqueue_dma source(%dma_start3A_550 : memref<100x76xf32, #tpu.memory_space<hbm>>) target(%arg11 : memref<100x76xf32, #tpu.memory_space<vmem>>) target_semaphore(%run_scoped3A : memref<!tpu.dma_semaphore, #tpu.memory_space<semaphore_mem>>)
        %dma_wait3A_551 = arith.constant 24 : i32
        %dma_wait3A_552 = tpu.memref_slice %arg3[%add3A_496, %dma_wait3A_551] : memref<51200x100xf32, #tpu.memory_space<hbm>> -> memref<100x76xf32, #tpu.memory_space<hbm>>
        %dma_wait3A_553 = arith.constant 24 : i32
        %dma_wait3A_554 = tpu.memref_slice %arg3[%add3A_496, %dma_wait3A_553] : memref<51200x100xf32, #tpu.memory_space<hbm>> -> memref<100x76xf32, #tpu.memory_space<hbm>>
        tpu.wait_dma2 semaphore(%run_scoped3A : memref<!tpu.dma_semaphore, #tpu.memory_space<semaphore_mem>>) src(%dma_wait3A_554 : memref<100x76xf32, #tpu.memory_space<hbm>>) dst(%arg11 : memref<100x76xf32, #tpu.memory_space<vmem>>)
        tpu.yield
      }) : () -> ()
      %sub3A = arith.constant 2 : i32
      %sub3A_497 = arith.subi %mul3A_493, %sub3A : i32
      %mul3A_498 = arith.constant 100 : i32
      %mul3A_499 = arith.muli %sub3A_497, %mul3A_498 : i32
      %add3A_500 = arith.addi %mul3A_2, %mul3A_499 : i32
      %dma_wait3A_501 = arith.constant 416 : i32
      %dma_wait3A_502 = tpu.memref_slice %arg5[%add3A_500, %dma_wait3A_501] : memref<51200x490xf32, #tpu.memory_space<hbm>> -> memref<100x74xf32, #tpu.memory_space<hbm>>
      %dma_wait3A_503 = arith.constant 416 : i32
      %dma_wait3A_504 = tpu.memref_slice %arg5[%add3A_500, %dma_wait3A_503] : memref<51200x490xf32, #tpu.memory_space<hbm>> -> memref<100x74xf32, #tpu.memory_space<hbm>>
      tpu.wait_dma2 semaphore(%arg16 : memref<!tpu.dma_semaphore, #tpu.memory_space<semaphore_mem>>) src(%arg13 : memref<100x74xf32, #tpu.memory_space<vmem>>) dst(%dma_wait3A_504 : memref<100x74xf32, #tpu.memory_space<hbm>>)
      %scan3A_505 = arith.constant 0 : i32
      %scan3A_506 = arith.constant 0 : i32
      %scan3A_507 = arith.constant 100 : i32
      %scan3A_508 = arith.addi %scan3A_506, %scan3A_507 : i32
      %scan3A_509 = arith.constant 1 : i32
      scf.for %scan3A_547 = %scan3A_506 to %scan3A_508 step %scan3A_509  : i32 {
        %broadcast_in_dim3A_548 = vector.broadcast %scan3A_547 : i32 to vector<16xi32>
        %add3A_549 = arith.constant 2 : i32
        %add3A_550 = vector.broadcast %add3A_549 : i32 to vector<16xi32>
        %add3A_551 = arith.addi %iota3A, %add3A_550 : vector<16xi32>
        %gather3A = tpu.vector_load_idx %arg11[%broadcast_in_dim3A_548, %add3A_551] : memref<100x76xf32, #tpu.memory_space<vmem>>[vector<16xi32>, vector<16xi32>], vector<16xf32>,
        %swap3A = arith.index_cast %scan3A_547 : i32 to index
        %swap3A_552 = arith.constant 0 : index
        %swap3A_553 = tpu.vector_load %arg13[%swap3A, %swap3A_552] {strides = array<i32>} : memref<100x74xf32, #tpu.memory_space<vmem>>, vector<16xf32>,
        tpu.vector_store %arg13[%swap3A, %swap3A_552], %gather3A {strides = array<i32>} : memref<100x74xf32, #tpu.memory_space<vmem>>, vector<16xf32>,
        %add3A_554 = arith.constant 18 : i32
        %add3A_555 = vector.broadcast %add3A_554 : i32 to vector<16xi32>
        %add3A_556 = arith.addi %iota3A, %add3A_555 : vector<16xi32>
        %gather3A_557 = tpu.vector_load_idx %arg11[%broadcast_in_dim3A_548, %add3A_556] : memref<100x76xf32, #tpu.memory_space<vmem>>[vector<16xi32>, vector<16xi32>], vector<16xf32>,
        %swap3A_558 = arith.index_cast %scan3A_547 : i32 to index
        %swap3A_559 = arith.constant 16 : index
        %swap3A_560 = tpu.vector_load %arg13[%swap3A_558, %swap3A_559] {strides = array<i32>} : memref<100x74xf32, #tpu.memory_space<vmem>>, vector<16xf32>,
        tpu.vector_store %arg13[%swap3A_558, %swap3A_559], %gather3A_557 {strides = array<i32>} : memref<100x74xf32, #tpu.memory_space<vmem>>, vector<16xf32>,
        %add3A_561 = arith.constant 34 : i32
        %add3A_562 = vector.broadcast %add3A_561 : i32 to vector<16xi32>
        %add3A_563 = arith.addi %iota3A, %add3A_562 : vector<16xi32>
        %gather3A_564 = tpu.vector_load_idx %arg11[%broadcast_in_dim3A_548, %add3A_563] : memref<100x76xf32, #tpu.memory_space<vmem>>[vector<16xi32>, vector<16xi32>], vector<16xf32>,
        %swap3A_565 = arith.index_cast %scan3A_547 : i32 to index
        %swap3A_566 = arith.constant 32 : index
        %swap3A_567 = tpu.vector_load %arg13[%swap3A_565, %swap3A_566] {strides = array<i32>} : memref<100x74xf32, #tpu.memory_space<vmem>>, vector<16xf32>,
        tpu.vector_store %arg13[%swap3A_565, %swap3A_566], %gather3A_564 {strides = array<i32>} : memref<100x74xf32, #tpu.memory_space<vmem>>, vector<16xf32>,
        %add3A_568 = arith.constant 50 : i32
        %add3A_569 = vector.broadcast %add3A_568 : i32 to vector<16xi32>
        %add3A_570 = arith.addi %iota3A, %add3A_569 : vector<16xi32>
        %gather3A_571 = tpu.vector_load_idx %arg11[%broadcast_in_dim3A_548, %add3A_570] : memref<100x76xf32, #tpu.memory_space<vmem>>[vector<16xi32>, vector<16xi32>], vector<16xf32>,
        %swap3A_572 = arith.index_cast %scan3A_547 : i32 to index
        %swap3A_573 = arith.constant 48 : index
        %swap3A_574 = tpu.vector_load %arg13[%swap3A_572, %swap3A_573] {strides = array<i32>} : memref<100x74xf32, #tpu.memory_space<vmem>>, vector<16xf32>,
        tpu.vector_store %arg13[%swap3A_572, %swap3A_573], %gather3A_571 {strides = array<i32>} : memref<100x74xf32, #tpu.memory_space<vmem>>, vector<16xf32>,
        %lt3A = arith.constant 10 : i32
        %lt3A_575 = vector.broadcast %lt3A : i32 to vector<16xi32>
        %lt3A_576 = arith.cmpi slt, %iota3A, %lt3A_575 : vector<16xi32>
        %add3A_577 = arith.constant 66 : i32
        %add3A_578 = vector.broadcast %add3A_577 : i32 to vector<16xi32>
        %add3A_579 = arith.addi %iota3A, %add3A_578 : vector<16xi32>
        %jit3A = arith.constant 0 : i32
        %broadcast_in_dim3A_580 = vector.broadcast %jit3A : i32 to vector<16xi32>
        %select_n3A = arith.select %lt3A_576, %add3A_579, %broadcast_in_dim3A_580 : vector<16xi1>, vector<16xi32>
        %add3A_581 = arith.constant 64 : i32
        %add3A_582 = vector.broadcast %add3A_581 : i32 to vector<16xi32>
        %add3A_583 = arith.addi %iota3A, %add3A_582 : vector<16xi32>
        %jit3A_584 = arith.constant 0 : i32
        %broadcast_in_dim3A_585 = vector.broadcast %jit3A_584 : i32 to vector<16xi32>
        %select_n3A_586 = arith.select %lt3A_576, %add3A_583, %broadcast_in_dim3A_585 : vector<16xi1>, vector<16xi32>
        %gather3A_587 = tpu.vector_load_idx %arg11[%broadcast_in_dim3A_548, %select_n3A] masked %lt3A_576 : memref<100x76xf32, #tpu.memory_space<vmem>>[vector<16xi32>, vector<16xi32>], vector<16xf32>, vector<16xi1>
        tpu.vector_store_idx %arg13[%broadcast_in_dim3A_548, %select_n3A_586], %gather3A_587 masked %lt3A_576 : memref<100x74xf32, #tpu.memory_space<vmem>>[vector<16xi32>, vector<16xi32>], vector<16xf32>, vector<16xi1>
      }
      %scan3A_510 = arith.constant 100 : i32
      %mul3A_511 = arith.constant 100 : i32
      %mul3A_512 = arith.muli %mul3A_493, %mul3A_511 : i32
      %add3A_513 = arith.addi %mul3A_2, %mul3A_512 : i32
      %dma_start3A_514 = arith.constant 416 : i32
      %dma_start3A_515 = tpu.memref_slice %arg5[%add3A_513, %dma_start3A_514] : memref<51200x490xf32, #tpu.memory_space<hbm>> -> memref<100x74xf32, #tpu.memory_space<hbm>>
      %dma_start3A_516 = arith.constant 416 : i32
      %dma_start3A_517 = tpu.memref_slice %arg5[%add3A_513, %dma_start3A_516] : memref<51200x490xf32, #tpu.memory_space<hbm>> -> memref<100x74xf32, #tpu.memory_space<hbm>>
      tpu.enqueue_dma source(%arg13 : memref<100x74xf32, #tpu.memory_space<vmem>>) target(%dma_start3A_517 : memref<100x74xf32, #tpu.memory_space<hbm>>) target_semaphore(%arg16 : memref<!tpu.dma_semaphore, #tpu.memory_space<semaphore_mem>>)
      %add3A_518 = arith.constant 1 : i32
      %add3A_519 = arith.addi %mul3A_493, %add3A_518 : i32
      %mul3A_520 = arith.constant 100 : i32
      %mul3A_521 = arith.muli %add3A_519, %mul3A_520 : i32
      %add3A_522 = arith.addi %mul3A_2, %mul3A_521 : i32
      "tpu.region"() ({
        %run_scoped3A = tpu.sem_alloc : memref<!tpu.dma_semaphore, #tpu.memory_space<semaphore_mem>>
        %dma_start3A_547 = arith.constant 24 : i32
        %dma_start3A_548 = tpu.memref_slice %arg3[%add3A_522, %dma_start3A_547] : memref<51200x100xf32, #tpu.memory_space<hbm>> -> memref<100x76xf32, #tpu.memory_space<hbm>>
        %dma_start3A_549 = arith.constant 24 : i32
        %dma_start3A_550 = tpu.memref_slice %arg3[%add3A_522, %dma_start3A_549] : memref<51200x100xf32, #tpu.memory_space<hbm>> -> memref<100x76xf32, #tpu.memory_space<hbm>>
        tpu.enqueue_dma source(%dma_start3A_550 : memref<100x76xf32, #tpu.memory_space<hbm>>) target(%arg12 : memref<100x76xf32, #tpu.memory_space<vmem>>) target_semaphore(%run_scoped3A : memref<!tpu.dma_semaphore, #tpu.memory_space<semaphore_mem>>)
        %dma_wait3A_551 = arith.constant 24 : i32
        %dma_wait3A_552 = tpu.memref_slice %arg3[%add3A_522, %dma_wait3A_551] : memref<51200x100xf32, #tpu.memory_space<hbm>> -> memref<100x76xf32, #tpu.memory_space<hbm>>
        %dma_wait3A_553 = arith.constant 24 : i32
        %dma_wait3A_554 = tpu.memref_slice %arg3[%add3A_522, %dma_wait3A_553] : memref<51200x100xf32, #tpu.memory_space<hbm>> -> memref<100x76xf32, #tpu.memory_space<hbm>>
        tpu.wait_dma2 semaphore(%run_scoped3A : memref<!tpu.dma_semaphore, #tpu.memory_space<semaphore_mem>>) src(%dma_wait3A_554 : memref<100x76xf32, #tpu.memory_space<hbm>>) dst(%arg12 : memref<100x76xf32, #tpu.memory_space<vmem>>)
        tpu.yield
      }) : () -> ()
      %sub3A_523 = arith.constant 1 : i32
      %sub3A_524 = arith.subi %mul3A_493, %sub3A_523 : i32
      %mul3A_525 = arith.constant 100 : i32
      %mul3A_526 = arith.muli %sub3A_524, %mul3A_525 : i32
      %add3A_527 = arith.addi %mul3A_2, %mul3A_526 : i32
      %dma_wait3A_528 = arith.constant 416 : i32
      %dma_wait3A_529 = tpu.memref_slice %arg5[%add3A_527, %dma_wait3A_528] : memref<51200x490xf32, #tpu.memory_space<hbm>> -> memref<100x74xf32, #tpu.memory_space<hbm>>
      %dma_wait3A_530 = arith.constant 416 : i32
      %dma_wait3A_531 = tpu.memref_slice %arg5[%add3A_527, %dma_wait3A_530] : memref<51200x490xf32, #tpu.memory_space<hbm>> -> memref<100x74xf32, #tpu.memory_space<hbm>>
      tpu.wait_dma2 semaphore(%arg17 : memref<!tpu.dma_semaphore, #tpu.memory_space<semaphore_mem>>) src(%arg14 : memref<100x74xf32, #tpu.memory_space<vmem>>) dst(%dma_wait3A_531 : memref<100x74xf32, #tpu.memory_space<hbm>>)
      %scan3A_532 = arith.constant 0 : i32
      %scan3A_533 = arith.constant 0 : i32
      %scan3A_534 = arith.constant 100 : i32
      %scan3A_535 = arith.addi %scan3A_533, %scan3A_534 : i32
      %scan3A_536 = arith.constant 1 : i32
      scf.for %scan3A_547 = %scan3A_533 to %scan3A_535 step %scan3A_536  : i32 {
        %broadcast_in_dim3A_548 = vector.broadcast %scan3A_547 : i32 to vector<16xi32>
        %add3A_549 = arith.constant 2 : i32
        %add3A_550 = vector.broadcast %add3A_549 : i32 to vector<16xi32>
        %add3A_551 = arith.addi %iota3A, %add3A_550 : vector<16xi32>
        %gather3A = tpu.vector_load_idx %arg12[%broadcast_in_dim3A_548, %add3A_551] : memref<100x76xf32, #tpu.memory_space<vmem>>[vector<16xi32>, vector<16xi32>], vector<16xf32>,
        %swap3A = arith.index_cast %scan3A_547 : i32 to index
        %swap3A_552 = arith.constant 0 : index
        %swap3A_553 = tpu.vector_load %arg14[%swap3A, %swap3A_552] {strides = array<i32>} : memref<100x74xf32, #tpu.memory_space<vmem>>, vector<16xf32>,
        tpu.vector_store %arg14[%swap3A, %swap3A_552], %gather3A {strides = array<i32>} : memref<100x74xf32, #tpu.memory_space<vmem>>, vector<16xf32>,
        %add3A_554 = arith.constant 18 : i32
        %add3A_555 = vector.broadcast %add3A_554 : i32 to vector<16xi32>
        %add3A_556 = arith.addi %iota3A, %add3A_555 : vector<16xi32>
        %gather3A_557 = tpu.vector_load_idx %arg12[%broadcast_in_dim3A_548, %add3A_556] : memref<100x76xf32, #tpu.memory_space<vmem>>[vector<16xi32>, vector<16xi32>], vector<16xf32>,
        %swap3A_558 = arith.index_cast %scan3A_547 : i32 to index
        %swap3A_559 = arith.constant 16 : index
        %swap3A_560 = tpu.vector_load %arg14[%swap3A_558, %swap3A_559] {strides = array<i32>} : memref<100x74xf32, #tpu.memory_space<vmem>>, vector<16xf32>,
        tpu.vector_store %arg14[%swap3A_558, %swap3A_559], %gather3A_557 {strides = array<i32>} : memref<100x74xf32, #tpu.memory_space<vmem>>, vector<16xf32>,
        %add3A_561 = arith.constant 34 : i32
        %add3A_562 = vector.broadcast %add3A_561 : i32 to vector<16xi32>
        %add3A_563 = arith.addi %iota3A, %add3A_562 : vector<16xi32>
        %gather3A_564 = tpu.vector_load_idx %arg12[%broadcast_in_dim3A_548, %add3A_563] : memref<100x76xf32, #tpu.memory_space<vmem>>[vector<16xi32>, vector<16xi32>], vector<16xf32>,
        %swap3A_565 = arith.index_cast %scan3A_547 : i32 to index
        %swap3A_566 = arith.constant 32 : index
        %swap3A_567 = tpu.vector_load %arg14[%swap3A_565, %swap3A_566] {strides = array<i32>} : memref<100x74xf32, #tpu.memory_space<vmem>>, vector<16xf32>,
        tpu.vector_store %arg14[%swap3A_565, %swap3A_566], %gather3A_564 {strides = array<i32>} : memref<100x74xf32, #tpu.memory_space<vmem>>, vector<16xf32>,
        %add3A_568 = arith.constant 50 : i32
        %add3A_569 = vector.broadcast %add3A_568 : i32 to vector<16xi32>
        %add3A_570 = arith.addi %iota3A, %add3A_569 : vector<16xi32>
        %gather3A_571 = tpu.vector_load_idx %arg12[%broadcast_in_dim3A_548, %add3A_570] : memref<100x76xf32, #tpu.memory_space<vmem>>[vector<16xi32>, vector<16xi32>], vector<16xf32>,
        %swap3A_572 = arith.index_cast %scan3A_547 : i32 to index
        %swap3A_573 = arith.constant 48 : index
        %swap3A_574 = tpu.vector_load %arg14[%swap3A_572, %swap3A_573] {strides = array<i32>} : memref<100x74xf32, #tpu.memory_space<vmem>>, vector<16xf32>,
        tpu.vector_store %arg14[%swap3A_572, %swap3A_573], %gather3A_571 {strides = array<i32>} : memref<100x74xf32, #tpu.memory_space<vmem>>, vector<16xf32>,
        %lt3A = arith.constant 10 : i32
        %lt3A_575 = vector.broadcast %lt3A : i32 to vector<16xi32>
        %lt3A_576 = arith.cmpi slt, %iota3A, %lt3A_575 : vector<16xi32>
        %add3A_577 = arith.constant 66 : i32
        %add3A_578 = vector.broadcast %add3A_577 : i32 to vector<16xi32>
        %add3A_579 = arith.addi %iota3A, %add3A_578 : vector<16xi32>
        %jit3A = arith.constant 0 : i32
        %broadcast_in_dim3A_580 = vector.broadcast %jit3A : i32 to vector<16xi32>
        %select_n3A = arith.select %lt3A_576, %add3A_579, %broadcast_in_dim3A_580 : vector<16xi1>, vector<16xi32>
        %add3A_581 = arith.constant 64 : i32
        %add3A_582 = vector.broadcast %add3A_581 : i32 to vector<16xi32>
        %add3A_583 = arith.addi %iota3A, %add3A_582 : vector<16xi32>
        %jit3A_584 = arith.constant 0 : i32
        %broadcast_in_dim3A_585 = vector.broadcast %jit3A_584 : i32 to vector<16xi32>
        %select_n3A_586 = arith.select %lt3A_576, %add3A_583, %broadcast_in_dim3A_585 : vector<16xi1>, vector<16xi32>
        %gather3A_587 = tpu.vector_load_idx %arg12[%broadcast_in_dim3A_548, %select_n3A] masked %lt3A_576 : memref<100x76xf32, #tpu.memory_space<vmem>>[vector<16xi32>, vector<16xi32>], vector<16xf32>, vector<16xi1>
        tpu.vector_store_idx %arg14[%broadcast_in_dim3A_548, %select_n3A_586], %gather3A_587 masked %lt3A_576 : memref<100x74xf32, #tpu.memory_space<vmem>>[vector<16xi32>, vector<16xi32>], vector<16xf32>, vector<16xi1>
      }
      %scan3A_537 = arith.constant 100 : i32
      %add3A_538 = arith.constant 1 : i32
      %add3A_539 = arith.addi %mul3A_493, %add3A_538 : i32
      %mul3A_540 = arith.constant 100 : i32
      %mul3A_541 = arith.muli %add3A_539, %mul3A_540 : i32
      %add3A_542 = arith.addi %mul3A_2, %mul3A_541 : i32
      %dma_start3A_543 = arith.constant 416 : i32
      %dma_start3A_544 = tpu.memref_slice %arg5[%add3A_542, %dma_start3A_543] : memref<51200x490xf32, #tpu.memory_space<hbm>> -> memref<100x74xf32, #tpu.memory_space<hbm>>
      %dma_start3A_545 = arith.constant 416 : i32
      %dma_start3A_546 = tpu.memref_slice %arg5[%add3A_542, %dma_start3A_545] : memref<51200x490xf32, #tpu.memory_space<hbm>> -> memref<100x74xf32, #tpu.memory_space<hbm>>
      tpu.enqueue_dma source(%arg14 : memref<100x74xf32, #tpu.memory_space<vmem>>) target(%dma_start3A_546 : memref<100x74xf32, #tpu.memory_space<hbm>>) target_semaphore(%arg17 : memref<!tpu.dma_semaphore, #tpu.memory_space<semaphore_mem>>)
    }
    %scan3A_478 = arith.constant 7 : i32
    %add3A_479 = arith.constant 1400 : i32
    %add3A_480 = arith.addi %mul3A_2, %add3A_479 : i32
    %dma_wait3A_481 = arith.constant 416 : i32
    %dma_wait3A_482 = tpu.memref_slice %arg5[%add3A_480, %dma_wait3A_481] : memref<51200x490xf32, #tpu.memory_space<hbm>> -> memref<100x74xf32, #tpu.memory_space<hbm>>
    %dma_wait3A_483 = arith.constant 416 : i32
    %dma_wait3A_484 = tpu.memref_slice %arg5[%add3A_480, %dma_wait3A_483] : memref<51200x490xf32, #tpu.memory_space<hbm>> -> memref<100x74xf32, #tpu.memory_space<hbm>>
    tpu.wait_dma2 semaphore(%arg16 : memref<!tpu.dma_semaphore, #tpu.memory_space<semaphore_mem>>) src(%arg13 : memref<100x74xf32, #tpu.memory_space<vmem>>) dst(%dma_wait3A_484 : memref<100x74xf32, #tpu.memory_space<hbm>>)
    %add3A_485 = arith.constant 1500 : i32
    %add3A_486 = arith.addi %mul3A_2, %add3A_485 : i32
    %dma_wait3A_487 = arith.constant 416 : i32
    %dma_wait3A_488 = tpu.memref_slice %arg5[%add3A_486, %dma_wait3A_487] : memref<51200x490xf32, #tpu.memory_space<hbm>> -> memref<100x74xf32, #tpu.memory_space<hbm>>
    %dma_wait3A_489 = arith.constant 416 : i32
    %dma_wait3A_490 = tpu.memref_slice %arg5[%add3A_486, %dma_wait3A_489] : memref<51200x490xf32, #tpu.memory_space<hbm>> -> memref<100x74xf32, #tpu.memory_space<hbm>>
    tpu.wait_dma2 semaphore(%arg17 : memref<!tpu.dma_semaphore, #tpu.memory_space<semaphore_mem>>) src(%arg14 : memref<100x74xf32, #tpu.memory_space<vmem>>) dst(%dma_wait3A_490 : memref<100x74xf32, #tpu.memory_space<hbm>>)
    return
  }
}

</mosaic_0001>

<sc_bundles>
// kernel: kernel.4.cloned.1.call-start
scs
__scs_entry_jumppad:
0x0: {  	(pc) =	sbr.rel $0x88, $3  }
0x1: {  	(tag) =	ssettag $0x0;
	lr =	simm.s32 $0x1  }
0x2: {  	[smem:$0x3F9E] =	sst lr;
	_ =	strace $0xD0000000  }
0x3: {  	_ = 	snop  }
0x4: {  	_ = 	snop  }
0x5: {  	_ = 	snop  }
0x6: {  	_ = 	snop  }
0x7: {  	_ = 	snop  }
__scs_overlays_trampoline_lowered:
0x8: {  	[smem:$0x3FAD] =	sst s0  }
0x9: {  	[smem:$0x3FAE] =	sst s1  }
0xa: {  	[smem:$0x3FAF] =	sst s2  }
0xb: {  	[smem:$0x3FB0] =	sst s3  }
0xc: {  	[smem:$0x3FB1] =	sst s4  }
0xd: {  	[smem:$0x3FB2] =	sst s5  }
0xe: {  	[smem:$0x3FB3] =	sst s6  }
0xf: {  	[smem:$0x3FB4] =	sst s7  }
0x10: {  	[smem:$0x3FB5] =	sst s8  }
0x11: {  	[smem:$0x3FB6] =	sst s9;
	s0 =	simm.s32 @!p0 $0x0  }
0x12: {  	s1 =	sld [smem:$0x3F9C];
	s0 =	simm.s32 @p0 $0x1  }
0x13: {  	[smem:$0x3FB7] =	sst s0;
	s0 =	simm.s32 @!p1 $0x0  }
0x14: {  	s2 =	sld [smem:$0x3F9B];
	s0 =	simm.s32 @p1 $0x1  }
0x15: {  	[smem:$0x3FB8] =	sst s0;
	s0 =	simm.s32 @!p2 $0x0  }
0x16: {  	s3 =	sld [smem:$0x3FDB];
	s0 =	simm.s32 @p2 $0x1  }
0x17: {  	s4 =	simm.s32 $0x1BF5;
	[smem:$0x3FBA] =	sst s0  }
0x18: {  	s0 =	sld [smem:$0x3F9D];
	_ =	swait.ge [sflag:s4], $0x0  }
0x19: {  	s7 =	sld [smem:$0x3F9E]  }
0x1a: {  	s8 =	sadd.s32 $0xFFFFE003, lr  }
0x1b: {  	s9 =	sadd.s32 $0xFFFFFEF7, lr;
	s5 =	simm.s32 $0xFFFFFFFF;
	p2 =	slt.u32 s8, $0xFFFFF086  }
0x1c: {  	p1 =	slt.u32 s9, $0xF7A;
	s5 =	simm.s32 @!p2 $0x0  }
0x1d: {  	s5 =	simm.s32 @p1 $0x1;
	p0 =	seq.s32 s7, s2  }
0x1e: {  	s7 =	smul.u32 @!p0 $0xF7A, s2;
	p2 =	seq.s32 @!p0 s5, $0x0  }
0x1f: {  	s9 =	smul.u32 $0xF7A, s1;
	s8 =	simm.s32 @!p0 $0x1BF5;
	p2 =	por !p2, p0  }
0x20: {  	[sflag:s8] =	ssyncset.s32 @!p0 $0xFFFFF086;
	s6 =	sadd.s32 @!p0 s3, s7;
	s7 =	simm.s32 @!p0 $0x108  }
0x21: {  	s3 =	sadd.s32 s3, s9;
	s6 =	sadd.s32 @!p0 $0x88, s6;
	s7 =	simm.s32 @p2 $0x1082  }
0x22: {  	[simem:s7], [sflag:s8] =	dma.local @!p0 [hbm:s6], $0xF7A  }
0x23: {  	s9 =	sor.u32 $0xD0000000, s2;
	s6 =	simm.s32 $0x108;
	_ =	swait.ge @!p0 [sflag:s8], $0x0  }
0x24: {  	s3 =	sadd.s32 $0x88, s3;
	s6 =	simm.s32 @!p1 $0x1082;
	[sflag:s4] =	ssyncset.s32 $0xFFFFF086  }
0x25: {  	[simem:s6], [sflag:s4] =	dma.local [hbm:s3], $0xF7A  }
0x26: {  	[smem:$0x3F9E] =	sst s1;
	(tag) =	ssettag s2;
	_ =	strace s9  }
0x27: {  	s1 =	sld [smem:$0x3FAE]  }
0x28: {  	s2 =	sld [smem:$0x3FAF]  }
0x29: {  	s4 =	sld [smem:$0x3FB1]  }
0x2a: {  	p0 =	seq.s32 s5, $0x0;
	s5 =	sld [smem:$0x3FB2]  }
0x2b: {  	s6 =	sld [smem:$0x3FB3]  }
0x2c: {  	s7 =	sld [smem:$0x3FB4]  }
0x2d: {  	s3 =	simm.s32 $0x108;
	s8 =	sld [smem:$0x3FB5]  }
0x2e: {  	s3 =	simm.s32 @!p0 $0x1082;
	s9 =	sld [smem:$0x3FB6]  }
0x2f: {  	lr =	sadd.s32 s0, s3;
	s0 =	sld [smem:$0x3FAD]  }
0x30: {  	s3 =	sld [smem:$0x3FB0]  }
0x31: {  	[smem:$0x3FB9] =	sst s10  }
0x32: {  	s10 =	sld [smem:$0x3FB7];
	_ =	sdelay $0x3  }
0x33: {  	p0 =	seq.s32 s10, $0x1;
	s10 =	sld [smem:$0x3FB9];
	_ =	sdelay $0x3  }
0x34: {  	[smem:$0x3FB9] =	sst s10  }
0x35: {  	s10 =	sld [smem:$0x3FB8];
	_ =	sdelay $0x3  }
0x36: {  	p1 =	seq.s32 s10, $0x1;
	s10 =	sld [smem:$0x3FB9];
	_ =	sdelay $0x3  }
0x37: {  	[smem:$0x3FB9] =	sst s10  }
0x38: {  	s10 =	sld [smem:$0x3FBA]  }
0x39: {  	_ = 	snop;
	(pc) =	sbr.ind lr, $3  }
0x3a: {  	_ = 	snop  }
0x3b: {  	_ = 	snop  }
0x3c: {  	p2 =	seq.s32 s10, $0x1;
	s10 =	sld [smem:$0x3FB9]  }
0x3d: {  	_ =	shalt  }
0x3e: {  	_ =	shalt  }
0x3f: {  	_ =	shalt  }
0x40: {  	_ =	shalt  }
0x41: {  	_ =	shalt  }
0x42: {  	_ =	shalt  }
0x43: {  	_ =	shalt  }
0x44: {  	_ =	shalt  }
0x45: {  	_ =	shalt  }
0x46: {  	_ =	shalt  }
0x47: {  	_ =	shalt  }
0x48: {  	_ =	shalt  }
0x49: {  	_ =	shalt  }
0x4a: {  	_ =	shalt  }
0x4b: {  	_ =	shalt  }
0x4c: {  	_ =	shalt  }
0x4d: {  	_ =	shalt  }
0x4e: {  	_ =	shalt  }
0x4f: {  	_ =	shalt  }
0x50: {  	_ =	shalt  }
0x51: {  	_ =	shalt  }
0x52: {  	_ =	shalt  }
0x53: {  	_ =	shalt  }
0x54: {  	_ =	shalt  }
0x55: {  	_ =	shalt  }
0x56: {  	_ =	shalt  }
0x57: {  	_ =	shalt  }
0x58: {  	_ =	shalt  }
0x59: {  	_ =	shalt  }
0x5a: {  	_ =	shalt  }
0x5b: {  	_ =	shalt  }
0x5c: {  	_ =	shalt  }
0x5d: {  	_ =	shalt  }
0x5e: {  	_ =	shalt  }
0x5f: {  	_ =	shalt  }
0x60: {  	_ =	shalt  }
0x61: {  	_ =	shalt  }
0x62: {  	_ =	shalt  }
0x63: {  	_ =	shalt  }
0x64: {  	_ =	shalt  }
0x65: {  	_ =	shalt  }
0x66: {  	_ =	shalt  }
0x67: {  	_ =	shalt  }
0x68: {  	_ =	shalt  }
0x69: {  	_ =	shalt  }
0x6a: {  	_ =	shalt  }
0x6b: {  	_ =	shalt  }
0x6c: {  	_ =	shalt  }
0x6d: {  	_ =	shalt  }
0x6e: {  	_ =	shalt  }
0x6f: {  	_ =	shalt  }
0x70: {  	_ =	shalt  }
0x71: {  	_ =	shalt  }
0x72: {  	_ =	shalt  }
0x73: {  	_ =	shalt  }
0x74: {  	_ =	shalt  }
0x75: {  	_ =	shalt  }
0x76: {  	_ =	shalt  }
0x77: {  	_ =	shalt  }
0x78: {  	_ =	shalt  }
0x79: {  	_ =	shalt  }
0x7a: {  	_ =	shalt  }
0x7b: {  	_ =	shalt  }
0x7c: {  	_ =	shalt  }
0x7d: {  	_ =	shalt  }
0x7e: {  	_ =	shalt  }
0x7f: {  	_ =	shalt  }
0x80: {  	_ =	shalt  }
0x81: {  	_ =	shalt  }
0x82: {  	_ =	shalt  }
0x83: {  	_ =	shalt  }
0x84: {  	_ =	shalt  }
0x85: {  	_ =	shalt  }
0x86: {  	_ =	shalt  }
0x87: {  	_ =	shalt  }
.Lfunc_end0:
.L_simem_size_0:
called_computation.1_lowered:
.L_overlay_start_0:
0x88: {  	s2 =	sld [smem:$0x3FD9]  }
0x89: {  	s3 =	sld [smem:$0x3FFE];
	_ =	sdelay $0x1  }
0x8a: {  	s1 =	srdreg.scid  }
0x8b: {  	s0 =	sand.u32 $0x1, s1  }
0x8c: {  	s16 =	sshll.u32 s0, $0xA;
	s2 =	sadd.s32 s3, s2  }
0x8d: {  	s2 =	sadd.s32 s2, s16  }
0x8e: {  	[smem:$0x3FC5] =	sst s2  }
0x8f: {  	_ = 	snop  }
0x90: {  	(tm) =	ssettm $0x1  }
0x91: {  	s17 =	sld [smem:$0x3FFB];
	_ =	sdelay $0x3  }
0x92: {  	_ =	strace s17  }
0x93: {  	s2 =	sld [smem:$0x3FFC];
	_ =	sdelay $0x3  }
0x94: {  	_ =	strace s2  }
0x95: {  	s2 =	sld [smem:$0x3FFD];
	_ =	sdelay $0x3  }
0x96: {  	_ =	strace s2  }
0x97: {  	_ =	strace $0x8FFFFFFF  }
0x98: {  	s18 =	sld [smem:$0x3FDB];
	_ =	sdelay $0x1  }
0x99: {  	s19 =	simm.s32 $_scs_section_size  }
0x9a: {  	s4 =	simm.s32 $_size__tile_overlayer_lowered;
	s5 =	simm.s32 $_tile_overlayer_lowered  }
0x9b: {  	s22 =	simm.s32 $0x1BFF;
	s21 =	sshll.u32 s5, $0x1;
	s2 =	sadd.s32 s19, s18  }
0x9c: {  	s6 =	simm.s32 $0x0;
	s20 =	sshll.u32 s4, $0x1;
	s4 =	sadd.s32 s21, s2  }
0x9d: {  	[timem:s6], [sflag:s22] =	dma.local [hbm:s4], s20  }
0x9e: {  	_ =	swait.ge [sflag:s22], s20  }
0x9f: {  	s3 =	ssub.s32 $0x0, s20;
	[sflag:s22] =	ssyncset.done $0x0  }
0xa0: {  	[sflag:s22] =	ssyncadd.s32 s3;
	_ =	sdelay $0x1  }
0xa1: {  	s23 =	simm.s32 $0x1B8B  }
0xa2: {  	_ =	swait.ge [sflag:s23], $0x1  }
0xa3: {  	[sflag:s23] =	ssyncset.done $0x0  }
0xa4: {  	s25 =	simm.s32 $0x1B8E;
	s24 =	sld [smem:$0x3FFE];
	[sflag:s23] =	ssyncadd.s32 $0xFFFFFFFF  }
0xa5: {  	s26 =	simm.s32 $execute0_lowered;
	[smem:$0x3FD2] =	sst s25  }
0xa6: {  	s4 =	sshll.u32 s26, $0x1;
	_ =	strace $0x80000046;
	[dreg:$0x1] =	wrdreg $0xFFFFFFFF  }
0xa7: {  	s28 =	simm.s32 $_size_execute0_lowered;
	s2 =	sadd.s32 s2, s4;
	[dreg:$0x0] =	wrdreg $0x0  }
0xa8: {  	s4 =	sshll.u32 s28, $0x1;
	[dreg:$0x2] =	wrdreg s2  }
0xa9: {  	[dreg:$0x3] =	wrdreg s4  }
0xaa: {  	[dreg:$0x4] =	wrdreg $0xC0  }
0xab: {  	_ =	task [dreg:s6], $0x5FFFF  }
0xac: {  	[dreg:$0x1] =	wrdreg $0xFFFFFFFF  }
0xad: {  	[dreg:$0x0] =	wrdreg $0x60  }
0xae: {  	[dreg:$0x2] =	wrdreg s24  }
0xaf: {  	[dreg:$0x3] =	wrdreg $0x9  }
0xb0: {  	_ =	task.clear_ibuf [dreg:s6], $0x4FFFF;
	_ =	strace $0x90000046  }
0xb1: {  	s29 =	simm.s32 $0x9;
	_ =	strace $0x80000048  }
0xb2: {  	_ =	swait.ge [sflag:s29], $0x1  }
0xb3: {  	[sflag:s29] =	ssyncadd.s32 $0xFFFFFFFF  }
0xb4: {  	_ =	strace $0x90000048  }
0xb5: {  	_ =	sfence  }
0xb6: {  	s30 =	sld [smem:$0x0];
	_ =	sdelay $0x2  }
0xb7: {  	s31 =	sshll.u32 s1, $0xD;
	s1 =	sshrl.u32 s1, $0x2  }
0xb8: {  	s3 =	sand.u32 $0x4000, s31;
	s1 =	sadd.s32 s1, s30  }
0xb9: {  	s0 =	sor.u32 s3, s0;
	s1 =	sshll.u32 s1, $0x11  }
0xba: {  	s0 =	sor.u32 s1, s0  }
0xbb: {  	s0 =	sadd.s32 $0x8F2B, s0  }
0xbc: {  	[sflag:s0] =	ssyncadd.remote.s32 $0x1  }
0xbd: {  	_ =	sfence.sel $0xFFFF  }
0xbe: {  	[dreg:$0x0] =	wrdreg $0xFFFFFFFF;
	(pc) =	sbr.abs _section_cstart, $3  }
0xbf: {  	[dreg:$0x1] =	wrdreg $0xFFFFFFFF  }
0xc0: {  	_ =	task.clear_ibuf [dreg:s6], $0x2FFFF;
	_ =	strace $0x9FFFFFFF  }
0xc1: {  	(tm) =	ssettm $0x7FFFFFFF  }
tec
execute0_lowered:
.L_overlay_start_1:
0x0: {  	(tag) =	ssettag $0x1  }
0x1: {  	s5 =	rddreg [dreg:$0x0];
	s2 =	simm.s32 $0x0  }
0x2: {  	s3 =	srdreg.scid;
	s0 =	stileid.u32;
	s13 =	simm.s32 $0x186A00  }
0x3: {  	s15 =	simm.s32 $0x3E8;
	s16 =	simm.s32 $0x186A0;
	s17 =	simm.s32 $0x3E80  }
0x4: {  	s18 =	simm.s32 $0x1;
	s19 =	simm.s32 $0x7D00;
	s20 =	simm.s32 $0x2  }
0x5: {  	s21 =	simm.s32 $0xBB80;
	s22 =	simm.s32 $0x3;
	s23 =	simm.s32 $0x4  }
0x6: {  	s24 =	simm.s32 $0x0;
	s6 =	sand.u32 $0x1, s3;
	s4 =	sshll.u32 s0, $0x1  }
0x7: {  	[smem:$0x7FF] =	sst s2;
	s3 =	sadd.s32 $0xC00, s5;
	s4 =	sor.u32 s6, s4  }
0x8: {  	s5 =	sadd.s32 $0x4F6600, s5;
	s7 =	ssub.s32 $0x2, s6;
	s8 =	smul.u32 $0x7D, s4  }
0x9: {  	s6 =	sor.u32 $0x60, s4;
	s9 =	sor.u32 $0x20, s4;
	s28 =	smul.u32 $0x7D0, s4  }
0xa: {  	_ =	strace $0x80000047;
	s10 =	sadd.s32 $0xFFFFFF9C, s6;
	s12 =	smul.u32 $0x7D, s9  }
0xb: {  	s11 =	sshrl.u32 s7, $0x1;
	s29 =	smul.u32 $0x7D0, s9;
	s10 =	smin.u32 s6, s10  }
0xc: {  	p0 =	sgt.u32 s6, $0x63;
	s14 =	ssub.s32 s7, s11;
	s10 =	smul.u32 $0x3E8, s10  }
0xd: {  	s13 =	simm.s32 @!p0 $0x0;
	s7 =	sadd.s32 s3, s8;
	s14 =	smax.u32 s14, $0x1  }
0xe: {  	s30 =	sadd.s32 s3, s12;
	s9 =	sadd.s32 $0x1F40, s7;
	s10 =	sadd.s32 s10, s13  }
0xf: {  	v0 =	vlaneseq.u32;
	s12 =	sadd.s32 s5, s29;
	[dreg:$0x2] =	wrdreg s30;
	s31 =	sshrl.u32 s10, $0x3  }
0x10: {  	v0 =	vmul.u32 $0x3E8, v0;
	s13 =	sor.u32 $0x40, s4;
	s10 =	sadd.s32 s5, s28;
	s11 =	sadd.s32 s3, s31  }
.LBB2_1:
0x11: {  	v1 =	vmov s2  }
0x12: {  	[tilespmem:s2], [sflag:$0x1] =	stream.strided.gather [hbm4b:s7+s15], $0x3E80, s16, s15, $0x38;
	v1 =	vand.u32 $0x3FC, v1;
	[tilespmem:$0xFA00] =	vst v63  }
0x13: {  	s0 =	rddreg [dreg:$0x2];
	v1 =	vadd.s32 v0, v1  }
0x14: {  	[tilespmem:s17], [sflag:$0x2] =	stream.strided.gather [hbm4b:s0+s15], $0x3E80, s16, s15, $0x38;
	[tilespmem:$0xFA00] =	vst v63  }
0x15: {  	_ =	swait.ge [sflag:s18], $0x3E80  }
0x16: {  	s25 =	simm.s32 $0x1;
	[sflag:s18] =	ssyncset.done $0x0  }
0x17: {  	v2 =	vmov s25;
	[sflag:s18] =	ssyncadd.s32 $0xFFFFC180  }
0x18: {  	v2 =	vand.u32 $0x3FD, v2;
	v1 =	vld.idx.msk [tilespmem:v1+s2+$0x0], $0xffff  }
0x19: {  	v2 =	vadd.s32 v0, v2;
	_ =	sdelay $0x2  }
0x1a: {  	s26 =	simm.s32 $0x2;
	s25 =	simm.s32 $0x7DA0  }
0x1b: {  	[tilespmem:s25+$0xFFFFFF60] =	vst v1;
	v1 =	vmov s26  }
0x1c: {  	v2 =	vld.idx.msk [tilespmem:v2+s2+$0x0], $0xffff;
	v1 =	vand.u32 $0x3FE, v1  }
0x1d: {  	v1 =	vadd.s32 v0, v1;
	_ =	sdelay $0x2  }
0x1e: {  	s1 =	simm.s32 $0x3  }
0x1f: {  	[tilespmem:s25+$0xFFFFFF70] =	vst v2;
	v2 =	vmov s1  }
0x20: {  	v1 =	vld.idx.msk [tilespmem:v1+s2+$0x0], $0xffff;
	v2 =	vand.u32 $0x3FF, v2  }
0x21: {  	v2 =	vadd.s32 v0, v2;
	_ =	sdelay $0x2  }
0x22: {  	s8 =	simm.s32 $0x4  }
0x23: {  	[tilespmem:s25+$0xFFFFFF80] =	vst v1;
	v1 =	vmov s8  }
0x24: {  	v2 =	vld.idx.msk [tilespmem:v2+s2+$0x0], $0xffff;
	v1 =	vand.u32 $0x7FC, v1  }
0x25: {  	v1 =	vadd.s32 v0, v1;
	_ =	sdelay $0x2  }
0x26: {  	s29 =	simm.s32 $0x5  }
0x27: {  	[tilespmem:s25+$0xFFFFFF90] =	vst v2;
	v2 =	vmov s29  }
0x28: {  	v1 =	vld.idx.msk [tilespmem:v1+s2+$0x0], $0xffff;
	v2 =	vand.u32 $0x7FD, v2  }
0x29: {  	v2 =	vadd.s32 v0, v2;
	_ =	sdelay $0x2  }
0x2a: {  	s30 =	simm.s32 $0x6  }
0x2b: {  	[tilespmem:s25+$0xFFFFFFA0] =	vst v1;
	v1 =	vmov s30  }
0x2c: {  	v2 =	vld.idx.msk [tilespmem:v2+s2+$0x0], $0xffff;
	v1 =	vand.u32 $0x7FE, v1  }
0x2d: {  	v1 =	vadd.s32 v0, v1;
	_ =	sdelay $0x2  }
0x2e: {  	s31 =	simm.s32 $0x7  }
0x2f: {  	[tilespmem:s25+$0xFFFFFFB0] =	vst v2;
	v2 =	vmov s31  }
0x30: {  	v1 =	vld.idx.msk [tilespmem:v1+s2+$0x0], $0xffff;
	v2 =	vand.u32 $0x7FF, v2  }
0x31: {  	v2 =	vadd.s32 v0, v2;
	_ =	sdelay $0x2  }
0x32: {  	s0 =	simm.s32 $0x8  }
0x33: {  	[tilespmem:s25+$0xFFFFFFC0] =	vst v1;
	v1 =	vmov s0  }
0x34: {  	v2 =	vld.idx.msk [tilespmem:v2+s2+$0x0], $0xffff;
	v1 =	vand.u32 $0x7FC, v1  }
0x35: {  	v1 =	vadd.s32 v0, v1;
	_ =	sdelay $0x2  }
0x36: {  	s1 =	simm.s32 $0x9  }
0x37: {  	[tilespmem:s25+$0xFFFFFFD0] =	vst v2;
	v2 =	vmov s1  }
0x38: {  	v1 =	vld.idx.msk [tilespmem:v1+s2+$0x0], $0xffff;
	v2 =	vand.u32 $0x7FD, v2  }
0x39: {  	v2 =	vadd.s32 v0, v2;
	_ =	sdelay $0x2  }
0x3a: {  	s8 =	simm.s32 $0xA  }
0x3b: {  	[tilespmem:s25+$0xFFFFFFE0] =	vst v1;
	v1 =	vmov s8  }
0x3c: {  	v2 =	vld.idx.msk [tilespmem:v2+s2+$0x0], $0xffff;
	v1 =	vand.u32 $0x7FE, v1  }
0x3d: {  	v1 =	vadd.s32 v0, v1;
	_ =	sdelay $0x2  }
0x3e: {  	s29 =	simm.s32 $0xB  }
0x3f: {  	[tilespmem:s25+$0xFFFFFFF0] =	vst v2;
	v2 =	vmov s29  }
0x40: {  	v1 =	vld.idx.msk [tilespmem:v1+s2+$0x0], $0xffff;
	v2 =	vand.u32 $0x7FF, v2  }
0x41: {  	v2 =	vadd.s32 v0, v2;
	_ =	sdelay $0x2  }
0x42: {  	s30 =	simm.s32 $0xC  }
0x43: {  	[tilespmem:s25+$0x0] =	vst v1;
	v1 =	vmov s30  }
0x44: {  	v2 =	vld.idx.msk [tilespmem:v2+s2+$0x0], $0xffff;
	v1 =	vand.u32 $0x7FC, v1  }
0x45: {  	v1 =	vadd.s32 v0, v1;
	_ =	sdelay $0x2  }
0x46: {  	s31 =	simm.s32 $0xD  }
0x47: {  	[tilespmem:s25+$0x10] =	vst v2;
	v2 =	vmov s31  }
0x48: {  	v1 =	vld.idx.msk [tilespmem:v1+s2+$0x0], $0xffff;
	v2 =	vand.u32 $0x7FD, v2  }
0x49: {  	v2 =	vadd.s32 v0, v2;
	_ =	sdelay $0x2  }
0x4a: {  	s0 =	simm.s32 $0xE  }
0x4b: {  	[tilespmem:s25+$0x20] =	vst v1;
	v1 =	vmov s0  }
0x4c: {  	v2 =	vld.idx.msk [tilespmem:v2+s2+$0x0], $0xffff;
	v1 =	vand.u32 $0x7FE, v1  }
0x4d: {  	v1 =	vadd.s32 v0, v1;
	_ =	sdelay $0x2  }
0x4e: {  	s1 =	simm.s32 $0xF  }
0x4f: {  	[tilespmem:s25+$0x30] =	vst v2;
	v2 =	vmov s1  }
0x50: {  	v1 =	vld.idx.msk [tilespmem:v1+s2+$0x0], $0xffff;
	v2 =	vand.u32 $0x7FF, v2  }
0x51: {  	v2 =	vadd.s32 v0, v2;
	_ =	sdelay $0x2  }
0x52: {  	s8 =	simm.s32 $0x10  }
0x53: {  	[tilespmem:s25+$0x40] =	vst v1;
	v1 =	vmov s8  }
0x54: {  	v2 =	vld.idx.msk [tilespmem:v2+s2+$0x0], $0xffff;
	v1 =	vand.u32 $0x7FC, v1  }
0x55: {  	v1 =	vadd.s32 v0, v1;
	_ =	sdelay $0x2  }
0x56: {  	s29 =	simm.s32 $0x11  }
0x57: {  	[tilespmem:s25+$0x50] =	vst v2;
	v2 =	vmov s29  }
0x58: {  	v1 =	vld.idx.msk [tilespmem:v1+s2+$0x0], $0xffff;
	v2 =	vand.u32 $0x7FD, v2  }
0x59: {  	v2 =	vadd.s32 v0, v2;
	_ =	sdelay $0x2  }
0x5a: {  	s30 =	simm.s32 $0x12  }
0x5b: {  	[tilespmem:s25+$0x60] =	vst v1;
	v1 =	vmov s30  }
0x5c: {  	v2 =	vld.idx.msk [tilespmem:v2+s2+$0x0], $0xffff;
	v1 =	vand.u32 $0x7FE, v1  }
0x5d: {  	v1 =	vadd.s32 v0, v1;
	_ =	sdelay $0x2  }
0x5e: {  	s31 =	simm.s32 $0x13  }
0x5f: {  	[tilespmem:s25+$0x70] =	vst v2;
	v2 =	vmov s31  }
0x60: {  	v1 =	vld.idx.msk [tilespmem:v1+s2+$0x0], $0xffff;
	v2 =	vand.u32 $0x7FF, v2  }
0x61: {  	v3 =	vadd.s32 v0, v2;
	_ =	sdelay $0x3  }
0x62: {  	s26 =	simm.s32 $0x14;
	[tilespmem:s25+$0x80] =	vst v1  }
0x63: {  	s28 =	simm.s32 $0x28;
	v2 =	vmov s26;
	v1 =	vld.idx.msk [tilespmem:v3+s2+$0x0], $0xffff  }
.LBB2_2:
0x64: {  	p0 =	slt.u32 s28, $0x3D4;
	v2 =	vand.u32 $0x3FC, v2  }
0x65: {  	v2 =	vadd.s32 v0, v2;
	_ =	sdelay $0x3  }
0x66: {  	s29 =	sadd.s32 $0x1, s26;
	[tilespmem:s25+$0x90] =	vst v1  }
0x67: {  	v1 =	vld.idx.msk [tilespmem:v2+s2+$0x0], $0xffff;
	v2 =	vmov s29  }
0x68: {  	v2 =	vand.u32 $0x3FD, v2  }
0x69: {  	v2 =	vadd.s32 v0, v2;
	_ =	sdelay $0x2  }
0x6a: {  	s25 =	sadd.s32 $0x140, s25  }
0x6b: {  	s29 =	sadd.s32 $0x2, s26;
	[tilespmem:s25+$0xFFFFFF60] =	vst v1  }
0x6c: {  	v1 =	vld.idx.msk [tilespmem:v2+s2+$0x0], $0xffff;
	v2 =	vmov s29  }
0x6d: {  	v2 =	vand.u32 $0x3FE, v2  }
0x6e: {  	v2 =	vadd.s32 v0, v2;
	_ =	sdelay $0x3  }
0x6f: {  	s29 =	sadd.s32 $0x3, s26;
	[tilespmem:s25+$0xFFFFFF70] =	vst v1  }
0x70: {  	v1 =	vld.idx.msk [tilespmem:v2+s2+$0x0], $0xffff;
	v2 =	vmov s29  }
0x71: {  	v2 =	vand.u32 $0x3FF, v2  }
0x72: {  	v2 =	vadd.s32 v0, v2;
	_ =	sdelay $0x3  }
0x73: {  	s29 =	sadd.s32 $0x4, s26;
	[tilespmem:s25+$0xFFFFFF80] =	vst v1  }
0x74: {  	v1 =	vld.idx.msk [tilespmem:v2+s2+$0x0], $0xffff;
	v2 =	vmov s29  }
0x75: {  	v2 =	vand.u32 $0x7FC, v2  }
0x76: {  	v2 =	vadd.s32 v0, v2;
	_ =	sdelay $0x3  }
0x77: {  	s29 =	sadd.s32 $0x5, s26;
	[tilespmem:s25+$0xFFFFFF90] =	vst v1  }
0x78: {  	v1 =	vld.idx.msk [tilespmem:v2+s2+$0x0], $0xffff;
	v2 =	vmov s29  }
0x79: {  	v2 =	vand.u32 $0x7FD, v2  }
0x7a: {  	v2 =	vadd.s32 v0, v2;
	_ =	sdelay $0x3  }
0x7b: {  	s29 =	sadd.s32 $0x6, s26;
	[tilespmem:s25+$0xFFFFFFA0] =	vst v1  }
0x7c: {  	v1 =	vld.idx.msk [tilespmem:v2+s2+$0x0], $0xffff;
	v2 =	vmov s29  }
0x7d: {  	v2 =	vand.u32 $0x7FE, v2  }
0x7e: {  	v2 =	vadd.s32 v0, v2;
	_ =	sdelay $0x3  }
0x7f: {  	s29 =	sadd.s32 $0x7, s26;
	[tilespmem:s25+$0xFFFFFFB0] =	vst v1  }
0x80: {  	v1 =	vld.idx.msk [tilespmem:v2+s2+$0x0], $0xffff;
	v2 =	vmov s29  }
0x81: {  	v2 =	vand.u32 $0x7FF, v2  }
0x82: {  	v2 =	vadd.s32 v0, v2;
	_ =	sdelay $0x3  }
0x83: {  	s29 =	sadd.s32 $0x8, s26;
	[tilespmem:s25+$0xFFFFFFC0] =	vst v1  }
0x84: {  	v1 =	vld.idx.msk [tilespmem:v2+s2+$0x0], $0xffff;
	v2 =	vmov s29  }
0x85: {  	v2 =	vand.u32 $0x7FC, v2  }
0x86: {  	v2 =	vadd.s32 v0, v2;
	_ =	sdelay $0x3  }
0x87: {  	s29 =	sadd.s32 $0x9, s26;
	[tilespmem:s25+$0xFFFFFFD0] =	vst v1  }
0x88: {  	v1 =	vld.idx.msk [tilespmem:v2+s2+$0x0], $0xffff;
	v2 =	vmov s29  }
0x89: {  	v2 =	vand.u32 $0x7FD, v2  }
0x8a: {  	v2 =	vadd.s32 v0, v2;
	_ =	sdelay $0x3  }
0x8b: {  	s29 =	sadd.s32 $0xA, s26;
	[tilespmem:s25+$0xFFFFFFE0] =	vst v1  }
0x8c: {  	v1 =	vld.idx.msk [tilespmem:v2+s2+$0x0], $0xffff;
	v2 =	vmov s29  }
0x8d: {  	v2 =	vand.u32 $0x7FE, v2  }
0x8e: {  	v2 =	vadd.s32 v0, v2;
	_ =	sdelay $0x3  }
0x8f: {  	s29 =	sadd.s32 $0xB, s26;
	[tilespmem:s25+$0xFFFFFFF0] =	vst v1  }
0x90: {  	v1 =	vld.idx.msk [tilespmem:v2+s2+$0x0], $0xffff;
	v2 =	vmov s29  }
0x91: {  	v2 =	vand.u32 $0x7FF, v2  }
0x92: {  	v2 =	vadd.s32 v0, v2;
	_ =	sdelay $0x3  }
0x93: {  	s29 =	sadd.s32 $0xC, s26;
	[tilespmem:s25+$0x0] =	vst v1  }
0x94: {  	v1 =	vld.idx.msk [tilespmem:v2+s2+$0x0], $0xffff;
	v2 =	vmov s29  }
0x95: {  	v2 =	vand.u32 $0x7FC, v2  }
0x96: {  	v2 =	vadd.s32 v0, v2;
	_ =	sdelay $0x3  }
0x97: {  	s29 =	sadd.s32 $0xD, s26;
	[tilespmem:s25+$0x10] =	vst v1  }
0x98: {  	v1 =	vld.idx.msk [tilespmem:v2+s2+$0x0], $0xffff;
	v2 =	vmov s29  }
0x99: {  	v2 =	vand.u32 $0x7FD, v2  }
0x9a: {  	v2 =	vadd.s32 v0, v2;
	_ =	sdelay $0x3  }
0x9b: {  	s29 =	sadd.s32 $0xE, s26;
	[tilespmem:s25+$0x20] =	vst v1  }
0x9c: {  	v1 =	vld.idx.msk [tilespmem:v2+s2+$0x0], $0xffff;
	v2 =	vmov s29  }
0x9d: {  	v2 =	vand.u32 $0x7FE, v2  }
0x9e: {  	v2 =	vadd.s32 v0, v2;
	_ =	sdelay $0x3  }
0x9f: {  	s29 =	sadd.s32 $0xF, s26;
	[tilespmem:s25+$0x30] =	vst v1  }
0xa0: {  	v1 =	vld.idx.msk [tilespmem:v2+s2+$0x0], $0xffff;
	v2 =	vmov s29  }
0xa1: {  	v2 =	vand.u32 $0x7FF, v2  }
0xa2: {  	v2 =	vadd.s32 v0, v2;
	_ =	sdelay $0x3  }
0xa3: {  	s29 =	sadd.s32 $0x10, s26;
	[tilespmem:s25+$0x40] =	vst v1  }
0xa4: {  	v1 =	vld.idx.msk [tilespmem:v2+s2+$0x0], $0xffff;
	v2 =	vmov s29  }
0xa5: {  	v2 =	vand.u32 $0x7FC, v2  }
0xa6: {  	v2 =	vadd.s32 v0, v2;
	_ =	sdelay $0x3  }
0xa7: {  	s29 =	sadd.s32 $0x11, s26;
	[tilespmem:s25+$0x50] =	vst v1  }
0xa8: {  	v1 =	vld.idx.msk [tilespmem:v2+s2+$0x0], $0xffff;
	v2 =	vmov s29  }
0xa9: {  	v2 =	vand.u32 $0x7FD, v2  }
0xaa: {  	v2 =	vadd.s32 v0, v2;
	_ =	sdelay $0x3  }
0xab: {  	s29 =	sadd.s32 $0x12, s26;
	[tilespmem:s25+$0x60] =	vst v1  }
0xac: {  	v1 =	vld.idx.msk [tilespmem:v2+s2+$0x0], $0xffff;
	v2 =	vmov s29  }
0xad: {  	v2 =	vand.u32 $0x7FE, v2  }
0xae: {  	v2 =	vadd.s32 v0, v2;
	_ =	sdelay $0x3  }
0xaf: {  	s29 =	sadd.s32 $0x13, s26;
	s26 =	smov.u32 s28;
	[tilespmem:s25+$0x70] =	vst v1  }
0xb0: {  	v1 =	vld.idx.msk [tilespmem:v2+s2+$0x0], $0xffff;
	v2 =	vmov s29  }
0xb1: {  	v2 =	vand.u32 $0x7FF, v2  }
0xb2: {  	v3 =	vadd.s32 v0, v2  }
.Ltmp0:
0xb3: {  	(pc) =	sbr.rel @p0 .LBB2_2-.Ltmp0, $3  }
0xb4: {  	_ =	sdelay $0x1  }
0xb5: {  	[tilespmem:s25+$0x80] =	vst v1  }
0xb6: {  	s28 =	sadd.s32 $0x14, s28;
	v2 =	vmov s26;
	v1 =	vld.idx.msk [tilespmem:v3+s2+$0x0], $0xffff  }
0xb7: {  	v2 =	vand.u32 $0x3FC, v2  }
0xb8: {  	v2 =	vadd.s32 v0, v2;
	_ =	sdelay $0x2  }
0xb9: {  	s28 =	sadd.s32 $0x1, s26  }
0xba: {  	[tilespmem:s25+$0x90] =	vst v1;
	v1 =	vmov s28  }
0xbb: {  	v1 =	vand.u32 $0x3FD, v1;
	v2 =	vld.idx.msk [tilespmem:v2+s2+$0x0], $0xffff  }
0xbc: {  	v1 =	vadd.s32 v0, v1;
	_ =	sdelay $0x2  }
0xbd: {  	s8 =	sadd.s32 $0x140, s25;
	s28 =	sadd.s32 $0x2, s26  }
0xbe: {  	[tilespmem:s8+$0xFFFFFF60] =	vst v2;
	v2 =	vmov s28  }
0xbf: {  	v1 =	vld.idx.msk [tilespmem:v1+s2+$0x0], $0xffff;
	v2 =	vand.u32 $0x3FE, v2  }
0xc0: {  	v2 =	vadd.s32 v0, v2;
	_ =	sdelay $0x2  }
0xc1: {  	s28 =	sadd.s32 $0x3, s26  }
0xc2: {  	[tilespmem:s8+$0xFFFFFF70] =	vst v1;
	v1 =	vmov s28  }
0xc3: {  	v2 =	vld.idx.msk [tilespmem:v2+s2+$0x0], $0xffff;
	v1 =	vand.u32 $0x3FF, v1  }
0xc4: {  	v1 =	vadd.s32 v0, v1;
	_ =	sdelay $0x2  }
0xc5: {  	s28 =	sadd.s32 $0x4, s26  }
0xc6: {  	[tilespmem:s8+$0xFFFFFF80] =	vst v2;
	v2 =	vmov s28  }
0xc7: {  	v1 =	vld.idx.msk [tilespmem:v1+s2+$0x0], $0xffff;
	v2 =	vand.u32 $0x7FC, v2  }
0xc8: {  	v2 =	vadd.s32 v0, v2;
	_ =	sdelay $0x2  }
0xc9: {  	s28 =	sadd.s32 $0x5, s26  }
0xca: {  	[tilespmem:s8+$0xFFFFFF90] =	vst v1;
	v1 =	vmov s28  }
0xcb: {  	v2 =	vld.idx.msk [tilespmem:v2+s2+$0x0], $0xffff;
	v1 =	vand.u32 $0x7FD, v1  }
0xcc: {  	v1 =	vadd.s32 v0, v1;
	_ =	sdelay $0x2  }
0xcd: {  	s28 =	sadd.s32 $0x6, s26  }
0xce: {  	[tilespmem:s8+$0xFFFFFFA0] =	vst v2;
	v2 =	vmov s28  }
0xcf: {  	v1 =	vld.idx.msk [tilespmem:v1+s2+$0x0], $0xffff;
	v2 =	vand.u32 $0x7FE, v2  }
0xd0: {  	v2 =	vadd.s32 v0, v2;
	_ =	sdelay $0x2  }
0xd1: {  	s28 =	sadd.s32 $0x7, s26  }
0xd2: {  	[tilespmem:s8+$0xFFFFFFB0] =	vst v1;
	v1 =	vmov s28  }
0xd3: {  	v2 =	vld.idx.msk [tilespmem:v2+s2+$0x0], $0xffff;
	v1 =	vand.u32 $0x7FF, v1  }
0xd4: {  	v1 =	vadd.s32 v0, v1;
	_ =	sdelay $0x2  }
0xd5: {  	s28 =	sadd.s32 $0x8, s26  }
0xd6: {  	[tilespmem:s8+$0xFFFFFFC0] =	vst v2;
	v2 =	vmov s28  }
0xd7: {  	v1 =	vld.idx.msk [tilespmem:v1+s2+$0x0], $0xffff;
	v2 =	vand.u32 $0x7FC, v2  }
0xd8: {  	v2 =	vadd.s32 v0, v2;
	_ =	sdelay $0x2  }
0xd9: {  	s28 =	sadd.s32 $0x9, s26  }
0xda: {  	[tilespmem:s8+$0xFFFFFFD0] =	vst v1;
	v1 =	vmov s28  }
0xdb: {  	v2 =	vld.idx.msk [tilespmem:v2+s2+$0x0], $0xffff;
	v1 =	vand.u32 $0x7FD, v1  }
0xdc: {  	v1 =	vadd.s32 v0, v1;
	_ =	sdelay $0x2  }
0xdd: {  	s28 =	sadd.s32 $0xA, s26  }
0xde: {  	[tilespmem:s8+$0xFFFFFFE0] =	vst v2;
	v2 =	vmov s28  }
0xdf: {  	v1 =	vld.idx.msk [tilespmem:v1+s2+$0x0], $0xffff;
	v2 =	vand.u32 $0x7FE, v2  }
0xe0: {  	v2 =	vadd.s32 v0, v2;
	_ =	sdelay $0x2  }
0xe1: {  	s28 =	sadd.s32 $0xB, s26  }
0xe2: {  	[tilespmem:s8+$0xFFFFFFF0] =	vst v1;
	v1 =	vmov s28  }
0xe3: {  	v2 =	vld.idx.msk [tilespmem:v2+s2+$0x0], $0xffff;
	v1 =	vand.u32 $0x7FF, v1  }
0xe4: {  	v1 =	vadd.s32 v0, v1;
	_ =	sdelay $0x2  }
0xe5: {  	s28 =	sadd.s32 $0xC, s26  }
0xe6: {  	[tilespmem:s8+$0x0] =	vst v2;
	v2 =	vmov s28  }
0xe7: {  	v1 =	vld.idx.msk [tilespmem:v1+s2+$0x0], $0xffff;
	v2 =	vand.u32 $0x7FC, v2  }
0xe8: {  	v2 =	vadd.s32 v0, v2;
	_ =	sdelay $0x2  }
0xe9: {  	s28 =	sadd.s32 $0xD, s26  }
0xea: {  	[tilespmem:s8+$0x10] =	vst v1;
	v1 =	vmov s28  }
0xeb: {  	v2 =	vld.idx.msk [tilespmem:v2+s2+$0x0], $0xffff;
	v1 =	vand.u32 $0x7FD, v1  }
0xec: {  	v1 =	vadd.s32 v0, v1;
	_ =	sdelay $0x2  }
0xed: {  	s28 =	sadd.s32 $0xE, s26  }
0xee: {  	[tilespmem:s8+$0x20] =	vst v2;
	v2 =	vmov s28  }
0xef: {  	v1 =	vld.idx.msk [tilespmem:v1+s2+$0x0], $0xffff;
	v2 =	vand.u32 $0x7FE, v2  }
0xf0: {  	v2 =	vadd.s32 v0, v2;
	_ =	sdelay $0x2  }
0xf1: {  	s28 =	sadd.s32 $0xF, s26  }
0xf2: {  	[tilespmem:s8+$0x30] =	vst v1;
	v1 =	vmov s28  }
0xf3: {  	v2 =	vld.idx.msk [tilespmem:v2+s2+$0x0], $0xffff;
	v1 =	vand.u32 $0x7FF, v1  }
0xf4: {  	v1 =	vadd.s32 v0, v1;
	_ =	sdelay $0x2  }
0xf5: {  	s28 =	sadd.s32 $0x10, s26  }
0xf6: {  	[tilespmem:s8+$0x40] =	vst v2;
	v2 =	vmov s28  }
0xf7: {  	v1 =	vld.idx.msk [tilespmem:v1+s2+$0x0], $0xffff;
	v2 =	vand.u32 $0x7FC, v2  }
0xf8: {  	v2 =	vadd.s32 v0, v2;
	_ =	sdelay $0x2  }
0xf9: {  	s28 =	sadd.s32 $0x11, s26  }
0xfa: {  	[tilespmem:s8+$0x50] =	vst v1;
	v1 =	vmov s28  }
0xfb: {  	v2 =	vld.idx.msk [tilespmem:v2+s2+$0x0], $0xffff;
	v1 =	vand.u32 $0x7FD, v1  }
0xfc: {  	v1 =	vadd.s32 v0, v1;
	_ =	sdelay $0x2  }
0xfd: {  	s28 =	sadd.s32 $0x12, s26  }
0xfe: {  	[tilespmem:s8+$0x60] =	vst v2;
	v2 =	vmov s28  }
0xff: {  	v1 =	vld.idx.msk [tilespmem:v1+s2+$0x0], $0xffff;
	v2 =	vand.u32 $0x7FE, v2  }
0x100: {  	v2 =	vadd.s32 v0, v2;
	_ =	sdelay $0x2  }
0x101: {  	s29 =	sadd.s32 $0x13, s26  }
0x102: {  	[tilespmem:s8+$0x70] =	vst v1;
	v1 =	vmov s29  }
0x103: {  	v2 =	vld.idx.msk [tilespmem:v2+s2+$0x0], $0xffff;
	v1 =	vand.u32 $0x7FF, v1  }
0x104: {  	v1 =	vadd.s32 v0, v1;
	_ =	sdelay $0x3  }
0x105: {  	[tilespmem:s8+$0x80] =	vst v2  }
0x106: {  	v1 =	vld.idx.msk [tilespmem:v1+s2+$0x0], $0xffff;
	_ =	sdelay $0x3  }
0x107: {  	s30 =	simm.s32 $0x0  }
0x108: {  	[tilespmem:s8+$0x90] =	vst v1;
	v1 =	vmov s30  }
0x109: {  	[tilespmem:s30], [sflag:$0x1] =	stream.strided.gather [hbm4b:s9+s15], $0x3E80, s16, s15, $0x38;
	v1 =	vand.u32 $0x3FC, v1;
	[tilespmem:$0xFA00] =	vst v63  }
0x10a: {  	v1 =	vadd.s32 v0, v1  }
0x10b: {  	[hbm4b:s10+s30] =	stream.linear.scatter [tilespmem:s19], [sflag:$0x3], $0x3E80, $0x38;
	[tilespmem:$0xFA00] =	vst v63  }
0x10c: {  	_ =	swait.ge [sflag:s20], $0x3E80  }
0x10d: {  	s31 =	simm.s32 $0x1;
	[sflag:s20] =	ssyncset.done $0x0  }
0x10e: {  	v2 =	vmov s31;
	[sflag:s20] =	ssyncadd.s32 $0xFFFFC180  }
0x10f: {  	v2 =	vand.u32 $0x3FD, v2;
	v1 =	vld.idx.msk [tilespmem:v1+s17+$0x0], $0xffff  }
0x110: {  	v2 =	vadd.s32 v0, v2;
	_ =	sdelay $0x2  }
0x111: {  	s0 =	simm.s32 $0x2;
	s25 =	simm.s32 $0xBC20  }
0x112: {  	[tilespmem:s25+$0xFFFFFF60] =	vst v1;
	v1 =	vmov s0  }
0x113: {  	v2 =	vld.idx.msk [tilespmem:v2+s17+$0x0], $0xffff;
	v1 =	vand.u32 $0x3FE, v1  }
0x114: {  	v1 =	vadd.s32 v0, v1;
	_ =	sdelay $0x2  }
0x115: {  	s1 =	simm.s32 $0x3  }
0x116: {  	[tilespmem:s25+$0xFFFFFF70] =	vst v2;
	v2 =	vmov s1  }
0x117: {  	v1 =	vld.idx.msk [tilespmem:v1+s17+$0x0], $0xffff;
	v2 =	vand.u32 $0x3FF, v2  }
0x118: {  	v2 =	vadd.s32 v0, v2;
	_ =	sdelay $0x2  }
0x119: {  	s8 =	simm.s32 $0x4  }
0x11a: {  	[tilespmem:s25+$0xFFFFFF80] =	vst v1;
	v1 =	vmov s8  }
0x11b: {  	v2 =	vld.idx.msk [tilespmem:v2+s17+$0x0], $0xffff;
	v1 =	vand.u32 $0x7FC, v1  }
0x11c: {  	v1 =	vadd.s32 v0, v1;
	_ =	sdelay $0x2  }
0x11d: {  	s29 =	simm.s32 $0x5  }
0x11e: {  	[tilespmem:s25+$0xFFFFFF90] =	vst v2;
	v2 =	vmov s29  }
0x11f: {  	v1 =	vld.idx.msk [tilespmem:v1+s17+$0x0], $0xffff;
	v2 =	vand.u32 $0x7FD, v2  }
0x120: {  	v2 =	vadd.s32 v0, v2;
	_ =	sdelay $0x2  }
0x121: {  	s30 =	simm.s32 $0x6  }
0x122: {  	[tilespmem:s25+$0xFFFFFFA0] =	vst v1;
	v1 =	vmov s30  }
0x123: {  	v2 =	vld.idx.msk [tilespmem:v2+s17+$0x0], $0xffff;
	v1 =	vand.u32 $0x7FE, v1  }
0x124: {  	v1 =	vadd.s32 v0, v1;
	_ =	sdelay $0x2  }
0x125: {  	s31 =	simm.s32 $0x7  }
0x126: {  	[tilespmem:s25+$0xFFFFFFB0] =	vst v2;
	v2 =	vmov s31  }
0x127: {  	v1 =	vld.idx.msk [tilespmem:v1+s17+$0x0], $0xffff;
	v2 =	vand.u32 $0x7FF, v2  }
0x128: {  	v2 =	vadd.s32 v0, v2;
	_ =	sdelay $0x2  }
0x129: {  	s0 =	simm.s32 $0x8  }
0x12a: {  	[tilespmem:s25+$0xFFFFFFC0] =	vst v1;
	v1 =	vmov s0  }
0x12b: {  	v2 =	vld.idx.msk [tilespmem:v2+s17+$0x0], $0xffff;
	v1 =	vand.u32 $0x7FC, v1  }
0x12c: {  	v1 =	vadd.s32 v0, v1;
	_ =	sdelay $0x2  }
0x12d: {  	s1 =	simm.s32 $0x9  }
0x12e: {  	[tilespmem:s25+$0xFFFFFFD0] =	vst v2;
	v2 =	vmov s1  }
0x12f: {  	v1 =	vld.idx.msk [tilespmem:v1+s17+$0x0], $0xffff;
	v2 =	vand.u32 $0x7FD, v2  }
0x130: {  	v2 =	vadd.s32 v0, v2;
	_ =	sdelay $0x2  }
0x131: {  	s8 =	simm.s32 $0xA  }
0x132: {  	[tilespmem:s25+$0xFFFFFFE0] =	vst v1;
	v1 =	vmov s8  }
0x133: {  	v2 =	vld.idx.msk [tilespmem:v2+s17+$0x0], $0xffff;
	v1 =	vand.u32 $0x7FE, v1  }
0x134: {  	v1 =	vadd.s32 v0, v1;
	_ =	sdelay $0x2  }
0x135: {  	s29 =	simm.s32 $0xB  }
0x136: {  	[tilespmem:s25+$0xFFFFFFF0] =	vst v2;
	v2 =	vmov s29  }
0x137: {  	v1 =	vld.idx.msk [tilespmem:v1+s17+$0x0], $0xffff;
	v2 =	vand.u32 $0x7FF, v2  }
0x138: {  	v2 =	vadd.s32 v0, v2;
	_ =	sdelay $0x2  }
0x139: {  	s30 =	simm.s32 $0xC  }
0x13a: {  	[tilespmem:s25+$0x0] =	vst v1;
	v1 =	vmov s30  }
0x13b: {  	v2 =	vld.idx.msk [tilespmem:v2+s17+$0x0], $0xffff;
	v1 =	vand.u32 $0x7FC, v1  }
0x13c: {  	v1 =	vadd.s32 v0, v1;
	_ =	sdelay $0x2  }
0x13d: {  	s31 =	simm.s32 $0xD  }
0x13e: {  	[tilespmem:s25+$0x10] =	vst v2;
	v2 =	vmov s31  }
0x13f: {  	v1 =	vld.idx.msk [tilespmem:v1+s17+$0x0], $0xffff;
	v2 =	vand.u32 $0x7FD, v2  }
0x140: {  	v2 =	vadd.s32 v0, v2;
	_ =	sdelay $0x2  }
0x141: {  	s0 =	simm.s32 $0xE  }
0x142: {  	[tilespmem:s25+$0x20] =	vst v1;
	v1 =	vmov s0  }
0x143: {  	v2 =	vld.idx.msk [tilespmem:v2+s17+$0x0], $0xffff;
	v1 =	vand.u32 $0x7FE, v1  }
0x144: {  	v1 =	vadd.s32 v0, v1;
	_ =	sdelay $0x2  }
0x145: {  	s1 =	simm.s32 $0xF  }
0x146: {  	[tilespmem:s25+$0x30] =	vst v2;
	v2 =	vmov s1  }
0x147: {  	v1 =	vld.idx.msk [tilespmem:v1+s17+$0x0], $0xffff;
	v2 =	vand.u32 $0x7FF, v2  }
0x148: {  	v2 =	vadd.s32 v0, v2;
	_ =	sdelay $0x2  }
0x149: {  	s8 =	simm.s32 $0x10  }
0x14a: {  	[tilespmem:s25+$0x40] =	vst v1;
	v1 =	vmov s8  }
0x14b: {  	v2 =	vld.idx.msk [tilespmem:v2+s17+$0x0], $0xffff;
	v1 =	vand.u32 $0x7FC, v1  }
0x14c: {  	v1 =	vadd.s32 v0, v1;
	_ =	sdelay $0x2  }
0x14d: {  	s29 =	simm.s32 $0x11  }
0x14e: {  	[tilespmem:s25+$0x50] =	vst v2;
	v2 =	vmov s29  }
0x14f: {  	v1 =	vld.idx.msk [tilespmem:v1+s17+$0x0], $0xffff;
	v2 =	vand.u32 $0x7FD, v2  }
0x150: {  	v2 =	vadd.s32 v0, v2;
	_ =	sdelay $0x2  }
0x151: {  	s30 =	simm.s32 $0x12  }
0x152: {  	[tilespmem:s25+$0x60] =	vst v1;
	v1 =	vmov s30  }
0x153: {  	v2 =	vld.idx.msk [tilespmem:v2+s17+$0x0], $0xffff;
	v1 =	vand.u32 $0x7FE, v1  }
0x154: {  	v1 =	vadd.s32 v0, v1;
	_ =	sdelay $0x2  }
0x155: {  	s31 =	simm.s32 $0x13  }
0x156: {  	[tilespmem:s25+$0x70] =	vst v2;
	v2 =	vmov s31  }
0x157: {  	v1 =	vld.idx.msk [tilespmem:v1+s17+$0x0], $0xffff;
	v2 =	vand.u32 $0x7FF, v2  }
0x158: {  	v3 =	vadd.s32 v0, v2;
	_ =	sdelay $0x3  }
0x159: {  	s26 =	simm.s32 $0x14;
	[tilespmem:s25+$0x80] =	vst v1  }
0x15a: {  	s28 =	simm.s32 $0x28;
	v2 =	vmov s26;
	v1 =	vld.idx.msk [tilespmem:v3+s17+$0x0], $0xffff  }
.LBB2_4:
0x15b: {  	p0 =	slt.u32 s28, $0x3D4;
	v2 =	vand.u32 $0x3FC, v2  }
0x15c: {  	v2 =	vadd.s32 v0, v2;
	_ =	sdelay $0x3  }
0x15d: {  	s29 =	sadd.s32 $0x1, s26;
	[tilespmem:s25+$0x90] =	vst v1  }
0x15e: {  	v1 =	vld.idx.msk [tilespmem:v2+s17+$0x0], $0xffff;
	v2 =	vmov s29  }
0x15f: {  	v2 =	vand.u32 $0x3FD, v2  }
0x160: {  	v2 =	vadd.s32 v0, v2;
	_ =	sdelay $0x2  }
0x161: {  	s25 =	sadd.s32 $0x140, s25  }
0x162: {  	s29 =	sadd.s32 $0x2, s26;
	[tilespmem:s25+$0xFFFFFF60] =	vst v1  }
0x163: {  	v1 =	vld.idx.msk [tilespmem:v2+s17+$0x0], $0xffff;
	v2 =	vmov s29  }
0x164: {  	v2 =	vand.u32 $0x3FE, v2  }
0x165: {  	v2 =	vadd.s32 v0, v2;
	_ =	sdelay $0x3  }
0x166: {  	s29 =	sadd.s32 $0x3, s26;
	[tilespmem:s25+$0xFFFFFF70] =	vst v1  }
0x167: {  	v1 =	vld.idx.msk [tilespmem:v2+s17+$0x0], $0xffff;
	v2 =	vmov s29  }
0x168: {  	v2 =	vand.u32 $0x3FF, v2  }
0x169: {  	v2 =	vadd.s32 v0, v2;
	_ =	sdelay $0x3  }
0x16a: {  	s29 =	sadd.s32 $0x4, s26;
	[tilespmem:s25+$0xFFFFFF80] =	vst v1  }
0x16b: {  	v1 =	vld.idx.msk [tilespmem:v2+s17+$0x0], $0xffff;
	v2 =	vmov s29  }
0x16c: {  	v2 =	vand.u32 $0x7FC, v2  }
0x16d: {  	v2 =	vadd.s32 v0, v2;
	_ =	sdelay $0x3  }
0x16e: {  	s29 =	sadd.s32 $0x5, s26;
	[tilespmem:s25+$0xFFFFFF90] =	vst v1  }
0x16f: {  	v1 =	vld.idx.msk [tilespmem:v2+s17+$0x0], $0xffff;
	v2 =	vmov s29  }
0x170: {  	v2 =	vand.u32 $0x7FD, v2  }
0x171: {  	v2 =	vadd.s32 v0, v2;
	_ =	sdelay $0x3  }
0x172: {  	s29 =	sadd.s32 $0x6, s26;
	[tilespmem:s25+$0xFFFFFFA0] =	vst v1  }
0x173: {  	v1 =	vld.idx.msk [tilespmem:v2+s17+$0x0], $0xffff;
	v2 =	vmov s29  }
0x174: {  	v2 =	vand.u32 $0x7FE, v2  }
0x175: {  	v2 =	vadd.s32 v0, v2;
	_ =	sdelay $0x3  }
0x176: {  	s29 =	sadd.s32 $0x7, s26;
	[tilespmem:s25+$0xFFFFFFB0] =	vst v1  }
0x177: {  	v1 =	vld.idx.msk [tilespmem:v2+s17+$0x0], $0xffff;
	v2 =	vmov s29  }
0x178: {  	v2 =	vand.u32 $0x7FF, v2  }
0x179: {  	v2 =	vadd.s32 v0, v2;
	_ =	sdelay $0x3  }
0x17a: {  	s29 =	sadd.s32 $0x8, s26;
	[tilespmem:s25+$0xFFFFFFC0] =	vst v1  }
0x17b: {  	v1 =	vld.idx.msk [tilespmem:v2+s17+$0x0], $0xffff;
	v2 =	vmov s29  }
0x17c: {  	v2 =	vand.u32 $0x7FC, v2  }
0x17d: {  	v2 =	vadd.s32 v0, v2;
	_ =	sdelay $0x3  }
0x17e: {  	s29 =	sadd.s32 $0x9, s26;
	[tilespmem:s25+$0xFFFFFFD0] =	vst v1  }
0x17f: {  	v1 =	vld.idx.msk [tilespmem:v2+s17+$0x0], $0xffff;
	v2 =	vmov s29  }
0x180: {  	v2 =	vand.u32 $0x7FD, v2  }
0x181: {  	v2 =	vadd.s32 v0, v2;
	_ =	sdelay $0x3  }
0x182: {  	s29 =	sadd.s32 $0xA, s26;
	[tilespmem:s25+$0xFFFFFFE0] =	vst v1  }
0x183: {  	v1 =	vld.idx.msk [tilespmem:v2+s17+$0x0], $0xffff;
	v2 =	vmov s29  }
0x184: {  	v2 =	vand.u32 $0x7FE, v2  }
0x185: {  	v2 =	vadd.s32 v0, v2;
	_ =	sdelay $0x3  }
0x186: {  	s29 =	sadd.s32 $0xB, s26;
	[tilespmem:s25+$0xFFFFFFF0] =	vst v1  }
0x187: {  	v1 =	vld.idx.msk [tilespmem:v2+s17+$0x0], $0xffff;
	v2 =	vmov s29  }
0x188: {  	v2 =	vand.u32 $0x7FF, v2  }
0x189: {  	v2 =	vadd.s32 v0, v2;
	_ =	sdelay $0x3  }
0x18a: {  	s29 =	sadd.s32 $0xC, s26;
	[tilespmem:s25+$0x0] =	vst v1  }
0x18b: {  	v1 =	vld.idx.msk [tilespmem:v2+s17+$0x0], $0xffff;
	v2 =	vmov s29  }
0x18c: {  	v2 =	vand.u32 $0x7FC, v2  }
0x18d: {  	v2 =	vadd.s32 v0, v2;
	_ =	sdelay $0x3  }
0x18e: {  	s29 =	sadd.s32 $0xD, s26;
	[tilespmem:s25+$0x10] =	vst v1  }
0x18f: {  	v1 =	vld.idx.msk [tilespmem:v2+s17+$0x0], $0xffff;
	v2 =	vmov s29  }
0x190: {  	v2 =	vand.u32 $0x7FD, v2  }
0x191: {  	v2 =	vadd.s32 v0, v2;
	_ =	sdelay $0x3  }
0x192: {  	s29 =	sadd.s32 $0xE, s26;
	[tilespmem:s25+$0x20] =	vst v1  }
0x193: {  	v1 =	vld.idx.msk [tilespmem:v2+s17+$0x0], $0xffff;
	v2 =	vmov s29  }
0x194: {  	v2 =	vand.u32 $0x7FE, v2  }
0x195: {  	v2 =	vadd.s32 v0, v2;
	_ =	sdelay $0x3  }
0x196: {  	s29 =	sadd.s32 $0xF, s26;
	[tilespmem:s25+$0x30] =	vst v1  }
0x197: {  	v1 =	vld.idx.msk [tilespmem:v2+s17+$0x0], $0xffff;
	v2 =	vmov s29  }
0x198: {  	v2 =	vand.u32 $0x7FF, v2  }
0x199: {  	v2 =	vadd.s32 v0, v2;
	_ =	sdelay $0x3  }
0x19a: {  	s29 =	sadd.s32 $0x10, s26;
	[tilespmem:s25+$0x40] =	vst v1  }
0x19b: {  	v1 =	vld.idx.msk [tilespmem:v2+s17+$0x0], $0xffff;
	v2 =	vmov s29  }
0x19c: {  	v2 =	vand.u32 $0x7FC, v2  }
0x19d: {  	v2 =	vadd.s32 v0, v2;
	_ =	sdelay $0x3  }
0x19e: {  	s29 =	sadd.s32 $0x11, s26;
	[tilespmem:s25+$0x50] =	vst v1  }
0x19f: {  	v1 =	vld.idx.msk [tilespmem:v2+s17+$0x0], $0xffff;
	v2 =	vmov s29  }
0x1a0: {  	v2 =	vand.u32 $0x7FD, v2  }
0x1a1: {  	v2 =	vadd.s32 v0, v2;
	_ =	sdelay $0x3  }
0x1a2: {  	s29 =	sadd.s32 $0x12, s26;
	[tilespmem:s25+$0x60] =	vst v1  }
0x1a3: {  	v1 =	vld.idx.msk [tilespmem:v2+s17+$0x0], $0xffff;
	v2 =	vmov s29  }
0x1a4: {  	v2 =	vand.u32 $0x7FE, v2  }
0x1a5: {  	v2 =	vadd.s32 v0, v2;
	_ =	sdelay $0x3  }
0x1a6: {  	s29 =	sadd.s32 $0x13, s26;
	s26 =	smov.u32 s28;
	[tilespmem:s25+$0x70] =	vst v1  }
0x1a7: {  	v1 =	vld.idx.msk [tilespmem:v2+s17+$0x0], $0xffff;
	v2 =	vmov s29  }
0x1a8: {  	v2 =	vand.u32 $0x7FF, v2  }
0x1a9: {  	v3 =	vadd.s32 v0, v2  }
.Ltmp1:
0x1aa: {  	(pc) =	sbr.rel @p0 .LBB2_4-.Ltmp1, $3  }
0x1ab: {  	_ =	sdelay $0x1  }
0x1ac: {  	[tilespmem:s25+$0x80] =	vst v1  }
0x1ad: {  	s28 =	sadd.s32 $0x14, s28;
	v2 =	vmov s26;
	v1 =	vld.idx.msk [tilespmem:v3+s17+$0x0], $0xffff  }
0x1ae: {  	v2 =	vand.u32 $0x3FC, v2  }
0x1af: {  	v2 =	vadd.s32 v0, v2;
	_ =	sdelay $0x2  }
0x1b0: {  	s28 =	sadd.s32 $0x1, s26  }
0x1b1: {  	[tilespmem:s25+$0x90] =	vst v1;
	v1 =	vmov s28  }
0x1b2: {  	v1 =	vand.u32 $0x3FD, v1;
	v2 =	vld.idx.msk [tilespmem:v2+s17+$0x0], $0xffff  }
0x1b3: {  	v1 =	vadd.s32 v0, v1;
	_ =	sdelay $0x2  }
0x1b4: {  	s0 =	sadd.s32 $0x2, s26;
	s25 =	sadd.s32 $0x140, s25  }
0x1b5: {  	[tilespmem:s25+$0xFFFFFF60] =	vst v2;
	v2 =	vmov s0  }
0x1b6: {  	v1 =	vld.idx.msk [tilespmem:v1+s17+$0x0], $0xffff;
	v2 =	vand.u32 $0x3FE, v2  }
0x1b7: {  	v2 =	vadd.s32 v0, v2;
	_ =	sdelay $0x2  }
0x1b8: {  	s1 =	sadd.s32 $0x3, s26  }
0x1b9: {  	[tilespmem:s25+$0xFFFFFF70] =	vst v1;
	v1 =	vmov s1  }
0x1ba: {  	v2 =	vld.idx.msk [tilespmem:v2+s17+$0x0], $0xffff;
	v1 =	vand.u32 $0x3FF, v1  }
0x1bb: {  	v1 =	vadd.s32 v0, v1;
	_ =	sdelay $0x2  }
0x1bc: {  	s8 =	sadd.s32 $0x4, s26  }
0x1bd: {  	[tilespmem:s25+$0xFFFFFF80] =	vst v2;
	v2 =	vmov s8  }
0x1be: {  	v1 =	vld.idx.msk [tilespmem:v1+s17+$0x0], $0xffff;
	v2 =	vand.u32 $0x7FC, v2  }
0x1bf: {  	v2 =	vadd.s32 v0, v2;
	_ =	sdelay $0x2  }
0x1c0: {  	s29 =	sadd.s32 $0x5, s26  }
0x1c1: {  	[tilespmem:s25+$0xFFFFFF90] =	vst v1;
	v1 =	vmov s29  }
0x1c2: {  	v2 =	vld.idx.msk [tilespmem:v2+s17+$0x0], $0xffff;
	v1 =	vand.u32 $0x7FD, v1  }
0x1c3: {  	v1 =	vadd.s32 v0, v1;
	_ =	sdelay $0x2  }
0x1c4: {  	s30 =	sadd.s32 $0x6, s26  }
0x1c5: {  	[tilespmem:s25+$0xFFFFFFA0] =	vst v2;
	v2 =	vmov s30  }
0x1c6: {  	v1 =	vld.idx.msk [tilespmem:v1+s17+$0x0], $0xffff;
	v2 =	vand.u32 $0x7FE, v2  }
0x1c7: {  	v2 =	vadd.s32 v0, v2;
	_ =	sdelay $0x2  }
0x1c8: {  	s31 =	sadd.s32 $0x7, s26  }
0x1c9: {  	[tilespmem:s25+$0xFFFFFFB0] =	vst v1;
	v1 =	vmov s31  }
0x1ca: {  	v2 =	vld.idx.msk [tilespmem:v2+s17+$0x0], $0xffff;
	v1 =	vand.u32 $0x7FF, v1  }
0x1cb: {  	v1 =	vadd.s32 v0, v1;
	_ =	sdelay $0x2  }
0x1cc: {  	s0 =	sadd.s32 $0x8, s26  }
0x1cd: {  	[tilespmem:s25+$0xFFFFFFC0] =	vst v2;
	v2 =	vmov s0  }
0x1ce: {  	v1 =	vld.idx.msk [tilespmem:v1+s17+$0x0], $0xffff;
	v2 =	vand.u32 $0x7FC, v2  }
0x1cf: {  	v2 =	vadd.s32 v0, v2;
	_ =	sdelay $0x2  }
0x1d0: {  	s1 =	sadd.s32 $0x9, s26  }
0x1d1: {  	[tilespmem:s25+$0xFFFFFFD0] =	vst v1;
	v1 =	vmov s1  }
0x1d2: {  	v2 =	vld.idx.msk [tilespmem:v2+s17+$0x0], $0xffff;
	v1 =	vand.u32 $0x7FD, v1  }
0x1d3: {  	v1 =	vadd.s32 v0, v1;
	_ =	sdelay $0x2  }
0x1d4: {  	s8 =	sadd.s32 $0xA, s26  }
0x1d5: {  	[tilespmem:s25+$0xFFFFFFE0] =	vst v2;
	v2 =	vmov s8  }
0x1d6: {  	v1 =	vld.idx.msk [tilespmem:v1+s17+$0x0], $0xffff;
	v2 =	vand.u32 $0x7FE, v2  }
0x1d7: {  	v2 =	vadd.s32 v0, v2;
	_ =	sdelay $0x2  }
0x1d8: {  	s29 =	sadd.s32 $0xB, s26  }
0x1d9: {  	[tilespmem:s25+$0xFFFFFFF0] =	vst v1;
	v1 =	vmov s29  }
0x1da: {  	v2 =	vld.idx.msk [tilespmem:v2+s17+$0x0], $0xffff;
	v1 =	vand.u32 $0x7FF, v1  }
0x1db: {  	v1 =	vadd.s32 v0, v1;
	_ =	sdelay $0x2  }
0x1dc: {  	s30 =	sadd.s32 $0xC, s26  }
0x1dd: {  	[tilespmem:s25+$0x0] =	vst v2;
	v2 =	vmov s30  }
0x1de: {  	v1 =	vld.idx.msk [tilespmem:v1+s17+$0x0], $0xffff;
	v2 =	vand.u32 $0x7FC, v2  }
0x1df: {  	v2 =	vadd.s32 v0, v2;
	_ =	sdelay $0x2  }
0x1e0: {  	s31 =	sadd.s32 $0xD, s26  }
0x1e1: {  	[tilespmem:s25+$0x10] =	vst v1;
	v1 =	vmov s31  }
0x1e2: {  	v2 =	vld.idx.msk [tilespmem:v2+s17+$0x0], $0xffff;
	v1 =	vand.u32 $0x7FD, v1  }
0x1e3: {  	v1 =	vadd.s32 v0, v1;
	_ =	sdelay $0x2  }
0x1e4: {  	s0 =	sadd.s32 $0xE, s26  }
0x1e5: {  	[tilespmem:s25+$0x20] =	vst v2;
	v2 =	vmov s0  }
0x1e6: {  	v1 =	vld.idx.msk [tilespmem:v1+s17+$0x0], $0xffff;
	v2 =	vand.u32 $0x7FE, v2  }
0x1e7: {  	v2 =	vadd.s32 v0, v2;
	_ =	sdelay $0x2  }
0x1e8: {  	s1 =	sadd.s32 $0xF, s26  }
0x1e9: {  	[tilespmem:s25+$0x30] =	vst v1;
	v1 =	vmov s1  }
0x1ea: {  	v2 =	vld.idx.msk [tilespmem:v2+s17+$0x0], $0xffff;
	v1 =	vand.u32 $0x7FF, v1  }
0x1eb: {  	v1 =	vadd.s32 v0, v1;
	_ =	sdelay $0x2  }
0x1ec: {  	s8 =	sadd.s32 $0x10, s26  }
0x1ed: {  	[tilespmem:s25+$0x40] =	vst v2;
	v2 =	vmov s8  }
0x1ee: {  	v1 =	vld.idx.msk [tilespmem:v1+s17+$0x0], $0xffff;
	v2 =	vand.u32 $0x7FC, v2  }
0x1ef: {  	v2 =	vadd.s32 v0, v2;
	_ =	sdelay $0x2  }
0x1f0: {  	s29 =	sadd.s32 $0x11, s26  }
0x1f1: {  	[tilespmem:s25+$0x50] =	vst v1;
	v1 =	vmov s29  }
0x1f2: {  	v2 =	vld.idx.msk [tilespmem:v2+s17+$0x0], $0xffff;
	v1 =	vand.u32 $0x7FD, v1  }
0x1f3: {  	v1 =	vadd.s32 v0, v1;
	_ =	sdelay $0x2  }
0x1f4: {  	s30 =	sadd.s32 $0x12, s26  }
0x1f5: {  	[tilespmem:s25+$0x60] =	vst v2;
	v2 =	vmov s30  }
0x1f6: {  	v1 =	vld.idx.msk [tilespmem:v1+s17+$0x0], $0xffff;
	v2 =	vand.u32 $0x7FE, v2  }
0x1f7: {  	v2 =	vadd.s32 v0, v2;
	_ =	sdelay $0x2  }
0x1f8: {  	s31 =	sadd.s32 $0x13, s26  }
0x1f9: {  	[tilespmem:s25+$0x70] =	vst v1;
	v1 =	vmov s31  }
0x1fa: {  	v2 =	vld.idx.msk [tilespmem:v2+s17+$0x0], $0xffff;
	v1 =	vand.u32 $0x7FF, v1  }
0x1fb: {  	v1 =	vadd.s32 v0, v1;
	_ =	sdelay $0x3  }
0x1fc: {  	[tilespmem:s25+$0x80] =	vst v2  }
0x1fd: {  	v1 =	vld.idx.msk [tilespmem:v1+s17+$0x0], $0xffff;
	_ =	sdelay $0x4  }
0x1fe: {  	[tilespmem:s25+$0x90] =	vst v1  }
0x1ff: {  	[tilespmem:s17], [sflag:$0x2] =	stream.strided.gather [hbm4b:s11+s15], $0x3E80, s16, s15, $0x38;
	[tilespmem:$0xFA00] =	vst v63  }
0x200: {  	s25 =	simm.s32 $0x1  }
0x201: {  	[hbm4b:s12+s2] =	stream.linear.scatter [tilespmem:s21], [sflag:$0x4], $0x3E80, $0x38;
	[tilespmem:$0xFA00] =	vst v63  }
.LBB2_6:
0x202: {  	s26 =	simm.s32 $0x0  }
0x203: {  	v1 =	vmov s26  }
0x204: {  	_ =	swait.ge [sflag:s18], $0x3E80;
	v1 =	vand.u32 $0x3FC, v1  }
0x205: {  	[sflag:s18] =	ssyncset.done $0x0;
	v1 =	vadd.s32 v0, v1  }
0x206: {  	[sflag:s18] =	ssyncadd.s32 $0xFFFFC180  }
0x207: {  	_ =	swait.ge [sflag:s22], $0x3E80  }
0x208: {  	s31 =	simm.s32 $0x1;
	[sflag:s22] =	ssyncset.done $0x0  }
0x209: {  	v2 =	vmov s31;
	[sflag:s22] =	ssyncadd.s32 $0xFFFFC180  }
0x20a: {  	v2 =	vand.u32 $0x3FD, v2;
	v1 =	vld.idx.msk [tilespmem:v1+s2+$0x0], $0xffff  }
0x20b: {  	v2 =	vadd.s32 v0, v2;
	_ =	sdelay $0x2  }
0x20c: {  	s28 =	simm.s32 $0x2;
	s26 =	simm.s32 $0x7DA0  }
0x20d: {  	[tilespmem:s26+$0xFFFFFF60] =	vst v1;
	v1 =	vmov s28  }
0x20e: {  	v2 =	vld.idx.msk [tilespmem:v2+s2+$0x0], $0xffff;
	v1 =	vand.u32 $0x3FE, v1  }
0x20f: {  	v1 =	vadd.s32 v0, v1;
	_ =	sdelay $0x2  }
0x210: {  	s28 =	simm.s32 $0x3  }
0x211: {  	[tilespmem:s26+$0xFFFFFF70] =	vst v2;
	v2 =	vmov s28  }
0x212: {  	v1 =	vld.idx.msk [tilespmem:v1+s2+$0x0], $0xffff;
	v2 =	vand.u32 $0x3FF, v2  }
0x213: {  	v2 =	vadd.s32 v0, v2;
	_ =	sdelay $0x2  }
0x214: {  	s28 =	simm.s32 $0x4  }
0x215: {  	[tilespmem:s26+$0xFFFFFF80] =	vst v1;
	v1 =	vmov s28  }
0x216: {  	v2 =	vld.idx.msk [tilespmem:v2+s2+$0x0], $0xffff;
	v1 =	vand.u32 $0x7FC, v1  }
0x217: {  	v1 =	vadd.s32 v0, v1;
	_ =	sdelay $0x2  }
0x218: {  	s28 =	simm.s32 $0x5  }
0x219: {  	[tilespmem:s26+$0xFFFFFF90] =	vst v2;
	v2 =	vmov s28  }
0x21a: {  	v1 =	vld.idx.msk [tilespmem:v1+s2+$0x0], $0xffff;
	v2 =	vand.u32 $0x7FD, v2  }
0x21b: {  	v2 =	vadd.s32 v0, v2;
	_ =	sdelay $0x2  }
0x21c: {  	s28 =	simm.s32 $0x6  }
0x21d: {  	[tilespmem:s26+$0xFFFFFFA0] =	vst v1;
	v1 =	vmov s28  }
0x21e: {  	v2 =	vld.idx.msk [tilespmem:v2+s2+$0x0], $0xffff;
	v1 =	vand.u32 $0x7FE, v1  }
0x21f: {  	v1 =	vadd.s32 v0, v1;
	_ =	sdelay $0x2  }
0x220: {  	s28 =	simm.s32 $0x7  }
0x221: {  	[tilespmem:s26+$0xFFFFFFB0] =	vst v2;
	v2 =	vmov s28  }
0x222: {  	v1 =	vld.idx.msk [tilespmem:v1+s2+$0x0], $0xffff;
	v2 =	vand.u32 $0x7FF, v2  }
0x223: {  	v2 =	vadd.s32 v0, v2;
	_ =	sdelay $0x2  }
0x224: {  	s28 =	simm.s32 $0x8  }
0x225: {  	[tilespmem:s26+$0xFFFFFFC0] =	vst v1;
	v1 =	vmov s28  }
0x226: {  	v2 =	vld.idx.msk [tilespmem:v2+s2+$0x0], $0xffff;
	v1 =	vand.u32 $0x7FC, v1  }
0x227: {  	v1 =	vadd.s32 v0, v1;
	_ =	sdelay $0x2  }
0x228: {  	s28 =	simm.s32 $0x9  }
0x229: {  	[tilespmem:s26+$0xFFFFFFD0] =	vst v2;
	v2 =	vmov s28  }
0x22a: {  	v1 =	vld.idx.msk [tilespmem:v1+s2+$0x0], $0xffff;
	v2 =	vand.u32 $0x7FD, v2  }
0x22b: {  	v2 =	vadd.s32 v0, v2;
	_ =	sdelay $0x2  }
0x22c: {  	s28 =	simm.s32 $0xA  }
0x22d: {  	[tilespmem:s26+$0xFFFFFFE0] =	vst v1;
	v1 =	vmov s28  }
0x22e: {  	v2 =	vld.idx.msk [tilespmem:v2+s2+$0x0], $0xffff;
	v1 =	vand.u32 $0x7FE, v1  }
0x22f: {  	v1 =	vadd.s32 v0, v1;
	_ =	sdelay $0x2  }
0x230: {  	s28 =	simm.s32 $0xB  }
0x231: {  	[tilespmem:s26+$0xFFFFFFF0] =	vst v2;
	v2 =	vmov s28  }
0x232: {  	v1 =	vld.idx.msk [tilespmem:v1+s2+$0x0], $0xffff;
	v2 =	vand.u32 $0x7FF, v2  }
0x233: {  	v2 =	vadd.s32 v0, v2;
	_ =	sdelay $0x2  }
0x234: {  	s28 =	simm.s32 $0xC  }
0x235: {  	[tilespmem:s26+$0x0] =	vst v1;
	v1 =	vmov s28  }
0x236: {  	v2 =	vld.idx.msk [tilespmem:v2+s2+$0x0], $0xffff;
	v1 =	vand.u32 $0x7FC, v1  }
0x237: {  	v1 =	vadd.s32 v0, v1;
	_ =	sdelay $0x2  }
0x238: {  	s28 =	simm.s32 $0xD  }
0x239: {  	[tilespmem:s26+$0x10] =	vst v2;
	v2 =	vmov s28  }
0x23a: {  	v1 =	vld.idx.msk [tilespmem:v1+s2+$0x0], $0xffff;
	v2 =	vand.u32 $0x7FD, v2  }
0x23b: {  	v2 =	vadd.s32 v0, v2;
	_ =	sdelay $0x2  }
0x23c: {  	s28 =	simm.s32 $0xE  }
0x23d: {  	[tilespmem:s26+$0x20] =	vst v1;
	v1 =	vmov s28  }
0x23e: {  	v2 =	vld.idx.msk [tilespmem:v2+s2+$0x0], $0xffff;
	v1 =	vand.u32 $0x7FE, v1  }
0x23f: {  	v1 =	vadd.s32 v0, v1;
	_ =	sdelay $0x2  }
0x240: {  	s28 =	simm.s32 $0xF  }
0x241: {  	[tilespmem:s26+$0x30] =	vst v2;
	v2 =	vmov s28  }
0x242: {  	v1 =	vld.idx.msk [tilespmem:v1+s2+$0x0], $0xffff;
	v2 =	vand.u32 $0x7FF, v2  }
0x243: {  	v2 =	vadd.s32 v0, v2;
	_ =	sdelay $0x2  }
0x244: {  	s28 =	simm.s32 $0x10  }
0x245: {  	[tilespmem:s26+$0x40] =	vst v1;
	v1 =	vmov s28  }
0x246: {  	v2 =	vld.idx.msk [tilespmem:v2+s2+$0x0], $0xffff;
	v1 =	vand.u32 $0x7FC, v1  }
0x247: {  	v1 =	vadd.s32 v0, v1;
	_ =	sdelay $0x2  }
0x248: {  	s28 =	simm.s32 $0x11  }
0x249: {  	[tilespmem:s26+$0x50] =	vst v2;
	v2 =	vmov s28  }
0x24a: {  	v1 =	vld.idx.msk [tilespmem:v1+s2+$0x0], $0xffff;
	v2 =	vand.u32 $0x7FD, v2  }
0x24b: {  	v2 =	vadd.s32 v0, v2;
	_ =	sdelay $0x2  }
0x24c: {  	s28 =	simm.s32 $0x12  }
0x24d: {  	[tilespmem:s26+$0x60] =	vst v1;
	v1 =	vmov s28  }
0x24e: {  	v2 =	vld.idx.msk [tilespmem:v2+s2+$0x0], $0xffff;
	v1 =	vand.u32 $0x7FE, v1  }
0x24f: {  	v1 =	vadd.s32 v0, v1;
	_ =	sdelay $0x2  }
0x250: {  	s28 =	simm.s32 $0x13  }
0x251: {  	[tilespmem:s26+$0x70] =	vst v2;
	v2 =	vmov s28  }
0x252: {  	v1 =	vld.idx.msk [tilespmem:v1+s2+$0x0], $0xffff;
	v2 =	vand.u32 $0x7FF, v2  }
0x253: {  	v3 =	vadd.s32 v0, v2;
	_ =	sdelay $0x3  }
0x254: {  	s28 =	simm.s32 $0x14;
	[tilespmem:s26+$0x80] =	vst v1  }
0x255: {  	s29 =	simm.s32 $0x28;
	v2 =	vmov s28;
	v1 =	vld.idx.msk [tilespmem:v3+s2+$0x0], $0xffff  }
.LBB2_7:
0x256: {  	p0 =	slt.u32 s29, $0x3D4;
	v2 =	vand.u32 $0x3FC, v2  }
0x257: {  	v2 =	vadd.s32 v0, v2;
	_ =	sdelay $0x3  }
0x258: {  	s30 =	sadd.s32 $0x1, s28;
	[tilespmem:s26+$0x90] =	vst v1  }
0x259: {  	v1 =	vld.idx.msk [tilespmem:v2+s2+$0x0], $0xffff;
	v2 =	vmov s30  }
0x25a: {  	v2 =	vand.u32 $0x3FD, v2  }
0x25b: {  	v2 =	vadd.s32 v0, v2;
	_ =	sdelay $0x2  }
0x25c: {  	s26 =	sadd.s32 $0x140, s26  }
0x25d: {  	s30 =	sadd.s32 $0x2, s28;
	[tilespmem:s26+$0xFFFFFF60] =	vst v1  }
0x25e: {  	v1 =	vld.idx.msk [tilespmem:v2+s2+$0x0], $0xffff;
	v2 =	vmov s30  }
0x25f: {  	v2 =	vand.u32 $0x3FE, v2  }
0x260: {  	v2 =	vadd.s32 v0, v2;
	_ =	sdelay $0x3  }
0x261: {  	s30 =	sadd.s32 $0x3, s28;
	[tilespmem:s26+$0xFFFFFF70] =	vst v1  }
0x262: {  	v1 =	vld.idx.msk [tilespmem:v2+s2+$0x0], $0xffff;
	v2 =	vmov s30  }
0x263: {  	v2 =	vand.u32 $0x3FF, v2  }
0x264: {  	v2 =	vadd.s32 v0, v2;
	_ =	sdelay $0x3  }
0x265: {  	s30 =	sadd.s32 $0x4, s28;
	[tilespmem:s26+$0xFFFFFF80] =	vst v1  }
0x266: {  	v1 =	vld.idx.msk [tilespmem:v2+s2+$0x0], $0xffff;
	v2 =	vmov s30  }
0x267: {  	v2 =	vand.u32 $0x7FC, v2  }
0x268: {  	v2 =	vadd.s32 v0, v2;
	_ =	sdelay $0x3  }
0x269: {  	s30 =	sadd.s32 $0x5, s28;
	[tilespmem:s26+$0xFFFFFF90] =	vst v1  }
0x26a: {  	v1 =	vld.idx.msk [tilespmem:v2+s2+$0x0], $0xffff;
	v2 =	vmov s30  }
0x26b: {  	v2 =	vand.u32 $0x7FD, v2  }
0x26c: {  	v2 =	vadd.s32 v0, v2;
	_ =	sdelay $0x3  }
0x26d: {  	s30 =	sadd.s32 $0x6, s28;
	[tilespmem:s26+$0xFFFFFFA0] =	vst v1  }
0x26e: {  	v1 =	vld.idx.msk [tilespmem:v2+s2+$0x0], $0xffff;
	v2 =	vmov s30  }
0x26f: {  	v2 =	vand.u32 $0x7FE, v2  }
0x270: {  	v2 =	vadd.s32 v0, v2;
	_ =	sdelay $0x3  }
0x271: {  	s30 =	sadd.s32 $0x7, s28;
	[tilespmem:s26+$0xFFFFFFB0] =	vst v1  }
0x272: {  	v1 =	vld.idx.msk [tilespmem:v2+s2+$0x0], $0xffff;
	v2 =	vmov s30  }
0x273: {  	v2 =	vand.u32 $0x7FF, v2  }
0x274: {  	v2 =	vadd.s32 v0, v2;
	_ =	sdelay $0x3  }
0x275: {  	s30 =	sadd.s32 $0x8, s28;
	[tilespmem:s26+$0xFFFFFFC0] =	vst v1  }
0x276: {  	v1 =	vld.idx.msk [tilespmem:v2+s2+$0x0], $0xffff;
	v2 =	vmov s30  }
0x277: {  	v2 =	vand.u32 $0x7FC, v2  }
0x278: {  	v2 =	vadd.s32 v0, v2;
	_ =	sdelay $0x3  }
0x279: {  	s30 =	sadd.s32 $0x9, s28;
	[tilespmem:s26+$0xFFFFFFD0] =	vst v1  }
0x27a: {  	v1 =	vld.idx.msk [tilespmem:v2+s2+$0x0], $0xffff;
	v2 =	vmov s30  }
0x27b: {  	v2 =	vand.u32 $0x7FD, v2  }
0x27c: {  	v2 =	vadd.s32 v0, v2;
	_ =	sdelay $0x3  }
0x27d: {  	s30 =	sadd.s32 $0xA, s28;
	[tilespmem:s26+$0xFFFFFFE0] =	vst v1  }
0x27e: {  	v1 =	vld.idx.msk [tilespmem:v2+s2+$0x0], $0xffff;
	v2 =	vmov s30  }
0x27f: {  	v2 =	vand.u32 $0x7FE, v2  }
0x280: {  	v2 =	vadd.s32 v0, v2;
	_ =	sdelay $0x3  }
0x281: {  	s30 =	sadd.s32 $0xB, s28;
	[tilespmem:s26+$0xFFFFFFF0] =	vst v1  }
0x282: {  	v1 =	vld.idx.msk [tilespmem:v2+s2+$0x0], $0xffff;
	v2 =	vmov s30  }
0x283: {  	v2 =	vand.u32 $0x7FF, v2  }
0x284: {  	v2 =	vadd.s32 v0, v2;
	_ =	sdelay $0x3  }
0x285: {  	s30 =	sadd.s32 $0xC, s28;
	[tilespmem:s26+$0x0] =	vst v1  }
0x286: {  	v1 =	vld.idx.msk [tilespmem:v2+s2+$0x0], $0xffff;
	v2 =	vmov s30  }
0x287: {  	v2 =	vand.u32 $0x7FC, v2  }
0x288: {  	v2 =	vadd.s32 v0, v2;
	_ =	sdelay $0x3  }
0x289: {  	s30 =	sadd.s32 $0xD, s28;
	[tilespmem:s26+$0x10] =	vst v1  }
0x28a: {  	v1 =	vld.idx.msk [tilespmem:v2+s2+$0x0], $0xffff;
	v2 =	vmov s30  }
0x28b: {  	v2 =	vand.u32 $0x7FD, v2  }
0x28c: {  	v2 =	vadd.s32 v0, v2;
	_ =	sdelay $0x3  }
0x28d: {  	s30 =	sadd.s32 $0xE, s28;
	[tilespmem:s26+$0x20] =	vst v1  }
0x28e: {  	v1 =	vld.idx.msk [tilespmem:v2+s2+$0x0], $0xffff;
	v2 =	vmov s30  }
0x28f: {  	v2 =	vand.u32 $0x7FE, v2  }
0x290: {  	v2 =	vadd.s32 v0, v2;
	_ =	sdelay $0x3  }
0x291: {  	s30 =	sadd.s32 $0xF, s28;
	[tilespmem:s26+$0x30] =	vst v1  }
0x292: {  	v1 =	vld.idx.msk [tilespmem:v2+s2+$0x0], $0xffff;
	v2 =	vmov s30  }
0x293: {  	v2 =	vand.u32 $0x7FF, v2  }
0x294: {  	v2 =	vadd.s32 v0, v2;
	_ =	sdelay $0x3  }
0x295: {  	s30 =	sadd.s32 $0x10, s28;
	[tilespmem:s26+$0x40] =	vst v1  }
0x296: {  	v1 =	vld.idx.msk [tilespmem:v2+s2+$0x0], $0xffff;
	v2 =	vmov s30  }
0x297: {  	v2 =	vand.u32 $0x7FC, v2  }
0x298: {  	v2 =	vadd.s32 v0, v2;
	_ =	sdelay $0x3  }
0x299: {  	s30 =	sadd.s32 $0x11, s28;
	[tilespmem:s26+$0x50] =	vst v1  }
0x29a: {  	v1 =	vld.idx.msk [tilespmem:v2+s2+$0x0], $0xffff;
	v2 =	vmov s30  }
0x29b: {  	v2 =	vand.u32 $0x7FD, v2  }
0x29c: {  	v2 =	vadd.s32 v0, v2;
	_ =	sdelay $0x3  }
0x29d: {  	s30 =	sadd.s32 $0x12, s28;
	[tilespmem:s26+$0x60] =	vst v1  }
0x29e: {  	v1 =	vld.idx.msk [tilespmem:v2+s2+$0x0], $0xffff;
	v2 =	vmov s30  }
0x29f: {  	v2 =	vand.u32 $0x7FE, v2  }
0x2a0: {  	v2 =	vadd.s32 v0, v2;
	_ =	sdelay $0x3  }
0x2a1: {  	s30 =	sadd.s32 $0x13, s28;
	s28 =	smov.u32 s29;
	[tilespmem:s26+$0x70] =	vst v1  }
0x2a2: {  	v1 =	vld.idx.msk [tilespmem:v2+s2+$0x0], $0xffff;
	v2 =	vmov s30  }
0x2a3: {  	v2 =	vand.u32 $0x7FF, v2  }
0x2a4: {  	v3 =	vadd.s32 v0, v2  }
.Ltmp2:
0x2a5: {  	(pc) =	sbr.rel @p0 .LBB2_7-.Ltmp2, $3  }
0x2a6: {  	_ =	sdelay $0x1  }
0x2a7: {  	[tilespmem:s26+$0x80] =	vst v1  }
0x2a8: {  	s29 =	sadd.s32 $0x14, s29;
	v2 =	vmov s28;
	v1 =	vld.idx.msk [tilespmem:v3+s2+$0x0], $0xffff  }
0x2a9: {  	v2 =	vand.u32 $0x3FC, v2  }
0x2aa: {  	v2 =	vadd.s32 v0, v2;
	_ =	sdelay $0x2  }
0x2ab: {  	s29 =	sadd.s32 $0x1, s28  }
0x2ac: {  	[tilespmem:s26+$0x90] =	vst v1;
	v1 =	vmov s29  }
0x2ad: {  	v1 =	vand.u32 $0x3FD, v1;
	v2 =	vld.idx.msk [tilespmem:v2+s2+$0x0], $0xffff  }
0x2ae: {  	v1 =	vadd.s32 v0, v1;
	_ =	sdelay $0x2  }
0x2af: {  	s0 =	sadd.s32 $0x2, s28;
	s29 =	sadd.s32 $0x140, s26  }
0x2b0: {  	[tilespmem:s29+$0xFFFFFF60] =	vst v2;
	v2 =	vmov s0  }
0x2b1: {  	v1 =	vld.idx.msk [tilespmem:v1+s2+$0x0], $0xffff;
	v2 =	vand.u32 $0x3FE, v2  }
0x2b2: {  	v2 =	vadd.s32 v0, v2;
	_ =	sdelay $0x2  }
0x2b3: {  	s1 =	sadd.s32 $0x3, s28  }
0x2b4: {  	[tilespmem:s29+$0xFFFFFF70] =	vst v1;
	v1 =	vmov s1  }
0x2b5: {  	v2 =	vld.idx.msk [tilespmem:v2+s2+$0x0], $0xffff;
	v1 =	vand.u32 $0x3FF, v1  }
0x2b6: {  	v1 =	vadd.s32 v0, v1;
	_ =	sdelay $0x2  }
0x2b7: {  	s8 =	sadd.s32 $0x4, s28  }
0x2b8: {  	[tilespmem:s29+$0xFFFFFF80] =	vst v2;
	v2 =	vmov s8  }
0x2b9: {  	v1 =	vld.idx.msk [tilespmem:v1+s2+$0x0], $0xffff;
	v2 =	vand.u32 $0x7FC, v2  }
0x2ba: {  	v2 =	vadd.s32 v0, v2;
	_ =	sdelay $0x2  }
0x2bb: {  	s0 =	sadd.s32 $0x5, s28  }
0x2bc: {  	[tilespmem:s29+$0xFFFFFF90] =	vst v1;
	v1 =	vmov s0  }
0x2bd: {  	v2 =	vld.idx.msk [tilespmem:v2+s2+$0x0], $0xffff;
	v1 =	vand.u32 $0x7FD, v1  }
0x2be: {  	v1 =	vadd.s32 v0, v1;
	_ =	sdelay $0x2  }
0x2bf: {  	s1 =	sadd.s32 $0x6, s28  }
0x2c0: {  	[tilespmem:s29+$0xFFFFFFA0] =	vst v2;
	v2 =	vmov s1  }
0x2c1: {  	v1 =	vld.idx.msk [tilespmem:v1+s2+$0x0], $0xffff;
	v2 =	vand.u32 $0x7FE, v2  }
0x2c2: {  	v2 =	vadd.s32 v0, v2;
	_ =	sdelay $0x2  }
0x2c3: {  	s8 =	sadd.s32 $0x7, s28  }
0x2c4: {  	[tilespmem:s29+$0xFFFFFFB0] =	vst v1;
	v1 =	vmov s8  }
0x2c5: {  	v2 =	vld.idx.msk [tilespmem:v2+s2+$0x0], $0xffff;
	v1 =	vand.u32 $0x7FF, v1  }
0x2c6: {  	v1 =	vadd.s32 v0, v1;
	_ =	sdelay $0x2  }
0x2c7: {  	s0 =	sadd.s32 $0x8, s28  }
0x2c8: {  	[tilespmem:s29+$0xFFFFFFC0] =	vst v2;
	v2 =	vmov s0  }
0x2c9: {  	v1 =	vld.idx.msk [tilespmem:v1+s2+$0x0], $0xffff;
	v2 =	vand.u32 $0x7FC, v2  }
0x2ca: {  	v2 =	vadd.s32 v0, v2;
	_ =	sdelay $0x2  }
0x2cb: {  	s1 =	sadd.s32 $0x9, s28  }
0x2cc: {  	[tilespmem:s29+$0xFFFFFFD0] =	vst v1;
	v1 =	vmov s1  }
0x2cd: {  	v2 =	vld.idx.msk [tilespmem:v2+s2+$0x0], $0xffff;
	v1 =	vand.u32 $0x7FD, v1  }
0x2ce: {  	v1 =	vadd.s32 v0, v1;
	_ =	sdelay $0x2  }
0x2cf: {  	s8 =	sadd.s32 $0xA, s28  }
0x2d0: {  	[tilespmem:s29+$0xFFFFFFE0] =	vst v2;
	v2 =	vmov s8  }
0x2d1: {  	v1 =	vld.idx.msk [tilespmem:v1+s2+$0x0], $0xffff;
	v2 =	vand.u32 $0x7FE, v2  }
0x2d2: {  	v2 =	vadd.s32 v0, v2;
	_ =	sdelay $0x2  }
0x2d3: {  	s0 =	sadd.s32 $0xB, s28  }
0x2d4: {  	[tilespmem:s29+$0xFFFFFFF0] =	vst v1;
	v1 =	vmov s0  }
0x2d5: {  	v2 =	vld.idx.msk [tilespmem:v2+s2+$0x0], $0xffff;
	v1 =	vand.u32 $0x7FF, v1  }
0x2d6: {  	v1 =	vadd.s32 v0, v1;
	_ =	sdelay $0x2  }
0x2d7: {  	s1 =	sadd.s32 $0xC, s28  }
0x2d8: {  	[tilespmem:s29+$0x0] =	vst v2;
	v2 =	vmov s1  }
0x2d9: {  	v1 =	vld.idx.msk [tilespmem:v1+s2+$0x0], $0xffff;
	v2 =	vand.u32 $0x7FC, v2  }
0x2da: {  	v2 =	vadd.s32 v0, v2;
	_ =	sdelay $0x2  }
0x2db: {  	s8 =	sadd.s32 $0xD, s28  }
0x2dc: {  	[tilespmem:s29+$0x10] =	vst v1;
	v1 =	vmov s8  }
0x2dd: {  	v2 =	vld.idx.msk [tilespmem:v2+s2+$0x0], $0xffff;
	v1 =	vand.u32 $0x7FD, v1  }
0x2de: {  	v1 =	vadd.s32 v0, v1;
	_ =	sdelay $0x2  }
0x2df: {  	s0 =	sadd.s32 $0xE, s28  }
0x2e0: {  	[tilespmem:s29+$0x20] =	vst v2;
	v2 =	vmov s0  }
0x2e1: {  	v1 =	vld.idx.msk [tilespmem:v1+s2+$0x0], $0xffff;
	v2 =	vand.u32 $0x7FE, v2  }
0x2e2: {  	v2 =	vadd.s32 v0, v2;
	_ =	sdelay $0x2  }
0x2e3: {  	s1 =	sadd.s32 $0xF, s28  }
0x2e4: {  	[tilespmem:s29+$0x30] =	vst v1;
	v1 =	vmov s1  }
0x2e5: {  	v2 =	vld.idx.msk [tilespmem:v2+s2+$0x0], $0xffff;
	v1 =	vand.u32 $0x7FF, v1  }
0x2e6: {  	v1 =	vadd.s32 v0, v1;
	_ =	sdelay $0x2  }
0x2e7: {  	s8 =	sadd.s32 $0x10, s28  }
0x2e8: {  	[tilespmem:s29+$0x40] =	vst v2;
	v2 =	vmov s8  }
0x2e9: {  	v1 =	vld.idx.msk [tilespmem:v1+s2+$0x0], $0xffff;
	v2 =	vand.u32 $0x7FC, v2  }
0x2ea: {  	v2 =	vadd.s32 v0, v2;
	_ =	sdelay $0x2  }
0x2eb: {  	s0 =	sadd.s32 $0x11, s28  }
0x2ec: {  	[tilespmem:s29+$0x50] =	vst v1;
	v1 =	vmov s0  }
0x2ed: {  	v2 =	vld.idx.msk [tilespmem:v2+s2+$0x0], $0xffff;
	v1 =	vand.u32 $0x7FD, v1  }
0x2ee: {  	v1 =	vadd.s32 v0, v1;
	_ =	sdelay $0x2  }
0x2ef: {  	s1 =	sadd.s32 $0x12, s28  }
0x2f0: {  	s26 =	sshll.u32 s25, $0x6;
	[tilespmem:s29+$0x60] =	vst v2;
	v2 =	vmov s1  }
0x2f1: {  	s30 =	sadd.s32 s13, s26;
	v1 =	vld.idx.msk [tilespmem:v1+s2+$0x0], $0xffff;
	v2 =	vand.u32 $0x7FE, v2  }
0x2f2: {  	p0 =	slt.s32 s30, $0xA27;
	v2 =	vadd.s32 v0, v2  }
0x2f3: {  	s30 =	simm.s32 @!p0 $0xA27  }
0x2f4: {  	s31 =	smulhi.u32 $0x51EB851F, s30  }
0x2f5: {  	s28 =	sadd.s32 $0x13, s28  }
0x2f6: {  	s31 =	sshrl.u32 s31, $0x5;
	[tilespmem:s29+$0x70] =	vst v1;
	v1 =	vmov s28  }
0x2f7: {  	s1 =	smul.u32 $0x64, s31;
	s28 =	sor.u32 s4, s26;
	v2 =	vld.idx.msk [tilespmem:v2+s2+$0x0], $0xffff;
	v1 =	vand.u32 $0x7FF, v1  }
0x2f8: {  	s0 =	smulhi.u32 $0x51EB851F, s28;
	v1 =	vadd.s32 v0, v1;
	_ =	sdelay $0x1  }
0x2f9: {  	s1 =	ssub.s32 s30, s1;
	s30 =	smul.u32 $0x186A00, s31;
	s0 =	sshrl.u32 s0, $0x5  }
0x2fa: {  	s8 =	smul.u32 $0x64, s0  }
0x2fb: {  	s1 =	smul.u32 $0x3E8, s1;
	[tilespmem:s29+$0x80] =	vst v2  }
0x2fc: {  	s0 =	smul.u32 $0x186A0, s0;
	s8 =	ssub.s32 s28, s8;
	v1 =	vld.idx.msk [tilespmem:v1+s2+$0x0], $0xffff  }
0x2fd: {  	s8 =	smul.u32 $0x3E8, s8;
	_ =	sdelay $0x1  }
0x2fe: {  	s1 =	sadd.s32 s1, s30;
	s0 =	sadd.s32 s8, s0  }
0x2ff: {  	s1 =	sshrl.u32 s1, $0x3;
	s0 =	sshll.u32 s0, $0x1  }
0x300: {  	s1 =	sadd.s32 s3, s1;
	s8 =	simm.s32 $0x0;
	s0 =	sand.u32 $0x1FFFFFF0, s0;
	[tilespmem:s29+$0x90] =	vst v1  }
0x301: {  	[tilespmem:s8], [sflag:$0x1] =	stream.strided.gather [hbm4b:s1+s15], $0x3E80, s16, s15, $0x38;
	[tilespmem:$0xFA00] =	vst v63  }
0x302: {  	s0 =	sadd.s32 s5, s0  }
0x303: {  	v1 =	vmov s8;
	[hbm4b:s0+s8] =	stream.linear.scatter [tilespmem:s19], [sflag:$0x3], $0x3E80, $0x38;
	[tilespmem:$0xFA00] =	vst v63  }
0x304: {  	v1 =	vand.u32 $0x3FC, v1;
	_ =	swait.ge [sflag:s20], $0x3E80  }
0x305: {  	v1 =	vadd.s32 v0, v1;
	[sflag:s20] =	ssyncset.done $0x0  }
0x306: {  	[sflag:s20] =	ssyncadd.s32 $0xFFFFC180  }
0x307: {  	_ =	swait.ge [sflag:s23], $0x3E80  }
0x308: {  	s8 =	simm.s32 $0x1;
	[sflag:s23] =	ssyncset.done $0x0  }
0x309: {  	v2 =	vmov s8;
	[sflag:s23] =	ssyncadd.s32 $0xFFFFC180  }
0x30a: {  	v2 =	vand.u32 $0x3FD, v2;
	v1 =	vld.idx.msk [tilespmem:v1+s17+$0x0], $0xffff  }
0x30b: {  	v2 =	vadd.s32 v0, v2;
	_ =	sdelay $0x2  }
0x30c: {  	s29 =	simm.s32 $0xBC20;
	s1 =	simm.s32 $0x2  }
0x30d: {  	[tilespmem:s29+$0xFFFFFF60] =	vst v1;
	v1 =	vmov s1  }
0x30e: {  	v2 =	vld.idx.msk [tilespmem:v2+s17+$0x0], $0xffff;
	v1 =	vand.u32 $0x3FE, v1  }
0x30f: {  	v1 =	vadd.s32 v0, v1;
	_ =	sdelay $0x2  }
0x310: {  	s8 =	simm.s32 $0x3  }
0x311: {  	[tilespmem:s29+$0xFFFFFF70] =	vst v2;
	v2 =	vmov s8  }
0x312: {  	v1 =	vld.idx.msk [tilespmem:v1+s17+$0x0], $0xffff;
	v2 =	vand.u32 $0x3FF, v2  }
0x313: {  	v2 =	vadd.s32 v0, v2;
	_ =	sdelay $0x2  }
0x314: {  	s1 =	simm.s32 $0x4  }
0x315: {  	[tilespmem:s29+$0xFFFFFF80] =	vst v1;
	v1 =	vmov s1  }
0x316: {  	v2 =	vld.idx.msk [tilespmem:v2+s17+$0x0], $0xffff;
	v1 =	vand.u32 $0x7FC, v1  }
0x317: {  	v1 =	vadd.s32 v0, v1;
	_ =	sdelay $0x2  }
0x318: {  	s8 =	simm.s32 $0x5  }
0x319: {  	[tilespmem:s29+$0xFFFFFF90] =	vst v2;
	v2 =	vmov s8  }
0x31a: {  	v1 =	vld.idx.msk [tilespmem:v1+s17+$0x0], $0xffff;
	v2 =	vand.u32 $0x7FD, v2  }
0x31b: {  	v2 =	vadd.s32 v0, v2;
	_ =	sdelay $0x2  }
0x31c: {  	s1 =	simm.s32 $0x6  }
0x31d: {  	[tilespmem:s29+$0xFFFFFFA0] =	vst v1;
	v1 =	vmov s1  }
0x31e: {  	v2 =	vld.idx.msk [tilespmem:v2+s17+$0x0], $0xffff;
	v1 =	vand.u32 $0x7FE, v1  }
0x31f: {  	v1 =	vadd.s32 v0, v1;
	_ =	sdelay $0x2  }
0x320: {  	s8 =	simm.s32 $0x7  }
0x321: {  	[tilespmem:s29+$0xFFFFFFB0] =	vst v2;
	v2 =	vmov s8  }
0x322: {  	v1 =	vld.idx.msk [tilespmem:v1+s17+$0x0], $0xffff;
	v2 =	vand.u32 $0x7FF, v2  }
0x323: {  	v2 =	vadd.s32 v0, v2;
	_ =	sdelay $0x2  }
0x324: {  	s1 =	simm.s32 $0x8  }
0x325: {  	[tilespmem:s29+$0xFFFFFFC0] =	vst v1;
	v1 =	vmov s1  }
0x326: {  	v2 =	vld.idx.msk [tilespmem:v2+s17+$0x0], $0xffff;
	v1 =	vand.u32 $0x7FC, v1  }
0x327: {  	v1 =	vadd.s32 v0, v1;
	_ =	sdelay $0x2  }
0x328: {  	s8 =	simm.s32 $0x9  }
0x329: {  	[tilespmem:s29+$0xFFFFFFD0] =	vst v2;
	v2 =	vmov s8  }
0x32a: {  	v1 =	vld.idx.msk [tilespmem:v1+s17+$0x0], $0xffff;
	v2 =	vand.u32 $0x7FD, v2  }
0x32b: {  	v2 =	vadd.s32 v0, v2;
	_ =	sdelay $0x2  }
0x32c: {  	s1 =	simm.s32 $0xA  }
0x32d: {  	[tilespmem:s29+$0xFFFFFFE0] =	vst v1;
	v1 =	vmov s1  }
0x32e: {  	v2 =	vld.idx.msk [tilespmem:v2+s17+$0x0], $0xffff;
	v1 =	vand.u32 $0x7FE, v1  }
0x32f: {  	v1 =	vadd.s32 v0, v1;
	_ =	sdelay $0x2  }
0x330: {  	s8 =	simm.s32 $0xB  }
0x331: {  	[tilespmem:s29+$0xFFFFFFF0] =	vst v2;
	v2 =	vmov s8  }
0x332: {  	v1 =	vld.idx.msk [tilespmem:v1+s17+$0x0], $0xffff;
	v2 =	vand.u32 $0x7FF, v2  }
0x333: {  	v2 =	vadd.s32 v0, v2;
	_ =	sdelay $0x2  }
0x334: {  	s1 =	simm.s32 $0xC  }
0x335: {  	[tilespmem:s29+$0x0] =	vst v1;
	v1 =	vmov s1  }
0x336: {  	v2 =	vld.idx.msk [tilespmem:v2+s17+$0x0], $0xffff;
	v1 =	vand.u32 $0x7FC, v1  }
0x337: {  	v1 =	vadd.s32 v0, v1;
	_ =	sdelay $0x2  }
0x338: {  	s8 =	simm.s32 $0xD  }
0x339: {  	[tilespmem:s29+$0x10] =	vst v2;
	v2 =	vmov s8  }
0x33a: {  	v1 =	vld.idx.msk [tilespmem:v1+s17+$0x0], $0xffff;
	v2 =	vand.u32 $0x7FD, v2  }
0x33b: {  	v2 =	vadd.s32 v0, v2;
	_ =	sdelay $0x2  }
0x33c: {  	s1 =	simm.s32 $0xE  }
0x33d: {  	[tilespmem:s29+$0x20] =	vst v1;
	v1 =	vmov s1  }
0x33e: {  	v2 =	vld.idx.msk [tilespmem:v2+s17+$0x0], $0xffff;
	v1 =	vand.u32 $0x7FE, v1  }
0x33f: {  	v1 =	vadd.s32 v0, v1;
	_ =	sdelay $0x2  }
0x340: {  	s8 =	simm.s32 $0xF  }
0x341: {  	[tilespmem:s29+$0x30] =	vst v2;
	v2 =	vmov s8  }
0x342: {  	v1 =	vld.idx.msk [tilespmem:v1+s17+$0x0], $0xffff;
	v2 =	vand.u32 $0x7FF, v2  }
0x343: {  	v2 =	vadd.s32 v0, v2;
	_ =	sdelay $0x2  }
0x344: {  	s1 =	simm.s32 $0x10  }
0x345: {  	[tilespmem:s29+$0x40] =	vst v1;
	v1 =	vmov s1  }
0x346: {  	v2 =	vld.idx.msk [tilespmem:v2+s17+$0x0], $0xffff;
	v1 =	vand.u32 $0x7FC, v1  }
0x347: {  	v1 =	vadd.s32 v0, v1;
	_ =	sdelay $0x2  }
0x348: {  	s8 =	simm.s32 $0x11  }
0x349: {  	[tilespmem:s29+$0x50] =	vst v2;
	v2 =	vmov s8  }
0x34a: {  	v1 =	vld.idx.msk [tilespmem:v1+s17+$0x0], $0xffff;
	v2 =	vand.u32 $0x7FD, v2  }
0x34b: {  	v2 =	vadd.s32 v0, v2;
	_ =	sdelay $0x2  }
0x34c: {  	s1 =	simm.s32 $0x12  }
0x34d: {  	[tilespmem:s29+$0x60] =	vst v1;
	v1 =	vmov s1  }
0x34e: {  	v2 =	vld.idx.msk [tilespmem:v2+s17+$0x0], $0xffff;
	v1 =	vand.u32 $0x7FE, v1  }
0x34f: {  	v1 =	vadd.s32 v0, v1;
	_ =	sdelay $0x2  }
0x350: {  	s8 =	simm.s32 $0x13  }
0x351: {  	[tilespmem:s29+$0x70] =	vst v2;
	v2 =	vmov s8  }
0x352: {  	v1 =	vld.idx.msk [tilespmem:v1+s17+$0x0], $0xffff;
	v2 =	vand.u32 $0x7FF, v2  }
0x353: {  	v3 =	vadd.s32 v0, v2;
	_ =	sdelay $0x3  }
0x354: {  	s30 =	simm.s32 $0x14;
	[tilespmem:s29+$0x80] =	vst v1  }
0x355: {  	s31 =	simm.s32 $0x28;
	v2 =	vmov s30;
	v1 =	vld.idx.msk [tilespmem:v3+s17+$0x0], $0xffff  }
.LBB2_9:
0x356: {  	p0 =	slt.u32 s31, $0x3D4;
	v2 =	vand.u32 $0x3FC, v2  }
0x357: {  	v2 =	vadd.s32 v0, v2;
	_ =	sdelay $0x3  }
0x358: {  	s0 =	sadd.s32 $0x1, s30;
	[tilespmem:s29+$0x90] =	vst v1  }
0x359: {  	v1 =	vld.idx.msk [tilespmem:v2+s17+$0x0], $0xffff;
	v2 =	vmov s0  }
0x35a: {  	v2 =	vand.u32 $0x3FD, v2  }
0x35b: {  	v2 =	vadd.s32 v0, v2;
	_ =	sdelay $0x2  }
0x35c: {  	s29 =	sadd.s32 $0x140, s29  }
0x35d: {  	s0 =	sadd.s32 $0x2, s30;
	[tilespmem:s29+$0xFFFFFF60] =	vst v1  }
0x35e: {  	v1 =	vld.idx.msk [tilespmem:v2+s17+$0x0], $0xffff;
	v2 =	vmov s0  }
0x35f: {  	v2 =	vand.u32 $0x3FE, v2  }
0x360: {  	v2 =	vadd.s32 v0, v2;
	_ =	sdelay $0x3  }
0x361: {  	s0 =	sadd.s32 $0x3, s30;
	[tilespmem:s29+$0xFFFFFF70] =	vst v1  }
0x362: {  	v1 =	vld.idx.msk [tilespmem:v2+s17+$0x0], $0xffff;
	v2 =	vmov s0  }
0x363: {  	v2 =	vand.u32 $0x3FF, v2  }
0x364: {  	v2 =	vadd.s32 v0, v2;
	_ =	sdelay $0x3  }
0x365: {  	s0 =	sadd.s32 $0x4, s30;
	[tilespmem:s29+$0xFFFFFF80] =	vst v1  }
0x366: {  	v1 =	vld.idx.msk [tilespmem:v2+s17+$0x0], $0xffff;
	v2 =	vmov s0  }
0x367: {  	v2 =	vand.u32 $0x7FC, v2  }
0x368: {  	v2 =	vadd.s32 v0, v2;
	_ =	sdelay $0x3  }
0x369: {  	s0 =	sadd.s32 $0x5, s30;
	[tilespmem:s29+$0xFFFFFF90] =	vst v1  }
0x36a: {  	v1 =	vld.idx.msk [tilespmem:v2+s17+$0x0], $0xffff;
	v2 =	vmov s0  }
0x36b: {  	v2 =	vand.u32 $0x7FD, v2  }
0x36c: {  	v2 =	vadd.s32 v0, v2;
	_ =	sdelay $0x3  }
0x36d: {  	s0 =	sadd.s32 $0x6, s30;
	[tilespmem:s29+$0xFFFFFFA0] =	vst v1  }
0x36e: {  	v1 =	vld.idx.msk [tilespmem:v2+s17+$0x0], $0xffff;
	v2 =	vmov s0  }
0x36f: {  	v2 =	vand.u32 $0x7FE, v2  }
0x370: {  	v2 =	vadd.s32 v0, v2;
	_ =	sdelay $0x3  }
0x371: {  	s0 =	sadd.s32 $0x7, s30;
	[tilespmem:s29+$0xFFFFFFB0] =	vst v1  }
0x372: {  	v1 =	vld.idx.msk [tilespmem:v2+s17+$0x0], $0xffff;
	v2 =	vmov s0  }
0x373: {  	v2 =	vand.u32 $0x7FF, v2  }
0x374: {  	v2 =	vadd.s32 v0, v2;
	_ =	sdelay $0x3  }
0x375: {  	s0 =	sadd.s32 $0x8, s30;
	[tilespmem:s29+$0xFFFFFFC0] =	vst v1  }
0x376: {  	v1 =	vld.idx.msk [tilespmem:v2+s17+$0x0], $0xffff;
	v2 =	vmov s0  }
0x377: {  	v2 =	vand.u32 $0x7FC, v2  }
0x378: {  	v2 =	vadd.s32 v0, v2;
	_ =	sdelay $0x3  }
0x379: {  	s0 =	sadd.s32 $0x9, s30;
	[tilespmem:s29+$0xFFFFFFD0] =	vst v1  }
0x37a: {  	v1 =	vld.idx.msk [tilespmem:v2+s17+$0x0], $0xffff;
	v2 =	vmov s0  }
0x37b: {  	v2 =	vand.u32 $0x7FD, v2  }
0x37c: {  	v2 =	vadd.s32 v0, v2;
	_ =	sdelay $0x3  }
0x37d: {  	s0 =	sadd.s32 $0xA, s30;
	[tilespmem:s29+$0xFFFFFFE0] =	vst v1  }
0x37e: {  	v1 =	vld.idx.msk [tilespmem:v2+s17+$0x0], $0xffff;
	v2 =	vmov s0  }
0x37f: {  	v2 =	vand.u32 $0x7FE, v2  }
0x380: {  	v2 =	vadd.s32 v0, v2;
	_ =	sdelay $0x3  }
0x381: {  	s0 =	sadd.s32 $0xB, s30;
	[tilespmem:s29+$0xFFFFFFF0] =	vst v1  }
0x382: {  	v1 =	vld.idx.msk [tilespmem:v2+s17+$0x0], $0xffff;
	v2 =	vmov s0  }
0x383: {  	v2 =	vand.u32 $0x7FF, v2  }
0x384: {  	v2 =	vadd.s32 v0, v2;
	_ =	sdelay $0x3  }
0x385: {  	s0 =	sadd.s32 $0xC, s30;
	[tilespmem:s29+$0x0] =	vst v1  }
0x386: {  	v1 =	vld.idx.msk [tilespmem:v2+s17+$0x0], $0xffff;
	v2 =	vmov s0  }
0x387: {  	v2 =	vand.u32 $0x7FC, v2  }
0x388: {  	v2 =	vadd.s32 v0, v2;
	_ =	sdelay $0x3  }
0x389: {  	s0 =	sadd.s32 $0xD, s30;
	[tilespmem:s29+$0x10] =	vst v1  }
0x38a: {  	v1 =	vld.idx.msk [tilespmem:v2+s17+$0x0], $0xffff;
	v2 =	vmov s0  }
0x38b: {  	v2 =	vand.u32 $0x7FD, v2  }
0x38c: {  	v2 =	vadd.s32 v0, v2;
	_ =	sdelay $0x3  }
0x38d: {  	s0 =	sadd.s32 $0xE, s30;
	[tilespmem:s29+$0x20] =	vst v1  }
0x38e: {  	v1 =	vld.idx.msk [tilespmem:v2+s17+$0x0], $0xffff;
	v2 =	vmov s0  }
0x38f: {  	v2 =	vand.u32 $0x7FE, v2  }
0x390: {  	v2 =	vadd.s32 v0, v2;
	_ =	sdelay $0x3  }
0x391: {  	s0 =	sadd.s32 $0xF, s30;
	[tilespmem:s29+$0x30] =	vst v1  }
0x392: {  	v1 =	vld.idx.msk [tilespmem:v2+s17+$0x0], $0xffff;
	v2 =	vmov s0  }
0x393: {  	v2 =	vand.u32 $0x7FF, v2  }
0x394: {  	v2 =	vadd.s32 v0, v2;
	_ =	sdelay $0x3  }
0x395: {  	s0 =	sadd.s32 $0x10, s30;
	[tilespmem:s29+$0x40] =	vst v1  }
0x396: {  	v1 =	vld.idx.msk [tilespmem:v2+s17+$0x0], $0xffff;
	v2 =	vmov s0  }
0x397: {  	v2 =	vand.u32 $0x7FC, v2  }
0x398: {  	v2 =	vadd.s32 v0, v2;
	_ =	sdelay $0x3  }
0x399: {  	s0 =	sadd.s32 $0x11, s30;
	[tilespmem:s29+$0x50] =	vst v1  }
0x39a: {  	v1 =	vld.idx.msk [tilespmem:v2+s17+$0x0], $0xffff;
	v2 =	vmov s0  }
0x39b: {  	v2 =	vand.u32 $0x7FD, v2  }
0x39c: {  	v2 =	vadd.s32 v0, v2;
	_ =	sdelay $0x3  }
0x39d: {  	s0 =	sadd.s32 $0x12, s30;
	[tilespmem:s29+$0x60] =	vst v1  }
0x39e: {  	v1 =	vld.idx.msk [tilespmem:v2+s17+$0x0], $0xffff;
	v2 =	vmov s0  }
0x39f: {  	v2 =	vand.u32 $0x7FE, v2  }
0x3a0: {  	v2 =	vadd.s32 v0, v2;
	_ =	sdelay $0x3  }
0x3a1: {  	s0 =	sadd.s32 $0x13, s30;
	s30 =	smov.u32 s31;
	[tilespmem:s29+$0x70] =	vst v1  }
0x3a2: {  	v1 =	vld.idx.msk [tilespmem:v2+s17+$0x0], $0xffff;
	v2 =	vmov s0  }
0x3a3: {  	v2 =	vand.u32 $0x7FF, v2  }
0x3a4: {  	v3 =	vadd.s32 v0, v2  }
.Ltmp3:
0x3a5: {  	(pc) =	sbr.rel @p0 .LBB2_9-.Ltmp3, $3  }
0x3a6: {  	_ =	sdelay $0x1  }
0x3a7: {  	[tilespmem:s29+$0x80] =	vst v1  }
0x3a8: {  	s31 =	sadd.s32 $0x14, s31;
	v2 =	vmov s30;
	v1 =	vld.idx.msk [tilespmem:v3+s17+$0x0], $0xffff  }
0x3a9: {  	v2 =	vand.u32 $0x3FC, v2  }
0x3aa: {  	v2 =	vadd.s32 v0, v2;
	_ =	sdelay $0x2  }
0x3ab: {  	s0 =	sadd.s32 $0x1, s30  }
0x3ac: {  	[tilespmem:s29+$0x90] =	vst v1;
	v1 =	vmov s0  }
0x3ad: {  	v1 =	vand.u32 $0x3FD, v1;
	v2 =	vld.idx.msk [tilespmem:v2+s17+$0x0], $0xffff  }
0x3ae: {  	v1 =	vadd.s32 v0, v1;
	_ =	sdelay $0x2  }
0x3af: {  	s31 =	sadd.s32 $0x2, s30;
	s29 =	sadd.s32 $0x140, s29  }
0x3b0: {  	[tilespmem:s29+$0xFFFFFF60] =	vst v2;
	v2 =	vmov s31  }
0x3b1: {  	v1 =	vld.idx.msk [tilespmem:v1+s17+$0x0], $0xffff;
	v2 =	vand.u32 $0x3FE, v2  }
0x3b2: {  	v2 =	vadd.s32 v0, v2;
	_ =	sdelay $0x2  }
0x3b3: {  	s1 =	sadd.s32 $0x3, s30  }
0x3b4: {  	[tilespmem:s29+$0xFFFFFF70] =	vst v1;
	v1 =	vmov s1  }
0x3b5: {  	v2 =	vld.idx.msk [tilespmem:v2+s17+$0x0], $0xffff;
	v1 =	vand.u32 $0x3FF, v1  }
0x3b6: {  	v1 =	vadd.s32 v0, v1;
	_ =	sdelay $0x2  }
0x3b7: {  	s8 =	sadd.s32 $0x4, s30  }
0x3b8: {  	[tilespmem:s29+$0xFFFFFF80] =	vst v2;
	v2 =	vmov s8  }
0x3b9: {  	v1 =	vld.idx.msk [tilespmem:v1+s17+$0x0], $0xffff;
	v2 =	vand.u32 $0x7FC, v2  }
0x3ba: {  	v2 =	vadd.s32 v0, v2;
	_ =	sdelay $0x2  }
0x3bb: {  	s31 =	sadd.s32 $0x5, s30  }
0x3bc: {  	[tilespmem:s29+$0xFFFFFF90] =	vst v1;
	v1 =	vmov s31  }
0x3bd: {  	v2 =	vld.idx.msk [tilespmem:v2+s17+$0x0], $0xffff;
	v1 =	vand.u32 $0x7FD, v1  }
0x3be: {  	v1 =	vadd.s32 v0, v1;
	_ =	sdelay $0x2  }
0x3bf: {  	s1 =	sadd.s32 $0x6, s30  }
0x3c0: {  	[tilespmem:s29+$0xFFFFFFA0] =	vst v2;
	v2 =	vmov s1  }
0x3c1: {  	v1 =	vld.idx.msk [tilespmem:v1+s17+$0x0], $0xffff;
	v2 =	vand.u32 $0x7FE, v2  }
0x3c2: {  	v2 =	vadd.s32 v0, v2;
	_ =	sdelay $0x2  }
0x3c3: {  	s8 =	sadd.s32 $0x7, s30  }
0x3c4: {  	[tilespmem:s29+$0xFFFFFFB0] =	vst v1;
	v1 =	vmov s8  }
0x3c5: {  	v2 =	vld.idx.msk [tilespmem:v2+s17+$0x0], $0xffff;
	v1 =	vand.u32 $0x7FF, v1  }
0x3c6: {  	v1 =	vadd.s32 v0, v1;
	_ =	sdelay $0x2  }
0x3c7: {  	s31 =	sadd.s32 $0x8, s30  }
0x3c8: {  	[tilespmem:s29+$0xFFFFFFC0] =	vst v2;
	v2 =	vmov s31  }
0x3c9: {  	v1 =	vld.idx.msk [tilespmem:v1+s17+$0x0], $0xffff;
	v2 =	vand.u32 $0x7FC, v2  }
0x3ca: {  	v2 =	vadd.s32 v0, v2;
	_ =	sdelay $0x2  }
0x3cb: {  	s1 =	sadd.s32 $0x9, s30  }
0x3cc: {  	[tilespmem:s29+$0xFFFFFFD0] =	vst v1;
	v1 =	vmov s1  }
0x3cd: {  	v2 =	vld.idx.msk [tilespmem:v2+s17+$0x0], $0xffff;
	v1 =	vand.u32 $0x7FD, v1  }
0x3ce: {  	v1 =	vadd.s32 v0, v1;
	_ =	sdelay $0x2  }
0x3cf: {  	s8 =	sadd.s32 $0xA, s30  }
0x3d0: {  	[tilespmem:s29+$0xFFFFFFE0] =	vst v2;
	v2 =	vmov s8  }
0x3d1: {  	v1 =	vld.idx.msk [tilespmem:v1+s17+$0x0], $0xffff;
	v2 =	vand.u32 $0x7FE, v2  }
0x3d2: {  	v2 =	vadd.s32 v0, v2;
	_ =	sdelay $0x2  }
0x3d3: {  	s31 =	sadd.s32 $0xB, s30  }
0x3d4: {  	[tilespmem:s29+$0xFFFFFFF0] =	vst v1;
	v1 =	vmov s31  }
0x3d5: {  	v2 =	vld.idx.msk [tilespmem:v2+s17+$0x0], $0xffff;
	v1 =	vand.u32 $0x7FF, v1  }
0x3d6: {  	v1 =	vadd.s32 v0, v1;
	_ =	sdelay $0x2  }
0x3d7: {  	s1 =	sadd.s32 $0xC, s30  }
0x3d8: {  	[tilespmem:s29+$0x0] =	vst v2;
	v2 =	vmov s1  }
0x3d9: {  	v1 =	vld.idx.msk [tilespmem:v1+s17+$0x0], $0xffff;
	v2 =	vand.u32 $0x7FC, v2  }
0x3da: {  	v2 =	vadd.s32 v0, v2;
	_ =	sdelay $0x2  }
0x3db: {  	s8 =	sadd.s32 $0xD, s30  }
0x3dc: {  	[tilespmem:s29+$0x10] =	vst v1;
	v1 =	vmov s8  }
0x3dd: {  	v2 =	vld.idx.msk [tilespmem:v2+s17+$0x0], $0xffff;
	v1 =	vand.u32 $0x7FD, v1  }
0x3de: {  	v1 =	vadd.s32 v0, v1;
	_ =	sdelay $0x2  }
0x3df: {  	s31 =	sadd.s32 $0xE, s30  }
0x3e0: {  	[tilespmem:s29+$0x20] =	vst v2;
	v2 =	vmov s31  }
0x3e1: {  	v1 =	vld.idx.msk [tilespmem:v1+s17+$0x0], $0xffff;
	v2 =	vand.u32 $0x7FE, v2  }
0x3e2: {  	v2 =	vadd.s32 v0, v2;
	_ =	sdelay $0x2  }
0x3e3: {  	s1 =	sadd.s32 $0xF, s30  }
0x3e4: {  	[tilespmem:s29+$0x30] =	vst v1;
	v1 =	vmov s1  }
0x3e5: {  	v2 =	vld.idx.msk [tilespmem:v2+s17+$0x0], $0xffff;
	v1 =	vand.u32 $0x7FF, v1  }
0x3e6: {  	v1 =	vadd.s32 v0, v1;
	_ =	sdelay $0x2  }
0x3e7: {  	s8 =	sadd.s32 $0x10, s30  }
0x3e8: {  	[tilespmem:s29+$0x40] =	vst v2;
	v2 =	vmov s8  }
0x3e9: {  	v1 =	vld.idx.msk [tilespmem:v1+s17+$0x0], $0xffff;
	v2 =	vand.u32 $0x7FC, v2  }
0x3ea: {  	v2 =	vadd.s32 v0, v2;
	_ =	sdelay $0x2  }
0x3eb: {  	s31 =	sadd.s32 $0x11, s30  }
0x3ec: {  	[tilespmem:s29+$0x50] =	vst v1;
	v1 =	vmov s31  }
0x3ed: {  	v2 =	vld.idx.msk [tilespmem:v2+s17+$0x0], $0xffff;
	v1 =	vand.u32 $0x7FD, v1  }
0x3ee: {  	v1 =	vadd.s32 v0, v1;
	_ =	sdelay $0x2  }
0x3ef: {  	s1 =	sadd.s32 $0x12, s30  }
0x3f0: {  	[tilespmem:s29+$0x60] =	vst v2;
	v2 =	vmov s1  }
0x3f1: {  	v1 =	vld.idx.msk [tilespmem:v1+s17+$0x0], $0xffff;
	v2 =	vand.u32 $0x7FE, v2  }
0x3f2: {  	s1 =	sadd.s32 s6, s26;
	v2 =	vadd.s32 v0, v2  }
0x3f3: {  	s0 =	sor.u32 $0x20, s28;
	p0 =	slt.s32 s1, $0xA27  }
0x3f4: {  	s1 =	simm.s32 @!p0 $0xA27;
	p0 =	slt.s32 s0, $0xA27  }
0x3f5: {  	s8 =	sadd.s32 $0x13, s30;
	s0 =	simm.s32 @!p0 $0xA27  }
0x3f6: {  	s30 =	smulhi.u32 $0x51EB851F, s0;
	[tilespmem:s29+$0x70] =	vst v1;
	v1 =	vmov s8  }
0x3f7: {  	v2 =	vld.idx.msk [tilespmem:v2+s17+$0x0], $0xffff;
	v1 =	vand.u32 $0x7FF, v1  }
0x3f8: {  	s8 =	smulhi.u32 $0x51EB851F, s1;
	s26 =	sshrl.u32 s30, $0x5;
	v1 =	vadd.s32 v0, v1  }
0x3f9: {  	s31 =	smul.u32 $0x64, s26  }
0x3fa: {  	s26 =	smul.u32 $0x186A0, s26;
	s8 =	sshrl.u32 s8, $0x5  }
0x3fb: {  	s28 =	smul.u32 $0x64, s8  }
0x3fc: {  	s8 =	smul.u32 $0x186A00, s8;
	s0 =	ssub.s32 s0, s31;
	[tilespmem:s29+$0x80] =	vst v2  }
0x3fd: {  	s0 =	smul.u32 $0x3E8, s0;
	s1 =	ssub.s32 s1, s28;
	v1 =	vld.idx.msk [tilespmem:v1+s17+$0x0], $0xffff  }
0x3fe: {  	s1 =	smul.u32 $0x3E8, s1  }
0x3ff: {  	s25 =	sadd.s32 $0x1, s25  }
0x400: {  	p0 =	sne.s32 s25, $0x29;
	s0 =	sadd.s32 s0, s26;
	s1 =	sadd.s32 s1, s8  }
.Ltmp4:
0x401: {  	s0 =	sshll.u32 s0, $0x1;
	s1 =	sshrl.u32 s1, $0x3;
	(pc) =	sbr.rel @p0 .LBB2_6-.Ltmp4, $4  }
0x402: {  	s0 =	sand.u32 $0x1FFFFFF0, s0;
	s1 =	sadd.s32 s3, s1;
	[tilespmem:s29+$0x90] =	vst v1  }
0x403: {  	[tilespmem:s17], [sflag:$0x2] =	stream.strided.gather [hbm4b:s1+s15], $0x3E80, s16, s15, $0x38;
	[tilespmem:$0xFA00] =	vst v63  }
0x404: {  	s0 =	sadd.s32 s5, s0  }
0x405: {  	[hbm4b:s0+s2] =	stream.linear.scatter [tilespmem:s21], [sflag:$0x4], $0x3E80, $0x38;
	[tilespmem:$0xFA00] =	vst v63  }
0x406: {  	_ =	swait.ge [sflag:s18], $0x3E80  }
0x407: {  	[sflag:s18] =	ssyncset.done $0x0  }
0x408: {  	[sflag:s18] =	ssyncadd.s32 $0xFFFFC180  }
0x409: {  	_ =	swait.ge [sflag:s20], $0x3E80  }
0x40a: {  	[sflag:s20] =	ssyncset.done $0x0  }
0x40b: {  	s24 =	sadd.s32 $0x1, s24;
	[sflag:s20] =	ssyncadd.s32 $0xFFFFC180  }
0x40c: {  	p0 =	sne.s32 s24, s14;
	_ =	swait.ge [sflag:s22], $0x3E80  }
.Ltmp5:
0x40d: {  	[sflag:s22] =	ssyncset.done $0x0;
	(pc) =	sbr.rel @p0 .LBB2_1-.Ltmp5, $4  }
0x40e: {  	[sflag:s22] =	ssyncadd.s32 $0xFFFFC180  }
0x40f: {  	_ =	swait.ge [sflag:s23], $0x3E80  }
0x410: {  	[sflag:s23] =	ssyncset.done $0x0  }
0x411: {  	[sflag:s23] =	ssyncadd.s32 $0xFFFFC180  }
0x412: {  	_ =	sfence.sel $0x180000  }
0x413: {  	[bflag:$0x0] =	sbarrier.arrive $0xFFFF  }
0x414: {  	_ =	strace $0x90000047  }
0x415: {  	s0 =	stileid.u32;
	[bflag:$0x2] =	sbarrier.arrive $0xFFFF  }
0x416: {  	p0 =	sne.s32 s0, $0x0;
	s0 =	rddreg [dreg:$0x1]  }
0x417: {  	s0 =	sadd.s32 @!p0 $0x100000, s0  }
0x418: {  	[sflag:s0] =	ssyncadd.tile.s32 @!p0 $0x1;
	_ =	shalt  }
.Lfunc_end2:
_tile_overlayer_lowered:
.L_overlay_start_2:
0x419: {  	(tag) =	ssettag $0x2  }
0x41a: {  	s0 =	rddreg [dreg:$0x0];
	s2 =	stileid.u32  }
0x41b: {  	s1 =	rddreg [dreg:$0x1];
	p0 =	sne.s32 s2, $0x0  }
0x41c: {  	s3 =	rddreg [dreg:$0x2];
	[bflag:$0x3] =	sbarrier.arrive $0xFFFF;
	s2 =	simm.s32 @!p0 $0x1C05  }
0x41d: {  	[timem:s3], [sflag:s2] =	dma.local @!p0 [hbm:s0], s1  }
0x41e: {  	s0 =	simm.s32 @!p0 $0x5  }
0x41f: {  	_ =	swait.ge @!p0 [sflag:s0], s1  }
0x420: {  	s1 =	ssub.s32 @!p0 $0x0, s1;
	[sflag:s0] =	ssyncset.done @!p0 $0x0  }
0x421: {  	[sflag:s0] =	ssyncadd.s32 @!p0 s1  }
0x422: {  	[bflag:$0x3] =	sbarrier.arrive $0xFFFF  }
0x423: {  	_ =	shalt  }

// kernel: kernel.7.cloned.1.call-start
scs
__scs_entry_jumppad:
0x0: {  	(pc) =	sbr.rel $0x88, $3  }
0x1: {  	(tag) =	ssettag $0x0;
	lr =	simm.s32 $0x1  }
0x2: {  	[smem:$0x3F9E] =	sst lr;
	_ =	strace $0xD0000000  }
0x3: {  	_ = 	snop  }
0x4: {  	_ = 	snop  }
0x5: {  	_ = 	snop  }
0x6: {  	_ = 	snop  }
0x7: {  	_ = 	snop  }
__scs_overlays_trampoline_lowered:
0x8: {  	[smem:$0x3FAD] =	sst s0  }
0x9: {  	[smem:$0x3FAE] =	sst s1  }
0xa: {  	[smem:$0x3FAF] =	sst s2  }
0xb: {  	[smem:$0x3FB0] =	sst s3  }
0xc: {  	[smem:$0x3FB1] =	sst s4  }
0xd: {  	[smem:$0x3FB2] =	sst s5  }
0xe: {  	[smem:$0x3FB3] =	sst s6  }
0xf: {  	[smem:$0x3FB4] =	sst s7  }
0x10: {  	[smem:$0x3FB5] =	sst s8  }
0x11: {  	[smem:$0x3FB6] =	sst s9;
	s0 =	simm.s32 @!p0 $0x0  }
0x12: {  	s1 =	sld [smem:$0x3F9C];
	s0 =	simm.s32 @p0 $0x1  }
0x13: {  	[smem:$0x3FB7] =	sst s0;
	s0 =	simm.s32 @!p1 $0x0  }
0x14: {  	s2 =	sld [smem:$0x3F9B];
	s0 =	simm.s32 @p1 $0x1  }
0x15: {  	[smem:$0x3FB8] =	sst s0;
	s0 =	simm.s32 @!p2 $0x0  }
0x16: {  	s3 =	sld [smem:$0x3FDB];
	s0 =	simm.s32 @p2 $0x1  }
0x17: {  	s4 =	simm.s32 $0x1BF5;
	[smem:$0x3FBA] =	sst s0  }
0x18: {  	s0 =	sld [smem:$0x3F9D];
	_ =	swait.ge [sflag:s4], $0x0  }
0x19: {  	s7 =	sld [smem:$0x3F9E]  }
0x1a: {  	s8 =	sadd.s32 $0xFFFFE003, lr  }
0x1b: {  	s9 =	sadd.s32 $0xFFFFFEF7, lr;
	s5 =	simm.s32 $0xFFFFFFFF;
	p2 =	slt.u32 s8, $0xFFFFF086  }
0x1c: {  	p1 =	slt.u32 s9, $0xF7A;
	s5 =	simm.s32 @!p2 $0x0  }
0x1d: {  	s5 =	simm.s32 @p1 $0x1;
	p0 =	seq.s32 s7, s2  }
0x1e: {  	s7 =	smul.u32 @!p0 $0xF7A, s2;
	p2 =	seq.s32 @!p0 s5, $0x0  }
0x1f: {  	s9 =	smul.u32 $0xF7A, s1;
	s8 =	simm.s32 @!p0 $0x1BF5;
	p2 =	por !p2, p0  }
0x20: {  	[sflag:s8] =	ssyncset.s32 @!p0 $0xFFFFF086;
	s6 =	sadd.s32 @!p0 s3, s7;
	s7 =	simm.s32 @!p0 $0x108  }
0x21: {  	s3 =	sadd.s32 s3, s9;
	s6 =	sadd.s32 @!p0 $0x88, s6;
	s7 =	simm.s32 @p2 $0x1082  }
0x22: {  	[simem:s7], [sflag:s8] =	dma.local @!p0 [hbm:s6], $0xF7A  }
0x23: {  	s9 =	sor.u32 $0xD0000000, s2;
	s6 =	simm.s32 $0x108;
	_ =	swait.ge @!p0 [sflag:s8], $0x0  }
0x24: {  	s3 =	sadd.s32 $0x88, s3;
	s6 =	simm.s32 @!p1 $0x1082;
	[sflag:s4] =	ssyncset.s32 $0xFFFFF086  }
0x25: {  	[simem:s6], [sflag:s4] =	dma.local [hbm:s3], $0xF7A  }
0x26: {  	[smem:$0x3F9E] =	sst s1;
	(tag) =	ssettag s2;
	_ =	strace s9  }
0x27: {  	s1 =	sld [smem:$0x3FAE]  }
0x28: {  	s2 =	sld [smem:$0x3FAF]  }
0x29: {  	s4 =	sld [smem:$0x3FB1]  }
0x2a: {  	p0 =	seq.s32 s5, $0x0;
	s5 =	sld [smem:$0x3FB2]  }
0x2b: {  	s6 =	sld [smem:$0x3FB3]  }
0x2c: {  	s7 =	sld [smem:$0x3FB4]  }
0x2d: {  	s3 =	simm.s32 $0x108;
	s8 =	sld [smem:$0x3FB5]  }
0x2e: {  	s3 =	simm.s32 @!p0 $0x1082;
	s9 =	sld [smem:$0x3FB6]  }
0x2f: {  	lr =	sadd.s32 s0, s3;
	s0 =	sld [smem:$0x3FAD]  }
0x30: {  	s3 =	sld [smem:$0x3FB0]  }
0x31: {  	[smem:$0x3FB9] =	sst s10  }
0x32: {  	s10 =	sld [smem:$0x3FB7];
	_ =	sdelay $0x3  }
0x33: {  	p0 =	seq.s32 s10, $0x1;
	s10 =	sld [smem:$0x3FB9];
	_ =	sdelay $0x3  }
0x34: {  	[smem:$0x3FB9] =	sst s10  }
0x35: {  	s10 =	sld [smem:$0x3FB8];
	_ =	sdelay $0x3  }
0x36: {  	p1 =	seq.s32 s10, $0x1;
	s10 =	sld [smem:$0x3FB9];
	_ =	sdelay $0x3  }
0x37: {  	[smem:$0x3FB9] =	sst s10  }
0x38: {  	s10 =	sld [smem:$0x3FBA]  }
0x39: {  	_ = 	snop;
	(pc) =	sbr.ind lr, $3  }
0x3a: {  	_ = 	snop  }
0x3b: {  	_ = 	snop  }
0x3c: {  	p2 =	seq.s32 s10, $0x1;
	s10 =	sld [smem:$0x3FB9]  }
0x3d: {  	_ =	shalt  }
0x3e: {  	_ =	shalt  }
0x3f: {  	_ =	shalt  }
0x40: {  	_ =	shalt  }
0x41: {  	_ =	shalt  }
0x42: {  	_ =	shalt  }
0x43: {  	_ =	shalt  }
0x44: {  	_ =	shalt  }
0x45: {  	_ =	shalt  }
0x46: {  	_ =	shalt  }
0x47: {  	_ =	shalt  }
0x48: {  	_ =	shalt  }
0x49: {  	_ =	shalt  }
0x4a: {  	_ =	shalt  }
0x4b: {  	_ =	shalt  }
0x4c: {  	_ =	shalt  }
0x4d: {  	_ =	shalt  }
0x4e: {  	_ =	shalt  }
0x4f: {  	_ =	shalt  }
0x50: {  	_ =	shalt  }
0x51: {  	_ =	shalt  }
0x52: {  	_ =	shalt  }
0x53: {  	_ =	shalt  }
0x54: {  	_ =	shalt  }
0x55: {  	_ =	shalt  }
0x56: {  	_ =	shalt  }
0x57: {  	_ =	shalt  }
0x58: {  	_ =	shalt  }
0x59: {  	_ =	shalt  }
0x5a: {  	_ =	shalt  }
0x5b: {  	_ =	shalt  }
0x5c: {  	_ =	shalt  }
0x5d: {  	_ =	shalt  }
0x5e: {  	_ =	shalt  }
0x5f: {  	_ =	shalt  }
0x60: {  	_ =	shalt  }
0x61: {  	_ =	shalt  }
0x62: {  	_ =	shalt  }
0x63: {  	_ =	shalt  }
0x64: {  	_ =	shalt  }
0x65: {  	_ =	shalt  }
0x66: {  	_ =	shalt  }
0x67: {  	_ =	shalt  }
0x68: {  	_ =	shalt  }
0x69: {  	_ =	shalt  }
0x6a: {  	_ =	shalt  }
0x6b: {  	_ =	shalt  }
0x6c: {  	_ =	shalt  }
0x6d: {  	_ =	shalt  }
0x6e: {  	_ =	shalt  }
0x6f: {  	_ =	shalt  }
0x70: {  	_ =	shalt  }
0x71: {  	_ =	shalt  }
0x72: {  	_ =	shalt  }
0x73: {  	_ =	shalt  }
0x74: {  	_ =	shalt  }
0x75: {  	_ =	shalt  }
0x76: {  	_ =	shalt  }
0x77: {  	_ =	shalt  }
0x78: {  	_ =	shalt  }
0x79: {  	_ =	shalt  }
0x7a: {  	_ =	shalt  }
0x7b: {  	_ =	shalt  }
0x7c: {  	_ =	shalt  }
0x7d: {  	_ =	shalt  }
0x7e: {  	_ =	shalt  }
0x7f: {  	_ =	shalt  }
0x80: {  	_ =	shalt  }
0x81: {  	_ =	shalt  }
0x82: {  	_ =	shalt  }
0x83: {  	_ =	shalt  }
0x84: {  	_ =	shalt  }
0x85: {  	_ =	shalt  }
0x86: {  	_ =	shalt  }
0x87: {  	_ =	shalt  }
.Lfunc_end0:
.L_simem_size_0:
called_computation.2_lowered:
.L_overlay_start_0:
0x88: {  	s2 =	sld [smem:$0x3FD9]  }
0x89: {  	s3 =	sld [smem:$0x3FFE];
	_ =	sdelay $0x1  }
0x8a: {  	s1 =	srdreg.scid  }
0x8b: {  	s0 =	sand.u32 $0x1, s1  }
0x8c: {  	s17 =	sshll.u32 s0, $0xA;
	s2 =	sadd.s32 s3, s2  }
0x8d: {  	s2 =	sadd.s32 s2, s17  }
0x8e: {  	[smem:$0x3FC5] =	sst s2  }
0x8f: {  	_ = 	snop  }
0x90: {  	s2 =	sld [smem:$0x3FD0];
	(tm) =	ssettm $0x1  }
0x91: {  	s18 =	sld [smem:$0x3FFB];
	_ =	sdelay $0x3  }
0x92: {  	_ =	strace s18  }
0x93: {  	s3 =	sld [smem:$0x3FFC];
	_ =	sdelay $0x3  }
0x94: {  	_ =	strace s3  }
0x95: {  	s3 =	sld [smem:$0x3FFD];
	_ =	sdelay $0x3  }
0x96: {  	_ =	strace s3  }
0x97: {  	_ =	strace $0x8FFFFFFF  }
0x98: {  	s19 =	sld [smem:$0x3FDB];
	_ =	sdelay $0x1  }
0x99: {  	s4 =	simm.s32 $_scs_section_size  }
0x9a: {  	s5 =	simm.s32 $_size__tile_overlayer_lowered;
	s6 =	simm.s32 $_tile_overlayer_lowered  }
0x9b: {  	s22 =	simm.s32 $0x1BFF;
	s21 =	sshll.u32 s6, $0x1;
	s3 =	sadd.s32 s4, s19  }
0x9c: {  	s7 =	simm.s32 $0x0;
	s20 =	sshll.u32 s5, $0x1;
	s5 =	sadd.s32 s21, s3  }
0x9d: {  	[timem:s7], [sflag:s22] =	dma.local [hbm:s5], s20  }
0x9e: {  	_ =	swait.ge [sflag:s22], s20  }
0x9f: {  	s4 =	ssub.s32 $0x0, s20;
	[sflag:s22] =	ssyncset.done $0x0  }
0xa0: {  	[sflag:s22] =	ssyncadd.s32 s4;
	_ =	sdelay $0x1  }
0xa1: {  	s23 =	simm.s32 $0x1B8B  }
0xa2: {  	_ =	swait.ge [sflag:s23], $0x1  }
0xa3: {  	[sflag:s23] =	ssyncset.done $0x0  }
0xa4: {  	s25 =	simm.s32 $0x1B8E;
	s24 =	sld [smem:$0x3FFE];
	[sflag:s23] =	ssyncadd.s32 $0xFFFFFFFF  }
0xa5: {  	s26 =	simm.s32 $execute0_lowered;
	[smem:$0x3FD2] =	sst s25  }
0xa6: {  	s5 =	sshll.u32 s26, $0x1;
	_ =	strace $0x80000049;
	[dreg:$0x1] =	wrdreg $0xFFFFFFFF  }
0xa7: {  	s28 =	simm.s32 $_size_execute0_lowered;
	s3 =	sadd.s32 s3, s5;
	[dreg:$0x0] =	wrdreg $0x0  }
0xa8: {  	s5 =	sshll.u32 s28, $0x1;
	[dreg:$0x2] =	wrdreg s3  }
0xa9: {  	[dreg:$0x3] =	wrdreg s5  }
0xaa: {  	[dreg:$0x4] =	wrdreg $0xC0  }
0xab: {  	_ =	task [dreg:s7], $0x5FFFF  }
0xac: {  	[dreg:$0x1] =	wrdreg $0xFFFFFFFF  }
0xad: {  	[dreg:$0x0] =	wrdreg $0x60  }
0xae: {  	[dreg:$0x2] =	wrdreg s24  }
0xaf: {  	[dreg:$0x3] =	wrdreg s2  }
0xb0: {  	[dreg:$0x4] =	wrdreg $0x9  }
0xb1: {  	_ =	task.clear_ibuf [dreg:s7], $0x5FFFF;
	_ =	strace $0x90000049  }
0xb2: {  	s29 =	simm.s32 $0x9;
	_ =	strace $0x8000004B  }
0xb3: {  	_ =	swait.ge [sflag:s29], $0x1  }
0xb4: {  	[sflag:s29] =	ssyncadd.s32 $0xFFFFFFFF  }
0xb5: {  	_ =	strace $0x9000004B  }
0xb6: {  	_ =	sfence  }
0xb7: {  	s30 =	sld [smem:$0x0];
	_ =	sdelay $0x2  }
0xb8: {  	s31 =	sshll.u32 s1, $0xD;
	s1 =	sshrl.u32 s1, $0x2  }
0xb9: {  	s3 =	sand.u32 $0x4000, s31;
	s1 =	sadd.s32 s1, s30  }
0xba: {  	s0 =	sor.u32 s3, s0;
	s1 =	sshll.u32 s1, $0x11  }
0xbb: {  	s0 =	sor.u32 s1, s0  }
0xbc: {  	s0 =	sadd.s32 $0x8F2B, s0  }
0xbd: {  	[sflag:s0] =	ssyncadd.remote.s32 $0x1  }
0xbe: {  	_ =	sfence.sel $0xFFFF  }
0xbf: {  	[dreg:$0x0] =	wrdreg $0xFFFFFFFF;
	(pc) =	sbr.abs _section_cstart, $3  }
0xc0: {  	[dreg:$0x1] =	wrdreg $0xFFFFFFFF  }
0xc1: {  	_ =	task.clear_ibuf [dreg:s7], $0x2FFFF;
	_ =	strace $0x9FFFFFFF  }
0xc2: {  	(tm) =	ssettm $0x7FFFFFFF  }
0xc3: {  	_ =	shalt  }
tec
execute0_lowered:
.L_overlay_start_1:
0x0: {  	(tag) =	ssettag $0x1  }
0x1: {  	s0 =	rddreg [dreg:$0x0]  }
0x2: {  	s1 =	srdreg.scid;
	s3 =	stileid.u32  }
0x3: {  	s2 =	rddreg [dreg:$0x1];
	s19 =	simm.s32 $0x68;
	s20 =	simm.s32 $0x4  }
0x4: {  	s21 =	simm.s32 $0x50;
	s22 =	simm.s32 $0x1;
	s28 =	simm.s32 $0x10040  }
0x5: {  	s31 =	simm.s32 $0x12D40;
	s1 =	sand.u32 $0x1, s1;
	s4 =	sshll.u32 s3, $0x1  }
0x6: {  	s18 =	simm.s32 $0x13240;
	s14 =	simm.s32 $0x0;
	s7 =	sor.u32 s1, s4  }
0x7: {  	s3 =	simm.s32 $0x0;
	s1 =	ssub.s32 $0x2, s1;
	s10 =	smul.u32 $0x5140, s7  }
0x8: {  	s5 =	sadd.s32 $0x4F6600, s0;
	s6 =	sshrl.u32 s1, $0x1;
	s4 =	smul.u32 $0xC1C00, s7  }
0x9: {  	[smem:$0x7FF] =	sst s3;
	s1 =	ssub.s32 s1, s6;
	s6 =	smul.u32 $0x640, s7  }
0xa: {  	s25 =	sadd.s32 $0x34, s2;
	_ =	strace $0x8000004A;
	s7 =	smul.u32 $0x18380, s7  }
0xb: {  	s8 =	sadd.s32 s10, s0;
	s11 =	sshrl.u32 s4, $0x3;
	s30 =	smax.u32 s1, $0x1  }
0xc: {  	v0 =	vimm.s32 $0x45444342;
	s1 =	simm.s32 $0x2;
	s8 =	sadd.s32 $0xA8E800, s8;
	[dreg:$0xa] =	wrdreg s30  }
0xd: {  	v1 =	vunpack.c.0.s8.s32 v0;
	v0 =	vimm.s32 $0x49484746;
	s9 =	sadd.s32 $0x64, s6;
	s11 =	sadd.s32 s2, s11;
	[dreg:$0x3] =	wrdreg s8  }
0xe: {  	v5 =	vlaneseq.u32;
	vm0 =	vcmask $0xF00;
	v2 =	vunpack.c.0.s8.s32 v0;
	s7 =	sadd.s32 s7, s25;
	[dreg:$0x4] =	wrdreg s11;
	s24 =	smul.u32 $0x1F0, s9  }
0xf: {  	vm1 =	vcmask $0x1F10;
	v4 =	vimm.s32 $0x4B4A;
	v3 =	vnsel vm0, $0x0, v1;
	s8 =	sadd.s32 $0x60E00, s4;
	s13 =	smul.u32 $0xD, s9;
	[dreg:$0x7] =	wrdreg s7  }
0x10: {  	v6 =	vimm.s32 $0x47464544;
	v2 =	vsel vm1, v2, v3;
	v3 =	vimm.s32 $0x43424140;
	s7 =	simm.s32 $0x170C0;
	s11 =	simm.s32 $0x19000;
	s12 =	sshrl.u32 s8, $0x3  }
0x11: {  	v7 =	vimm.s32 $0x4948;
	vm15 =	vcmask $0x2F20;
	v3 =	vunpack.c.0.s8.s32 v3;
	s23 =	sadd.s32 s2, s12;
	s12 =	sadd.s32 $0x9EC003, s0;
	s26 =	sshrl.u32 s24, $0x3  }
0x12: {  	v4 =	vunpack.c.0.s8.s32 v4;
	v6 =	vunpack.c.0.s8.s32 v6;
	v7 =	vunpack.c.0.s8.s32 v7;
	s24 =	simm.s32 $0x10;
	[dreg:$0x5] =	wrdreg s23;
	s10 =	sadd.s32 s10, s12  }
0x13: {  	v0 =	vmul.u32 $0x20, v5;
	v1 =	vadd.s32 $0x2, v5;
	v8 =	vnsel vm0, $0x0, v3;
	s29 =	sadd.s32 s13, s12;
	s0 =	sadd.s32 s26, s25;
	[dreg:$0x6] =	wrdreg s10  }
0x14: {  	v2 =	vsel vm15, v4, v2;
	v4 =	vadd.s32 $0x22, v5;
	v6 =	vsel vm1, v6, v8;
	s23 =	simm.s32 $0xCE40;
	s25 =	simm.s32 $0x1F0;
	[dreg:$0x8] =	wrdreg s29  }
0x15: {  	v3 =	vadd.s32 $0x12, v5;
	v5 =	vadd.s32 $0x32, v5;
	v6 =	vsel vm15, v7, v6;
	[dreg:$0x9] =	wrdreg s0;
	s0 =	simm.s32 $0x3;
	s10 =	simm.s32 $0x15180  }
.LBB2_1:
0x16: {  	v7 =	vmov s3  }
0x17: {  	[dreg:$0xb] =	wrdreg s14;
	v7 =	vshll.u32 v7, $0x5  }
0x18: {  	s13 =	rddreg [dreg:$0x3];
	s26 =	simm.s32 $0x20;
	s29 =	smul.u32 $0xCD, s3;
	v7 =	vor.u32 v0, v7  }
0x19: {  	[tilespmem:s3], [sflag:$0x4] =	stream.strided.gather [hbm4b:s13+s26], $0xC800, s19, s26, $0x38;
	[tilespmem:$0x1AF40] =	vst v63  }
0x1a: {  	_ =	swait.ge [sflag:s20], $0xC800  }
0x1b: {  	s14 =	simm.s32 $0x10;
	s30 =	sshrl.u32 s29, $0xA;
	[sflag:s20] =	ssyncset.done $0x0  }
0x1c: {  	s15 =	simm.s32 $0x2;
	s17 =	sand.u32 $0x3F, s30;
	[sflag:s20] =	ssyncadd.s32 $0xFFFF3800  }
0x1d: {  	s16 =	simm.s32 $0x0;
	s13 =	simm.s32 $0x1;
	v8 =	vmov s14;
	s26 =	smul.u32 $0x5, s17;
	v7 =	vld.idx.msk [tilespmem:v7+s3+$0x0], $0xffff  }
.LBB2_2:
0x1e: {  	p0 =	sne.s32 s15, $0x31  }
0x1f: {  	v8 =	vshll.u32 v8, $0x5;
	s17 =	smul.u32 $0x140, s17;
	s26 =	ssub.s32 s16, s26;
	s16 =	smov.u32 s13  }
0x20: {  	v9 =	vor.u32 v0, v8;
	s29 =	smul.u32 $0xCD, s16  }
.Ltmp0:
0x21: {  	s13 =	sand.u32 $0xFF, s26;
	(pc) =	sbr.rel @p0 .LBB2_2-.Ltmp0, $4  }
0x22: {  	s17 =	sshrl.u32 s17, $0x2;
	s26 =	sshll.u32 s13, $0x4;
	s13 =	smov.u32 s15  }
0x23: {  	s29 =	sshrl.u32 s29, $0xA;
	s26 =	sadd.s32 s26, s17  }
0x24: {  	s14 =	sadd.s32 $0x10, s14;
	s17 =	sand.u32 $0x3F, s29;
	[tilespmem:s26+$0xC800] =	vst v7  }
0x25: {  	v8 =	vmov s14;
	s15 =	sadd.s32 $0x1, s15;
	v7 =	vld.idx.msk [tilespmem:v9+s3+$0x0], $0xffff;
	s26 =	smul.u32 $0x5, s17  }
0x26: {  	v8 =	vshll.u32 v8, $0x5;
	s14 =	smul.u32 $0x140, s17  }
0x27: {  	v8 =	vor.u32 v0, v8;
	s15 =	ssub.s32 s16, s26;
	s26 =	smul.u32 $0xCD, s13  }
0x28: {  	s15 =	sand.u32 $0xFF, s15  }
0x29: {  	s14 =	sshrl.u32 s14, $0x2;
	s15 =	sshll.u32 s15, $0x4;
	s16 =	sshrl.u32 s26, $0xA  }
0x2a: {  	s14 =	sadd.s32 s15, s14;
	s29 =	sand.u32 $0x3F, s16  }
0x2b: {  	[tilespmem:s14+$0xC800] =	vst v7;
	s30 =	smul.u32 $0x5, s29  }
0x2c: {  	v7 =	vld.idx.msk [tilespmem:v8+s3+$0x0], $0xffff  }
0x2d: {  	s15 =	smul.u32 $0x140, s29;
	s14 =	ssub.s32 s13, s30  }
0x2e: {  	s13 =	sand.u32 $0xFF, s14  }
0x2f: {  	s14 =	sshrl.u32 s15, $0x2;
	s13 =	sshll.u32 s13, $0x4  }
0x30: {  	s13 =	sadd.s32 s13, s14  }
0x31: {  	s16 =	simm.s32 $0xC800;
	[tilespmem:s13+$0xC800] =	vst v7  }
0x32: {  	[tilespmem:s23], [sflag:$0x1] =	stream.indirect.gather [hbm4b:s5+s21], $0x10, s16, s21, $0xb8;
	[tilespmem:$0x1AF40] =	vst v63  }
0x33: {  	s17 =	simm.s32 $0xC850;
	s26 =	simm.s32 $0xD340  }
0x34: {  	[tilespmem:s26], [sflag:$0x1] =	stream.indirect.gather [hbm4b:s5+s21], $0x10, s17, s21, $0xb8;
	[tilespmem:$0x1AF40] =	vst v63  }
0x35: {  	s29 =	simm.s32 $0xC8A0;
	s30 =	simm.s32 $0xD840  }
0x36: {  	[tilespmem:s30], [sflag:$0x1] =	stream.indirect.gather [hbm4b:s5+s21], $0x10, s29, s21, $0xb8;
	[tilespmem:$0x1AF40] =	vst v63  }
0x37: {  	s15 =	simm.s32 $0xC8F0;
	s16 =	simm.s32 $0xDD40  }
0x38: {  	[tilespmem:s16], [sflag:$0x1] =	stream.indirect.gather [hbm4b:s5+s21], $0x10, s15, s21, $0xb8;
	[tilespmem:$0x1AF40] =	vst v63  }
0x39: {  	s17 =	simm.s32 $0xC940;
	s26 =	simm.s32 $0xE240  }
0x3a: {  	[tilespmem:s26], [sflag:$0x1] =	stream.indirect.gather [hbm4b:s5+s21], $0x10, s17, s21, $0xb8;
	[tilespmem:$0x1AF40] =	vst v63  }
0x3b: {  	s29 =	simm.s32 $0xC990;
	s30 =	simm.s32 $0xE740  }
0x3c: {  	[tilespmem:s30], [sflag:$0x1] =	stream.indirect.gather [hbm4b:s5+s21], $0x10, s29, s21, $0xb8;
	[tilespmem:$0x1AF40] =	vst v63  }
0x3d: {  	s15 =	simm.s32 $0xC9E0;
	s16 =	simm.s32 $0xEC40  }
0x3e: {  	[tilespmem:s16], [sflag:$0x1] =	stream.indirect.gather [hbm4b:s5+s21], $0x10, s15, s21, $0xb8;
	[tilespmem:$0x1AF40] =	vst v63  }
0x3f: {  	s17 =	simm.s32 $0xCA30;
	s26 =	simm.s32 $0xF140  }
0x40: {  	[tilespmem:s26], [sflag:$0x1] =	stream.indirect.gather [hbm4b:s5+s21], $0x10, s17, s21, $0xb8;
	[tilespmem:$0x1AF40] =	vst v63  }
0x41: {  	s29 =	simm.s32 $0xCA80;
	s30 =	simm.s32 $0xF640  }
0x42: {  	[tilespmem:s30], [sflag:$0x1] =	stream.indirect.gather [hbm4b:s5+s21], $0x10, s29, s21, $0xb8;
	[tilespmem:$0x1AF40] =	vst v63  }
0x43: {  	s15 =	simm.s32 $0xCAD0;
	s16 =	simm.s32 $0xFB40  }
0x44: {  	[tilespmem:s16], [sflag:$0x1] =	stream.indirect.gather [hbm4b:s5+s21], $0x10, s15, s21, $0xb8;
	[tilespmem:$0x1AF40] =	vst v63  }
0x45: {  	_ =	swait.ge [sflag:s22], $0x500  }
0x46: {  	[sflag:s22] =	ssyncset.done $0x0  }
0x47: {  	[sflag:s22] =	ssyncadd.s32 $0xFFFFFB00  }
0x48: {  	_ =	swait.ge [sflag:s22], $0x500  }
0x49: {  	[sflag:s22] =	ssyncset.done $0x0  }
0x4a: {  	[sflag:s22] =	ssyncadd.s32 $0xFFFFFB00  }
0x4b: {  	_ =	swait.ge [sflag:s22], $0x500  }
0x4c: {  	[sflag:s22] =	ssyncset.done $0x0  }
0x4d: {  	[sflag:s22] =	ssyncadd.s32 $0xFFFFFB00  }
0x4e: {  	_ =	swait.ge [sflag:s22], $0x500  }
0x4f: {  	[sflag:s22] =	ssyncset.done $0x0  }
0x50: {  	[sflag:s22] =	ssyncadd.s32 $0xFFFFFB00  }
0x51: {  	_ =	swait.ge [sflag:s22], $0x500  }
0x52: {  	[sflag:s22] =	ssyncset.done $0x0  }
0x53: {  	[sflag:s22] =	ssyncadd.s32 $0xFFFFFB00  }
0x54: {  	_ =	swait.ge [sflag:s22], $0x500  }
0x55: {  	[sflag:s22] =	ssyncset.done $0x0  }
0x56: {  	[sflag:s22] =	ssyncadd.s32 $0xFFFFFB00  }
0x57: {  	_ =	swait.ge [sflag:s22], $0x500  }
0x58: {  	[sflag:s22] =	ssyncset.done $0x0  }
0x59: {  	[sflag:s22] =	ssyncadd.s32 $0xFFFFFB00  }
0x5a: {  	_ =	swait.ge [sflag:s22], $0x500  }
0x5b: {  	[sflag:s22] =	ssyncset.done $0x0  }
0x5c: {  	s17 =	simm.s32 $0x320;
	[sflag:s22] =	ssyncadd.s32 $0xFFFFFB00  }
0x5d: {  	v7 =	vmov s17;
	_ =	swait.ge [sflag:s22], $0x500  }
0x5e: {  	s13 =	simm.s32 $0x0;
	v7 =	vshll.u32 v7, $0x5;
	[sflag:s22] =	ssyncset.done $0x0  }
0x5f: {  	s26 =	smul.u32 $0xCD, s13;
	v7 =	vor.u32 v0, v7;
	[sflag:s22] =	ssyncadd.s32 $0xFFFFFB00  }
0x60: {  	_ =	swait.ge [sflag:s22], $0x500  }
0x61: {  	s14 =	sshrl.u32 s26, $0xA;
	s30 =	simm.s32 $0x330;
	[sflag:s22] =	ssyncset.done $0x0  }
0x62: {  	s15 =	sand.u32 $0x3F, s14;
	s29 =	rddreg [dreg:$0x4];
	[sflag:s22] =	ssyncadd.s32 $0xFFFFFB00  }
0x63: {  	[hbm4b:s29+s24] =	stream.strided.scatter [tilespmem:s23], [sflag:$0x2], $0x3200, s25, s24, $0x38;
	[tilespmem:$0x1AF40] =	vst v63  }
0x64: {  	v8 =	vmov s30;
	s14 =	simm.s32 $0x340;
	s16 =	smul.u32 $0x5, s15;
	v7 =	vld.idx.msk [tilespmem:v7+s3+$0x0], $0xffff  }
.LBB2_4:
0x65: {  	p0 =	sne.s32 s14, $0x630  }
0x66: {  	v8 =	vshll.u32 v8, $0x5;
	s15 =	smul.u32 $0x140, s15;
	s16 =	ssub.s32 s13, s16;
	s13 =	sadd.s32 $0x1, s13  }
0x67: {  	v9 =	vor.u32 v0, v8;
	s17 =	smul.u32 $0xCD, s13  }
.Ltmp1:
0x68: {  	s16 =	sand.u32 $0xFF, s16;
	(pc) =	sbr.rel @p0 .LBB2_4-.Ltmp1, $4  }
0x69: {  	s15 =	sshrl.u32 s15, $0x2;
	s16 =	sshll.u32 s16, $0x4  }
0x6a: {  	s17 =	sshrl.u32 s17, $0xA;
	s16 =	sadd.s32 s16, s15  }
0x6b: {  	s15 =	sand.u32 $0x3F, s17;
	[tilespmem:s16+$0xCB20] =	vst v7  }
0x6c: {  	v8 =	vmov s14;
	s14 =	sadd.s32 $0x10, s14;
	v7 =	vld.idx.msk [tilespmem:v9+s3+$0x0], $0xffff;
	s16 =	smul.u32 $0x5, s15  }
0x6d: {  	v8 =	vshll.u32 v8, $0x5;
	s14 =	smul.u32 $0x140, s15;
	s15 =	sadd.s32 $0x1, s13  }
0x6e: {  	v8 =	vor.u32 v0, v8;
	s17 =	ssub.s32 s13, s16;
	s26 =	smul.u32 $0xCD, s15  }
0x6f: {  	s13 =	sand.u32 $0xFF, s17  }
0x70: {  	s14 =	sshrl.u32 s14, $0x2;
	s13 =	sshll.u32 s13, $0x4;
	s16 =	sshrl.u32 s26, $0xA  }
0x71: {  	s13 =	sadd.s32 s13, s14;
	s29 =	sand.u32 $0x3F, s16  }
0x72: {  	[tilespmem:s13+$0xCB20] =	vst v7;
	s30 =	smul.u32 $0x5, s29  }
0x73: {  	v7 =	vld.idx.msk [tilespmem:v8+s3+$0x0], $0xffff  }
0x74: {  	s14 =	smul.u32 $0x140, s29;
	s13 =	ssub.s32 s15, s30  }
0x75: {  	s13 =	sand.u32 $0xFF, s13  }
0x76: {  	s14 =	sshrl.u32 s14, $0x2;
	s13 =	sshll.u32 s13, $0x4  }
0x77: {  	s13 =	sadd.s32 s13, s14  }
0x78: {  	s14 =	simm.s32 $0xCB20;
	[tilespmem:s13+$0xCB20] =	vst v7  }
0x79: {  	[tilespmem:s28], [sflag:$0x1] =	stream.indirect.gather [hbm4b:s5+s21], $0x10, s14, s21, $0xb8;
	[tilespmem:$0x1AF40] =	vst v63  }
0x7a: {  	s16 =	simm.s32 $0x10540;
	s15 =	simm.s32 $0xCB70  }
0x7b: {  	[tilespmem:s16], [sflag:$0x1] =	stream.indirect.gather [hbm4b:s5+s21], $0x10, s15, s21, $0xb8;
	[tilespmem:$0x1AF40] =	vst v63  }
0x7c: {  	s17 =	simm.s32 $0xCBC0;
	s26 =	simm.s32 $0x10A40  }
0x7d: {  	[tilespmem:s26], [sflag:$0x1] =	stream.indirect.gather [hbm4b:s5+s21], $0x10, s17, s21, $0xb8;
	[tilespmem:$0x1AF40] =	vst v63  }
0x7e: {  	s29 =	simm.s32 $0xCC10;
	s30 =	simm.s32 $0x10F40  }
0x7f: {  	[tilespmem:s30], [sflag:$0x1] =	stream.indirect.gather [hbm4b:s5+s21], $0x10, s29, s21, $0xb8;
	[tilespmem:$0x1AF40] =	vst v63  }
0x80: {  	s15 =	simm.s32 $0xCC60;
	s16 =	simm.s32 $0x11440  }
0x81: {  	[tilespmem:s16], [sflag:$0x1] =	stream.indirect.gather [hbm4b:s5+s21], $0x10, s15, s21, $0xb8;
	[tilespmem:$0x1AF40] =	vst v63  }
0x82: {  	s17 =	simm.s32 $0xCCB0;
	s26 =	simm.s32 $0x11940  }
0x83: {  	[tilespmem:s26], [sflag:$0x1] =	stream.indirect.gather [hbm4b:s5+s21], $0x10, s17, s21, $0xb8;
	[tilespmem:$0x1AF40] =	vst v63  }
0x84: {  	s29 =	simm.s32 $0xCD00;
	s30 =	simm.s32 $0x11E40  }
0x85: {  	[tilespmem:s30], [sflag:$0x1] =	stream.indirect.gather [hbm4b:s5+s21], $0x10, s29, s21, $0xb8;
	[tilespmem:$0x1AF40] =	vst v63  }
0x86: {  	s15 =	simm.s32 $0xCD50;
	s16 =	simm.s32 $0x12340  }
0x87: {  	[tilespmem:s16], [sflag:$0x1] =	stream.indirect.gather [hbm4b:s5+s21], $0x10, s15, s21, $0xb8;
	[tilespmem:$0x1AF40] =	vst v63  }
0x88: {  	s17 =	simm.s32 $0xCDA0;
	s26 =	simm.s32 $0x12840  }
0x89: {  	[tilespmem:s26], [sflag:$0x1] =	stream.indirect.gather [hbm4b:s5+s21], $0x10, s17, s21, $0xb8;
	[tilespmem:$0x1AF40] =	vst v63  }
0x8a: {  	s13 =	simm.s32 $0x1;
	s29 =	simm.s32 $0xCDF0  }
0x8b: {  	[tilespmem:s31], [sflag:$0x1] =	stream.indirect.gather [hbm4b:s5+s21], $0x10, s29, s21, $0xb8;
	[tilespmem:$0x1AF40] =	vst v63  }
0x8c: {  	_ =	swait.ge [sflag:s13], $0x500  }
0x8d: {  	[sflag:s13] =	ssyncset.done $0x0  }
0x8e: {  	[sflag:s13] =	ssyncadd.s32 $0xFFFFFB00  }
0x8f: {  	_ =	swait.ge [sflag:s13], $0x500  }
0x90: {  	[sflag:s13] =	ssyncset.done $0x0  }
0x91: {  	[sflag:s13] =	ssyncadd.s32 $0xFFFFFB00  }
0x92: {  	_ =	swait.ge [sflag:s13], $0x500  }
0x93: {  	[sflag:s13] =	ssyncset.done $0x0  }
0x94: {  	[sflag:s13] =	ssyncadd.s32 $0xFFFFFB00  }
0x95: {  	_ =	swait.ge [sflag:s13], $0x500  }
0x96: {  	[sflag:s13] =	ssyncset.done $0x0  }
0x97: {  	[sflag:s13] =	ssyncadd.s32 $0xFFFFFB00  }
0x98: {  	_ =	swait.ge [sflag:s13], $0x500  }
0x99: {  	[sflag:s13] =	ssyncset.done $0x0  }
0x9a: {  	[sflag:s13] =	ssyncadd.s32 $0xFFFFFB00  }
0x9b: {  	_ =	swait.ge [sflag:s13], $0x500  }
0x9c: {  	[sflag:s13] =	ssyncset.done $0x0  }
0x9d: {  	[sflag:s13] =	ssyncadd.s32 $0xFFFFFB00  }
0x9e: {  	_ =	swait.ge [sflag:s13], $0x500  }
0x9f: {  	[sflag:s13] =	ssyncset.done $0x0  }
0xa0: {  	[sflag:s13] =	ssyncadd.s32 $0xFFFFFB00  }
0xa1: {  	_ =	swait.ge [sflag:s13], $0x500  }
0xa2: {  	[sflag:s13] =	ssyncset.done $0x0  }
0xa3: {  	[sflag:s13] =	ssyncadd.s32 $0xFFFFFB00  }
0xa4: {  	_ =	swait.ge [sflag:s13], $0x500  }
0xa5: {  	[sflag:s13] =	ssyncset.done $0x0  }
0xa6: {  	[sflag:s13] =	ssyncadd.s32 $0xFFFFFB00  }
0xa7: {  	_ =	swait.ge [sflag:s13], $0x500  }
0xa8: {  	[sflag:s13] =	ssyncset.done $0x0  }
0xa9: {  	s30 =	rddreg [dreg:$0x5];
	[sflag:s13] =	ssyncadd.s32 $0xFFFFFB00  }
0xaa: {  	[hbm4b:s30+s24] =	stream.strided.scatter [tilespmem:s28], [sflag:$0x3], $0x3200, s25, s24, $0x38;
	[tilespmem:$0x1AF40] =	vst v63  }
.LBB2_6:
0xab: {  	s14 =	simm.s32 $0x0  }
0xac: {  	v7 =	vmov s14  }
0xad: {  	v7 =	vshll.u32 v7, $0x5  }
0xae: {  	v8 =	vmov s13;
	v7 =	vor.u32 v0, v7  }
0xaf: {  	v9 =	vadd.s32 v8, v7;
	_ =	sdelay $0x1  }
0xb0: {  	_ =	swait.ge [sflag:s1], $0x3200;
	s15 =	smul.u32 $0xCD, s14  }
0xb1: {  	s17 =	smul.u32 $0x186A0, s13;
	[sflag:s1] =	ssyncset.done $0x0  }
0xb2: {  	s16 =	simm.s32 $0x10;
	[sflag:s1] =	ssyncadd.s32 $0xFFFFCE00;
	s26 =	sshrl.u32 s15, $0xA  }
0xb3: {  	v10 =	vmov s16;
	s15 =	simm.s32 $0x1;
	v7 =	vmov s17;
	s17 =	simm.s32 $0x2;
	s26 =	sand.u32 $0x3F, s26;
	v9 =	vld.idx.msk [tilespmem:v9+s3+$0x0], $0xffff  }
.LBB2_7:
0xb4: {  	p0 =	sne.s32 s17, $0x31;
	v10 =	vshll.u32 v10, $0x5;
	s29 =	smul.u32 $0x5, s26  }
0xb5: {  	v10 =	vor.u32 v0, v10  }
0xb6: {  	s26 =	smul.u32 $0x140, s26;
	v11 =	vadd.s32 v8, v10;
	s29 =	ssub.s32 s14, s29;
	s14 =	smov.u32 s15  }
.Ltmp2:
0xb7: {  	s15 =	smov.u32 s17;
	s29 =	sand.u32 $0xFF, s29;
	(pc) =	sbr.rel @p0 .LBB2_7-.Ltmp2, $4  }
0xb8: {  	s26 =	sshrl.u32 s26, $0x2;
	s30 =	smul.u32 $0xCD, s14;
	s29 =	sshll.u32 s29, $0x4  }
0xb9: {  	v9 =	vadd.s32 v7, v9;
	s26 =	sadd.s32 s29, s26  }
0xba: {  	s16 =	sadd.s32 $0x10, s16;
	s29 =	sshrl.u32 s30, $0xA;
	[tilespmem:s26+$0xC800] =	vst v9  }
0xbb: {  	v10 =	vmov s16;
	s17 =	sadd.s32 $0x1, s17;
	s26 =	sand.u32 $0x3F, s29;
	v9 =	vld.idx.msk [tilespmem:v11+s3+$0x0], $0xffff  }
0xbc: {  	v10 =	vshll.u32 v10, $0x5;
	s16 =	smul.u32 $0x5, s26  }
0xbd: {  	v10 =	vor.u32 v0, v10  }
0xbe: {  	s26 =	smul.u32 $0x140, s26;
	v10 =	vadd.s32 v8, v10;
	s14 =	ssub.s32 s14, s16  }
0xbf: {  	s17 =	smul.u32 $0xCD, s15;
	s14 =	sand.u32 $0xFF, s14  }
0xc0: {  	s16 =	sshrl.u32 s26, $0x2;
	s14 =	sshll.u32 s14, $0x4  }
0xc1: {  	s29 =	sshrl.u32 s17, $0xA;
	v9 =	vadd.s32 v7, v9;
	s14 =	sadd.s32 s14, s16  }
0xc2: {  	s30 =	sand.u32 $0x3F, s29;
	[tilespmem:s14+$0xC800] =	vst v9  }
0xc3: {  	s16 =	smul.u32 $0x5, s30;
	v9 =	vld.idx.msk [tilespmem:v10+s3+$0x0], $0xffff;
	_ =	sdelay $0x1  }
0xc4: {  	s14 =	smul.u32 $0x140, s30;
	s17 =	ssub.s32 s15, s16  }
0xc5: {  	s15 =	sand.u32 $0xFF, s17  }
0xc6: {  	s14 =	sshrl.u32 s14, $0x2;
	s15 =	sshll.u32 s15, $0x4  }
0xc7: {  	s14 =	sadd.s32 s15, s14;
	v9 =	vadd.s32 v7, v9  }
0xc8: {  	s26 =	simm.s32 $0xC800;
	[tilespmem:s14+$0xC800] =	vst v9  }
0xc9: {  	[tilespmem:s23], [sflag:$0x1] =	stream.indirect.gather [hbm4b:s5+s21], $0x10, s26, s21, $0xb8;
	[tilespmem:$0x1AF40] =	vst v63  }
0xca: {  	s29 =	simm.s32 $0xC850;
	s30 =	simm.s32 $0xD340  }
0xcb: {  	[tilespmem:s30], [sflag:$0x1] =	stream.indirect.gather [hbm4b:s5+s21], $0x10, s29, s21, $0xb8;
	[tilespmem:$0x1AF40] =	vst v63  }
0xcc: {  	s16 =	simm.s32 $0xD840;
	s15 =	simm.s32 $0xC8A0  }
0xcd: {  	[tilespmem:s16], [sflag:$0x1] =	stream.indirect.gather [hbm4b:s5+s21], $0x10, s15, s21, $0xb8;
	[tilespmem:$0x1AF40] =	vst v63  }
0xce: {  	s17 =	simm.s32 $0xC8F0;
	s26 =	simm.s32 $0xDD40  }
0xcf: {  	[tilespmem:s26], [sflag:$0x1] =	stream.indirect.gather [hbm4b:s5+s21], $0x10, s17, s21, $0xb8;
	[tilespmem:$0x1AF40] =	vst v63  }
0xd0: {  	s29 =	simm.s32 $0xC940;
	s30 =	simm.s32 $0xE240  }
0xd1: {  	[tilespmem:s30], [sflag:$0x1] =	stream.indirect.gather [hbm4b:s5+s21], $0x10, s29, s21, $0xb8;
	[tilespmem:$0x1AF40] =	vst v63  }
0xd2: {  	s15 =	simm.s32 $0xC990;
	s16 =	simm.s32 $0xE740  }
0xd3: {  	[tilespmem:s16], [sflag:$0x1] =	stream.indirect.gather [hbm4b:s5+s21], $0x10, s15, s21, $0xb8;
	[tilespmem:$0x1AF40] =	vst v63  }
0xd4: {  	s17 =	simm.s32 $0xC9E0;
	s26 =	simm.s32 $0xEC40  }
0xd5: {  	[tilespmem:s26], [sflag:$0x1] =	stream.indirect.gather [hbm4b:s5+s21], $0x10, s17, s21, $0xb8;
	[tilespmem:$0x1AF40] =	vst v63  }
0xd6: {  	s29 =	simm.s32 $0xCA30;
	s30 =	simm.s32 $0xF140  }
0xd7: {  	[tilespmem:s30], [sflag:$0x1] =	stream.indirect.gather [hbm4b:s5+s21], $0x10, s29, s21, $0xb8;
	[tilespmem:$0x1AF40] =	vst v63  }
0xd8: {  	s15 =	simm.s32 $0xCA80;
	s16 =	simm.s32 $0xF640  }
0xd9: {  	[tilespmem:s16], [sflag:$0x1] =	stream.indirect.gather [hbm4b:s5+s21], $0x10, s15, s21, $0xb8;
	[tilespmem:$0x1AF40] =	vst v63  }
0xda: {  	s17 =	simm.s32 $0xCAD0;
	s26 =	simm.s32 $0xFB40  }
0xdb: {  	[tilespmem:s26], [sflag:$0x1] =	stream.indirect.gather [hbm4b:s5+s21], $0x10, s17, s21, $0xb8;
	[tilespmem:$0x1AF40] =	vst v63  }
0xdc: {  	_ =	swait.ge [sflag:s22], $0x500  }
0xdd: {  	[sflag:s22] =	ssyncset.done $0x0  }
0xde: {  	[sflag:s22] =	ssyncadd.s32 $0xFFFFFB00  }
0xdf: {  	_ =	swait.ge [sflag:s22], $0x500  }
0xe0: {  	[sflag:s22] =	ssyncset.done $0x0  }
0xe1: {  	[sflag:s22] =	ssyncadd.s32 $0xFFFFFB00  }
0xe2: {  	_ =	swait.ge [sflag:s22], $0x500  }
0xe3: {  	[sflag:s22] =	ssyncset.done $0x0  }
0xe4: {  	[sflag:s22] =	ssyncadd.s32 $0xFFFFFB00  }
0xe5: {  	_ =	swait.ge [sflag:s22], $0x500  }
0xe6: {  	[sflag:s22] =	ssyncset.done $0x0  }
0xe7: {  	[sflag:s22] =	ssyncadd.s32 $0xFFFFFB00  }
0xe8: {  	_ =	swait.ge [sflag:s22], $0x500  }
0xe9: {  	[sflag:s22] =	ssyncset.done $0x0  }
0xea: {  	[sflag:s22] =	ssyncadd.s32 $0xFFFFFB00  }
0xeb: {  	_ =	swait.ge [sflag:s22], $0x500  }
0xec: {  	[sflag:s22] =	ssyncset.done $0x0  }
0xed: {  	[sflag:s22] =	ssyncadd.s32 $0xFFFFFB00  }
0xee: {  	_ =	swait.ge [sflag:s22], $0x500  }
0xef: {  	[sflag:s22] =	ssyncset.done $0x0  }
0xf0: {  	[sflag:s22] =	ssyncadd.s32 $0xFFFFFB00  }
0xf1: {  	_ =	swait.ge [sflag:s22], $0x500  }
0xf2: {  	[sflag:s22] =	ssyncset.done $0x0  }
0xf3: {  	[sflag:s22] =	ssyncadd.s32 $0xFFFFFB00  }
0xf4: {  	_ =	swait.ge [sflag:s22], $0x500  }
0xf5: {  	[sflag:s22] =	ssyncset.done $0x0  }
0xf6: {  	s14 =	sshll.u32 s13, $0x4;
	s29 =	simm.s32 $0x320;
	[sflag:s22] =	ssyncadd.s32 $0xFFFFFB00  }
0xf7: {  	s30 =	sor.u32 s4, s14;
	v9 =	vmov s29;
	_ =	swait.ge [sflag:s22], $0x500  }
0xf8: {  	v9 =	vshll.u32 v9, $0x5;
	s17 =	sshrl.u32 s30, $0x3;
	[sflag:s22] =	ssyncset.done $0x0  }
0xf9: {  	v9 =	vor.u32 v0, v9;
	s15 =	sadd.s32 s2, s17;
	[sflag:s22] =	ssyncadd.s32 $0xFFFFFB00  }
0xfa: {  	v9 =	vadd.s32 v8, v9;
	[hbm4b:s15+s24] =	stream.strided.scatter [tilespmem:s23], [sflag:$0x2], $0x3200, s25, s24, $0x38;
	[tilespmem:$0x1AF40] =	vst v63  }
0xfb: {  	s15 =	simm.s32 $0x0  }
0xfc: {  	_ =	swait.ge [sflag:s0], $0x3200;
	s26 =	smul.u32 $0xCD, s15  }
0xfd: {  	[sflag:s0] =	ssyncset.done $0x0  }
0xfe: {  	s29 =	simm.s32 $0x330;
	[sflag:s0] =	ssyncadd.s32 $0xFFFFCE00;
	s30 =	sshrl.u32 s26, $0xA  }
0xff: {  	v10 =	vmov s29;
	s16 =	simm.s32 $0x340;
	v9 =	vld.idx.msk [tilespmem:v9+s3+$0x0], $0xffff;
	s17 =	sand.u32 $0x3F, s30  }
.LBB2_9:
0x100: {  	p0 =	sne.s32 s16, $0x630;
	v10 =	vshll.u32 v10, $0x5;
	s26 =	smul.u32 $0x5, s17  }
0x101: {  	v10 =	vor.u32 v0, v10  }
0x102: {  	s17 =	smul.u32 $0x140, s17;
	v11 =	vadd.s32 v8, v10;
	s26 =	ssub.s32 s15, s26  }
.Ltmp3:
0x103: {  	s15 =	sadd.s32 $0x1, s15;
	s26 =	sand.u32 $0xFF, s26;
	(pc) =	sbr.rel @p0 .LBB2_9-.Ltmp3, $4  }
0x104: {  	s17 =	sshrl.u32 s17, $0x2;
	s29 =	smul.u32 $0xCD, s15;
	s26 =	sshll.u32 s26, $0x4  }
0x105: {  	v9 =	vadd.s32 v7, v9;
	s17 =	sadd.s32 s26, s17  }
0x106: {  	s26 =	sshrl.u32 s29, $0xA;
	[tilespmem:s17+$0xCB20] =	vst v9  }
0x107: {  	v10 =	vmov s16;
	s16 =	sadd.s32 $0x10, s16;
	s17 =	sand.u32 $0x3F, s26;
	v9 =	vld.idx.msk [tilespmem:v11+s3+$0x0], $0xffff  }
0x108: {  	v10 =	vshll.u32 v10, $0x5;
	s16 =	smul.u32 $0x5, s17  }
0x109: {  	v10 =	vor.u32 v0, v10  }
0x10a: {  	s30 =	smul.u32 $0x140, s17;
	v8 =	vadd.s32 v8, v10;
	s16 =	ssub.s32 s15, s16;
	s15 =	sadd.s32 $0x1, s15  }
0x10b: {  	s16 =	sand.u32 $0xFF, s16;
	s26 =	smul.u32 $0xCD, s15  }
0x10c: {  	s17 =	sshrl.u32 s30, $0x2;
	s16 =	sshll.u32 s16, $0x4  }
0x10d: {  	v9 =	vadd.s32 v7, v9;
	s16 =	sadd.s32 s16, s17;
	s29 =	sshrl.u32 s26, $0xA  }
0x10e: {  	[tilespmem:s16+$0xCB20] =	vst v9;
	s30 =	sand.u32 $0x3F, s29  }
0x10f: {  	v8 =	vld.idx.msk [tilespmem:v8+s3+$0x0], $0xffff;
	s17 =	smul.u32 $0x5, s30;
	_ =	sdelay $0x1  }
0x110: {  	s16 =	smul.u32 $0x140, s30;
	s15 =	ssub.s32 s15, s17  }
0x111: {  	s15 =	sand.u32 $0xFF, s15  }
0x112: {  	s16 =	sshrl.u32 s16, $0x2;
	s15 =	sshll.u32 s15, $0x4  }
0x113: {  	s15 =	sadd.s32 s15, s16;
	v7 =	vadd.s32 v7, v8  }
0x114: {  	s16 =	simm.s32 $0xCB20;
	[tilespmem:s15+$0xCB20] =	vst v7  }
0x115: {  	[tilespmem:s28], [sflag:$0x1] =	stream.indirect.gather [hbm4b:s5+s21], $0x10, s16, s21, $0xb8;
	[tilespmem:$0x1AF40] =	vst v63  }
0x116: {  	s26 =	simm.s32 $0x10540;
	s17 =	simm.s32 $0xCB70  }
0x117: {  	[tilespmem:s26], [sflag:$0x1] =	stream.indirect.gather [hbm4b:s5+s21], $0x10, s17, s21, $0xb8;
	[tilespmem:$0x1AF40] =	vst v63  }
0x118: {  	s29 =	simm.s32 $0xCBC0;
	s30 =	simm.s32 $0x10A40  }
0x119: {  	[tilespmem:s30], [sflag:$0x1] =	stream.indirect.gather [hbm4b:s5+s21], $0x10, s29, s21, $0xb8;
	[tilespmem:$0x1AF40] =	vst v63  }
0x11a: {  	s17 =	simm.s32 $0xCC10;
	s26 =	simm.s32 $0x10F40  }
0x11b: {  	[tilespmem:s26], [sflag:$0x1] =	stream.indirect.gather [hbm4b:s5+s21], $0x10, s17, s21, $0xb8;
	[tilespmem:$0x1AF40] =	vst v63  }
0x11c: {  	s29 =	simm.s32 $0xCC60;
	s30 =	simm.s32 $0x11440  }
0x11d: {  	[tilespmem:s30], [sflag:$0x1] =	stream.indirect.gather [hbm4b:s5+s21], $0x10, s29, s21, $0xb8;
	[tilespmem:$0x1AF40] =	vst v63  }
0x11e: {  	s17 =	simm.s32 $0xCCB0;
	s26 =	simm.s32 $0x11940  }
0x11f: {  	[tilespmem:s26], [sflag:$0x1] =	stream.indirect.gather [hbm4b:s5+s21], $0x10, s17, s21, $0xb8;
	[tilespmem:$0x1AF40] =	vst v63  }
0x120: {  	s29 =	simm.s32 $0xCD00;
	s30 =	simm.s32 $0x11E40  }
0x121: {  	[tilespmem:s30], [sflag:$0x1] =	stream.indirect.gather [hbm4b:s5+s21], $0x10, s29, s21, $0xb8;
	[tilespmem:$0x1AF40] =	vst v63  }
0x122: {  	s16 =	simm.s32 $0xCD50;
	s17 =	simm.s32 $0x12340  }
0x123: {  	[tilespmem:s17], [sflag:$0x1] =	stream.indirect.gather [hbm4b:s5+s21], $0x10, s16, s21, $0xb8;
	[tilespmem:$0x1AF40] =	vst v63  }
0x124: {  	s26 =	simm.s32 $0xCDA0;
	s29 =	simm.s32 $0x12840  }
0x125: {  	[tilespmem:s29], [sflag:$0x1] =	stream.indirect.gather [hbm4b:s5+s21], $0x10, s26, s21, $0xb8;
	[tilespmem:$0x1AF40] =	vst v63  }
0x126: {  	s30 =	simm.s32 $0xCDF0  }
0x127: {  	[tilespmem:s31], [sflag:$0x1] =	stream.indirect.gather [hbm4b:s5+s21], $0x10, s30, s21, $0xb8;
	[tilespmem:$0x1AF40] =	vst v63  }
0x128: {  	_ =	swait.ge [sflag:s22], $0x500  }
0x129: {  	[sflag:s22] =	ssyncset.done $0x0  }
0x12a: {  	[sflag:s22] =	ssyncadd.s32 $0xFFFFFB00  }
0x12b: {  	_ =	swait.ge [sflag:s22], $0x500  }
0x12c: {  	[sflag:s22] =	ssyncset.done $0x0  }
0x12d: {  	[sflag:s22] =	ssyncadd.s32 $0xFFFFFB00  }
0x12e: {  	_ =	swait.ge [sflag:s22], $0x500  }
0x12f: {  	[sflag:s22] =	ssyncset.done $0x0  }
0x130: {  	[sflag:s22] =	ssyncadd.s32 $0xFFFFFB00  }
0x131: {  	_ =	swait.ge [sflag:s22], $0x500  }
0x132: {  	[sflag:s22] =	ssyncset.done $0x0  }
0x133: {  	[sflag:s22] =	ssyncadd.s32 $0xFFFFFB00  }
0x134: {  	_ =	swait.ge [sflag:s22], $0x500  }
0x135: {  	[sflag:s22] =	ssyncset.done $0x0  }
0x136: {  	[sflag:s22] =	ssyncadd.s32 $0xFFFFFB00  }
0x137: {  	_ =	swait.ge [sflag:s22], $0x500  }
0x138: {  	[sflag:s22] =	ssyncset.done $0x0  }
0x139: {  	[sflag:s22] =	ssyncadd.s32 $0xFFFFFB00  }
0x13a: {  	_ =	swait.ge [sflag:s22], $0x500  }
0x13b: {  	[sflag:s22] =	ssyncset.done $0x0  }
0x13c: {  	[sflag:s22] =	ssyncadd.s32 $0xFFFFFB00  }
0x13d: {  	_ =	swait.ge [sflag:s22], $0x500  }
0x13e: {  	[sflag:s22] =	ssyncset.done $0x0  }
0x13f: {  	[sflag:s22] =	ssyncadd.s32 $0xFFFFFB00  }
0x140: {  	s13 =	sadd.s32 $0x1, s13;
	_ =	swait.ge [sflag:s22], $0x500  }
0x141: {  	p0 =	sne.s32 s13, $0x1A;
	[sflag:s22] =	ssyncset.done $0x0  }
.Ltmp4:
0x142: {  	[sflag:s22] =	ssyncadd.s32 $0xFFFFFB00;
	(pc) =	sbr.rel @p0 .LBB2_6-.Ltmp4, $4  }
0x143: {  	s14 =	sor.u32 s8, s14;
	_ =	swait.ge [sflag:s22], $0x500  }
0x144: {  	s14 =	sshrl.u32 s14, $0x3;
	[sflag:s22] =	ssyncset.done $0x0  }
0x145: {  	s14 =	sadd.s32 s2, s14;
	[sflag:s22] =	ssyncadd.s32 $0xFFFFFB00  }
0x146: {  	[hbm4b:s14+s24] =	stream.strided.scatter [tilespmem:s28], [sflag:$0x3], $0x3200, s25, s24, $0x38;
	[tilespmem:$0x1AF40] =	vst v63  }
0x147: {  	s13 =	simm.s32 $0x0  }
0x148: {  	v7 =	vmov s13  }
0x149: {  	v7 =	vmul.u32 $0x50, v7;
	_ =	sdelay $0x1  }
0x14a: {  	v7 =	vbroadcast v7, $0x0;
	_ =	sdelay $0x1  }
0x14b: {  	s30 =	rddreg [dreg:$0x6];
	v8 =	vadd.s32 v1, v7  }
0x14c: {  	[tilespmem:s18], [sflag:$0x4] =	stream.strided.gather [hbm4b:s30+s21], $0x1F40, s19, s21, $0x38;
	[tilespmem:$0x1AF40] =	vst v63  }
0x14d: {  	_ =	swait.ge [sflag:s20], $0x1F40  }
0x14e: {  	[sflag:s20] =	ssyncset.done $0x0  }
0x14f: {  	[sflag:s20] =	ssyncadd.s32 $0xFFFFE0C0  }
0x150: {  	v8 =	vld.idx.msk [tilespmem:v8+s18+$0x0], $0xffff  }
0x151: {  	v9 =	vadd.s32 v3, v7;
	_ =	sdelay $0x2  }
0x152: {  	s13 =	simm.s32 $0x170E0  }
0x153: {  	[tilespmem:s13+$0xFFFFFFE0] =	vst v8  }
0x154: {  	v8 =	vld.idx.msk [tilespmem:v9+s18+$0x0], $0xffff  }
0x155: {  	v9 =	vadd.s32 v4, v7;
	_ =	sdelay $0x3  }
0x156: {  	[tilespmem:s13+$0xFFFFFFF0] =	vst v8  }
0x157: {  	v8 =	vld.idx.msk [tilespmem:v9+s18+$0x0], $0xffff  }
0x158: {  	v9 =	vadd.s32 v5, v7;
	_ =	sdelay $0x3  }
0x159: {  	[tilespmem:s13+$0x0] =	vst v8  }
0x15a: {  	v9 =	vld.idx.msk [tilespmem:v9+s18+$0x0], $0xffff  }
0x15b: {  	v8 =	vadd.s32 v2, v7  }
0x15c: {  	s14 =	simm.s32 $0x1  }
0x15d: {  	v10 =	vmov s14;
	s14 =	simm.s32 $0x2  }
.LBB2_12:
0x15e: {  	p0 =	sne.s32 s14, $0x63;
	v10 =	vmul.u32 $0x50, v10  }
0x15f: {  	[tilespmem:s13+$0x10] =	vst v9  }
0x160: {  	v9 =	vbroadcast v10, $0x0;
	v8 =	vld.idx.msk [tilespmem:v8+s18+$0x0], $0x3ff  }
0x161: {  	v10 =	vadd.s32 v6, v7  }
0x162: {  	v11 =	vadd.s32 v1, v9;
	v7 =	vmov v9;
	_ =	sdelay $0x3  }
0x163: {  	[tilespmem:v10+s7+$0x0] =	vst.idx.msk $0x3ff, v8  }
0x164: {  	v8 =	vld.idx.msk [tilespmem:v11+s18+$0x0], $0xffff;
	_ =	sdelay $0x1  }
0x165: {  	v9 =	vadd.s32 v3, v7;
	_ =	sdelay $0x2  }
0x166: {  	s13 =	sadd.s32 $0x50, s13  }
0x167: {  	[tilespmem:s13+$0xFFFFFFE0] =	vst v8  }
0x168: {  	v8 =	vld.idx.msk [tilespmem:v9+s18+$0x0], $0xffff;
	_ =	sdelay $0x1  }
0x169: {  	v9 =	vadd.s32 v4, v7;
	_ =	sdelay $0x3  }
0x16a: {  	[tilespmem:s13+$0xFFFFFFF0] =	vst v8  }
0x16b: {  	v8 =	vld.idx.msk [tilespmem:v9+s18+$0x0], $0xffff;
	_ =	sdelay $0x1  }
0x16c: {  	v9 =	vadd.s32 v5, v7;
	_ =	sdelay $0x3  }
0x16d: {  	[tilespmem:s13+$0x0] =	vst v8  }
.Ltmp5:
0x16e: {  	v9 =	vld.idx.msk [tilespmem:v9+s18+$0x0], $0xffff;
	(pc) =	sbr.rel @p0 .LBB2_12-.Ltmp5, $3  }
0x16f: {  	_ = 	snop  }
0x170: {  	v8 =	vadd.s32 v2, v7;
	_ =	sdelay $0x1  }
0x171: {  	v10 =	vmov s14;
	s14 =	sadd.s32 $0x1, s14  }
0x172: {  	_ = 	snop  }
0x173: {  	v10 =	vmul.u32 $0x50, v10;
	_ =	sdelay $0x1  }
0x174: {  	[tilespmem:s13+$0x10] =	vst v9;
	v9 =	vbroadcast v10, $0x0  }
0x175: {  	v7 =	vadd.s32 v6, v7;
	v8 =	vld.idx.msk [tilespmem:v8+s18+$0x0], $0x3ff  }
0x176: {  	v10 =	vadd.s32 v1, v9;
	_ =	sdelay $0x3  }
0x177: {  	[tilespmem:v7+s7+$0x0] =	vst.idx.msk $0x3ff, v8  }
0x178: {  	v7 =	vld.idx.msk [tilespmem:v10+s18+$0x0], $0xffff  }
0x179: {  	v8 =	vadd.s32 v3, v9;
	_ =	sdelay $0x2  }
0x17a: {  	s17 =	sadd.s32 $0x50, s13  }
0x17b: {  	[tilespmem:s17+$0xFFFFFFE0] =	vst v7  }
0x17c: {  	v7 =	vld.idx.msk [tilespmem:v8+s18+$0x0], $0xffff  }
0x17d: {  	v8 =	vadd.s32 v4, v9;
	_ =	sdelay $0x3  }
0x17e: {  	[tilespmem:s17+$0xFFFFFFF0] =	vst v7  }
0x17f: {  	v7 =	vld.idx.msk [tilespmem:v8+s18+$0x0], $0xffff  }
0x180: {  	v8 =	vadd.s32 v5, v9;
	_ =	sdelay $0x3  }
0x181: {  	[tilespmem:s17+$0x0] =	vst v7  }
0x182: {  	v7 =	vld.idx.msk [tilespmem:v8+s18+$0x0], $0xffff  }
0x183: {  	v8 =	vadd.s32 v2, v9;
	_ =	sdelay $0x3  }
0x184: {  	[tilespmem:s17+$0x10] =	vst v7  }
0x185: {  	v7 =	vld.idx.msk [tilespmem:v8+s18+$0x0], $0x3ff;
	v8 =	vadd.s32 v6, v9;
	_ =	sdelay $0x3  }
0x186: {  	s26 =	simm.s32 $0x0  }
0x187: {  	[tilespmem:v8+s7+$0x0] =	vst.idx.msk $0x3ff, v7;
	v7 =	vmov s26  }
0x188: {  	_ =	swait.ge [sflag:s1], $0x3200;
	v7 =	vmul.u32 $0x50, v7  }
0x189: {  	[sflag:s1] =	ssyncset.done $0x0  }
0x18a: {  	s29 =	rddreg [dreg:$0x7];
	[sflag:s1] =	ssyncadd.s32 $0xFFFFCE00;
	v7 =	vbroadcast v7, $0x0  }
0x18b: {  	[hbm4b:s29+s21] =	stream.strided.scatter [tilespmem:s7], [sflag:$0x2], $0x1F40, s25, s21, $0x38;
	[tilespmem:$0x1AF40] =	vst v63  }
0x18c: {  	s30 =	rddreg [dreg:$0x8];
	v8 =	vadd.s32 v1, v7  }
0x18d: {  	[tilespmem:s10], [sflag:$0x4] =	stream.strided.gather [hbm4b:s30+s21], $0x1F40, s19, s21, $0x38;
	[tilespmem:$0x1AF40] =	vst v63  }
0x18e: {  	_ =	swait.ge [sflag:s20], $0x1F40  }
0x18f: {  	[sflag:s20] =	ssyncset.done $0x0  }
0x190: {  	[sflag:s20] =	ssyncadd.s32 $0xFFFFE0C0  }
0x191: {  	v8 =	vld.idx.msk [tilespmem:v8+s10+$0x0], $0xffff  }
0x192: {  	v9 =	vadd.s32 v3, v7;
	_ =	sdelay $0x2  }
0x193: {  	s13 =	simm.s32 $0x19020  }
0x194: {  	[tilespmem:s13+$0xFFFFFFE0] =	vst v8  }
0x195: {  	v8 =	vld.idx.msk [tilespmem:v9+s10+$0x0], $0xffff  }
0x196: {  	v9 =	vadd.s32 v4, v7;
	_ =	sdelay $0x3  }
0x197: {  	[tilespmem:s13+$0xFFFFFFF0] =	vst v8  }
0x198: {  	v8 =	vld.idx.msk [tilespmem:v9+s10+$0x0], $0xffff  }
0x199: {  	v9 =	vadd.s32 v5, v7;
	_ =	sdelay $0x3  }
0x19a: {  	[tilespmem:s13+$0x0] =	vst v8  }
0x19b: {  	v9 =	vld.idx.msk [tilespmem:v9+s10+$0x0], $0xffff  }
0x19c: {  	v8 =	vadd.s32 v2, v7  }
0x19d: {  	s14 =	simm.s32 $0x1  }
0x19e: {  	v10 =	vmov s14;
	s14 =	simm.s32 $0x2  }
.LBB2_14:
0x19f: {  	p0 =	sne.s32 s14, $0x63;
	v10 =	vmul.u32 $0x50, v10  }
0x1a0: {  	[tilespmem:s13+$0x10] =	vst v9  }
0x1a1: {  	v9 =	vbroadcast v10, $0x0;
	v8 =	vld.idx.msk [tilespmem:v8+s10+$0x0], $0x3ff  }
0x1a2: {  	v10 =	vadd.s32 v6, v7  }
0x1a3: {  	v11 =	vadd.s32 v1, v9;
	v7 =	vmov v9;
	_ =	sdelay $0x3  }
0x1a4: {  	[tilespmem:v10+s11+$0x0] =	vst.idx.msk $0x3ff, v8  }
0x1a5: {  	v8 =	vld.idx.msk [tilespmem:v11+s10+$0x0], $0xffff;
	_ =	sdelay $0x1  }
0x1a6: {  	v9 =	vadd.s32 v3, v7;
	_ =	sdelay $0x2  }
0x1a7: {  	s13 =	sadd.s32 $0x50, s13  }
0x1a8: {  	[tilespmem:s13+$0xFFFFFFE0] =	vst v8  }
0x1a9: {  	v8 =	vld.idx.msk [tilespmem:v9+s10+$0x0], $0xffff;
	_ =	sdelay $0x1  }
0x1aa: {  	v9 =	vadd.s32 v4, v7;
	_ =	sdelay $0x3  }
0x1ab: {  	[tilespmem:s13+$0xFFFFFFF0] =	vst v8  }
0x1ac: {  	v8 =	vld.idx.msk [tilespmem:v9+s10+$0x0], $0xffff;
	_ =	sdelay $0x1  }
0x1ad: {  	v9 =	vadd.s32 v5, v7;
	_ =	sdelay $0x3  }
0x1ae: {  	[tilespmem:s13+$0x0] =	vst v8  }
.Ltmp6:
0x1af: {  	v9 =	vld.idx.msk [tilespmem:v9+s10+$0x0], $0xffff;
	(pc) =	sbr.rel @p0 .LBB2_14-.Ltmp6, $3  }
0x1b0: {  	_ = 	snop  }
0x1b1: {  	v8 =	vadd.s32 v2, v7;
	_ =	sdelay $0x1  }
0x1b2: {  	v10 =	vmov s14;
	s14 =	sadd.s32 $0x1, s14  }
0x1b3: {  	_ = 	snop  }
0x1b4: {  	v10 =	vmul.u32 $0x50, v10;
	_ =	sdelay $0x1  }
0x1b5: {  	[tilespmem:s13+$0x10] =	vst v9;
	v63 =	vbroadcast v10, $0x0  }
0x1b6: {  	v7 =	vadd.s32 v6, v7;
	v8 =	vld.idx.msk [tilespmem:v8+s10+$0x0], $0x3ff  }
0x1b7: {  	v10 =	vadd.s32 v1, v63;
	_ =	sdelay $0x3  }
0x1b8: {  	[tilespmem:v7+s11+$0x0] =	vst.idx.msk $0x3ff, v8  }
0x1b9: {  	v7 =	vld.idx.msk [tilespmem:v10+s10+$0x0], $0xffff  }
0x1ba: {  	v8 =	vadd.s32 v3, v63;
	_ =	sdelay $0x2  }
0x1bb: {  	s29 =	sadd.s32 $0x50, s13  }
0x1bc: {  	[tilespmem:s29+$0xFFFFFFE0] =	vst v7  }
0x1bd: {  	v7 =	vld.idx.msk [tilespmem:v8+s10+$0x0], $0xffff  }
0x1be: {  	v8 =	vadd.s32 v4, v63;
	_ =	sdelay $0x3  }
0x1bf: {  	[tilespmem:s29+$0xFFFFFFF0] =	vst v7  }
0x1c0: {  	v7 =	vld.idx.msk [tilespmem:v8+s10+$0x0], $0xffff  }
0x1c1: {  	v8 =	vadd.s32 v5, v63;
	_ =	sdelay $0x3  }
0x1c2: {  	[tilespmem:s29+$0x0] =	vst v7  }
0x1c3: {  	v7 =	vld.idx.msk [tilespmem:v8+s10+$0x0], $0xffff  }
0x1c4: {  	v8 =	vadd.s32 v2, v63;
	_ =	sdelay $0x3  }
0x1c5: {  	[tilespmem:s29+$0x10] =	vst v7  }
0x1c6: {  	v7 =	vld.idx.msk [tilespmem:v8+s10+$0x0], $0x3ff;
	v8 =	vadd.s32 v6, v63;
	_ =	sdelay $0x4  }
0x1c7: {  	[tilespmem:v8+s11+$0x0] =	vst.idx.msk $0x3ff, v7  }
0x1c8: {  	_ =	swait.ge [sflag:s0], $0x3200  }
0x1c9: {  	[sflag:s0] =	ssyncset.done $0x0  }
0x1ca: {  	s13 =	simm.s32 $0x1;
	s30 =	rddreg [dreg:$0x9];
	[sflag:s0] =	ssyncadd.s32 $0xFFFFCE00  }
0x1cb: {  	[hbm4b:s30+s21] =	stream.strided.scatter [tilespmem:s11], [sflag:$0x3], $0x1F40, s25, s21, $0x38;
	[tilespmem:$0x1AF40] =	vst v63  }
.LBB2_16:
0x1cc: {  	s14 =	smul.u32 $0xC8, s13;
	_ =	sdelay $0x1  }
0x1cd: {  	s16 =	simm.s32 $0x0;
	s15 =	sadd.s32 s6, s14  }
0x1ce: {  	v7 =	vmov s16;
	s17 =	smul.u32 $0xD, s15  }
0x1cf: {  	v7 =	vmul.u32 $0x50, v7  }
0x1d0: {  	s29 =	sadd.s32 s17, s12  }
0x1d1: {  	v7 =	vbroadcast v7, $0x0;
	[tilespmem:s18], [sflag:$0x4] =	stream.strided.gather [hbm4b:s29+s21], $0x1F40, s19, s21, $0x38;
	[tilespmem:$0x1AF40] =	vst v63  }
0x1d2: {  	_ =	swait.ge [sflag:s20], $0x1F40  }
0x1d3: {  	v8 =	vadd.s32 v1, v7;
	[sflag:s20] =	ssyncset.done $0x0  }
0x1d4: {  	[sflag:s20] =	ssyncadd.s32 $0xFFFFE0C0  }
0x1d5: {  	_ =	swait.ge [sflag:s1], $0x1F40  }
0x1d6: {  	[sflag:s1] =	ssyncset.done $0x0  }
0x1d7: {  	[sflag:s1] =	ssyncadd.s32 $0xFFFFE0C0  }
0x1d8: {  	v8 =	vld.idx.msk [tilespmem:v8+s18+$0x0], $0xffff  }
0x1d9: {  	v9 =	vadd.s32 v3, v7;
	_ =	sdelay $0x2  }
0x1da: {  	s16 =	simm.s32 $0x170E0  }
0x1db: {  	[tilespmem:s16+$0xFFFFFFE0] =	vst v8  }
0x1dc: {  	v8 =	vld.idx.msk [tilespmem:v9+s18+$0x0], $0xffff  }
0x1dd: {  	v9 =	vadd.s32 v4, v7;
	_ =	sdelay $0x3  }
0x1de: {  	[tilespmem:s16+$0xFFFFFFF0] =	vst v8  }
0x1df: {  	v8 =	vld.idx.msk [tilespmem:v9+s18+$0x0], $0xffff  }
0x1e0: {  	v9 =	vadd.s32 v5, v7;
	_ =	sdelay $0x3  }
0x1e1: {  	[tilespmem:s16+$0x0] =	vst v8  }
0x1e2: {  	v9 =	vld.idx.msk [tilespmem:v9+s18+$0x0], $0xffff  }
0x1e3: {  	v8 =	vadd.s32 v2, v7  }
0x1e4: {  	s30 =	simm.s32 $0x1  }
0x1e5: {  	v10 =	vmov s30;
	s17 =	simm.s32 $0x2  }
.LBB2_17:
0x1e6: {  	p0 =	sne.s32 s17, $0x63;
	v10 =	vmul.u32 $0x50, v10  }
0x1e7: {  	[tilespmem:s16+$0x10] =	vst v9  }
0x1e8: {  	v9 =	vbroadcast v10, $0x0;
	v8 =	vld.idx.msk [tilespmem:v8+s18+$0x0], $0x3ff  }
0x1e9: {  	v10 =	vadd.s32 v6, v7  }
0x1ea: {  	v11 =	vadd.s32 v1, v9;
	v7 =	vmov v9;
	_ =	sdelay $0x3  }
0x1eb: {  	[tilespmem:v10+s7+$0x0] =	vst.idx.msk $0x3ff, v8  }
0x1ec: {  	v8 =	vld.idx.msk [tilespmem:v11+s18+$0x0], $0xffff;
	_ =	sdelay $0x1  }
0x1ed: {  	v9 =	vadd.s32 v3, v7;
	_ =	sdelay $0x2  }
0x1ee: {  	s16 =	sadd.s32 $0x50, s16  }
0x1ef: {  	[tilespmem:s16+$0xFFFFFFE0] =	vst v8  }
0x1f0: {  	v8 =	vld.idx.msk [tilespmem:v9+s18+$0x0], $0xffff;
	_ =	sdelay $0x1  }
0x1f1: {  	v9 =	vadd.s32 v4, v7;
	_ =	sdelay $0x3  }
0x1f2: {  	[tilespmem:s16+$0xFFFFFFF0] =	vst v8  }
0x1f3: {  	v8 =	vld.idx.msk [tilespmem:v9+s18+$0x0], $0xffff;
	_ =	sdelay $0x1  }
0x1f4: {  	v9 =	vadd.s32 v5, v7;
	_ =	sdelay $0x3  }
0x1f5: {  	[tilespmem:s16+$0x0] =	vst v8  }
.Ltmp7:
0x1f6: {  	v9 =	vld.idx.msk [tilespmem:v9+s18+$0x0], $0xffff;
	(pc) =	sbr.rel @p0 .LBB2_17-.Ltmp7, $3  }
0x1f7: {  	_ = 	snop  }
0x1f8: {  	v8 =	vadd.s32 v2, v7;
	_ =	sdelay $0x1  }
0x1f9: {  	v10 =	vmov s17;
	s17 =	sadd.s32 $0x1, s17  }
0x1fa: {  	_ = 	snop  }
0x1fb: {  	v10 =	vmul.u32 $0x50, v10;
	_ =	sdelay $0x1  }
0x1fc: {  	[tilespmem:s16+$0x10] =	vst v9;
	v9 =	vbroadcast v10, $0x0  }
0x1fd: {  	v7 =	vadd.s32 v6, v7;
	v8 =	vld.idx.msk [tilespmem:v8+s18+$0x0], $0x3ff  }
0x1fe: {  	v10 =	vadd.s32 v1, v9;
	_ =	sdelay $0x3  }
0x1ff: {  	[tilespmem:v7+s7+$0x0] =	vst.idx.msk $0x3ff, v8  }
0x200: {  	v7 =	vld.idx.msk [tilespmem:v10+s18+$0x0], $0xffff  }
0x201: {  	v8 =	vadd.s32 v3, v9;
	_ =	sdelay $0x2  }
0x202: {  	s30 =	sadd.s32 $0x50, s16  }
0x203: {  	[tilespmem:s30+$0xFFFFFFE0] =	vst v7  }
0x204: {  	v7 =	vld.idx.msk [tilespmem:v8+s18+$0x0], $0xffff  }
0x205: {  	v8 =	vadd.s32 v4, v9;
	_ =	sdelay $0x3  }
0x206: {  	[tilespmem:s30+$0xFFFFFFF0] =	vst v7  }
0x207: {  	v7 =	vld.idx.msk [tilespmem:v8+s18+$0x0], $0xffff  }
0x208: {  	v8 =	vadd.s32 v5, v9;
	_ =	sdelay $0x3  }
0x209: {  	[tilespmem:s30+$0x0] =	vst v7  }
0x20a: {  	v7 =	vld.idx.msk [tilespmem:v8+s18+$0x0], $0xffff  }
0x20b: {  	v8 =	vadd.s32 v2, v9;
	_ =	sdelay $0x3  }
0x20c: {  	[tilespmem:s30+$0x10] =	vst v7  }
0x20d: {  	v7 =	vld.idx.msk [tilespmem:v8+s18+$0x0], $0x3ff;
	v8 =	vadd.s32 v6, v9  }
0x20e: {  	s15 =	smul.u32 $0x1F0, s15;
	_ =	sdelay $0x1  }
0x20f: {  	s15 =	sshrl.u32 s15, $0x3  }
0x210: {  	s14 =	sadd.s32 s14, s9;
	s17 =	simm.s32 $0x0;
	s15 =	sadd.s32 s2, s15  }
0x211: {  	s26 =	smul.u32 $0xD, s14;
	s15 =	sadd.s32 $0x34, s15;
	[tilespmem:v8+s7+$0x0] =	vst.idx.msk $0x3ff, v7;
	v7 =	vmov s17  }
0x212: {  	[hbm4b:s15+s21] =	stream.strided.scatter [tilespmem:s7], [sflag:$0x2], $0x1F40, s25, s21, $0x38;
	v7 =	vmul.u32 $0x50, v7;
	[tilespmem:$0x1AF40] =	vst v63  }
0x213: {  	s29 =	sadd.s32 s26, s12  }
0x214: {  	[tilespmem:s10], [sflag:$0x4] =	stream.strided.gather [hbm4b:s29+s21], $0x1F40, s19, s21, $0x38;
	v7 =	vbroadcast v7, $0x0;
	[tilespmem:$0x1AF40] =	vst v63  }
0x215: {  	_ =	swait.ge [sflag:s20], $0x1F40  }
0x216: {  	[sflag:s20] =	ssyncset.done $0x0;
	v8 =	vadd.s32 v1, v7  }
0x217: {  	[sflag:s20] =	ssyncadd.s32 $0xFFFFE0C0  }
0x218: {  	_ =	swait.ge [sflag:s0], $0x1F40  }
0x219: {  	[sflag:s0] =	ssyncset.done $0x0  }
0x21a: {  	[sflag:s0] =	ssyncadd.s32 $0xFFFFE0C0  }
0x21b: {  	v8 =	vld.idx.msk [tilespmem:v8+s10+$0x0], $0xffff  }
0x21c: {  	v9 =	vadd.s32 v3, v7;
	_ =	sdelay $0x2  }
0x21d: {  	s15 =	simm.s32 $0x19020  }
0x21e: {  	[tilespmem:s15+$0xFFFFFFE0] =	vst v8  }
0x21f: {  	v8 =	vld.idx.msk [tilespmem:v9+s10+$0x0], $0xffff  }
0x220: {  	v9 =	vadd.s32 v4, v7;
	_ =	sdelay $0x3  }
0x221: {  	[tilespmem:s15+$0xFFFFFFF0] =	vst v8  }
0x222: {  	v8 =	vld.idx.msk [tilespmem:v9+s10+$0x0], $0xffff  }
0x223: {  	v9 =	vadd.s32 v5, v7;
	_ =	sdelay $0x3  }
0x224: {  	[tilespmem:s15+$0x0] =	vst v8  }
0x225: {  	v9 =	vld.idx.msk [tilespmem:v9+s10+$0x0], $0xffff  }
0x226: {  	v8 =	vadd.s32 v2, v7  }
0x227: {  	s30 =	simm.s32 $0x1  }
0x228: {  	s16 =	simm.s32 $0x2;
	v10 =	vmov s30  }
.LBB2_19:
0x229: {  	p0 =	sne.s32 s16, $0x63;
	v10 =	vmul.u32 $0x50, v10  }
0x22a: {  	[tilespmem:s15+$0x10] =	vst v9  }
0x22b: {  	v9 =	vbroadcast v10, $0x0;
	v8 =	vld.idx.msk [tilespmem:v8+s10+$0x0], $0x3ff  }
0x22c: {  	v10 =	vadd.s32 v6, v7  }
0x22d: {  	v11 =	vadd.s32 v1, v9;
	v7 =	vmov v9;
	_ =	sdelay $0x3  }
0x22e: {  	[tilespmem:v10+s11+$0x0] =	vst.idx.msk $0x3ff, v8  }
0x22f: {  	v8 =	vld.idx.msk [tilespmem:v11+s10+$0x0], $0xffff;
	_ =	sdelay $0x1  }
0x230: {  	v9 =	vadd.s32 v3, v7;
	_ =	sdelay $0x2  }
0x231: {  	s15 =	sadd.s32 $0x50, s15  }
0x232: {  	[tilespmem:s15+$0xFFFFFFE0] =	vst v8  }
0x233: {  	v8 =	vld.idx.msk [tilespmem:v9+s10+$0x0], $0xffff;
	_ =	sdelay $0x1  }
0x234: {  	v9 =	vadd.s32 v4, v7;
	_ =	sdelay $0x3  }
0x235: {  	[tilespmem:s15+$0xFFFFFFF0] =	vst v8  }
0x236: {  	v8 =	vld.idx.msk [tilespmem:v9+s10+$0x0], $0xffff;
	_ =	sdelay $0x1  }
0x237: {  	v9 =	vadd.s32 v5, v7;
	_ =	sdelay $0x3  }
0x238: {  	[tilespmem:s15+$0x0] =	vst v8  }
.Ltmp8:
0x239: {  	v9 =	vld.idx.msk [tilespmem:v9+s10+$0x0], $0xffff;
	(pc) =	sbr.rel @p0 .LBB2_19-.Ltmp8, $3  }
0x23a: {  	_ = 	snop  }
0x23b: {  	v8 =	vadd.s32 v2, v7;
	_ =	sdelay $0x1  }
0x23c: {  	v10 =	vmov s16;
	s16 =	sadd.s32 $0x1, s16  }
0x23d: {  	_ = 	snop  }
0x23e: {  	v10 =	vmul.u32 $0x50, v10;
	_ =	sdelay $0x1  }
0x23f: {  	[tilespmem:s15+$0x10] =	vst v9;
	v63 =	vbroadcast v10, $0x0  }
0x240: {  	v7 =	vadd.s32 v6, v7;
	v8 =	vld.idx.msk [tilespmem:v8+s10+$0x0], $0x3ff  }
0x241: {  	v10 =	vadd.s32 v1, v63;
	_ =	sdelay $0x3  }
0x242: {  	[tilespmem:v7+s11+$0x0] =	vst.idx.msk $0x3ff, v8  }
0x243: {  	v7 =	vld.idx.msk [tilespmem:v10+s10+$0x0], $0xffff  }
0x244: {  	v8 =	vadd.s32 v3, v63;
	_ =	sdelay $0x2  }
0x245: {  	s30 =	sadd.s32 $0x50, s15  }
0x246: {  	[tilespmem:s30+$0xFFFFFFE0] =	vst v7  }
0x247: {  	v7 =	vld.idx.msk [tilespmem:v8+s10+$0x0], $0xffff  }
0x248: {  	v8 =	vadd.s32 v4, v63;
	_ =	sdelay $0x3  }
0x249: {  	[tilespmem:s30+$0xFFFFFFF0] =	vst v7  }
0x24a: {  	v7 =	vld.idx.msk [tilespmem:v8+s10+$0x0], $0xffff  }
0x24b: {  	v8 =	vadd.s32 v5, v63;
	_ =	sdelay $0x3  }
0x24c: {  	[tilespmem:s30+$0x0] =	vst v7  }
0x24d: {  	v7 =	vld.idx.msk [tilespmem:v8+s10+$0x0], $0xffff  }
0x24e: {  	v8 =	vadd.s32 v2, v63;
	_ =	sdelay $0x3  }
0x24f: {  	[tilespmem:s30+$0x10] =	vst v7  }
0x250: {  	s13 =	sadd.s32 $0x1, s13;
	v7 =	vld.idx.msk [tilespmem:v8+s10+$0x0], $0x3ff;
	v8 =	vadd.s32 v6, v63  }
0x251: {  	s14 =	smul.u32 $0x1F0, s14;
	p0 =	sne.s32 s13, $0x8  }
.Ltmp9:
0x252: {  	_ = 	snop;
	(pc) =	sbr.rel @p0 .LBB2_16-.Ltmp9, $4  }
0x253: {  	s14 =	sshrl.u32 s14, $0x3  }
0x254: {  	s14 =	sadd.s32 s2, s14  }
0x255: {  	s14 =	sadd.s32 $0x34, s14;
	[tilespmem:v8+s11+$0x0] =	vst.idx.msk $0x3ff, v7  }
0x256: {  	[hbm4b:s14+s21] =	stream.strided.scatter [tilespmem:s11], [sflag:$0x3], $0x1F40, s25, s21, $0x38;
	[tilespmem:$0x1AF40] =	vst v63  }
0x257: {  	_ =	swait.ge [sflag:s1], $0x1F40  }
0x258: {  	[sflag:s1] =	ssyncset.done $0x0  }
0x259: {  	[sflag:s1] =	ssyncadd.s32 $0xFFFFE0C0  }
0x25a: {  	_ =	swait.ge [sflag:s0], $0x1F40  }
0x25b: {  	s14 =	rddreg [dreg:$0xb]  }
0x25c: {  	s13 =	rddreg [dreg:$0xa];
	s14 =	sadd.s32 $0x1, s14  }
0x25d: {  	p0 =	sne.s32 s14, s13  }
.Ltmp10:
0x25e: {  	_ = 	snop;
	(pc) =	sbr.rel @p0 .LBB2_1-.Ltmp10, $3  }
0x25f: {  	_ =	sdelay $0x1  }
0x260: {  	[sflag:s0] =	ssyncset.done $0x0  }
0x261: {  	[sflag:s0] =	ssyncadd.s32 $0xFFFFE0C0  }
0x262: {  	_ =	sfence.sel $0x180000  }
0x263: {  	[bflag:$0x0] =	sbarrier.arrive $0xFFFF  }
0x264: {  	_ =	strace $0x9000004A  }
0x265: {  	s0 =	stileid.u32;
	[bflag:$0x2] =	sbarrier.arrive $0xFFFF  }
0x266: {  	p0 =	sne.s32 s0, $0x0;
	s0 =	rddreg [dreg:$0x2]  }
0x267: {  	s0 =	sadd.s32 @!p0 $0x100000, s0  }
0x268: {  	[sflag:s0] =	ssyncadd.tile.s32 @!p0 $0x1;
	_ =	shalt  }
.Lfunc_end2:
_tile_overlayer_lowered:
.L_overlay_start_2:
0x269: {  	(tag) =	ssettag $0x2  }
0x26a: {  	s0 =	rddreg [dreg:$0x0];
	s2 =	stileid.u32  }
0x26b: {  	s1 =	rddreg [dreg:$0x1];
	p0 =	sne.s32 s2, $0x0  }
0x26c: {  	s3 =	rddreg [dreg:$0x2];
	[bflag:$0x3] =	sbarrier.arrive $0xFFFF;
	s2 =	simm.s32 @!p0 $0x1C04  }
0x26d: {  	[timem:s3], [sflag:s2] =	dma.local @!p0 [hbm:s0], s1  }
0x26e: {  	s0 =	simm.s32 @!p0 $0x4  }
0x26f: {  	_ =	swait.ge @!p0 [sflag:s0], s1  }
0x270: {  	s1 =	ssub.s32 @!p0 $0x0, s1;
	[sflag:s0] =	ssyncset.done @!p0 $0x0  }
0x271: {  	[sflag:s0] =	ssyncadd.s32 @!p0 s1  }
0x272: {  	[bflag:$0x3] =	sbarrier.arrive $0xFFFF  }
0x273: {  	_ =	shalt  }

// kernel: sparse-core-data-format-call.cloned.1.call-start
scs
called_computation_lowered:
.L_overlay_start_0:
0x0: {  	s2 =	sld [smem:$0x3FD9]  }
0x1: {  	s3 =	sld [smem:$0x3FFE];
	_ =	sdelay $0x1  }
0x2: {  	s1 =	srdreg.scid  }
0x3: {  	s0 =	sand.u32 $0x1, s1  }
0x4: {  	s18 =	sshll.u32 s0, $0xA;
	s2 =	sadd.s32 s3, s2  }
0x5: {  	s2 =	sadd.s32 s2, s18  }
0x6: {  	[smem:$0x3FC5] =	sst s2  }
0x7: {  	_ = 	snop  }
0x8: {  	s2 =	sld [smem:$0x3FD0];
	(tm) =	ssettm $0x1  }
0x9: {  	s19 =	sld [smem:$0x3FFB];
	_ =	sdelay $0x3  }
0xa: {  	_ =	strace s19  }
0xb: {  	s3 =	sld [smem:$0x3FFC];
	_ =	sdelay $0x3  }
0xc: {  	_ =	strace s3  }
0xd: {  	s3 =	sld [smem:$0x3FFD];
	_ =	sdelay $0x3  }
0xe: {  	_ =	strace s3  }
0xf: {  	_ =	strace $0x8FFFFFFF  }
0x10: {  	s20 =	sld [smem:$0x3FDB];
	_ =	sdelay $0x1  }
0x11: {  	s4 =	simm.s32 $_scs_section_size  }
0x12: {  	s5 =	simm.s32 $_size__tile_overlayer_lowered;
	s6 =	simm.s32 $_tile_overlayer_lowered  }
0x13: {  	s23 =	simm.s32 $0x1BFF;
	s22 =	sshll.u32 s6, $0x1;
	s3 =	sadd.s32 s4, s20  }
0x14: {  	s7 =	simm.s32 $0x0;
	s21 =	sshll.u32 s5, $0x1;
	s5 =	sadd.s32 s22, s3  }
0x15: {  	[timem:s7], [sflag:s23] =	dma.local [hbm:s5], s21  }
0x16: {  	_ =	swait.ge [sflag:s23], s21  }
0x17: {  	s4 =	ssub.s32 $0x0, s21;
	[sflag:s23] =	ssyncset.done $0x0  }
0x18: {  	[sflag:s23] =	ssyncadd.s32 s4;
	_ =	sdelay $0x1  }
0x19: {  	s24 =	simm.s32 $0x1B8B  }
0x1a: {  	_ =	swait.ge [sflag:s24], $0x1  }
0x1b: {  	[sflag:s24] =	ssyncset.done $0x0  }
0x1c: {  	s26 =	simm.s32 $0x1B8E;
	s25 =	sld [smem:$0x3FFE];
	[sflag:s24] =	ssyncadd.s32 $0xFFFFFFFF  }
0x1d: {  	s27 =	simm.s32 $execute0_lowered;
	[smem:$0x3FD2] =	sst s26  }
0x1e: {  	s5 =	sshll.u32 s27, $0x1;
	_ =	strace $0x8000004C;
	[dreg:$0x1] =	wrdreg $0xFFFFFFFF  }
0x1f: {  	s28 =	simm.s32 $_size_execute0_lowered;
	s3 =	sadd.s32 s3, s5;
	[dreg:$0x0] =	wrdreg $0x0  }
0x20: {  	s5 =	sshll.u32 s28, $0x1;
	[dreg:$0x2] =	wrdreg s3  }
0x21: {  	[dreg:$0x3] =	wrdreg s5  }
0x22: {  	[dreg:$0x4] =	wrdreg $0xC0  }
0x23: {  	_ =	task [dreg:s7], $0x5FFFF  }
0x24: {  	[dreg:$0x1] =	wrdreg $0xFFFFFFFF  }
0x25: {  	[dreg:$0x0] =	wrdreg $0x60  }
0x26: {  	[dreg:$0x2] =	wrdreg s25  }
0x27: {  	[dreg:$0x3] =	wrdreg s2  }
0x28: {  	[dreg:$0x4] =	wrdreg $0x9  }
0x29: {  	_ =	task.clear_ibuf [dreg:s7], $0x5FFFF;
	_ =	strace $0x9000004C  }
0x2a: {  	s29 =	simm.s32 $0x9;
	_ =	strace $0x8000004E  }
0x2b: {  	_ =	swait.ge [sflag:s29], $0x1  }
0x2c: {  	[sflag:s29] =	ssyncadd.s32 $0xFFFFFFFF  }
0x2d: {  	_ =	strace $0x9000004E  }
0x2e: {  	_ =	sfence  }
0x2f: {  	s30 =	sld [smem:$0x0];
	_ =	sdelay $0x2  }
0x30: {  	s31 =	sshll.u32 s1, $0xD;
	s1 =	sshrl.u32 s1, $0x2  }
0x31: {  	s3 =	sand.u32 $0x4000, s31;
	s1 =	sadd.s32 s1, s30  }
0x32: {  	s0 =	sor.u32 s3, s0;
	s1 =	sshll.u32 s1, $0x11  }
0x33: {  	s0 =	sor.u32 s1, s0  }
0x34: {  	s0 =	sadd.s32 $0x8F2B, s0  }
0x35: {  	[sflag:s0] =	ssyncadd.remote.s32 $0x1  }
0x36: {  	_ =	sfence.sel $0xFFFF  }
0x37: {  	[dreg:$0x0] =	wrdreg $0xFFFFFFFF;
	(pc) =	sbr.abs _section_cstart, $3  }
0x38: {  	[dreg:$0x1] =	wrdreg $0xFFFFFFFF  }
0x39: {  	_ =	task.clear_ibuf [dreg:s7], $0x2FFFF;
	_ =	strace $0x9FFFFFFF  }
0x3a: {  	(tm) =	ssettm $0x7FFFFFFF  }
0x3b: {  	_ =	shalt  }
tec
execute0_lowered:
.L_overlay_start_1:
0x0: {  	(tag) =	ssettag $0x1  }
0x1: {  	s4 =	rddreg [dreg:$0x0]  }
0x2: {  	s2 =	rddreg [dreg:$0x1]  }
0x3: {  	s0 =	stileid.u32;
	s1 =	rddreg [dreg:$0x2];
	_ =	strace $0x8000004D  }
0x4: {  	s5 =	srdreg.scid;
	s10 =	simm.s32 $0x2;
	s17 =	simm.s32 $0x0  }
0x5: {  	s18 =	simm.s32 $0x0;
	s19 =	simm.s32 $0x0;
	s11 =	simm.s32 $0x0  }
0x6: {  	s12 =	simm.s32 $0x0;
	s13 =	simm.s32 $0x0;
	s3 =	sshll.u32 s0, $0x7  }
0x7: {  	s14 =	simm.s32 $0x0;
	s5 =	sshll.u32 s5, $0x4;
	s3 =	sand.u32 $0x380, s3  }
0x8: {  	s16 =	simm.s32 $0x0;
	s5 =	sand.u32 $0x10, s5;
	s6 =	ssub.s32 $0x400, s3  }
0x9: {  	s4 =	sadd.s32 $0x320C00, s4;
	s8 =	sor.u32 s0, s5;
	s7 =	sand.u32 $0x380, s6  }
0xa: {  	s5 =	simm.s32 $0x1;
	p0 =	sne.s32 s7, $0x0;
	s7 =	simm.s32 $0x1  }
.Ltmp0:
0xb: {  	s6 =	sshrl.u32 s6, $0xA;
	s7 =	simm.s32 @!p0 $0x0;
	(pc) =	sbr.rel .LBB1_1-.Ltmp0, $4  }
0xc: {  	s15 =	smov.u32 s3;
	s9 =	sshll.u32 s8, $0x4;
	s6 =	sadd.s32 s7, s6  }
0xd: {  	[sflag:s5] =	ssyncpa.u1 $0x0;
	s8 =	sshll.u32 s8, $0x7;
	s6 =	smul.u32 $0x32, s6  }
0xe: {  	[sflag:s10] =	ssyncpa.u1 $0x0;
	s8 =	sand.u32 $0xC00, s8;
	s10 =	simm.s32 $0x2000  }
0xf: {  	p0 =	por $0x0, $0x0;
	s7 =	sand.u32 $0x180, s9;
	s9 =	sor.u32 $0x1, s6  }
.LBB1_4:
0x10: {  	s24 =	sshra.s32 s24, $0x2;
	s25 =	sshrl.u32 s13, $0x7;
	p1 =	sgt.s32 s13, $0x380  }
0x11: {  	s26 =	sshra.s32 s13, $0x1F;
	s28 =	smov.u32 s12;
	s31 =	sshra.s32 s12, $0x1F  }
0x12: {  	s23 =	sadd.s32 s24, s23;
	s30 =	sadd.s32 s25, s11;
	s25 =	smov.u32 s13  }
0x13: {  	v5 =	vld [tilespmem:s21+$0xFFFFFFD0];
	[tilespmem:s22+$0x2040 ss:$0x81] =	vst.msk $0xffff, v4;
	s26 =	sand.u32 s26, s13;
	s24 =	sand.u32 $0x3FFFFF, s30;
	s25 =	simm.s32 @!p1 $0x380  }
0x14: {  	v58 =	vld [tilespmem:s21+$0xFFFFFFE0];
	[tilespmem:s22+$0x2850 ss:$0x81] =	vst.msk $0xffff, v3;
	p1 =	sgt.s32 s12, $0x31;
	s27 =	smulhi.u32 $0x842109, s24;
	s25 =	ssub.s32 s25, s26  }
0x15: {  	v59 =	vld [tilespmem:s21+$0xFFFFFFF0];
	[tilespmem:s22+$0x3060 ss:$0x81] =	vst.msk $0xffff, v2;
	s28 =	simm.s32 @!p1 $0x31;
	s26 =	sand.u32 s31, s12;
	p1 =	sgt.s32 s11, $0x170  }
0x16: {  	v60 =	vld [tilespmem:s21+$0x0];
	[tilespmem:s22+$0x0 ss:$0x81] =	vst.msk $0xffff, v1;
	s29 =	ssub.s32 s28, s26;
	s26 =	smov.u32 s11;
	s30 =	sadd.s32 $0xFFFFFC80, s25  }
0x17: {  	v61 =	vld [tilespmem:s21+$0x10];
	[tilespmem:s23+$0x3870 ss:$0x81] =	vst.msk $0xffff, v0;
	s25 =	ssub.s32 $0x400, s25;
	s26 =	simm.s32 @!p1 $0x170;
	p1 =	sgt.s32 s30, $0x7F  }
0x18: {  	v62 =	vld [tilespmem:s21+$0x20];
	s27 =	smul.u32 $0x1F0, s27;
	[tilespmem:s23+$0x810 ss:$0x81] =	vst.msk $0xffff, v5;
	s26 =	ssub.s32 $0x1F0, s26;
	s25 =	simm.s32 @p1 $0x0  }
0x19: {  	v63 =	vld [tilespmem:s21+$0xFFFFFFC0];
	s28 =	sshrl.u32 s13, $0x3;
	s31 =	sadd.s32 $0xFFFFFFCF, s29;
	[tilespmem:s23+$0x1020 ss:$0x81] =	vst.msk $0xffff, v58;
	s25 =	smul.u32 s26, s25  }
0x1a: {  	s21 =	ssub.s32 $0x32, s29;
	[tilespmem:s23+$0x1830 ss:$0x81] =	vst.msk $0xffff, v59;
	p1 =	sgt.s32 s31, $0x0;
	s26 =	smul.u32 $0xF800, s12  }
0x1b: {  	[tilespmem:s23+$0x2040 ss:$0x81] =	vst.msk $0xffff, v60;
	s22 =	sand.u32 $0xF, s28;
	s29 =	sand.u32 $0x7, s13;
	s21 =	simm.s32 @p1 $0x0  }
0x1c: {  	[tilespmem:s23+$0x2850 ss:$0x81] =	vst.msk $0xffff, v61;
	s24 =	ssub.s32 s24, s27;
	s21 =	smul.u32 s21, s25;
	s25 =	sadd.s32 s2, s26  }
0x1d: {  	[tilespmem:s23+$0x3060 ss:$0x81] =	vst.msk $0xffff, v62;
	s30 =	sshll.u32 s29, $0x12;
	s24 =	sshll.u32 s24, $0x7;
	s22 =	sadd.s32 s22, s25  }
0x1e: {  	[tilespmem:s23+$0x0 ss:$0x81] =	vst.msk $0xffff, v63;
	s31 =	sor.u32 $0x400, s30;
	s21 =	sand.u32 $0x3FFFFFFF, s21;
	s22 =	sadd.s32 s24, s22  }
0x1f: {  	[hbm4b:s22+s31] =	stream.strided.scatter [tilespmem:s20], [sflag:$0x2], s21, s10, s31, $0x20;
	[tilespmem:$0x10100] =	vst v63  }
.LBB1_5:
0x20: {  	p1 =	slt.u32 s16, $0x2;
	s20 =	smov.u32 s18  }
0x21: {  	s21 =	smov.u32 s19;
	p2 =	sgt.s32 @!p1 s18, $0x31;
	p3 =	sgt.s32 @!p1 s19, $0x380  }
0x22: {  	s22 =	sshra.s32 @!p1 s19, $0x1F;
	p2 =	por !p2, p1;
	p3 =	por !p3, p1  }
0x23: {  	s19 =	sand.u32 @!p1 s22, s19;
	s20 =	simm.s32 @p2 $0x31;
	s21 =	simm.s32 @p3 $0x380  }
0x24: {  	p2 =	sgt.s32 @!p1 s17, $0x170;
	s19 =	ssub.s32 @!p1 s21, s19;
	s21 =	sshra.s32 @!p1 s18, $0x1F  }
0x25: {  	p2 =	por !p2, p1;
	s18 =	sand.u32 @!p1 s21, s18;
	s21 =	sadd.s32 @!p1 $0xFFFFFC80, s19  }
0x26: {  	s17 =	simm.s32 @p2 $0x170;
	s18 =	ssub.s32 @!p1 s20, s18;
	p2 =	sgt.s32 @!p1 s21, $0x7F  }
0x27: {  	s19 =	ssub.s32 @!p1 $0x400, s19;
	s20 =	sadd.s32 @!p1 $0xFFFFFFCF, s18;
	p2 =	por !p2, p1  }
0x28: {  	s17 =	ssub.s32 @!p1 $0x1F0, s17;
	s19 =	simm.s32 @!p2 $0x0;
	p2 =	sgt.s32 @!p1 s20, $0x0  }
0x29: {  	s18 =	ssub.s32 @!p1 $0x32, s18;
	p2 =	por !p2, p1;
	s17 =	smul.u32 @!p1 s17, s19  }
0x2a: {  	s22 =	smov.u32 s15;
	s20 =	sadd.s32 $0x1, s14;
	s18 =	simm.s32 @!p2 $0x0  }
0x2b: {  	p2 =	sgt.s32 s20, $0x31;
	s17 =	smul.u32 @!p1 s18, s17;
	s18 =	sadd.s32 $0x400, s15  }
0x2c: {  	s24 =	sadd.s32 $0x1, s16;
	s22 =	smov.u32 @p2 s18  }
0x2d: {  	p0 =	por !p0, !p0;
	s20 =	simm.s32 @p2 $0x0;
	p2 =	sgt.s32 s22, $0x3FF  }
0x2e: {  	s21 =	simm.s32 @!p1 $0x2;
	s22 =	smov.u32 @p2 s3;
	p2 =	sne.s32 s16, s9  }
.Ltmp1:
0x2f: {  	s19 =	smov.u32 s13;
	s13 =	smov.u32 s15;
	(pc) =	sbr.rel @!p2 .LBB1_6-.Ltmp1, $4  }
0x30: {  	s18 =	smov.u32 s12;
	s12 =	smov.u32 s14;
	s17 =	sand.u32 @!p1 $0x3FFFFFFF, s17  }
0x31: {  	s14 =	smov.u32 s20;
	_ =	swait.ge @!p1 [sflag:s21], s17;
	s23 =	ssub.s32 @!p1 $0x0, s17  }
0x32: {  	s17 =	smov.u32 s11;
	s11 =	smov.u32 s7;
	[sflag:s21] =	ssyncset.done @!p1 $0x0  }
0x33: {  	s16 =	smov.u32 s24;
	s15 =	smov.u32 s22;
	[sflag:s21] =	ssyncadd.s32 @!p1 s23  }
.LBB1_1:
0x34: {  	p1 =	sge.u32 s16, s6  }
0x35: {  	s20 =	sshll.u32 @!p1 s14, $0x9  }
0x36: {  	s21 =	sshll.u32 @!p1 s14, $0x7;
	s20 =	sand.u32 @!p1 $0xFFFFF000, s20  }
0x37: {  	s21 =	sand.u32 @!p1 $0x200, s21;
	s20 =	sor.u32 @!p1 s8, s20  }
0x38: {  	s20 =	sor.u32 @!p1 s21, s20  }
0x39: {  	s20 =	sshrl.u32 @!p1 s20, $0x9  }
0x3a: {  	s21 =	smulhi.u32 @!p1 $0x4924925, s20;
	_ =	sdelay $0x1  }
0x3b: {  	s21 =	smul.u32 @!p1 $0x38, s21  }
0x3c: {  	s31 =	sadd.s32 $0xFFFFFFFF, s16;
	s22 =	smul.u32 @!p1 $0xE00, s15  }
0x3d: {  	s23 =	sxor.u32 @!p1 $0xFFFFFFFF, s16;
	s20 =	ssub.s32 @!p1 s20, s21;
	s21 =	sshll.u32 @!p1 s14, $0x4  }
0x3e: {  	s23 =	sshll.u32 @!p1 s23, $0xE;
	s22 =	sadd.s32 @!p1 s4, s22;
	s21 =	sand.u32 @!p1 $0x30, s21  }
0x3f: {  	s23 =	sand.u32 @!p1 $0x4000, s23;
	s20 =	sshll.u32 @!p1 s20, $0x6;
	s21 =	sadd.s32 @!p1 s21, s22  }
0x40: {  	s22 =	simm.s32 @!p1 $0x7000;
	s20 =	sadd.s32 @!p1 s20, s21;
	s21 =	simm.s32 @!p1 $0x80  }
0x41: {  	[tilespmem:s23], [sflag:$0x1] =	stream.strided.gather @!p1 [hbm4b:s20+s21], $0x4000, s22, s21, $0x38;
	[tilespmem:$0x10100] =	vst v63  }
0x42: {  	p1 =	sge.u32 s31, s6  }
.Ltmp2:
0x43: {  	_ = 	snop;
	(pc) =	sbr.rel @p1 .LBB1_5-.Ltmp2, $1  }
0x44: {  	_ =	sdelay $0x3  }
0x45: {  	s20 =	simm.s32 $0x1  }
0x46: {  	_ =	swait.ge [sflag:s5], $0x4000;
	s20 =	simm.s32 @!p0 $0x0  }
0x47: {  	[sflag:s5] =	ssyncset.done $0x0;
	s21 =	sshll.u32 s20, $0xE  }
0x48: {  	[sflag:s5] =	ssyncadd.s32 $0xFFFFC000;
	s21 =	sor.u32 $0x40, s21  }
0x49: {  	s20 =	smul.u32 $0x10200, s20;
	v0 =	vld [tilespmem:s21+$0x30]  }
0x4a: {  	v1 =	vld [tilespmem:s21+$0xFFFFFFD0]  }
0x4b: {  	s20 =	sshrl.u32 s20, $0x2;
	v5 =	vld [tilespmem:s21+$0xFFFFFFE0]  }
0x4c: {  	v6 =	vld [tilespmem:s21+$0xFFFFFFF0];
	s23 =	sor.u32 $0x8000, s20  }
0x4d: {  	s31 =	sand.u32 $0x1, s16;
	v4 =	vld [tilespmem:s21+$0x0];
	s22 =	sadd.s32 $0x0, s23  }
0x4e: {  	v3 =	vld [tilespmem:s21+$0x10];
	s20 =	smul.u32 $0x10200, s31;
	[tilespmem:s22+$0x3870 ss:$0x81] =	vst.msk $0xffff, v0  }
0x4f: {  	v2 =	vld [tilespmem:s21+$0x20];
	[tilespmem:s22+$0x810 ss:$0x81] =	vst.msk $0xffff, v1  }
0x50: {  	s20 =	sshrl.u32 s20, $0x2;
	v1 =	vld [tilespmem:s21+$0xFFFFFFC0];
	[tilespmem:s22+$0x1020 ss:$0x81] =	vst.msk $0xffff, v5;
	s21 =	sadd.s32 $0x80, s21  }
0x51: {  	s24 =	simm.s32 $0x4;
	s25 =	simm.s32 $0x8;
	s20 =	sor.u32 $0x8000, s20;
	[tilespmem:s22+$0x1830 ss:$0x81] =	vst.msk $0xffff, v6;
	v0 =	vld [tilespmem:s21+$0x30]  }
.LBB1_3:
0x52: {  	p1 =	sne.s32 s25, $0x1FC;
	v5 =	vld [tilespmem:s21+$0xFFFFFFD0];
	[tilespmem:s22+$0x2040 ss:$0x81] =	vst.msk $0xffff, v4  }
0x53: {  	v6 =	vld [tilespmem:s21+$0xFFFFFFE0];
	[tilespmem:s22+$0x2850 ss:$0x81] =	vst.msk $0xffff, v3  }
0x54: {  	s26 =	sshra.s32 s24, $0x2;
	s24 =	smov.u32 s25;
	v7 =	vld [tilespmem:s21+$0xFFFFFFF0];
	[tilespmem:s22+$0x3060 ss:$0x81] =	vst.msk $0xffff, v2  }
.Ltmp3:
0x55: {  	v4 =	vld [tilespmem:s21+$0x0];
	[tilespmem:s22+$0x0 ss:$0x81] =	vst.msk $0xffff, v1;
	s22 =	sadd.s32 s26, s23;
	(pc) =	sbr.rel @p1 .LBB1_3-.Ltmp3, $4  }
0x56: {  	v3 =	vld [tilespmem:s21+$0x10];
	[tilespmem:s22+$0x3870 ss:$0x81] =	vst.msk $0xffff, v0  }
0x57: {  	[tilespmem:s22+$0x810 ss:$0x81] =	vst.msk $0xffff, v5;
	v2 =	vld [tilespmem:s21+$0x20]  }
0x58: {  	v1 =	vld [tilespmem:s21+$0xFFFFFFC0];
	[tilespmem:s22+$0x1020 ss:$0x81] =	vst.msk $0xffff, v6;
	s21 =	sadd.s32 $0x80, s21  }
0x59: {  	s25 =	sadd.s32 $0x4, s25;
	v0 =	vld [tilespmem:s21+$0x30];
	[tilespmem:s22+$0x1830 ss:$0x81] =	vst.msk $0xffff, v7  }
.Ltmp4:
0x5a: {  	_ = 	snop;
	(pc) =	sbr.rel .LBB1_4-.Ltmp4, $1  }
0x5b: {  	_ =	sdelay $0x3  }
.LBB1_6:
0x5c: {  	_ =	sfence.sel $0x180000  }
0x5d: {  	s2 =	simm.s32 $0x1;
	[bflag:$0x0] =	sbarrier.arrive $0xFFFF  }
0x5e: {  	s31 =	simm.s32 $0x2;
	[sflag:s2] =	ssyncpa.u1 $0x1  }
0x5f: {  	[sflag:s31] =	ssyncpa.u1 $0x1  }
0x60: {  	p0 =	sne.s32 s0, $0x0;
	_ =	strace $0x9000004D  }
0x61: {  	s0 =	sadd.s32 @!p0 $0x100000, s1;
	[bflag:$0x2] =	sbarrier.arrive $0xFFFF  }
0x62: {  	[sflag:s0] =	ssyncadd.tile.s32 @!p0 $0x1;
	_ =	shalt  }
.Lfunc_end1:
_tile_overlayer_lowered:
.L_overlay_start_2:
0x63: {  	(tag) =	ssettag $0x2  }
0x64: {  	s0 =	rddreg [dreg:$0x0];
	s2 =	stileid.u32  }
0x65: {  	s1 =	rddreg [dreg:$0x1];
	p0 =	sne.s32 s2, $0x0  }
0x66: {  	s3 =	rddreg [dreg:$0x2];
	[bflag:$0x3] =	sbarrier.arrive $0xFFFF;
	s2 =	simm.s32 @!p0 $0x1C01  }
0x67: {  	[timem:s3], [sflag:s2] =	dma.local @!p0 [hbm:s0], s1  }
0x68: {  	s0 =	simm.s32 @!p0 $0x1  }
0x69: {  	_ =	swait.ge @!p0 [sflag:s0], s1  }
0x6a: {  	s1 =	ssub.s32 @!p0 $0x0, s1;
	[sflag:s0] =	ssyncset.done @!p0 $0x0  }
0x6b: {  	[sflag:s0] =	ssyncadd.s32 @!p0 s1  }
0x6c: {  	[bflag:$0x3] =	sbarrier.arrive $0xFFFF  }
0x6d: {  	_ =	shalt  }

</sc_bundles>
